<compile_context>
chip_gen: v7x
topology: tpu7x:2x2x1
jax: 0.10.2.dev20260603
libtpu: 0.0.44.dev20260713+nightly
codegen_flags: <defaults>
</compile_context>

<pallas_src>
import functools

import jax
import jax.numpy as jnp
from jax import lax
from jax.experimental import pallas as pl
from jax.experimental.pallas import tpu as pltpu
from jax.experimental.pallas import tpu_sc as plsc

N = 10000
E = 160000
HID = 128
NPAD = 10240
OWN = 640
CHUNK = 125
NCHUNK = 80
STAGE = 40
NSTAGE = 2
EROWS = 320
ECHUNK = 80
ENCHUNK = 4

_F32 = jnp.float32


@functools.lru_cache(maxsize=None)
def _sc_mesh():
    return plsc.VectorSubcoreMesh(
        core_axis_name="c", subcore_axis_name="s", num_cores=2, num_subcores=16
    )


def _ln(x, s, b):
    m = jnp.mean(x, axis=-1, keepdims=True)
    v = jnp.mean((x - m) ** 2, axis=-1, keepdims=True)
    return (x - m) / jnp.sqrt(v + 1e-5) * s + b


def _sc_embed(fid4, table):
    @functools.partial(
        pl.kernel,
        out_type=jax.ShapeDtypeStruct((2, 16, ENCHUNK, ECHUNK, HID), _F32),
        mesh=_sc_mesh(),
        scratch_types=[
            pltpu.VMEM((ENCHUNK, ECHUNK), jnp.int32),
            pltpu.VMEM((ECHUNK, HID), _F32),
            pltpu.VMEM((ECHUNK, HID), _F32),
            pltpu.SemaphoreType.DMA,
            pltpu.SemaphoreType.DMA,
        ],
    )
    def k(fid_h, table_h, h0_out, fidv, ebuf0, ebuf1, sem0, sem1):
        c = lax.axis_index("c")
        s = lax.axis_index("s")
        pltpu.sync_copy(fid_h.at[c, s], fidv)

        bufs = [(ebuf0, sem0), (ebuf1, sem1)]
        pltpu.async_copy(table_h.at[fidv.at[0]], ebuf0, sem0)
        for j in range(ENCHUNK):
            buf, sem = bufs[j % 2]
            if j + 1 < ENCHUNK:
                nbuf, nsem = bufs[(j + 1) % 2]
                pltpu.async_copy(table_h.at[fidv.at[j + 1]], nbuf, nsem)
            pltpu.make_async_copy(table_h.at[fidv.at[0]], buf, sem).wait()
            pltpu.sync_copy(buf, h0_out.at[c, s, j])

    return k(fid4, table)


def _sc_deg(ee4, ep4, zeros16, ones16):
    @functools.partial(
        pl.kernel,
        out_type=jax.ShapeDtypeStruct((2, 16, OWN, 16), _F32),
        mesh=_sc_mesh(),
        scratch_types=[
            pltpu.VMEM((NSTAGE, STAGE, CHUNK), jnp.int32),
            pltpu.VMEM((OWN, 16), _F32),
            pltpu.VMEM_SHARED((NPAD, 16), _F32),
        ],
        compiler_params=pltpu.CompilerParams(use_tc_tiling_on_sc=False),
    )
    def k(ee_h, ep_h, z_h, ones_h, deg_out, dstv, buf, acc):
        c = lax.axis_index("c")
        s = lax.axis_index("s")

        @pl.when(c == 0)
        def _():
            pltpu.sync_copy(ee_h.at[1, s], dstv)

        @pl.when(c == 1)
        def _():
            pltpu.sync_copy(ep_h.at[1, s], dstv)

        pltpu.sync_copy(z_h, buf)
        off = pl.multiple_of(s * OWN, 128)
        pltpu.sync_copy(buf, acc.at[pl.ds(off, OWN)])
        pltpu.sync_copy(ones_h, buf.at[pl.ds(0, CHUNK)])
        plsc.subcore_barrier()

        for q in range(NSTAGE):
            def dbody(j, carry):
                pltpu.sync_copy(buf.at[pl.ds(0, CHUNK)],
                                acc.at[dstv.at[q, j]], add=True)
                return carry

            lax.fori_loop(0, STAGE, dbody, 0)
        plsc.subcore_barrier()

        pltpu.sync_copy(acc.at[pl.ds(off, OWN)], buf)
        pltpu.sync_copy(buf, deg_out.at[c, s])

    return k(ee4, ep4, zeros16, ones16)


def _sc_msum(h, ee4, ep4, zeros128):
    @functools.partial(
        pl.kernel,
        out_type=jax.ShapeDtypeStruct((2, 16, OWN, HID), _F32),
        mesh=_sc_mesh(),
        scratch_types=[
            pltpu.VMEM((STAGE, CHUNK), jnp.int32),
            pltpu.VMEM((STAGE, CHUNK), jnp.int32),
            pltpu.VMEM((128, HID), _F32),
            pltpu.VMEM((128, HID), _F32),
            pltpu.VMEM_SHARED((NPAD, HID), _F32),
            pltpu.SemaphoreType.DMA,
            pltpu.SemaphoreType.DMA,
        ],
    )
    def k(h_h, ee_h, ep_h, z_h, out_h, srcv, dstv, gbuf0, gbuf1, acc,
          sem0, sem1):
        c = lax.axis_index("c")
        s = lax.axis_index("s")
        pltpu.sync_copy(z_h, gbuf0)
        for z in range(5):
            off = pl.multiple_of(s * OWN + z * 128, 128)
            pltpu.sync_copy(gbuf0, acc.at[pl.ds(off, 128)])
        plsc.subcore_barrier()

        def start(j, buf, sem):
            pltpu.async_copy(h_h.at[srcv.at[j]], buf.at[pl.ds(0, CHUNK)], sem)

        def wait(buf, sem):
            pltpu.make_async_copy(
                h_h.at[srcv.at[0]], buf.at[pl.ds(0, CHUNK)], sem).wait()

        def scat(j, buf):
            pltpu.sync_copy(buf.at[pl.ds(0, CHUNK)], acc.at[dstv.at[j]], add=True)

        for stage in range(NSTAGE):
            @pl.when(c == 0)
            def _():
                pltpu.sync_copy(ee_h.at[0, s, stage], srcv)
                pltpu.sync_copy(ee_h.at[1, s, stage], dstv)

            @pl.when(c == 1)
            def _():
                pltpu.sync_copy(ep_h.at[0, s, stage], srcv)
                pltpu.sync_copy(ep_h.at[1, s, stage], dstv)

            start(0, gbuf0, sem0)

            def body(i, carry):
                start(2 * i + 1, gbuf1, sem1)
                wait(gbuf0, sem0)
                scat(2 * i, gbuf0)

                @pl.when(i < STAGE // 2 - 1)
                def _():
                    start(2 * i + 2, gbuf0, sem0)

                wait(gbuf1, sem1)
                scat(2 * i + 1, gbuf1)
                return carry

            lax.fori_loop(0, STAGE // 2, body, 0)
        plsc.subcore_barrier()

        pltpu.sync_copy(acc.at[pl.ds(pl.multiple_of(s * OWN, 128), OWN)],
                        out_h.at[c, s])

    return k(h, ee4, ep4, zeros128)


def _tc_mlp(h, W_in, b_in, s_in, bb_in):
    def body(h_ref, w_ref, b_ref, s_ref, bb_ref, o_ref):
        x = h_ref[...]
        for i in range(2):
            x = jnp.dot(x, w_ref[i], preferred_element_type=_F32, precision=lax.Precision.HIGHEST) + b_ref[i]
            x = jax.nn.gelu(x)
            x = _ln(x, s_ref[i], bb_ref[i])
        o_ref[...] = x

    blk = 2048
    return pl.pallas_call(
        body,
        grid=(NPAD // blk,),
        in_specs=[
            pl.BlockSpec((blk, HID), lambda i: (i, 0)),
            pl.BlockSpec((2, HID, HID), lambda i: (0, 0, 0)),
            pl.BlockSpec((2, HID), lambda i: (0, 0)),
            pl.BlockSpec((2, HID), lambda i: (0, 0)),
            pl.BlockSpec((2, HID), lambda i: (0, 0)),
        ],
        out_specs=pl.BlockSpec((blk, HID), lambda i: (i, 0)),
        out_shape=jax.ShapeDtypeStruct((NPAD, HID), _F32),
    )(h, W_in, b_in, s_in, bb_in)


def _tc_conv(h, msum, deg, Ws, Wn, bc, lns, lnb, Wro2, bro):
    final = Wro2 is not None
    blk = 2000 if final else 2048
    nrows = N if final else NPAD

    def body(h_ref, m_ref, d_ref, ws_ref, wn_ref, bc_ref, s_ref, b_ref, *rest):
        if final:
            wro_ref, bro_ref, o_ref = rest
        else:
            (o_ref,) = rest
        x = h_ref[...]
        hn = []
        for r in range(2):
            dg = jnp.maximum(d_ref[r][:, 0:1], 1.0)
            mean = m_ref[r] / dg
            hr = (jnp.dot(x, ws_ref[r], preferred_element_type=_F32)
                  + jnp.dot(mean, wn_ref[r], preferred_element_type=_F32)
                  + bc_ref[r])
            hn.append(_ln(hr, s_ref[1 + r], b_ref[1 + r]))
        hagg = 0.5 * hn[0] + 0.5 * hn[1]
        hcur = jax.nn.gelu(_ln(hagg, s_ref[0], b_ref[0]))
        if final:
            o_ref[...] = (jnp.dot(x, wro_ref[0], preferred_element_type=_F32)
                          + jnp.dot(hcur, wro_ref[1], preferred_element_type=_F32)
                          + bro_ref[...])
        else:
            o_ref[...] = hcur

    in_specs = [
        pl.BlockSpec((blk, HID), lambda i: (i, 0)),
        pl.BlockSpec((2, blk, HID), lambda i: (0, i, 0)),
        pl.BlockSpec((2, blk, 16), lambda i: (0, i, 0)),
        pl.BlockSpec((2, HID, HID), lambda i: (0, 0, 0)),
        pl.BlockSpec((2, HID, HID), lambda i: (0, 0, 0)),
        pl.BlockSpec((2, HID), lambda i: (0, 0)),
        pl.BlockSpec((3, HID), lambda i: (0, 0)),
        pl.BlockSpec((3, HID), lambda i: (0, 0)),
    ]
    args = [h, msum, deg, Ws, Wn, bc, lns, lnb]
    if final:
        in_specs += [
            pl.BlockSpec((2, HID, HID), lambda i: (0, 0, 0)),
            pl.BlockSpec((HID,), lambda i: (0,)),
        ]
        args += [Wro2, bro]
    return pl.pallas_call(
        body,
        grid=(nrows // blk,),
        in_specs=in_specs,
        out_specs=pl.BlockSpec((blk, HID), lambda i: (i, 0)),
        out_shape=jax.ShapeDtypeStruct((nrows, HID), _F32),
    )(*args)


def kernel(feat_ids, edge_index_entail, edge_index_pathway, embed_table,
           W_in, b_in, ln_in_s, ln_in_b, W_self, W_neigh, b_conv,
           ln_c_s, ln_c_b, W_ro, b_ro):
    fid = jnp.concatenate(
        [feat_ids.astype(jnp.int32), jnp.zeros((NPAD - N,), jnp.int32)]
    ).reshape(2, 16, ENCHUNK, ECHUNK)
    ee4 = edge_index_entail.astype(jnp.int32).reshape(2, 16, NSTAGE, STAGE, CHUNK)
    ep4 = edge_index_pathway.astype(jnp.int32).reshape(2, 16, NSTAGE, STAGE, CHUNK)
    z128 = jnp.zeros((128, HID), _F32)
    z16 = jnp.zeros((OWN, 16), _F32)
    ones16 = jnp.ones((CHUNK, 16), _F32)

    h0 = _sc_embed(fid, embed_table).reshape(NPAD, HID)
    deg = _sc_deg(ee4, ep4, z16, ones16).reshape(2, NPAD, 16)
    h = _tc_mlp(h0, W_in, b_in, ln_in_s, ln_in_b)

    Wro2 = W_ro.reshape(2, HID, HID)
    for l in range(2):
        msum = _sc_msum(h, ee4, ep4, z128).reshape(2, NPAD, HID)
        last = l == 1
        h = _tc_conv(h, msum, deg, W_self[l], W_neigh[l], b_conv[l],
                     ln_c_s[l * 3:l * 3 + 3], ln_c_b[l * 3:l * 3 + 3],
                     Wro2 if last else None, b_ro if last else None)
    return h

# --- scband reference (transcript-rebuilt; emitter-appended) ---
"""Pipeline reference for scband-weighted-gcn4-27504970564050 (READ-ONLY COPY).

The authoritative reference and input builder live on the scoring server;
editing this copy changes nothing except your own understanding.
"""

import jax, jax.numpy as jnp
import numpy as np

N = 10000
E = 160000
HID = 128
OUT = 128
FEATURE_SIZE = 30000
ALPHA = 0.5
CONV_LAYERS = 2


def layer_norm(x, s, b):
    m = jnp.mean(x, axis=-1, keepdims=True)
    v = jnp.mean((x - m) ** 2, axis=-1, keepdims=True)
    return (x - m) / jnp.sqrt(v + 1e-5) * s + b


def sage_mean(h, src, dst, w_self, w_neigh, b, n):
    msum = jax.ops.segment_sum(h[src], dst, num_segments=n)
    deg = jax.ops.segment_sum(jnp.ones((src.shape[0],), dtype=h.dtype), dst, num_segments=n)
    mean = msum / jnp.clip(deg, 1.0, None)[:, None]
    return h @ w_self + mean @ w_neigh + b


def setup_inputs(seed: int = 0):
    key = jax.random.key(seed)
    ks = [jax.random.fold_in(key, i) for i in range(20)]
    inp = {}
    inp['feat_ids'] = jax.random.randint(ks[0], (N,), 0, FEATURE_SIZE)
    inp['edge_index_entail'] = jax.random.randint(ks[1], (2, E), 0, N)
    inp['edge_index_pathway'] = jax.random.randint(ks[2], (2, E), 0, N)
    inp['embed_table'] = jax.random.normal(ks[3], (FEATURE_SIZE, HID), dtype=jnp.float32) * 0.02
    inp['W_in'] = jax.random.normal(ks[4], (2, HID, HID), dtype=jnp.float32) * 0.05
    inp['b_in'] = jnp.zeros((2, HID), dtype=jnp.float32)
    inp['ln_in_s'] = jnp.ones((2, HID), dtype=jnp.float32)
    inp['ln_in_b'] = jnp.zeros((2, HID), dtype=jnp.float32)
    inp['W_self'] = jax.random.normal(ks[5], (CONV_LAYERS, 2, HID, HID), dtype=jnp.float32) * 0.05
    inp['W_neigh'] = jax.random.normal(ks[6], (CONV_LAYERS, 2, HID, HID), dtype=jnp.float32) * 0.05
    inp['b_conv'] = jnp.zeros((CONV_LAYERS, 2, HID), dtype=jnp.float32)
    inp['ln_c_s'] = jnp.ones((CONV_LAYERS * 3, HID), dtype=jnp.float32)
    inp['ln_c_b'] = jnp.zeros((CONV_LAYERS * 3, HID), dtype=jnp.float32)
    inp['W_ro'] = jax.random.normal(ks[7], (HID * CONV_LAYERS, OUT), dtype=jnp.float32) * 0.05
    inp['b_ro'] = jnp.zeros((OUT,), dtype=jnp.float32)
    return inp


def reference(feat_ids, edge_index_entail, edge_index_pathway, embed_table, W_in, b_in, ln_in_s, ln_in_b, W_self, W_neigh, b_conv, ln_c_s, ln_c_b, W_ro, b_ro):
    # embed_feat lookup (nn.Embedding)
    h = embed_table[feat_ids]
    # input linears with gelu activation + layer norm (embedding_layers=2)
    for i in range(W_in.shape[0]):
        h = layer_norm(jax.nn.gelu(h @ W_in[i] + b_in[i]), ln_in_s[i], ln_in_b[i])
    hist = [h]
    # HeteroGraphConv of SAGEConv(mean) per edge type, aggregate='stack',
    # then attention_agg with pathway_aggregation='alpha' (alpha=0.5)
    for l in range(CONV_LAYERS):
        h0 = hist[-1]
        h1 = sage_mean(h0, edge_index_entail[0], edge_index_entail[1], W_self[l, 0], W_neigh[l, 0], b_conv[l, 0], N)
        h2 = sage_mean(h0, edge_index_pathway[0], edge_index_pathway[1], W_self[l, 1], W_neigh[l, 1], b_conv[l, 1], N)
        h1n = layer_norm(h1, ln_c_s[l * 3 + 1], ln_c_b[l * 3 + 1])
        h2n = layer_norm(h2, ln_c_s[l * 3 + 2], ln_c_b[l * 3 + 2])
        hagg = (1.0 - ALPHA) * h1n + ALPHA * h2n
        hcur = jax.nn.gelu(layer_norm(hagg, ln_c_s[l * 3], ln_c_b[l * 3]))
        hist.append(hcur)
    # readout over concatenated conv-layer outputs (no_readout_concatenate=False)
    feats = jnp.concatenate(hist[1:], axis=1)
    return feats @ W_ro + b_ro

if __name__ == "__main__":
    import jax
    _d = setup_inputs()
    print(jax.jit(kernel)(*tuple(_d.values())))

</pallas_src>

<mosaic_0001>
#map = affine_map<(d0, d1) -> (0, 0)>
#map1 = affine_map<(d0, d1) -> (0, 0, 0, 0, 0)>
#map2 = affine_map<(d0, d1) -> (0, 0, 0, 0)>
module attributes {stable_mosaic.version = 14 : i64} {
  func.func @k(%arg0: i32, %arg1: i32, %arg2: memref<10240x128xf32, #tpu.memory_space<hbm>>, %arg3: memref<2x16x2x40x125xi32, #tpu.memory_space<hbm>>, %arg4: memref<2x16x2x40x125xi32, #tpu.memory_space<hbm>>, %arg5: memref<128x128xf32, #tpu.memory_space<hbm>>, %arg6: memref<2x16x640x128xf32, #tpu.memory_space<hbm>>, %arg7: memref<40x125xi32, #tpu.memory_space<vmem>>, %arg8: memref<40x125xi32, #tpu.memory_space<vmem>>, %arg9: memref<128x128xf32, #tpu.memory_space<vmem>>, %arg10: memref<128x128xf32, #tpu.memory_space<vmem>>, %arg11: memref<10240x128xf32, #tpu.memory_space<vmem_shared>>, %arg12: memref<!tpu.dma_semaphore, #tpu.memory_space<semaphore_mem>>, %arg13: memref<!tpu.dma_semaphore, #tpu.memory_space<semaphore_mem>>) attributes {dimension_semantics = [#tpu.dimension_semantics<core_parallel>, #tpu.dimension_semantics<subcore_parallel>], iteration_bounds = array<i64: 2, 16>, scalar_prefetch = 0 : i64, scratch_operands = 7 : i64, tpu.core_type = #tpu.core_type<sc_vector_subcore>, window_params = [{transform_indices = #map}, {transform_indices = #map1}, {transform_indices = #map1}, {transform_indices = #map}, {transform_indices = #map2}]} {
    "tpu.region"() ({
      %run_scoped3A = tpu.sem_alloc : memref<!tpu.dma_semaphore, #tpu.memory_space<semaphore_mem>>
      tpu.enqueue_dma source(%arg5 : memref<128x128xf32, #tpu.memory_space<hbm>>) target(%arg9 : memref<128x128xf32, #tpu.memory_space<vmem>>) target_semaphore(%run_scoped3A : memref<!tpu.dma_semaphore, #tpu.memory_space<semaphore_mem>>)
      tpu.wait_dma2 semaphore(%run_scoped3A : memref<!tpu.dma_semaphore, #tpu.memory_space<semaphore_mem>>) src(%arg5 : memref<128x128xf32, #tpu.memory_space<hbm>>) dst(%arg9 : memref<128x128xf32, #tpu.memory_space<vmem>>)
      tpu.yield
    }) : () -> ()
    %mul3A = arith.constant 640 : i32
    %mul3A_0 = arith.muli %arg1, %mul3A : i32
    %add3A = arith.constant 0 : i32
    %add3A_1 = arith.addi %mul3A_0, %add3A : i32
    %multiple_of3A = tpu.assume_multiple %add3A_1, 128 : i32
    "tpu.region"() ({
      %run_scoped3A = tpu.sem_alloc : memref<!tpu.dma_semaphore, #tpu.memory_space<semaphore_mem>>
      %dma_start3A_73 = arith.constant 0 : i32
      %dma_start3A_74 = tpu.memref_slice %arg11[%multiple_of3A, %dma_start3A_73] : memref<10240x128xf32, #tpu.memory_space<vmem_shared>> -> memref<128x128xf32, #tpu.memory_space<vmem_shared>>
      %dma_start3A_75 = arith.constant 0 : i32
      %dma_start3A_76 = tpu.memref_slice %arg11[%multiple_of3A, %dma_start3A_75] : memref<10240x128xf32, #tpu.memory_space<vmem_shared>> -> memref<128x128xf32, #tpu.memory_space<vmem_shared>>
      tpu.enqueue_dma source(%arg9 : memref<128x128xf32, #tpu.memory_space<vmem>>) target(%dma_start3A_76 : memref<128x128xf32, #tpu.memory_space<vmem_shared>>) target_semaphore(%run_scoped3A : memref<!tpu.dma_semaphore, #tpu.memory_space<semaphore_mem>>)
      %dma_wait3A = arith.constant 0 : i32
      %dma_wait3A_77 = tpu.memref_slice %arg11[%multiple_of3A, %dma_wait3A] : memref<10240x128xf32, #tpu.memory_space<vmem_shared>> -> memref<128x128xf32, #tpu.memory_space<vmem_shared>>
      %dma_wait3A_78 = arith.constant 0 : i32
      %dma_wait3A_79 = tpu.memref_slice %arg11[%multiple_of3A, %dma_wait3A_78] : memref<10240x128xf32, #tpu.memory_space<vmem_shared>> -> memref<128x128xf32, #tpu.memory_space<vmem_shared>>
      tpu.wait_dma2 semaphore(%run_scoped3A : memref<!tpu.dma_semaphore, #tpu.memory_space<semaphore_mem>>) src(%arg9 : memref<128x128xf32, #tpu.memory_space<vmem>>) dst(%dma_wait3A_79 : memref<128x128xf32, #tpu.memory_space<vmem_shared>>)
      tpu.yield
    }) : () -> ()
    %mul3A_2 = arith.constant 640 : i32
    %mul3A_3 = arith.muli %arg1, %mul3A_2 : i32
    %add3A_4 = arith.constant 128 : i32
    %add3A_5 = arith.addi %mul3A_3, %add3A_4 : i32
    %multiple_of3A_6 = tpu.assume_multiple %add3A_5, 128 : i32
    "tpu.region"() ({
      %run_scoped3A = tpu.sem_alloc : memref<!tpu.dma_semaphore, #tpu.memory_space<semaphore_mem>>
      %dma_start3A_73 = arith.constant 0 : i32
      %dma_start3A_74 = tpu.memref_slice %arg11[%multiple_of3A_6, %dma_start3A_73] : memref<10240x128xf32, #tpu.memory_space<vmem_shared>> -> memref<128x128xf32, #tpu.memory_space<vmem_shared>>
      %dma_start3A_75 = arith.constant 0 : i32
      %dma_start3A_76 = tpu.memref_slice %arg11[%multiple_of3A_6, %dma_start3A_75] : memref<10240x128xf32, #tpu.memory_space<vmem_shared>> -> memref<128x128xf32, #tpu.memory_space<vmem_shared>>
      tpu.enqueue_dma source(%arg9 : memref<128x128xf32, #tpu.memory_space<vmem>>) target(%dma_start3A_76 : memref<128x128xf32, #tpu.memory_space<vmem_shared>>) target_semaphore(%run_scoped3A : memref<!tpu.dma_semaphore, #tpu.memory_space<semaphore_mem>>)
      %dma_wait3A = arith.constant 0 : i32
      %dma_wait3A_77 = tpu.memref_slice %arg11[%multiple_of3A_6, %dma_wait3A] : memref<10240x128xf32, #tpu.memory_space<vmem_shared>> -> memref<128x128xf32, #tpu.memory_space<vmem_shared>>
      %dma_wait3A_78 = arith.constant 0 : i32
      %dma_wait3A_79 = tpu.memref_slice %arg11[%multiple_of3A_6, %dma_wait3A_78] : memref<10240x128xf32, #tpu.memory_space<vmem_shared>> -> memref<128x128xf32, #tpu.memory_space<vmem_shared>>
      tpu.wait_dma2 semaphore(%run_scoped3A : memref<!tpu.dma_semaphore, #tpu.memory_space<semaphore_mem>>) src(%arg9 : memref<128x128xf32, #tpu.memory_space<vmem>>) dst(%dma_wait3A_79 : memref<128x128xf32, #tpu.memory_space<vmem_shared>>)
      tpu.yield
    }) : () -> ()
    %mul3A_7 = arith.constant 640 : i32
    %mul3A_8 = arith.muli %arg1, %mul3A_7 : i32
    %add3A_9 = arith.constant 256 : i32
    %add3A_10 = arith.addi %mul3A_8, %add3A_9 : i32
    %multiple_of3A_11 = tpu.assume_multiple %add3A_10, 128 : i32
    "tpu.region"() ({
      %run_scoped3A = tpu.sem_alloc : memref<!tpu.dma_semaphore, #tpu.memory_space<semaphore_mem>>
      %dma_start3A_73 = arith.constant 0 : i32
      %dma_start3A_74 = tpu.memref_slice %arg11[%multiple_of3A_11, %dma_start3A_73] : memref<10240x128xf32, #tpu.memory_space<vmem_shared>> -> memref<128x128xf32, #tpu.memory_space<vmem_shared>>
      %dma_start3A_75 = arith.constant 0 : i32
      %dma_start3A_76 = tpu.memref_slice %arg11[%multiple_of3A_11, %dma_start3A_75] : memref<10240x128xf32, #tpu.memory_space<vmem_shared>> -> memref<128x128xf32, #tpu.memory_space<vmem_shared>>
      tpu.enqueue_dma source(%arg9 : memref<128x128xf32, #tpu.memory_space<vmem>>) target(%dma_start3A_76 : memref<128x128xf32, #tpu.memory_space<vmem_shared>>) target_semaphore(%run_scoped3A : memref<!tpu.dma_semaphore, #tpu.memory_space<semaphore_mem>>)
      %dma_wait3A = arith.constant 0 : i32
      %dma_wait3A_77 = tpu.memref_slice %arg11[%multiple_of3A_11, %dma_wait3A] : memref<10240x128xf32, #tpu.memory_space<vmem_shared>> -> memref<128x128xf32, #tpu.memory_space<vmem_shared>>
      %dma_wait3A_78 = arith.constant 0 : i32
      %dma_wait3A_79 = tpu.memref_slice %arg11[%multiple_of3A_11, %dma_wait3A_78] : memref<10240x128xf32, #tpu.memory_space<vmem_shared>> -> memref<128x128xf32, #tpu.memory_space<vmem_shared>>
      tpu.wait_dma2 semaphore(%run_scoped3A : memref<!tpu.dma_semaphore, #tpu.memory_space<semaphore_mem>>) src(%arg9 : memref<128x128xf32, #tpu.memory_space<vmem>>) dst(%dma_wait3A_79 : memref<128x128xf32, #tpu.memory_space<vmem_shared>>)
      tpu.yield
    }) : () -> ()
    %mul3A_12 = arith.constant 640 : i32
    %mul3A_13 = arith.muli %arg1, %mul3A_12 : i32
    %add3A_14 = arith.constant 384 : i32
    %add3A_15 = arith.addi %mul3A_13, %add3A_14 : i32
    %multiple_of3A_16 = tpu.assume_multiple %add3A_15, 128 : i32
    "tpu.region"() ({
      %run_scoped3A = tpu.sem_alloc : memref<!tpu.dma_semaphore, #tpu.memory_space<semaphore_mem>>
      %dma_start3A_73 = arith.constant 0 : i32
      %dma_start3A_74 = tpu.memref_slice %arg11[%multiple_of3A_16, %dma_start3A_73] : memref<10240x128xf32, #tpu.memory_space<vmem_shared>> -> memref<128x128xf32, #tpu.memory_space<vmem_shared>>
      %dma_start3A_75 = arith.constant 0 : i32
      %dma_start3A_76 = tpu.memref_slice %arg11[%multiple_of3A_16, %dma_start3A_75] : memref<10240x128xf32, #tpu.memory_space<vmem_shared>> -> memref<128x128xf32, #tpu.memory_space<vmem_shared>>
      tpu.enqueue_dma source(%arg9 : memref<128x128xf32, #tpu.memory_space<vmem>>) target(%dma_start3A_76 : memref<128x128xf32, #tpu.memory_space<vmem_shared>>) target_semaphore(%run_scoped3A : memref<!tpu.dma_semaphore, #tpu.memory_space<semaphore_mem>>)
      %dma_wait3A = arith.constant 0 : i32
      %dma_wait3A_77 = tpu.memref_slice %arg11[%multiple_of3A_16, %dma_wait3A] : memref<10240x128xf32, #tpu.memory_space<vmem_shared>> -> memref<128x128xf32, #tpu.memory_space<vmem_shared>>
      %dma_wait3A_78 = arith.constant 0 : i32
      %dma_wait3A_79 = tpu.memref_slice %arg11[%multiple_of3A_16, %dma_wait3A_78] : memref<10240x128xf32, #tpu.memory_space<vmem_shared>> -> memref<128x128xf32, #tpu.memory_space<vmem_shared>>
      tpu.wait_dma2 semaphore(%run_scoped3A : memref<!tpu.dma_semaphore, #tpu.memory_space<semaphore_mem>>) src(%arg9 : memref<128x128xf32, #tpu.memory_space<vmem>>) dst(%dma_wait3A_79 : memref<128x128xf32, #tpu.memory_space<vmem_shared>>)
      tpu.yield
    }) : () -> ()
    %mul3A_17 = arith.constant 640 : i32
    %mul3A_18 = arith.muli %arg1, %mul3A_17 : i32
    %add3A_19 = arith.constant 512 : i32
    %add3A_20 = arith.addi %mul3A_18, %add3A_19 : i32
    %multiple_of3A_21 = tpu.assume_multiple %add3A_20, 128 : i32
    "tpu.region"() ({
      %run_scoped3A = tpu.sem_alloc : memref<!tpu.dma_semaphore, #tpu.memory_space<semaphore_mem>>
      %dma_start3A_73 = arith.constant 0 : i32
      %dma_start3A_74 = tpu.memref_slice %arg11[%multiple_of3A_21, %dma_start3A_73] : memref<10240x128xf32, #tpu.memory_space<vmem_shared>> -> memref<128x128xf32, #tpu.memory_space<vmem_shared>>
      %dma_start3A_75 = arith.constant 0 : i32
      %dma_start3A_76 = tpu.memref_slice %arg11[%multiple_of3A_21, %dma_start3A_75] : memref<10240x128xf32, #tpu.memory_space<vmem_shared>> -> memref<128x128xf32, #tpu.memory_space<vmem_shared>>
      tpu.enqueue_dma source(%arg9 : memref<128x128xf32, #tpu.memory_space<vmem>>) target(%dma_start3A_76 : memref<128x128xf32, #tpu.memory_space<vmem_shared>>) target_semaphore(%run_scoped3A : memref<!tpu.dma_semaphore, #tpu.memory_space<semaphore_mem>>)
      %dma_wait3A = arith.constant 0 : i32
      %dma_wait3A_77 = tpu.memref_slice %arg11[%multiple_of3A_21, %dma_wait3A] : memref<10240x128xf32, #tpu.memory_space<vmem_shared>> -> memref<128x128xf32, #tpu.memory_space<vmem_shared>>
      %dma_wait3A_78 = arith.constant 0 : i32
      %dma_wait3A_79 = tpu.memref_slice %arg11[%multiple_of3A_21, %dma_wait3A_78] : memref<10240x128xf32, #tpu.memory_space<vmem_shared>> -> memref<128x128xf32, #tpu.memory_space<vmem_shared>>
      tpu.wait_dma2 semaphore(%run_scoped3A : memref<!tpu.dma_semaphore, #tpu.memory_space<semaphore_mem>>) src(%arg9 : memref<128x128xf32, #tpu.memory_space<vmem>>) dst(%dma_wait3A_79 : memref<128x128xf32, #tpu.memory_space<vmem_shared>>)
      tpu.yield
    }) : () -> ()
    %barrier3A = arith.constant 0 : index
    tpu.barrier barrier_id(%barrier3A)
    %eq3A = arith.constant 0 : i32
    %eq3A_22 = arith.cmpi eq, %arg0, %eq3A : i32
    %convert_element_type3A = arith.extui %eq3A_22 : i1 to i32
    %cond3A = arith.constant 0 : i32
    %cond3A_23 = arith.cmpi ne, %convert_element_type3A, %cond3A : i32
    scf.if %cond3A_23 {
      %run_scoped3A = arith.constant 0 : i32
      %run_scoped3A_73 = arith.constant 0 : i32
      "tpu.region"() ({
        %run_scoped3A_76 = tpu.sem_alloc : memref<!tpu.dma_semaphore, #tpu.memory_space<semaphore_mem>>
        %dma_start3A_77 = arith.constant 0 : i32
        %dma_start3A_78 = arith.constant 0 : i32
        %dma_start3A_79 = tpu.memref_slice %arg3[%run_scoped3A, %arg1, %run_scoped3A_73, %dma_start3A_77, %dma_start3A_78] : memref<2x16x2x40x125xi32, #tpu.memory_space<hbm>> -> memref<1x1x1x40x125xi32, #tpu.memory_space<hbm>>
        %dma_start3A_80 = tpu.memref_squeeze %dma_start3A_79 : memref<1x1x1x40x125xi32, #tpu.memory_space<hbm>> -> memref<40x125xi32, #tpu.memory_space<hbm>>
        %dma_start3A_81 = arith.constant 0 : i32
        %dma_start3A_82 = arith.constant 0 : i32
        %dma_start3A_83 = tpu.memref_slice %arg3[%run_scoped3A, %arg1, %run_scoped3A_73, %dma_start3A_81, %dma_start3A_82] : memref<2x16x2x40x125xi32, #tpu.memory_space<hbm>> -> memref<1x1x1x40x125xi32, #tpu.memory_space<hbm>>
        %dma_start3A_84 = tpu.memref_squeeze %dma_start3A_83 : memref<1x1x1x40x125xi32, #tpu.memory_space<hbm>> -> memref<40x125xi32, #tpu.memory_space<hbm>>
        tpu.enqueue_dma source(%dma_start3A_84 : memref<40x125xi32, #tpu.memory_space<hbm>>) target(%arg7 : memref<40x125xi32, #tpu.memory_space<vmem>>) target_semaphore(%run_scoped3A_76 : memref<!tpu.dma_semaphore, #tpu.memory_space<semaphore_mem>>)
        %dma_wait3A = arith.constant 0 : i32
        %dma_wait3A_85 = arith.constant 0 : i32
        %dma_wait3A_86 = tpu.memref_slice %arg3[%run_scoped3A, %arg1, %run_scoped3A_73, %dma_wait3A, %dma_wait3A_85] : memref<2x16x2x40x125xi32, #tpu.memory_space<hbm>> -> memref<1x1x1x40x125xi32, #tpu.memory_space<hbm>>
        %dma_wait3A_87 = tpu.memref_squeeze %dma_wait3A_86 : memref<1x1x1x40x125xi32, #tpu.memory_space<hbm>> -> memref<40x125xi32, #tpu.memory_space<hbm>>
        %dma_wait3A_88 = arith.constant 0 : i32
        %dma_wait3A_89 = arith.constant 0 : i32
        %dma_wait3A_90 = tpu.memref_slice %arg3[%run_scoped3A, %arg1, %run_scoped3A_73, %dma_wait3A_88, %dma_wait3A_89] : memref<2x16x2x40x125xi32, #tpu.memory_space<hbm>> -> memref<1x1x1x40x125xi32, #tpu.memory_space<hbm>>
        %dma_wait3A_91 = tpu.memref_squeeze %dma_wait3A_90 : memref<1x1x1x40x125xi32, #tpu.memory_space<hbm>> -> memref<40x125xi32, #tpu.memory_space<hbm>>
        tpu.wait_dma2 semaphore(%run_scoped3A_76 : memref<!tpu.dma_semaphore, #tpu.memory_space<semaphore_mem>>) src(%dma_wait3A_91 : memref<40x125xi32, #tpu.memory_space<hbm>>) dst(%arg7 : memref<40x125xi32, #tpu.memory_space<vmem>>)
        tpu.yield
      }) : () -> ()
      %run_scoped3A_74 = arith.constant 1 : i32
      %run_scoped3A_75 = arith.constant 0 : i32
      "tpu.region"() ({
        %run_scoped3A_76 = tpu.sem_alloc : memref<!tpu.dma_semaphore, #tpu.memory_space<semaphore_mem>>
        %dma_start3A_77 = arith.constant 0 : i32
        %dma_start3A_78 = arith.constant 0 : i32
        %dma_start3A_79 = tpu.memref_slice %arg3[%run_scoped3A_74, %arg1, %run_scoped3A_75, %dma_start3A_77, %dma_start3A_78] : memref<2x16x2x40x125xi32, #tpu.memory_space<hbm>> -> memref<1x1x1x40x125xi32, #tpu.memory_space<hbm>>
        %dma_start3A_80 = tpu.memref_squeeze %dma_start3A_79 : memref<1x1x1x40x125xi32, #tpu.memory_space<hbm>> -> memref<40x125xi32, #tpu.memory_space<hbm>>
        %dma_start3A_81 = arith.constant 0 : i32
        %dma_start3A_82 = arith.constant 0 : i32
        %dma_start3A_83 = tpu.memref_slice %arg3[%run_scoped3A_74, %arg1, %run_scoped3A_75, %dma_start3A_81, %dma_start3A_82] : memref<2x16x2x40x125xi32, #tpu.memory_space<hbm>> -> memref<1x1x1x40x125xi32, #tpu.memory_space<hbm>>
        %dma_start3A_84 = tpu.memref_squeeze %dma_start3A_83 : memref<1x1x1x40x125xi32, #tpu.memory_space<hbm>> -> memref<40x125xi32, #tpu.memory_space<hbm>>
        tpu.enqueue_dma source(%dma_start3A_84 : memref<40x125xi32, #tpu.memory_space<hbm>>) target(%arg8 : memref<40x125xi32, #tpu.memory_space<vmem>>) target_semaphore(%run_scoped3A_76 : memref<!tpu.dma_semaphore, #tpu.memory_space<semaphore_mem>>)
        %dma_wait3A = arith.constant 0 : i32
        %dma_wait3A_85 = arith.constant 0 : i32
        %dma_wait3A_86 = tpu.memref_slice %arg3[%run_scoped3A_74, %arg1, %run_scoped3A_75, %dma_wait3A, %dma_wait3A_85] : memref<2x16x2x40x125xi32, #tpu.memory_space<hbm>> -> memref<1x1x1x40x125xi32, #tpu.memory_space<hbm>>
        %dma_wait3A_87 = tpu.memref_squeeze %dma_wait3A_86 : memref<1x1x1x40x125xi32, #tpu.memory_space<hbm>> -> memref<40x125xi32, #tpu.memory_space<hbm>>
        %dma_wait3A_88 = arith.constant 0 : i32
        %dma_wait3A_89 = arith.constant 0 : i32
        %dma_wait3A_90 = tpu.memref_slice %arg3[%run_scoped3A_74, %arg1, %run_scoped3A_75, %dma_wait3A_88, %dma_wait3A_89] : memref<2x16x2x40x125xi32, #tpu.memory_space<hbm>> -> memref<1x1x1x40x125xi32, #tpu.memory_space<hbm>>
        %dma_wait3A_91 = tpu.memref_squeeze %dma_wait3A_90 : memref<1x1x1x40x125xi32, #tpu.memory_space<hbm>> -> memref<40x125xi32, #tpu.memory_space<hbm>>
        tpu.wait_dma2 semaphore(%run_scoped3A_76 : memref<!tpu.dma_semaphore, #tpu.memory_space<semaphore_mem>>) src(%dma_wait3A_91 : memref<40x125xi32, #tpu.memory_space<hbm>>) dst(%arg8 : memref<40x125xi32, #tpu.memory_space<vmem>>)
        tpu.yield
      }) : () -> ()
    } else {
    }
    %eq3A_24 = arith.constant 1 : i32
    %eq3A_25 = arith.cmpi eq, %arg0, %eq3A_24 : i32
    %convert_element_type3A_26 = arith.extui %eq3A_25 : i1 to i32
    %cond3A_27 = arith.constant 0 : i32
    %cond3A_28 = arith.cmpi ne, %convert_element_type3A_26, %cond3A_27 : i32
    scf.if %cond3A_28 {
      %run_scoped3A = arith.constant 0 : i32
      %run_scoped3A_73 = arith.constant 0 : i32
      "tpu.region"() ({
        %run_scoped3A_76 = tpu.sem_alloc : memref<!tpu.dma_semaphore, #tpu.memory_space<semaphore_mem>>
        %dma_start3A_77 = arith.constant 0 : i32
        %dma_start3A_78 = arith.constant 0 : i32
        %dma_start3A_79 = tpu.memref_slice %arg4[%run_scoped3A, %arg1, %run_scoped3A_73, %dma_start3A_77, %dma_start3A_78] : memref<2x16x2x40x125xi32, #tpu.memory_space<hbm>> -> memref<1x1x1x40x125xi32, #tpu.memory_space<hbm>>
        %dma_start3A_80 = tpu.memref_squeeze %dma_start3A_79 : memref<1x1x1x40x125xi32, #tpu.memory_space<hbm>> -> memref<40x125xi32, #tpu.memory_space<hbm>>
        %dma_start3A_81 = arith.constant 0 : i32
        %dma_start3A_82 = arith.constant 0 : i32
        %dma_start3A_83 = tpu.memref_slice %arg4[%run_scoped3A, %arg1, %run_scoped3A_73, %dma_start3A_81, %dma_start3A_82] : memref<2x16x2x40x125xi32, #tpu.memory_space<hbm>> -> memref<1x1x1x40x125xi32, #tpu.memory_space<hbm>>
        %dma_start3A_84 = tpu.memref_squeeze %dma_start3A_83 : memref<1x1x1x40x125xi32, #tpu.memory_space<hbm>> -> memref<40x125xi32, #tpu.memory_space<hbm>>
        tpu.enqueue_dma source(%dma_start3A_84 : memref<40x125xi32, #tpu.memory_space<hbm>>) target(%arg7 : memref<40x125xi32, #tpu.memory_space<vmem>>) target_semaphore(%run_scoped3A_76 : memref<!tpu.dma_semaphore, #tpu.memory_space<semaphore_mem>>)
        %dma_wait3A = arith.constant 0 : i32
        %dma_wait3A_85 = arith.constant 0 : i32
        %dma_wait3A_86 = tpu.memref_slice %arg4[%run_scoped3A, %arg1, %run_scoped3A_73, %dma_wait3A, %dma_wait3A_85] : memref<2x16x2x40x125xi32, #tpu.memory_space<hbm>> -> memref<1x1x1x40x125xi32, #tpu.memory_space<hbm>>
        %dma_wait3A_87 = tpu.memref_squeeze %dma_wait3A_86 : memref<1x1x1x40x125xi32, #tpu.memory_space<hbm>> -> memref<40x125xi32, #tpu.memory_space<hbm>>
        %dma_wait3A_88 = arith.constant 0 : i32
        %dma_wait3A_89 = arith.constant 0 : i32
        %dma_wait3A_90 = tpu.memref_slice %arg4[%run_scoped3A, %arg1, %run_scoped3A_73, %dma_wait3A_88, %dma_wait3A_89] : memref<2x16x2x40x125xi32, #tpu.memory_space<hbm>> -> memref<1x1x1x40x125xi32, #tpu.memory_space<hbm>>
        %dma_wait3A_91 = tpu.memref_squeeze %dma_wait3A_90 : memref<1x1x1x40x125xi32, #tpu.memory_space<hbm>> -> memref<40x125xi32, #tpu.memory_space<hbm>>
        tpu.wait_dma2 semaphore(%run_scoped3A_76 : memref<!tpu.dma_semaphore, #tpu.memory_space<semaphore_mem>>) src(%dma_wait3A_91 : memref<40x125xi32, #tpu.memory_space<hbm>>) dst(%arg7 : memref<40x125xi32, #tpu.memory_space<vmem>>)
        tpu.yield
      }) : () -> ()
      %run_scoped3A_74 = arith.constant 1 : i32
      %run_scoped3A_75 = arith.constant 0 : i32
      "tpu.region"() ({
        %run_scoped3A_76 = tpu.sem_alloc : memref<!tpu.dma_semaphore, #tpu.memory_space<semaphore_mem>>
        %dma_start3A_77 = arith.constant 0 : i32
        %dma_start3A_78 = arith.constant 0 : i32
        %dma_start3A_79 = tpu.memref_slice %arg4[%run_scoped3A_74, %arg1, %run_scoped3A_75, %dma_start3A_77, %dma_start3A_78] : memref<2x16x2x40x125xi32, #tpu.memory_space<hbm>> -> memref<1x1x1x40x125xi32, #tpu.memory_space<hbm>>
        %dma_start3A_80 = tpu.memref_squeeze %dma_start3A_79 : memref<1x1x1x40x125xi32, #tpu.memory_space<hbm>> -> memref<40x125xi32, #tpu.memory_space<hbm>>
        %dma_start3A_81 = arith.constant 0 : i32
        %dma_start3A_82 = arith.constant 0 : i32
        %dma_start3A_83 = tpu.memref_slice %arg4[%run_scoped3A_74, %arg1, %run_scoped3A_75, %dma_start3A_81, %dma_start3A_82] : memref<2x16x2x40x125xi32, #tpu.memory_space<hbm>> -> memref<1x1x1x40x125xi32, #tpu.memory_space<hbm>>
        %dma_start3A_84 = tpu.memref_squeeze %dma_start3A_83 : memref<1x1x1x40x125xi32, #tpu.memory_space<hbm>> -> memref<40x125xi32, #tpu.memory_space<hbm>>
        tpu.enqueue_dma source(%dma_start3A_84 : memref<40x125xi32, #tpu.memory_space<hbm>>) target(%arg8 : memref<40x125xi32, #tpu.memory_space<vmem>>) target_semaphore(%run_scoped3A_76 : memref<!tpu.dma_semaphore, #tpu.memory_space<semaphore_mem>>)
        %dma_wait3A = arith.constant 0 : i32
        %dma_wait3A_85 = arith.constant 0 : i32
        %dma_wait3A_86 = tpu.memref_slice %arg4[%run_scoped3A_74, %arg1, %run_scoped3A_75, %dma_wait3A, %dma_wait3A_85] : memref<2x16x2x40x125xi32, #tpu.memory_space<hbm>> -> memref<1x1x1x40x125xi32, #tpu.memory_space<hbm>>
        %dma_wait3A_87 = tpu.memref_squeeze %dma_wait3A_86 : memref<1x1x1x40x125xi32, #tpu.memory_space<hbm>> -> memref<40x125xi32, #tpu.memory_space<hbm>>
        %dma_wait3A_88 = arith.constant 0 : i32
        %dma_wait3A_89 = arith.constant 0 : i32
        %dma_wait3A_90 = tpu.memref_slice %arg4[%run_scoped3A_74, %arg1, %run_scoped3A_75, %dma_wait3A_88, %dma_wait3A_89] : memref<2x16x2x40x125xi32, #tpu.memory_space<hbm>> -> memref<1x1x1x40x125xi32, #tpu.memory_space<hbm>>
        %dma_wait3A_91 = tpu.memref_squeeze %dma_wait3A_90 : memref<1x1x1x40x125xi32, #tpu.memory_space<hbm>> -> memref<40x125xi32, #tpu.memory_space<hbm>>
        tpu.wait_dma2 semaphore(%run_scoped3A_76 : memref<!tpu.dma_semaphore, #tpu.memory_space<semaphore_mem>>) src(%dma_wait3A_91 : memref<40x125xi32, #tpu.memory_space<hbm>>) dst(%arg8 : memref<40x125xi32, #tpu.memory_space<vmem>>)
        tpu.yield
      }) : () -> ()
    } else {
    }
    %dma_start3A = arith.constant 0 : i32
    %dma_start3A_29 = arith.constant 0 : i32
    %dma_start3A_30 = arith.constant 0 : i32
    %dma_start3A_31 = tpu.memref_slice %arg9[%dma_start3A_29, %dma_start3A_30] : memref<128x128xf32, #tpu.memory_space<vmem>> -> memref<125x128xf32, #tpu.memory_space<vmem>>
    %dma_start3A_32 = arith.constant 0 : i32
    %dma_start3A_33 = tpu.memref_slice %arg7[%dma_start3A, %dma_start3A_32] : memref<40x125xi32, #tpu.memory_space<vmem>> -> memref<1x125xi32, #tpu.memory_space<vmem>>
    %dma_start3A_34 = tpu.memref_squeeze %dma_start3A_33 : memref<1x125xi32, #tpu.memory_space<vmem>> -> memref<125xi32, #tpu.memory_space<vmem>>
    %dma_start3A_35 = arith.constant 0 : i32
    %dma_start3A_36 = arith.constant 0 : i32
    %dma_start3A_37 = tpu.memref_slice %arg2[%dma_start3A_35, %dma_start3A_36] : memref<10240x128xf32, #tpu.memory_space<hbm>> -> memref<10240x128xf32, #tpu.memory_space<hbm>>
    tpu.enqueue_indirect_dma source(%dma_start3A_37 : memref<10240x128xf32, #tpu.memory_space<hbm>>) target(%dma_start3A_31 : memref<125x128xf32, #tpu.memory_space<vmem>>) offsets(%dma_start3A_34 : memref<125xi32, #tpu.memory_space<vmem>>) semaphore(%arg12 : memref<!tpu.dma_semaphore, #tpu.memory_space<semaphore_mem>>)
    %scan3A = arith.constant 0 : i32
    %scan3A_38 = arith.constant 0 : i32
    %scan3A_39 = arith.constant 20 : i32
    %scan3A_40 = arith.addi %scan3A_38, %scan3A_39 : i32
    %scan3A_41 = arith.constant 1 : i32
    scf.for %scan3A_73 = %scan3A_38 to %scan3A_40 step %scan3A_41  : i32 {
      %mul3A_74 = arith.constant 2 : i32
      %mul3A_75 = arith.muli %mul3A_74, %scan3A_73 : i32
      %add3A_76 = arith.constant 1 : i32
      %add3A_77 = arith.addi %mul3A_75, %add3A_76 : i32
      %dma_start3A_78 = arith.constant 0 : i32
      %dma_start3A_79 = arith.constant 0 : i32
      %dma_start3A_80 = tpu.memref_slice %arg10[%dma_start3A_78, %dma_start3A_79] : memref<128x128xf32, #tpu.memory_space<vmem>> -> memref<125x128xf32, #tpu.memory_space<vmem>>
      %dma_start3A_81 = arith.constant 0 : i32
      %dma_start3A_82 = tpu.memref_slice %arg7[%add3A_77, %dma_start3A_81] : memref<40x125xi32, #tpu.memory_space<vmem>> -> memref<1x125xi32, #tpu.memory_space<vmem>>
      %dma_start3A_83 = tpu.memref_squeeze %dma_start3A_82 : memref<1x125xi32, #tpu.memory_space<vmem>> -> memref<125xi32, #tpu.memory_space<vmem>>
      %dma_start3A_84 = arith.constant 0 : i32
      %dma_start3A_85 = arith.constant 0 : i32
      %dma_start3A_86 = tpu.memref_slice %arg2[%dma_start3A_84, %dma_start3A_85] : memref<10240x128xf32, #tpu.memory_space<hbm>> -> memref<10240x128xf32, #tpu.memory_space<hbm>>
      tpu.enqueue_indirect_dma source(%dma_start3A_86 : memref<10240x128xf32, #tpu.memory_space<hbm>>) target(%dma_start3A_80 : memref<125x128xf32, #tpu.memory_space<vmem>>) offsets(%dma_start3A_83 : memref<125xi32, #tpu.memory_space<vmem>>) semaphore(%arg13 : memref<!tpu.dma_semaphore, #tpu.memory_space<semaphore_mem>>)
      %dma_wait3A = arith.constant 0 : i32
      %dma_wait3A_87 = arith.constant 0 : i32
      %dma_wait3A_88 = arith.constant 0 : i32
      %dma_wait3A_89 = tpu.memref_slice %arg9[%dma_wait3A_87, %dma_wait3A_88] : memref<128x128xf32, #tpu.memory_space<vmem>> -> memref<125x128xf32, #tpu.memory_space<vmem>>
      %dma_wait3A_90 = arith.constant 0 : i32
      %dma_wait3A_91 = tpu.memref_slice %arg7[%dma_wait3A, %dma_wait3A_90] : memref<40x125xi32, #tpu.memory_space<vmem>> -> memref<1x125xi32, #tpu.memory_space<vmem>>
      %dma_wait3A_92 = tpu.memref_squeeze %dma_wait3A_91 : memref<1x125xi32, #tpu.memory_space<vmem>> -> memref<125xi32, #tpu.memory_space<vmem>>
      %dma_wait3A_93 = arith.constant 0 : i32
      %dma_wait3A_94 = arith.constant 0 : i32
      %dma_wait3A_95 = tpu.memref_slice %arg2[%dma_wait3A_93, %dma_wait3A_94] : memref<10240x128xf32, #tpu.memory_space<hbm>> -> memref<10240x128xf32, #tpu.memory_space<hbm>>
      tpu.wait_indirect_dma semaphore(%arg12 : memref<!tpu.dma_semaphore, #tpu.memory_space<semaphore_mem>>) src(%dma_wait3A_95 : memref<10240x128xf32, #tpu.memory_space<hbm>>) dst(%dma_wait3A_89 : memref<125x128xf32, #tpu.memory_space<vmem>>)
      %mul3A_96 = arith.constant 2 : i32
      %mul3A_97 = arith.muli %mul3A_96, %scan3A_73 : i32
      "tpu.region"() ({
        %run_scoped3A = tpu.sem_alloc : memref<!tpu.dma_semaphore, #tpu.memory_space<semaphore_mem>>
        %dma_start3A_116 = arith.constant 0 : i32
        %dma_start3A_117 = arith.constant 0 : i32
        %dma_start3A_118 = tpu.memref_slice %arg9[%dma_start3A_116, %dma_start3A_117] : memref<128x128xf32, #tpu.memory_space<vmem>> -> memref<125x128xf32, #tpu.memory_space<vmem>>
        %dma_start3A_119 = arith.constant 0 : i32
        %dma_start3A_120 = tpu.memref_slice %arg8[%mul3A_97, %dma_start3A_119] : memref<40x125xi32, #tpu.memory_space<vmem>> -> memref<1x125xi32, #tpu.memory_space<vmem>>
        %dma_start3A_121 = tpu.memref_squeeze %dma_start3A_120 : memref<1x125xi32, #tpu.memory_space<vmem>> -> memref<125xi32, #tpu.memory_space<vmem>>
        %dma_start3A_122 = arith.constant 0 : i32
        %dma_start3A_123 = arith.constant 0 : i32
        %dma_start3A_124 = tpu.memref_slice %arg11[%dma_start3A_122, %dma_start3A_123] : memref<10240x128xf32, #tpu.memory_space<vmem_shared>> -> memref<10240x128xf32, #tpu.memory_space<vmem_shared>>
        tpu.enqueue_indirect_dma source(%dma_start3A_118 : memref<125x128xf32, #tpu.memory_space<vmem>>) target(%dma_start3A_124 : memref<10240x128xf32, #tpu.memory_space<vmem_shared>>) offsets(%dma_start3A_121 : memref<125xi32, #tpu.memory_space<vmem>>) semaphore(%run_scoped3A : memref<!tpu.dma_semaphore, #tpu.memory_space<semaphore_mem>>) {add = true}
        %dma_wait3A_125 = arith.constant 0 : i32
        %dma_wait3A_126 = arith.constant 0 : i32
        %dma_wait3A_127 = tpu.memref_slice %arg9[%dma_wait3A_125, %dma_wait3A_126] : memref<128x128xf32, #tpu.memory_space<vmem>> -> memref<125x128xf32, #tpu.memory_space<vmem>>
        %dma_wait3A_128 = arith.constant 0 : i32
        %dma_wait3A_129 = tpu.memref_slice %arg8[%mul3A_97, %dma_wait3A_128] : memref<40x125xi32, #tpu.memory_space<vmem>> -> memref<1x125xi32, #tpu.memory_space<vmem>>
        %dma_wait3A_130 = tpu.memref_squeeze %dma_wait3A_129 : memref<1x125xi32, #tpu.memory_space<vmem>> -> memref<125xi32, #tpu.memory_space<vmem>>
        %dma_wait3A_131 = arith.constant 0 : i32
        %dma_wait3A_132 = arith.constant 0 : i32
        %dma_wait3A_133 = tpu.memref_slice %arg11[%dma_wait3A_131, %dma_wait3A_132] : memref<10240x128xf32, #tpu.memory_space<vmem_shared>> -> memref<10240x128xf32, #tpu.memory_space<vmem_shared>>
        tpu.wait_indirect_dma semaphore(%run_scoped3A : memref<!tpu.dma_semaphore, #tpu.memory_space<semaphore_mem>>) src(%dma_wait3A_127 : memref<125x128xf32, #tpu.memory_space<vmem>>) dst(%dma_wait3A_133 : memref<10240x128xf32, #tpu.memory_space<vmem_shared>>)
        tpu.yield
      }) : () -> ()
      %lt3A = arith.constant 19 : i32
      %lt3A_98 = arith.cmpi slt, %scan3A_73, %lt3A : i32
      %convert_element_type3A_99 = arith.extui %lt3A_98 : i1 to i32
      %cond3A_100 = arith.constant 0 : i32
      %cond3A_101 = arith.cmpi ne, %convert_element_type3A_99, %cond3A_100 : i32
      scf.if %cond3A_101 {
        %mul3A_116 = arith.constant 2 : i32
        %mul3A_117 = arith.muli %mul3A_116, %scan3A_73 : i32
        %add3A_118 = arith.constant 2 : i32
        %add3A_119 = arith.addi %mul3A_117, %add3A_118 : i32
        %dma_start3A_120 = arith.constant 0 : i32
        %dma_start3A_121 = arith.constant 0 : i32
        %dma_start3A_122 = tpu.memref_slice %arg9[%dma_start3A_120, %dma_start3A_121] : memref<128x128xf32, #tpu.memory_space<vmem>> -> memref<125x128xf32, #tpu.memory_space<vmem>>
        %dma_start3A_123 = arith.constant 0 : i32
        %dma_start3A_124 = tpu.memref_slice %arg7[%add3A_119, %dma_start3A_123] : memref<40x125xi32, #tpu.memory_space<vmem>> -> memref<1x125xi32, #tpu.memory_space<vmem>>
        %dma_start3A_125 = tpu.memref_squeeze %dma_start3A_124 : memref<1x125xi32, #tpu.memory_space<vmem>> -> memref<125xi32, #tpu.memory_space<vmem>>
        %dma_start3A_126 = arith.constant 0 : i32
        %dma_start3A_127 = arith.constant 0 : i32
        %dma_start3A_128 = tpu.memref_slice %arg2[%dma_start3A_126, %dma_start3A_127] : memref<10240x128xf32, #tpu.memory_space<hbm>> -> memref<10240x128xf32, #tpu.memory_space<hbm>>
        tpu.enqueue_indirect_dma source(%dma_start3A_128 : memref<10240x128xf32, #tpu.memory_space<hbm>>) target(%dma_start3A_122 : memref<125x128xf32, #tpu.memory_space<vmem>>) offsets(%dma_start3A_125 : memref<125xi32, #tpu.memory_space<vmem>>) semaphore(%arg12 : memref<!tpu.dma_semaphore, #tpu.memory_space<semaphore_mem>>)
      } else {
      }
      %dma_wait3A_102 = arith.constant 0 : i32
      %dma_wait3A_103 = arith.constant 0 : i32
      %dma_wait3A_104 = arith.constant 0 : i32
      %dma_wait3A_105 = tpu.memref_slice %arg10[%dma_wait3A_103, %dma_wait3A_104] : memref<128x128xf32, #tpu.memory_space<vmem>> -> memref<125x128xf32, #tpu.memory_space<vmem>>
      %dma_wait3A_106 = arith.constant 0 : i32
      %dma_wait3A_107 = tpu.memref_slice %arg7[%dma_wait3A_102, %dma_wait3A_106] : memref<40x125xi32, #tpu.memory_space<vmem>> -> memref<1x125xi32, #tpu.memory_space<vmem>>
      %dma_wait3A_108 = tpu.memref_squeeze %dma_wait3A_107 : memref<1x125xi32, #tpu.memory_space<vmem>> -> memref<125xi32, #tpu.memory_space<vmem>>
      %dma_wait3A_109 = arith.constant 0 : i32
      %dma_wait3A_110 = arith.constant 0 : i32
      %dma_wait3A_111 = tpu.memref_slice %arg2[%dma_wait3A_109, %dma_wait3A_110] : memref<10240x128xf32, #tpu.memory_space<hbm>> -> memref<10240x128xf32, #tpu.memory_space<hbm>>
      tpu.wait_indirect_dma semaphore(%arg13 : memref<!tpu.dma_semaphore, #tpu.memory_space<semaphore_mem>>) src(%dma_wait3A_111 : memref<10240x128xf32, #tpu.memory_space<hbm>>) dst(%dma_wait3A_105 : memref<125x128xf32, #tpu.memory_space<vmem>>)
      %mul3A_112 = arith.constant 2 : i32
      %mul3A_113 = arith.muli %mul3A_112, %scan3A_73 : i32
      %add3A_114 = arith.constant 1 : i32
      %add3A_115 = arith.addi %mul3A_113, %add3A_114 : i32
      "tpu.region"() ({
        %run_scoped3A = tpu.sem_alloc : memref<!tpu.dma_semaphore, #tpu.memory_space<semaphore_mem>>
        %dma_start3A_116 = arith.constant 0 : i32
        %dma_start3A_117 = arith.constant 0 : i32
        %dma_start3A_118 = tpu.memref_slice %arg10[%dma_start3A_116, %dma_start3A_117] : memref<128x128xf32, #tpu.memory_space<vmem>> -> memref<125x128xf32, #tpu.memory_space<vmem>>
        %dma_start3A_119 = arith.constant 0 : i32
        %dma_start3A_120 = tpu.memref_slice %arg8[%add3A_115, %dma_start3A_119] : memref<40x125xi32, #tpu.memory_space<vmem>> -> memref<1x125xi32, #tpu.memory_space<vmem>>
        %dma_start3A_121 = tpu.memref_squeeze %dma_start3A_120 : memref<1x125xi32, #tpu.memory_space<vmem>> -> memref<125xi32, #tpu.memory_space<vmem>>
        %dma_start3A_122 = arith.constant 0 : i32
        %dma_start3A_123 = arith.constant 0 : i32
        %dma_start3A_124 = tpu.memref_slice %arg11[%dma_start3A_122, %dma_start3A_123] : memref<10240x128xf32, #tpu.memory_space<vmem_shared>> -> memref<10240x128xf32, #tpu.memory_space<vmem_shared>>
        tpu.enqueue_indirect_dma source(%dma_start3A_118 : memref<125x128xf32, #tpu.memory_space<vmem>>) target(%dma_start3A_124 : memref<10240x128xf32, #tpu.memory_space<vmem_shared>>) offsets(%dma_start3A_121 : memref<125xi32, #tpu.memory_space<vmem>>) semaphore(%run_scoped3A : memref<!tpu.dma_semaphore, #tpu.memory_space<semaphore_mem>>) {add = true}
        %dma_wait3A_125 = arith.constant 0 : i32
        %dma_wait3A_126 = arith.constant 0 : i32
        %dma_wait3A_127 = tpu.memref_slice %arg10[%dma_wait3A_125, %dma_wait3A_126] : memref<128x128xf32, #tpu.memory_space<vmem>> -> memref<125x128xf32, #tpu.memory_space<vmem>>
        %dma_wait3A_128 = arith.constant 0 : i32
        %dma_wait3A_129 = tpu.memref_slice %arg8[%add3A_115, %dma_wait3A_128] : memref<40x125xi32, #tpu.memory_space<vmem>> -> memref<1x125xi32, #tpu.memory_space<vmem>>
        %dma_wait3A_130 = tpu.memref_squeeze %dma_wait3A_129 : memref<1x125xi32, #tpu.memory_space<vmem>> -> memref<125xi32, #tpu.memory_space<vmem>>
        %dma_wait3A_131 = arith.constant 0 : i32
        %dma_wait3A_132 = arith.constant 0 : i32
        %dma_wait3A_133 = tpu.memref_slice %arg11[%dma_wait3A_131, %dma_wait3A_132] : memref<10240x128xf32, #tpu.memory_space<vmem_shared>> -> memref<10240x128xf32, #tpu.memory_space<vmem_shared>>
        tpu.wait_indirect_dma semaphore(%run_scoped3A : memref<!tpu.dma_semaphore, #tpu.memory_space<semaphore_mem>>) src(%dma_wait3A_127 : memref<125x128xf32, #tpu.memory_space<vmem>>) dst(%dma_wait3A_133 : memref<10240x128xf32, #tpu.memory_space<vmem_shared>>)
        tpu.yield
      }) : () -> ()
    }
    %scan3A_42 = arith.constant 20 : i32
    %eq3A_43 = arith.constant 0 : i32
    %eq3A_44 = arith.cmpi eq, %arg0, %eq3A_43 : i32
    %convert_element_type3A_45 = arith.extui %eq3A_44 : i1 to i32
    %cond3A_46 = arith.constant 0 : i32
    %cond3A_47 = arith.cmpi ne, %convert_element_type3A_45, %cond3A_46 : i32
    scf.if %cond3A_47 {
      %run_scoped3A = arith.constant 0 : i32
      %run_scoped3A_73 = arith.constant 1 : i32
      "tpu.region"() ({
        %run_scoped3A_76 = tpu.sem_alloc : memref<!tpu.dma_semaphore, #tpu.memory_space<semaphore_mem>>
        %dma_start3A_77 = arith.constant 0 : i32
        %dma_start3A_78 = arith.constant 0 : i32
        %dma_start3A_79 = tpu.memref_slice %arg3[%run_scoped3A, %arg1, %run_scoped3A_73, %dma_start3A_77, %dma_start3A_78] : memref<2x16x2x40x125xi32, #tpu.memory_space<hbm>> -> memref<1x1x1x40x125xi32, #tpu.memory_space<hbm>>
        %dma_start3A_80 = tpu.memref_squeeze %dma_start3A_79 : memref<1x1x1x40x125xi32, #tpu.memory_space<hbm>> -> memref<40x125xi32, #tpu.memory_space<hbm>>
        %dma_start3A_81 = arith.constant 0 : i32
        %dma_start3A_82 = arith.constant 0 : i32
        %dma_start3A_83 = tpu.memref_slice %arg3[%run_scoped3A, %arg1, %run_scoped3A_73, %dma_start3A_81, %dma_start3A_82] : memref<2x16x2x40x125xi32, #tpu.memory_space<hbm>> -> memref<1x1x1x40x125xi32, #tpu.memory_space<hbm>>
        %dma_start3A_84 = tpu.memref_squeeze %dma_start3A_83 : memref<1x1x1x40x125xi32, #tpu.memory_space<hbm>> -> memref<40x125xi32, #tpu.memory_space<hbm>>
        tpu.enqueue_dma source(%dma_start3A_84 : memref<40x125xi32, #tpu.memory_space<hbm>>) target(%arg7 : memref<40x125xi32, #tpu.memory_space<vmem>>) target_semaphore(%run_scoped3A_76 : memref<!tpu.dma_semaphore, #tpu.memory_space<semaphore_mem>>)
        %dma_wait3A = arith.constant 0 : i32
        %dma_wait3A_85 = arith.constant 0 : i32
        %dma_wait3A_86 = tpu.memref_slice %arg3[%run_scoped3A, %arg1, %run_scoped3A_73, %dma_wait3A, %dma_wait3A_85] : memref<2x16x2x40x125xi32, #tpu.memory_space<hbm>> -> memref<1x1x1x40x125xi32, #tpu.memory_space<hbm>>
        %dma_wait3A_87 = tpu.memref_squeeze %dma_wait3A_86 : memref<1x1x1x40x125xi32, #tpu.memory_space<hbm>> -> memref<40x125xi32, #tpu.memory_space<hbm>>
        %dma_wait3A_88 = arith.constant 0 : i32
        %dma_wait3A_89 = arith.constant 0 : i32
        %dma_wait3A_90 = tpu.memref_slice %arg3[%run_scoped3A, %arg1, %run_scoped3A_73, %dma_wait3A_88, %dma_wait3A_89] : memref<2x16x2x40x125xi32, #tpu.memory_space<hbm>> -> memref<1x1x1x40x125xi32, #tpu.memory_space<hbm>>
        %dma_wait3A_91 = tpu.memref_squeeze %dma_wait3A_90 : memref<1x1x1x40x125xi32, #tpu.memory_space<hbm>> -> memref<40x125xi32, #tpu.memory_space<hbm>>
        tpu.wait_dma2 semaphore(%run_scoped3A_76 : memref<!tpu.dma_semaphore, #tpu.memory_space<semaphore_mem>>) src(%dma_wait3A_91 : memref<40x125xi32, #tpu.memory_space<hbm>>) dst(%arg7 : memref<40x125xi32, #tpu.memory_space<vmem>>)
        tpu.yield
      }) : () -> ()
      %run_scoped3A_74 = arith.constant 1 : i32
      %run_scoped3A_75 = arith.constant 1 : i32
      "tpu.region"() ({
        %run_scoped3A_76 = tpu.sem_alloc : memref<!tpu.dma_semaphore, #tpu.memory_space<semaphore_mem>>
        %dma_start3A_77 = arith.constant 0 : i32
        %dma_start3A_78 = arith.constant 0 : i32
        %dma_start3A_79 = tpu.memref_slice %arg3[%run_scoped3A_74, %arg1, %run_scoped3A_75, %dma_start3A_77, %dma_start3A_78] : memref<2x16x2x40x125xi32, #tpu.memory_space<hbm>> -> memref<1x1x1x40x125xi32, #tpu.memory_space<hbm>>
        %dma_start3A_80 = tpu.memref_squeeze %dma_start3A_79 : memref<1x1x1x40x125xi32, #tpu.memory_space<hbm>> -> memref<40x125xi32, #tpu.memory_space<hbm>>
        %dma_start3A_81 = arith.constant 0 : i32
        %dma_start3A_82 = arith.constant 0 : i32
        %dma_start3A_83 = tpu.memref_slice %arg3[%run_scoped3A_74, %arg1, %run_scoped3A_75, %dma_start3A_81, %dma_start3A_82] : memref<2x16x2x40x125xi32, #tpu.memory_space<hbm>> -> memref<1x1x1x40x125xi32, #tpu.memory_space<hbm>>
        %dma_start3A_84 = tpu.memref_squeeze %dma_start3A_83 : memref<1x1x1x40x125xi32, #tpu.memory_space<hbm>> -> memref<40x125xi32, #tpu.memory_space<hbm>>
        tpu.enqueue_dma source(%dma_start3A_84 : memref<40x125xi32, #tpu.memory_space<hbm>>) target(%arg8 : memref<40x125xi32, #tpu.memory_space<vmem>>) target_semaphore(%run_scoped3A_76 : memref<!tpu.dma_semaphore, #tpu.memory_space<semaphore_mem>>)
        %dma_wait3A = arith.constant 0 : i32
        %dma_wait3A_85 = arith.constant 0 : i32
        %dma_wait3A_86 = tpu.memref_slice %arg3[%run_scoped3A_74, %arg1, %run_scoped3A_75, %dma_wait3A, %dma_wait3A_85] : memref<2x16x2x40x125xi32, #tpu.memory_space<hbm>> -> memref<1x1x1x40x125xi32, #tpu.memory_space<hbm>>
        %dma_wait3A_87 = tpu.memref_squeeze %dma_wait3A_86 : memref<1x1x1x40x125xi32, #tpu.memory_space<hbm>> -> memref<40x125xi32, #tpu.memory_space<hbm>>
        %dma_wait3A_88 = arith.constant 0 : i32
        %dma_wait3A_89 = arith.constant 0 : i32
        %dma_wait3A_90 = tpu.memref_slice %arg3[%run_scoped3A_74, %arg1, %run_scoped3A_75, %dma_wait3A_88, %dma_wait3A_89] : memref<2x16x2x40x125xi32, #tpu.memory_space<hbm>> -> memref<1x1x1x40x125xi32, #tpu.memory_space<hbm>>
        %dma_wait3A_91 = tpu.memref_squeeze %dma_wait3A_90 : memref<1x1x1x40x125xi32, #tpu.memory_space<hbm>> -> memref<40x125xi32, #tpu.memory_space<hbm>>
        tpu.wait_dma2 semaphore(%run_scoped3A_76 : memref<!tpu.dma_semaphore, #tpu.memory_space<semaphore_mem>>) src(%dma_wait3A_91 : memref<40x125xi32, #tpu.memory_space<hbm>>) dst(%arg8 : memref<40x125xi32, #tpu.memory_space<vmem>>)
        tpu.yield
      }) : () -> ()
    } else {
    }
    %eq3A_48 = arith.constant 1 : i32
    %eq3A_49 = arith.cmpi eq, %arg0, %eq3A_48 : i32
    %convert_element_type3A_50 = arith.extui %eq3A_49 : i1 to i32
    %cond3A_51 = arith.constant 0 : i32
    %cond3A_52 = arith.cmpi ne, %convert_element_type3A_50, %cond3A_51 : i32
    scf.if %cond3A_52 {
      %run_scoped3A = arith.constant 0 : i32
      %run_scoped3A_73 = arith.constant 1 : i32
      "tpu.region"() ({
        %run_scoped3A_76 = tpu.sem_alloc : memref<!tpu.dma_semaphore, #tpu.memory_space<semaphore_mem>>
        %dma_start3A_77 = arith.constant 0 : i32
        %dma_start3A_78 = arith.constant 0 : i32
        %dma_start3A_79 = tpu.memref_slice %arg4[%run_scoped3A, %arg1, %run_scoped3A_73, %dma_start3A_77, %dma_start3A_78] : memref<2x16x2x40x125xi32, #tpu.memory_space<hbm>> -> memref<1x1x1x40x125xi32, #tpu.memory_space<hbm>>
        %dma_start3A_80 = tpu.memref_squeeze %dma_start3A_79 : memref<1x1x1x40x125xi32, #tpu.memory_space<hbm>> -> memref<40x125xi32, #tpu.memory_space<hbm>>
        %dma_start3A_81 = arith.constant 0 : i32
        %dma_start3A_82 = arith.constant 0 : i32
        %dma_start3A_83 = tpu.memref_slice %arg4[%run_scoped3A, %arg1, %run_scoped3A_73, %dma_start3A_81, %dma_start3A_82] : memref<2x16x2x40x125xi32, #tpu.memory_space<hbm>> -> memref<1x1x1x40x125xi32, #tpu.memory_space<hbm>>
        %dma_start3A_84 = tpu.memref_squeeze %dma_start3A_83 : memref<1x1x1x40x125xi32, #tpu.memory_space<hbm>> -> memref<40x125xi32, #tpu.memory_space<hbm>>
        tpu.enqueue_dma source(%dma_start3A_84 : memref<40x125xi32, #tpu.memory_space<hbm>>) target(%arg7 : memref<40x125xi32, #tpu.memory_space<vmem>>) target_semaphore(%run_scoped3A_76 : memref<!tpu.dma_semaphore, #tpu.memory_space<semaphore_mem>>)
        %dma_wait3A = arith.constant 0 : i32
        %dma_wait3A_85 = arith.constant 0 : i32
        %dma_wait3A_86 = tpu.memref_slice %arg4[%run_scoped3A, %arg1, %run_scoped3A_73, %dma_wait3A, %dma_wait3A_85] : memref<2x16x2x40x125xi32, #tpu.memory_space<hbm>> -> memref<1x1x1x40x125xi32, #tpu.memory_space<hbm>>
        %dma_wait3A_87 = tpu.memref_squeeze %dma_wait3A_86 : memref<1x1x1x40x125xi32, #tpu.memory_space<hbm>> -> memref<40x125xi32, #tpu.memory_space<hbm>>
        %dma_wait3A_88 = arith.constant 0 : i32
        %dma_wait3A_89 = arith.constant 0 : i32
        %dma_wait3A_90 = tpu.memref_slice %arg4[%run_scoped3A, %arg1, %run_scoped3A_73, %dma_wait3A_88, %dma_wait3A_89] : memref<2x16x2x40x125xi32, #tpu.memory_space<hbm>> -> memref<1x1x1x40x125xi32, #tpu.memory_space<hbm>>
        %dma_wait3A_91 = tpu.memref_squeeze %dma_wait3A_90 : memref<1x1x1x40x125xi32, #tpu.memory_space<hbm>> -> memref<40x125xi32, #tpu.memory_space<hbm>>
        tpu.wait_dma2 semaphore(%run_scoped3A_76 : memref<!tpu.dma_semaphore, #tpu.memory_space<semaphore_mem>>) src(%dma_wait3A_91 : memref<40x125xi32, #tpu.memory_space<hbm>>) dst(%arg7 : memref<40x125xi32, #tpu.memory_space<vmem>>)
        tpu.yield
      }) : () -> ()
      %run_scoped3A_74 = arith.constant 1 : i32
      %run_scoped3A_75 = arith.constant 1 : i32
      "tpu.region"() ({
        %run_scoped3A_76 = tpu.sem_alloc : memref<!tpu.dma_semaphore, #tpu.memory_space<semaphore_mem>>
        %dma_start3A_77 = arith.constant 0 : i32
        %dma_start3A_78 = arith.constant 0 : i32
        %dma_start3A_79 = tpu.memref_slice %arg4[%run_scoped3A_74, %arg1, %run_scoped3A_75, %dma_start3A_77, %dma_start3A_78] : memref<2x16x2x40x125xi32, #tpu.memory_space<hbm>> -> memref<1x1x1x40x125xi32, #tpu.memory_space<hbm>>
        %dma_start3A_80 = tpu.memref_squeeze %dma_start3A_79 : memref<1x1x1x40x125xi32, #tpu.memory_space<hbm>> -> memref<40x125xi32, #tpu.memory_space<hbm>>
        %dma_start3A_81 = arith.constant 0 : i32
        %dma_start3A_82 = arith.constant 0 : i32
        %dma_start3A_83 = tpu.memref_slice %arg4[%run_scoped3A_74, %arg1, %run_scoped3A_75, %dma_start3A_81, %dma_start3A_82] : memref<2x16x2x40x125xi32, #tpu.memory_space<hbm>> -> memref<1x1x1x40x125xi32, #tpu.memory_space<hbm>>
        %dma_start3A_84 = tpu.memref_squeeze %dma_start3A_83 : memref<1x1x1x40x125xi32, #tpu.memory_space<hbm>> -> memref<40x125xi32, #tpu.memory_space<hbm>>
        tpu.enqueue_dma source(%dma_start3A_84 : memref<40x125xi32, #tpu.memory_space<hbm>>) target(%arg8 : memref<40x125xi32, #tpu.memory_space<vmem>>) target_semaphore(%run_scoped3A_76 : memref<!tpu.dma_semaphore, #tpu.memory_space<semaphore_mem>>)
        %dma_wait3A = arith.constant 0 : i32
        %dma_wait3A_85 = arith.constant 0 : i32
        %dma_wait3A_86 = tpu.memref_slice %arg4[%run_scoped3A_74, %arg1, %run_scoped3A_75, %dma_wait3A, %dma_wait3A_85] : memref<2x16x2x40x125xi32, #tpu.memory_space<hbm>> -> memref<1x1x1x40x125xi32, #tpu.memory_space<hbm>>
        %dma_wait3A_87 = tpu.memref_squeeze %dma_wait3A_86 : memref<1x1x1x40x125xi32, #tpu.memory_space<hbm>> -> memref<40x125xi32, #tpu.memory_space<hbm>>
        %dma_wait3A_88 = arith.constant 0 : i32
        %dma_wait3A_89 = arith.constant 0 : i32
        %dma_wait3A_90 = tpu.memref_slice %arg4[%run_scoped3A_74, %arg1, %run_scoped3A_75, %dma_wait3A_88, %dma_wait3A_89] : memref<2x16x2x40x125xi32, #tpu.memory_space<hbm>> -> memref<1x1x1x40x125xi32, #tpu.memory_space<hbm>>
        %dma_wait3A_91 = tpu.memref_squeeze %dma_wait3A_90 : memref<1x1x1x40x125xi32, #tpu.memory_space<hbm>> -> memref<40x125xi32, #tpu.memory_space<hbm>>
        tpu.wait_dma2 semaphore(%run_scoped3A_76 : memref<!tpu.dma_semaphore, #tpu.memory_space<semaphore_mem>>) src(%dma_wait3A_91 : memref<40x125xi32, #tpu.memory_space<hbm>>) dst(%arg8 : memref<40x125xi32, #tpu.memory_space<vmem>>)
        tpu.yield
      }) : () -> ()
    } else {
    }
    %dma_start3A_53 = arith.constant 0 : i32
    %dma_start3A_54 = arith.constant 0 : i32
    %dma_start3A_55 = arith.constant 0 : i32
    %dma_start3A_56 = tpu.memref_slice %arg9[%dma_start3A_54, %dma_start3A_55] : memref<128x128xf32, #tpu.memory_space<vmem>> -> memref<125x128xf32, #tpu.memory_space<vmem>>
    %dma_start3A_57 = arith.constant 0 : i32
    %dma_start3A_58 = tpu.memref_slice %arg7[%dma_start3A_53, %dma_start3A_57] : memref<40x125xi32, #tpu.memory_space<vmem>> -> memref<1x125xi32, #tpu.memory_space<vmem>>
    %dma_start3A_59 = tpu.memref_squeeze %dma_start3A_58 : memref<1x125xi32, #tpu.memory_space<vmem>> -> memref<125xi32, #tpu.memory_space<vmem>>
    %dma_start3A_60 = arith.constant 0 : i32
    %dma_start3A_61 = arith.constant 0 : i32
    %dma_start3A_62 = tpu.memref_slice %arg2[%dma_start3A_60, %dma_start3A_61] : memref<10240x128xf32, #tpu.memory_space<hbm>> -> memref<10240x128xf32, #tpu.memory_space<hbm>>
    tpu.enqueue_indirect_dma source(%dma_start3A_62 : memref<10240x128xf32, #tpu.memory_space<hbm>>) target(%dma_start3A_56 : memref<125x128xf32, #tpu.memory_space<vmem>>) offsets(%dma_start3A_59 : memref<125xi32, #tpu.memory_space<vmem>>) semaphore(%arg12 : memref<!tpu.dma_semaphore, #tpu.memory_space<semaphore_mem>>)
    %scan3A_63 = arith.constant 0 : i32
    %scan3A_64 = arith.constant 0 : i32
    %scan3A_65 = arith.constant 20 : i32
    %scan3A_66 = arith.addi %scan3A_64, %scan3A_65 : i32
    %scan3A_67 = arith.constant 1 : i32
    scf.for %scan3A_73 = %scan3A_64 to %scan3A_66 step %scan3A_67  : i32 {
      %mul3A_74 = arith.constant 2 : i32
      %mul3A_75 = arith.muli %mul3A_74, %scan3A_73 : i32
      %add3A_76 = arith.constant 1 : i32
      %add3A_77 = arith.addi %mul3A_75, %add3A_76 : i32
      %dma_start3A_78 = arith.constant 0 : i32
      %dma_start3A_79 = arith.constant 0 : i32
      %dma_start3A_80 = tpu.memref_slice %arg10[%dma_start3A_78, %dma_start3A_79] : memref<128x128xf32, #tpu.memory_space<vmem>> -> memref<125x128xf32, #tpu.memory_space<vmem>>
      %dma_start3A_81 = arith.constant 0 : i32
      %dma_start3A_82 = tpu.memref_slice %arg7[%add3A_77, %dma_start3A_81] : memref<40x125xi32, #tpu.memory_space<vmem>> -> memref<1x125xi32, #tpu.memory_space<vmem>>
      %dma_start3A_83 = tpu.memref_squeeze %dma_start3A_82 : memref<1x125xi32, #tpu.memory_space<vmem>> -> memref<125xi32, #tpu.memory_space<vmem>>
      %dma_start3A_84 = arith.constant 0 : i32
      %dma_start3A_85 = arith.constant 0 : i32
      %dma_start3A_86 = tpu.memref_slice %arg2[%dma_start3A_84, %dma_start3A_85] : memref<10240x128xf32, #tpu.memory_space<hbm>> -> memref<10240x128xf32, #tpu.memory_space<hbm>>
      tpu.enqueue_indirect_dma source(%dma_start3A_86 : memref<10240x128xf32, #tpu.memory_space<hbm>>) target(%dma_start3A_80 : memref<125x128xf32, #tpu.memory_space<vmem>>) offsets(%dma_start3A_83 : memref<125xi32, #tpu.memory_space<vmem>>) semaphore(%arg13 : memref<!tpu.dma_semaphore, #tpu.memory_space<semaphore_mem>>)
      %dma_wait3A = arith.constant 0 : i32
      %dma_wait3A_87 = arith.constant 0 : i32
      %dma_wait3A_88 = arith.constant 0 : i32
      %dma_wait3A_89 = tpu.memref_slice %arg9[%dma_wait3A_87, %dma_wait3A_88] : memref<128x128xf32, #tpu.memory_space<vmem>> -> memref<125x128xf32, #tpu.memory_space<vmem>>
      %dma_wait3A_90 = arith.constant 0 : i32
      %dma_wait3A_91 = tpu.memref_slice %arg7[%dma_wait3A, %dma_wait3A_90] : memref<40x125xi32, #tpu.memory_space<vmem>> -> memref<1x125xi32, #tpu.memory_space<vmem>>
      %dma_wait3A_92 = tpu.memref_squeeze %dma_wait3A_91 : memref<1x125xi32, #tpu.memory_space<vmem>> -> memref<125xi32, #tpu.memory_space<vmem>>
      %dma_wait3A_93 = arith.constant 0 : i32
      %dma_wait3A_94 = arith.constant 0 : i32
      %dma_wait3A_95 = tpu.memref_slice %arg2[%dma_wait3A_93, %dma_wait3A_94] : memref<10240x128xf32, #tpu.memory_space<hbm>> -> memref<10240x128xf32, #tpu.memory_space<hbm>>
      tpu.wait_indirect_dma semaphore(%arg12 : memref<!tpu.dma_semaphore, #tpu.memory_space<semaphore_mem>>) src(%dma_wait3A_95 : memref<10240x128xf32, #tpu.memory_space<hbm>>) dst(%dma_wait3A_89 : memref<125x128xf32, #tpu.memory_space<vmem>>)
      %mul3A_96 = arith.constant 2 : i32
      %mul3A_97 = arith.muli %mul3A_96, %scan3A_73 : i32
      "tpu.region"() ({
        %run_scoped3A = tpu.sem_alloc : memref<!tpu.dma_semaphore, #tpu.memory_space<semaphore_mem>>
        %dma_start3A_116 = arith.constant 0 : i32
        %dma_start3A_117 = arith.constant 0 : i32
        %dma_start3A_118 = tpu.memref_slice %arg9[%dma_start3A_116, %dma_start3A_117] : memref<128x128xf32, #tpu.memory_space<vmem>> -> memref<125x128xf32, #tpu.memory_space<vmem>>
        %dma_start3A_119 = arith.constant 0 : i32
        %dma_start3A_120 = tpu.memref_slice %arg8[%mul3A_97, %dma_start3A_119] : memref<40x125xi32, #tpu.memory_space<vmem>> -> memref<1x125xi32, #tpu.memory_space<vmem>>
        %dma_start3A_121 = tpu.memref_squeeze %dma_start3A_120 : memref<1x125xi32, #tpu.memory_space<vmem>> -> memref<125xi32, #tpu.memory_space<vmem>>
        %dma_start3A_122 = arith.constant 0 : i32
        %dma_start3A_123 = arith.constant 0 : i32
        %dma_start3A_124 = tpu.memref_slice %arg11[%dma_start3A_122, %dma_start3A_123] : memref<10240x128xf32, #tpu.memory_space<vmem_shared>> -> memref<10240x128xf32, #tpu.memory_space<vmem_shared>>
        tpu.enqueue_indirect_dma source(%dma_start3A_118 : memref<125x128xf32, #tpu.memory_space<vmem>>) target(%dma_start3A_124 : memref<10240x128xf32, #tpu.memory_space<vmem_shared>>) offsets(%dma_start3A_121 : memref<125xi32, #tpu.memory_space<vmem>>) semaphore(%run_scoped3A : memref<!tpu.dma_semaphore, #tpu.memory_space<semaphore_mem>>) {add = true}
        %dma_wait3A_125 = arith.constant 0 : i32
        %dma_wait3A_126 = arith.constant 0 : i32
        %dma_wait3A_127 = tpu.memref_slice %arg9[%dma_wait3A_125, %dma_wait3A_126] : memref<128x128xf32, #tpu.memory_space<vmem>> -> memref<125x128xf32, #tpu.memory_space<vmem>>
        %dma_wait3A_128 = arith.constant 0 : i32
        %dma_wait3A_129 = tpu.memref_slice %arg8[%mul3A_97, %dma_wait3A_128] : memref<40x125xi32, #tpu.memory_space<vmem>> -> memref<1x125xi32, #tpu.memory_space<vmem>>
        %dma_wait3A_130 = tpu.memref_squeeze %dma_wait3A_129 : memref<1x125xi32, #tpu.memory_space<vmem>> -> memref<125xi32, #tpu.memory_space<vmem>>
        %dma_wait3A_131 = arith.constant 0 : i32
        %dma_wait3A_132 = arith.constant 0 : i32
        %dma_wait3A_133 = tpu.memref_slice %arg11[%dma_wait3A_131, %dma_wait3A_132] : memref<10240x128xf32, #tpu.memory_space<vmem_shared>> -> memref<10240x128xf32, #tpu.memory_space<vmem_shared>>
        tpu.wait_indirect_dma semaphore(%run_scoped3A : memref<!tpu.dma_semaphore, #tpu.memory_space<semaphore_mem>>) src(%dma_wait3A_127 : memref<125x128xf32, #tpu.memory_space<vmem>>) dst(%dma_wait3A_133 : memref<10240x128xf32, #tpu.memory_space<vmem_shared>>)
        tpu.yield
      }) : () -> ()
      %lt3A = arith.constant 19 : i32
      %lt3A_98 = arith.cmpi slt, %scan3A_73, %lt3A : i32
      %convert_element_type3A_99 = arith.extui %lt3A_98 : i1 to i32
      %cond3A_100 = arith.constant 0 : i32
      %cond3A_101 = arith.cmpi ne, %convert_element_type3A_99, %cond3A_100 : i32
      scf.if %cond3A_101 {
        %mul3A_116 = arith.constant 2 : i32
        %mul3A_117 = arith.muli %mul3A_116, %scan3A_73 : i32
        %add3A_118 = arith.constant 2 : i32
        %add3A_119 = arith.addi %mul3A_117, %add3A_118 : i32
        %dma_start3A_120 = arith.constant 0 : i32
        %dma_start3A_121 = arith.constant 0 : i32
        %dma_start3A_122 = tpu.memref_slice %arg9[%dma_start3A_120, %dma_start3A_121] : memref<128x128xf32, #tpu.memory_space<vmem>> -> memref<125x128xf32, #tpu.memory_space<vmem>>
        %dma_start3A_123 = arith.constant 0 : i32
        %dma_start3A_124 = tpu.memref_slice %arg7[%add3A_119, %dma_start3A_123] : memref<40x125xi32, #tpu.memory_space<vmem>> -> memref<1x125xi32, #tpu.memory_space<vmem>>
        %dma_start3A_125 = tpu.memref_squeeze %dma_start3A_124 : memref<1x125xi32, #tpu.memory_space<vmem>> -> memref<125xi32, #tpu.memory_space<vmem>>
        %dma_start3A_126 = arith.constant 0 : i32
        %dma_start3A_127 = arith.constant 0 : i32
        %dma_start3A_128 = tpu.memref_slice %arg2[%dma_start3A_126, %dma_start3A_127] : memref<10240x128xf32, #tpu.memory_space<hbm>> -> memref<10240x128xf32, #tpu.memory_space<hbm>>
        tpu.enqueue_indirect_dma source(%dma_start3A_128 : memref<10240x128xf32, #tpu.memory_space<hbm>>) target(%dma_start3A_122 : memref<125x128xf32, #tpu.memory_space<vmem>>) offsets(%dma_start3A_125 : memref<125xi32, #tpu.memory_space<vmem>>) semaphore(%arg12 : memref<!tpu.dma_semaphore, #tpu.memory_space<semaphore_mem>>)
      } else {
      }
      %dma_wait3A_102 = arith.constant 0 : i32
      %dma_wait3A_103 = arith.constant 0 : i32
      %dma_wait3A_104 = arith.constant 0 : i32
      %dma_wait3A_105 = tpu.memref_slice %arg10[%dma_wait3A_103, %dma_wait3A_104] : memref<128x128xf32, #tpu.memory_space<vmem>> -> memref<125x128xf32, #tpu.memory_space<vmem>>
      %dma_wait3A_106 = arith.constant 0 : i32
      %dma_wait3A_107 = tpu.memref_slice %arg7[%dma_wait3A_102, %dma_wait3A_106] : memref<40x125xi32, #tpu.memory_space<vmem>> -> memref<1x125xi32, #tpu.memory_space<vmem>>
      %dma_wait3A_108 = tpu.memref_squeeze %dma_wait3A_107 : memref<1x125xi32, #tpu.memory_space<vmem>> -> memref<125xi32, #tpu.memory_space<vmem>>
      %dma_wait3A_109 = arith.constant 0 : i32
      %dma_wait3A_110 = arith.constant 0 : i32
      %dma_wait3A_111 = tpu.memref_slice %arg2[%dma_wait3A_109, %dma_wait3A_110] : memref<10240x128xf32, #tpu.memory_space<hbm>> -> memref<10240x128xf32, #tpu.memory_space<hbm>>
      tpu.wait_indirect_dma semaphore(%arg13 : memref<!tpu.dma_semaphore, #tpu.memory_space<semaphore_mem>>) src(%dma_wait3A_111 : memref<10240x128xf32, #tpu.memory_space<hbm>>) dst(%dma_wait3A_105 : memref<125x128xf32, #tpu.memory_space<vmem>>)
      %mul3A_112 = arith.constant 2 : i32
      %mul3A_113 = arith.muli %mul3A_112, %scan3A_73 : i32
      %add3A_114 = arith.constant 1 : i32
      %add3A_115 = arith.addi %mul3A_113, %add3A_114 : i32
      "tpu.region"() ({
        %run_scoped3A = tpu.sem_alloc : memref<!tpu.dma_semaphore, #tpu.memory_space<semaphore_mem>>
        %dma_start3A_116 = arith.constant 0 : i32
        %dma_start3A_117 = arith.constant 0 : i32
        %dma_start3A_118 = tpu.memref_slice %arg10[%dma_start3A_116, %dma_start3A_117] : memref<128x128xf32, #tpu.memory_space<vmem>> -> memref<125x128xf32, #tpu.memory_space<vmem>>
        %dma_start3A_119 = arith.constant 0 : i32
        %dma_start3A_120 = tpu.memref_slice %arg8[%add3A_115, %dma_start3A_119] : memref<40x125xi32, #tpu.memory_space<vmem>> -> memref<1x125xi32, #tpu.memory_space<vmem>>
        %dma_start3A_121 = tpu.memref_squeeze %dma_start3A_120 : memref<1x125xi32, #tpu.memory_space<vmem>> -> memref<125xi32, #tpu.memory_space<vmem>>
        %dma_start3A_122 = arith.constant 0 : i32
        %dma_start3A_123 = arith.constant 0 : i32
        %dma_start3A_124 = tpu.memref_slice %arg11[%dma_start3A_122, %dma_start3A_123] : memref<10240x128xf32, #tpu.memory_space<vmem_shared>> -> memref<10240x128xf32, #tpu.memory_space<vmem_shared>>
        tpu.enqueue_indirect_dma source(%dma_start3A_118 : memref<125x128xf32, #tpu.memory_space<vmem>>) target(%dma_start3A_124 : memref<10240x128xf32, #tpu.memory_space<vmem_shared>>) offsets(%dma_start3A_121 : memref<125xi32, #tpu.memory_space<vmem>>) semaphore(%run_scoped3A : memref<!tpu.dma_semaphore, #tpu.memory_space<semaphore_mem>>) {add = true}
        %dma_wait3A_125 = arith.constant 0 : i32
        %dma_wait3A_126 = arith.constant 0 : i32
        %dma_wait3A_127 = tpu.memref_slice %arg10[%dma_wait3A_125, %dma_wait3A_126] : memref<128x128xf32, #tpu.memory_space<vmem>> -> memref<125x128xf32, #tpu.memory_space<vmem>>
        %dma_wait3A_128 = arith.constant 0 : i32
        %dma_wait3A_129 = tpu.memref_slice %arg8[%add3A_115, %dma_wait3A_128] : memref<40x125xi32, #tpu.memory_space<vmem>> -> memref<1x125xi32, #tpu.memory_space<vmem>>
        %dma_wait3A_130 = tpu.memref_squeeze %dma_wait3A_129 : memref<1x125xi32, #tpu.memory_space<vmem>> -> memref<125xi32, #tpu.memory_space<vmem>>
        %dma_wait3A_131 = arith.constant 0 : i32
        %dma_wait3A_132 = arith.constant 0 : i32
        %dma_wait3A_133 = tpu.memref_slice %arg11[%dma_wait3A_131, %dma_wait3A_132] : memref<10240x128xf32, #tpu.memory_space<vmem_shared>> -> memref<10240x128xf32, #tpu.memory_space<vmem_shared>>
        tpu.wait_indirect_dma semaphore(%run_scoped3A : memref<!tpu.dma_semaphore, #tpu.memory_space<semaphore_mem>>) src(%dma_wait3A_127 : memref<125x128xf32, #tpu.memory_space<vmem>>) dst(%dma_wait3A_133 : memref<10240x128xf32, #tpu.memory_space<vmem_shared>>)
        tpu.yield
      }) : () -> ()
    }
    %scan3A_68 = arith.constant 20 : i32
    %barrier3A_69 = arith.constant 0 : index
    tpu.barrier barrier_id(%barrier3A_69)
    %mul3A_70 = arith.constant 640 : i32
    %mul3A_71 = arith.muli %arg1, %mul3A_70 : i32
    %multiple_of3A_72 = tpu.assume_multiple %mul3A_71, 128 : i32
    "tpu.region"() ({
      %run_scoped3A = tpu.sem_alloc : memref<!tpu.dma_semaphore, #tpu.memory_space<semaphore_mem>>
      %dma_start3A_73 = arith.constant 0 : i32
      %dma_start3A_74 = arith.constant 0 : i32
      %dma_start3A_75 = tpu.memref_slice %arg6[%arg0, %arg1, %dma_start3A_73, %dma_start3A_74] : memref<2x16x640x128xf32, #tpu.memory_space<hbm>> -> memref<1x1x640x128xf32, #tpu.memory_space<hbm>>
      %dma_start3A_76 = tpu.memref_squeeze %dma_start3A_75 : memref<1x1x640x128xf32, #tpu.memory_space<hbm>> -> memref<640x128xf32, #tpu.memory_space<hbm>>
      %dma_start3A_77 = arith.constant 0 : i32
      %dma_start3A_78 = tpu.memref_slice %arg11[%multiple_of3A_72, %dma_start3A_77] : memref<10240x128xf32, #tpu.memory_space<vmem_shared>> -> memref<640x128xf32, #tpu.memory_space<vmem_shared>>
      tpu.enqueue_dma source(%dma_start3A_78 : memref<640x128xf32, #tpu.memory_space<vmem_shared>>) target(%dma_start3A_76 : memref<640x128xf32, #tpu.memory_space<hbm>>) target_semaphore(%run_scoped3A : memref<!tpu.dma_semaphore, #tpu.memory_space<semaphore_mem>>)
      %dma_wait3A = arith.constant 0 : i32
      %dma_wait3A_79 = arith.constant 0 : i32
      %dma_wait3A_80 = tpu.memref_slice %arg6[%arg0, %arg1, %dma_wait3A, %dma_wait3A_79] : memref<2x16x640x128xf32, #tpu.memory_space<hbm>> -> memref<1x1x640x128xf32, #tpu.memory_space<hbm>>
      %dma_wait3A_81 = tpu.memref_squeeze %dma_wait3A_80 : memref<1x1x640x128xf32, #tpu.memory_space<hbm>> -> memref<640x128xf32, #tpu.memory_space<hbm>>
      %dma_wait3A_82 = arith.constant 0 : i32
      %dma_wait3A_83 = tpu.memref_slice %arg11[%multiple_of3A_72, %dma_wait3A_82] : memref<10240x128xf32, #tpu.memory_space<vmem_shared>> -> memref<640x128xf32, #tpu.memory_space<vmem_shared>>
      tpu.wait_dma2 semaphore(%run_scoped3A : memref<!tpu.dma_semaphore, #tpu.memory_space<semaphore_mem>>) src(%dma_wait3A_83 : memref<640x128xf32, #tpu.memory_space<vmem_shared>>) dst(%dma_wait3A_81 : memref<640x128xf32, #tpu.memory_space<hbm>>)
      tpu.yield
    }) : () -> ()
    return
  }
}

#map = affine_map<(d0, d1) -> (0, 0, 0, 0)>
#map1 = affine_map<(d0, d1) -> (0, 0)>
#map2 = affine_map<(d0, d1) -> (0, 0, 0, 0, 0)>
module attributes {stable_mosaic.version = 14 : i64} {
  func.func @k(%arg0: i32, %arg1: i32, %arg2: memref<2x16x4x80xi32, #tpu.memory_space<hbm>>, %arg3: memref<30000x128xf32, #tpu.memory_space<hbm>>, %arg4: memref<2x16x4x80x128xf32, #tpu.memory_space<hbm>>, %arg5: memref<4x80xi32, #tpu.memory_space<vmem>>, %arg6: memref<80x128xf32, #tpu.memory_space<vmem>>, %arg7: memref<80x128xf32, #tpu.memory_space<vmem>>, %arg8: memref<!tpu.dma_semaphore, #tpu.memory_space<semaphore_mem>>, %arg9: memref<!tpu.dma_semaphore, #tpu.memory_space<semaphore_mem>>) attributes {dimension_semantics = [#tpu.dimension_semantics<core_parallel>, #tpu.dimension_semantics<subcore_parallel>], iteration_bounds = array<i64: 2, 16>, scalar_prefetch = 0 : i64, scratch_operands = 5 : i64, tpu.core_type = #tpu.core_type<sc_vector_subcore>, window_params = [{transform_indices = #map}, {transform_indices = #map1}, {transform_indices = #map2}]} {
    "tpu.region"() ({
      %run_scoped3A_57 = tpu.sem_alloc : memref<!tpu.dma_semaphore, #tpu.memory_space<semaphore_mem>>
      %dma_start3A_58 = arith.constant 0 : i32
      %dma_start3A_59 = arith.constant 0 : i32
      %dma_start3A_60 = tpu.memref_slice %arg2[%arg0, %arg1, %dma_start3A_58, %dma_start3A_59] : memref<2x16x4x80xi32, #tpu.memory_space<hbm>> -> memref<1x1x4x80xi32, #tpu.memory_space<hbm>>
      %dma_start3A_61 = tpu.memref_squeeze %dma_start3A_60 : memref<1x1x4x80xi32, #tpu.memory_space<hbm>> -> memref<4x80xi32, #tpu.memory_space<hbm>>
      %dma_start3A_62 = arith.constant 0 : i32
      %dma_start3A_63 = arith.constant 0 : i32
      %dma_start3A_64 = tpu.memref_slice %arg2[%arg0, %arg1, %dma_start3A_62, %dma_start3A_63] : memref<2x16x4x80xi32, #tpu.memory_space<hbm>> -> memref<1x1x4x80xi32, #tpu.memory_space<hbm>>
      %dma_start3A_65 = tpu.memref_squeeze %dma_start3A_64 : memref<1x1x4x80xi32, #tpu.memory_space<hbm>> -> memref<4x80xi32, #tpu.memory_space<hbm>>
      tpu.enqueue_dma source(%dma_start3A_65 : memref<4x80xi32, #tpu.memory_space<hbm>>) target(%arg5 : memref<4x80xi32, #tpu.memory_space<vmem>>) target_semaphore(%run_scoped3A_57 : memref<!tpu.dma_semaphore, #tpu.memory_space<semaphore_mem>>)
      %dma_wait3A_66 = arith.constant 0 : i32
      %dma_wait3A_67 = arith.constant 0 : i32
      %dma_wait3A_68 = tpu.memref_slice %arg2[%arg0, %arg1, %dma_wait3A_66, %dma_wait3A_67] : memref<2x16x4x80xi32, #tpu.memory_space<hbm>> -> memref<1x1x4x80xi32, #tpu.memory_space<hbm>>
      %dma_wait3A_69 = tpu.memref_squeeze %dma_wait3A_68 : memref<1x1x4x80xi32, #tpu.memory_space<hbm>> -> memref<4x80xi32, #tpu.memory_space<hbm>>
      %dma_wait3A_70 = arith.constant 0 : i32
      %dma_wait3A_71 = arith.constant 0 : i32
      %dma_wait3A_72 = tpu.memref_slice %arg2[%arg0, %arg1, %dma_wait3A_70, %dma_wait3A_71] : memref<2x16x4x80xi32, #tpu.memory_space<hbm>> -> memref<1x1x4x80xi32, #tpu.memory_space<hbm>>
      %dma_wait3A_73 = tpu.memref_squeeze %dma_wait3A_72 : memref<1x1x4x80xi32, #tpu.memory_space<hbm>> -> memref<4x80xi32, #tpu.memory_space<hbm>>
      tpu.wait_dma2 semaphore(%run_scoped3A_57 : memref<!tpu.dma_semaphore, #tpu.memory_space<semaphore_mem>>) src(%dma_wait3A_73 : memref<4x80xi32, #tpu.memory_space<hbm>>) dst(%arg5 : memref<4x80xi32, #tpu.memory_space<vmem>>)
      tpu.yield
    }) : () -> ()
    %dma_start3A = arith.constant 0 : i32
    %dma_start3A_0 = arith.constant 0 : i32
    %dma_start3A_1 = tpu.memref_slice %arg5[%dma_start3A, %dma_start3A_0] : memref<4x80xi32, #tpu.memory_space<vmem>> -> memref<1x80xi32, #tpu.memory_space<vmem>>
    %dma_start3A_2 = tpu.memref_squeeze %dma_start3A_1 : memref<1x80xi32, #tpu.memory_space<vmem>> -> memref<80xi32, #tpu.memory_space<vmem>>
    %dma_start3A_3 = arith.constant 0 : i32
    %dma_start3A_4 = arith.constant 0 : i32
    %dma_start3A_5 = tpu.memref_slice %arg3[%dma_start3A_3, %dma_start3A_4] : memref<30000x128xf32, #tpu.memory_space<hbm>> -> memref<30000x128xf32, #tpu.memory_space<hbm>>
    tpu.enqueue_indirect_dma source(%dma_start3A_5 : memref<30000x128xf32, #tpu.memory_space<hbm>>) target(%arg6 : memref<80x128xf32, #tpu.memory_space<vmem>>) offsets(%dma_start3A_2 : memref<80xi32, #tpu.memory_space<vmem>>) semaphore(%arg8 : memref<!tpu.dma_semaphore, #tpu.memory_space<semaphore_mem>>)
    %dma_start3A_6 = arith.constant 1 : i32
    %dma_start3A_7 = arith.constant 0 : i32
    %dma_start3A_8 = tpu.memref_slice %arg5[%dma_start3A_6, %dma_start3A_7] : memref<4x80xi32, #tpu.memory_space<vmem>> -> memref<1x80xi32, #tpu.memory_space<vmem>>
    %dma_start3A_9 = tpu.memref_squeeze %dma_start3A_8 : memref<1x80xi32, #tpu.memory_space<vmem>> -> memref<80xi32, #tpu.memory_space<vmem>>
    %dma_start3A_10 = arith.constant 0 : i32
    %dma_start3A_11 = arith.constant 0 : i32
    %dma_start3A_12 = tpu.memref_slice %arg3[%dma_start3A_10, %dma_start3A_11] : memref<30000x128xf32, #tpu.memory_space<hbm>> -> memref<30000x128xf32, #tpu.memory_space<hbm>>
    tpu.enqueue_indirect_dma source(%dma_start3A_12 : memref<30000x128xf32, #tpu.memory_space<hbm>>) target(%arg7 : memref<80x128xf32, #tpu.memory_space<vmem>>) offsets(%dma_start3A_9 : memref<80xi32, #tpu.memory_space<vmem>>) semaphore(%arg9 : memref<!tpu.dma_semaphore, #tpu.memory_space<semaphore_mem>>)
    %dma_wait3A = arith.constant 0 : i32
    %dma_wait3A_13 = arith.constant 0 : i32
    %dma_wait3A_14 = tpu.memref_slice %arg5[%dma_wait3A, %dma_wait3A_13] : memref<4x80xi32, #tpu.memory_space<vmem>> -> memref<1x80xi32, #tpu.memory_space<vmem>>
    %dma_wait3A_15 = tpu.memref_squeeze %dma_wait3A_14 : memref<1x80xi32, #tpu.memory_space<vmem>> -> memref<80xi32, #tpu.memory_space<vmem>>
    %dma_wait3A_16 = arith.constant 0 : i32
    %dma_wait3A_17 = arith.constant 0 : i32
    %dma_wait3A_18 = tpu.memref_slice %arg3[%dma_wait3A_16, %dma_wait3A_17] : memref<30000x128xf32, #tpu.memory_space<hbm>> -> memref<30000x128xf32, #tpu.memory_space<hbm>>
    tpu.wait_indirect_dma semaphore(%arg8 : memref<!tpu.dma_semaphore, #tpu.memory_space<semaphore_mem>>) src(%dma_wait3A_18 : memref<30000x128xf32, #tpu.memory_space<hbm>>) dst(%arg6 : memref<80x128xf32, #tpu.memory_space<vmem>>)
    %run_scoped3A = arith.constant 0 : i32
    "tpu.region"() ({
      %run_scoped3A_57 = tpu.sem_alloc : memref<!tpu.dma_semaphore, #tpu.memory_space<semaphore_mem>>
      %dma_start3A_58 = arith.constant 0 : i32
      %dma_start3A_59 = arith.constant 0 : i32
      %dma_start3A_60 = tpu.memref_slice %arg4[%arg0, %arg1, %run_scoped3A, %dma_start3A_58, %dma_start3A_59] : memref<2x16x4x80x128xf32, #tpu.memory_space<hbm>> -> memref<1x1x1x80x128xf32, #tpu.memory_space<hbm>>
      %dma_start3A_61 = tpu.memref_squeeze %dma_start3A_60 : memref<1x1x1x80x128xf32, #tpu.memory_space<hbm>> -> memref<80x128xf32, #tpu.memory_space<hbm>>
      %dma_start3A_62 = arith.constant 0 : i32
      %dma_start3A_63 = arith.constant 0 : i32
      %dma_start3A_64 = tpu.memref_slice %arg4[%arg0, %arg1, %run_scoped3A, %dma_start3A_62, %dma_start3A_63] : memref<2x16x4x80x128xf32, #tpu.memory_space<hbm>> -> memref<1x1x1x80x128xf32, #tpu.memory_space<hbm>>
      %dma_start3A_65 = tpu.memref_squeeze %dma_start3A_64 : memref<1x1x1x80x128xf32, #tpu.memory_space<hbm>> -> memref<80x128xf32, #tpu.memory_space<hbm>>
      tpu.enqueue_dma source(%arg6 : memref<80x128xf32, #tpu.memory_space<vmem>>) target(%dma_start3A_65 : memref<80x128xf32, #tpu.memory_space<hbm>>) target_semaphore(%run_scoped3A_57 : memref<!tpu.dma_semaphore, #tpu.memory_space<semaphore_mem>>)
      %dma_wait3A_66 = arith.constant 0 : i32
      %dma_wait3A_67 = arith.constant 0 : i32
      %dma_wait3A_68 = tpu.memref_slice %arg4[%arg0, %arg1, %run_scoped3A, %dma_wait3A_66, %dma_wait3A_67] : memref<2x16x4x80x128xf32, #tpu.memory_space<hbm>> -> memref<1x1x1x80x128xf32, #tpu.memory_space<hbm>>
      %dma_wait3A_69 = tpu.memref_squeeze %dma_wait3A_68 : memref<1x1x1x80x128xf32, #tpu.memory_space<hbm>> -> memref<80x128xf32, #tpu.memory_space<hbm>>
      %dma_wait3A_70 = arith.constant 0 : i32
      %dma_wait3A_71 = arith.constant 0 : i32
      %dma_wait3A_72 = tpu.memref_slice %arg4[%arg0, %arg1, %run_scoped3A, %dma_wait3A_70, %dma_wait3A_71] : memref<2x16x4x80x128xf32, #tpu.memory_space<hbm>> -> memref<1x1x1x80x128xf32, #tpu.memory_space<hbm>>
      %dma_wait3A_73 = tpu.memref_squeeze %dma_wait3A_72 : memref<1x1x1x80x128xf32, #tpu.memory_space<hbm>> -> memref<80x128xf32, #tpu.memory_space<hbm>>
      tpu.wait_dma2 semaphore(%run_scoped3A_57 : memref<!tpu.dma_semaphore, #tpu.memory_space<semaphore_mem>>) src(%arg6 : memref<80x128xf32, #tpu.memory_space<vmem>>) dst(%dma_wait3A_73 : memref<80x128xf32, #tpu.memory_space<hbm>>)
      tpu.yield
    }) : () -> ()
    %dma_start3A_19 = arith.constant 2 : i32
    %dma_start3A_20 = arith.constant 0 : i32
    %dma_start3A_21 = tpu.memref_slice %arg5[%dma_start3A_19, %dma_start3A_20] : memref<4x80xi32, #tpu.memory_space<vmem>> -> memref<1x80xi32, #tpu.memory_space<vmem>>
    %dma_start3A_22 = tpu.memref_squeeze %dma_start3A_21 : memref<1x80xi32, #tpu.memory_space<vmem>> -> memref<80xi32, #tpu.memory_space<vmem>>
    %dma_start3A_23 = arith.constant 0 : i32
    %dma_start3A_24 = arith.constant 0 : i32
    %dma_start3A_25 = tpu.memref_slice %arg3[%dma_start3A_23, %dma_start3A_24] : memref<30000x128xf32, #tpu.memory_space<hbm>> -> memref<30000x128xf32, #tpu.memory_space<hbm>>
    tpu.enqueue_indirect_dma source(%dma_start3A_25 : memref<30000x128xf32, #tpu.memory_space<hbm>>) target(%arg6 : memref<80x128xf32, #tpu.memory_space<vmem>>) offsets(%dma_start3A_22 : memref<80xi32, #tpu.memory_space<vmem>>) semaphore(%arg8 : memref<!tpu.dma_semaphore, #tpu.memory_space<semaphore_mem>>)
    %dma_wait3A_26 = arith.constant 0 : i32
    %dma_wait3A_27 = arith.constant 0 : i32
    %dma_wait3A_28 = tpu.memref_slice %arg5[%dma_wait3A_26, %dma_wait3A_27] : memref<4x80xi32, #tpu.memory_space<vmem>> -> memref<1x80xi32, #tpu.memory_space<vmem>>
    %dma_wait3A_29 = tpu.memref_squeeze %dma_wait3A_28 : memref<1x80xi32, #tpu.memory_space<vmem>> -> memref<80xi32, #tpu.memory_space<vmem>>
    %dma_wait3A_30 = arith.constant 0 : i32
    %dma_wait3A_31 = arith.constant 0 : i32
    %dma_wait3A_32 = tpu.memref_slice %arg3[%dma_wait3A_30, %dma_wait3A_31] : memref<30000x128xf32, #tpu.memory_space<hbm>> -> memref<30000x128xf32, #tpu.memory_space<hbm>>
    tpu.wait_indirect_dma semaphore(%arg9 : memref<!tpu.dma_semaphore, #tpu.memory_space<semaphore_mem>>) src(%dma_wait3A_32 : memref<30000x128xf32, #tpu.memory_space<hbm>>) dst(%arg7 : memref<80x128xf32, #tpu.memory_space<vmem>>)
    %run_scoped3A_33 = arith.constant 1 : i32
    "tpu.region"() ({
      %run_scoped3A_57 = tpu.sem_alloc : memref<!tpu.dma_semaphore, #tpu.memory_space<semaphore_mem>>
      %dma_start3A_58 = arith.constant 0 : i32
      %dma_start3A_59 = arith.constant 0 : i32
      %dma_start3A_60 = tpu.memref_slice %arg4[%arg0, %arg1, %run_scoped3A_33, %dma_start3A_58, %dma_start3A_59] : memref<2x16x4x80x128xf32, #tpu.memory_space<hbm>> -> memref<1x1x1x80x128xf32, #tpu.memory_space<hbm>>
      %dma_start3A_61 = tpu.memref_squeeze %dma_start3A_60 : memref<1x1x1x80x128xf32, #tpu.memory_space<hbm>> -> memref<80x128xf32, #tpu.memory_space<hbm>>
      %dma_start3A_62 = arith.constant 0 : i32
      %dma_start3A_63 = arith.constant 0 : i32
      %dma_start3A_64 = tpu.memref_slice %arg4[%arg0, %arg1, %run_scoped3A_33, %dma_start3A_62, %dma_start3A_63] : memref<2x16x4x80x128xf32, #tpu.memory_space<hbm>> -> memref<1x1x1x80x128xf32, #tpu.memory_space<hbm>>
      %dma_start3A_65 = tpu.memref_squeeze %dma_start3A_64 : memref<1x1x1x80x128xf32, #tpu.memory_space<hbm>> -> memref<80x128xf32, #tpu.memory_space<hbm>>
      tpu.enqueue_dma source(%arg7 : memref<80x128xf32, #tpu.memory_space<vmem>>) target(%dma_start3A_65 : memref<80x128xf32, #tpu.memory_space<hbm>>) target_semaphore(%run_scoped3A_57 : memref<!tpu.dma_semaphore, #tpu.memory_space<semaphore_mem>>)
      %dma_wait3A_66 = arith.constant 0 : i32
      %dma_wait3A_67 = arith.constant 0 : i32
      %dma_wait3A_68 = tpu.memref_slice %arg4[%arg0, %arg1, %run_scoped3A_33, %dma_wait3A_66, %dma_wait3A_67] : memref<2x16x4x80x128xf32, #tpu.memory_space<hbm>> -> memref<1x1x1x80x128xf32, #tpu.memory_space<hbm>>
      %dma_wait3A_69 = tpu.memref_squeeze %dma_wait3A_68 : memref<1x1x1x80x128xf32, #tpu.memory_space<hbm>> -> memref<80x128xf32, #tpu.memory_space<hbm>>
      %dma_wait3A_70 = arith.constant 0 : i32
      %dma_wait3A_71 = arith.constant 0 : i32
      %dma_wait3A_72 = tpu.memref_slice %arg4[%arg0, %arg1, %run_scoped3A_33, %dma_wait3A_70, %dma_wait3A_71] : memref<2x16x4x80x128xf32, #tpu.memory_space<hbm>> -> memref<1x1x1x80x128xf32, #tpu.memory_space<hbm>>
      %dma_wait3A_73 = tpu.memref_squeeze %dma_wait3A_72 : memref<1x1x1x80x128xf32, #tpu.memory_space<hbm>> -> memref<80x128xf32, #tpu.memory_space<hbm>>
      tpu.wait_dma2 semaphore(%run_scoped3A_57 : memref<!tpu.dma_semaphore, #tpu.memory_space<semaphore_mem>>) src(%arg7 : memref<80x128xf32, #tpu.memory_space<vmem>>) dst(%dma_wait3A_73 : memref<80x128xf32, #tpu.memory_space<hbm>>)
      tpu.yield
    }) : () -> ()
    %dma_start3A_34 = arith.constant 3 : i32
    %dma_start3A_35 = arith.constant 0 : i32
    %dma_start3A_36 = tpu.memref_slice %arg5[%dma_start3A_34, %dma_start3A_35] : memref<4x80xi32, #tpu.memory_space<vmem>> -> memref<1x80xi32, #tpu.memory_space<vmem>>
    %dma_start3A_37 = tpu.memref_squeeze %dma_start3A_36 : memref<1x80xi32, #tpu.memory_space<vmem>> -> memref<80xi32, #tpu.memory_space<vmem>>
    %dma_start3A_38 = arith.constant 0 : i32
    %dma_start3A_39 = arith.constant 0 : i32
    %dma_start3A_40 = tpu.memref_slice %arg3[%dma_start3A_38, %dma_start3A_39] : memref<30000x128xf32, #tpu.memory_space<hbm>> -> memref<30000x128xf32, #tpu.memory_space<hbm>>
    tpu.enqueue_indirect_dma source(%dma_start3A_40 : memref<30000x128xf32, #tpu.memory_space<hbm>>) target(%arg7 : memref<80x128xf32, #tpu.memory_space<vmem>>) offsets(%dma_start3A_37 : memref<80xi32, #tpu.memory_space<vmem>>) semaphore(%arg9 : memref<!tpu.dma_semaphore, #tpu.memory_space<semaphore_mem>>)
    %dma_wait3A_41 = arith.constant 0 : i32
    %dma_wait3A_42 = arith.constant 0 : i32
    %dma_wait3A_43 = tpu.memref_slice %arg5[%dma_wait3A_41, %dma_wait3A_42] : memref<4x80xi32, #tpu.memory_space<vmem>> -> memref<1x80xi32, #tpu.memory_space<vmem>>
    %dma_wait3A_44 = tpu.memref_squeeze %dma_wait3A_43 : memref<1x80xi32, #tpu.memory_space<vmem>> -> memref<80xi32, #tpu.memory_space<vmem>>
    %dma_wait3A_45 = arith.constant 0 : i32
    %dma_wait3A_46 = arith.constant 0 : i32
    %dma_wait3A_47 = tpu.memref_slice %arg3[%dma_wait3A_45, %dma_wait3A_46] : memref<30000x128xf32, #tpu.memory_space<hbm>> -> memref<30000x128xf32, #tpu.memory_space<hbm>>
    tpu.wait_indirect_dma semaphore(%arg8 : memref<!tpu.dma_semaphore, #tpu.memory_space<semaphore_mem>>) src(%dma_wait3A_47 : memref<30000x128xf32, #tpu.memory_space<hbm>>) dst(%arg6 : memref<80x128xf32, #tpu.memory_space<vmem>>)
    %run_scoped3A_48 = arith.constant 2 : i32
    "tpu.region"() ({
      %run_scoped3A_57 = tpu.sem_alloc : memref<!tpu.dma_semaphore, #tpu.memory_space<semaphore_mem>>
      %dma_start3A_58 = arith.constant 0 : i32
      %dma_start3A_59 = arith.constant 0 : i32
      %dma_start3A_60 = tpu.memref_slice %arg4[%arg0, %arg1, %run_scoped3A_48, %dma_start3A_58, %dma_start3A_59] : memref<2x16x4x80x128xf32, #tpu.memory_space<hbm>> -> memref<1x1x1x80x128xf32, #tpu.memory_space<hbm>>
      %dma_start3A_61 = tpu.memref_squeeze %dma_start3A_60 : memref<1x1x1x80x128xf32, #tpu.memory_space<hbm>> -> memref<80x128xf32, #tpu.memory_space<hbm>>
      %dma_start3A_62 = arith.constant 0 : i32
      %dma_start3A_63 = arith.constant 0 : i32
      %dma_start3A_64 = tpu.memref_slice %arg4[%arg0, %arg1, %run_scoped3A_48, %dma_start3A_62, %dma_start3A_63] : memref<2x16x4x80x128xf32, #tpu.memory_space<hbm>> -> memref<1x1x1x80x128xf32, #tpu.memory_space<hbm>>
      %dma_start3A_65 = tpu.memref_squeeze %dma_start3A_64 : memref<1x1x1x80x128xf32, #tpu.memory_space<hbm>> -> memref<80x128xf32, #tpu.memory_space<hbm>>
      tpu.enqueue_dma source(%arg6 : memref<80x128xf32, #tpu.memory_space<vmem>>) target(%dma_start3A_65 : memref<80x128xf32, #tpu.memory_space<hbm>>) target_semaphore(%run_scoped3A_57 : memref<!tpu.dma_semaphore, #tpu.memory_space<semaphore_mem>>)
      %dma_wait3A_66 = arith.constant 0 : i32
      %dma_wait3A_67 = arith.constant 0 : i32
      %dma_wait3A_68 = tpu.memref_slice %arg4[%arg0, %arg1, %run_scoped3A_48, %dma_wait3A_66, %dma_wait3A_67] : memref<2x16x4x80x128xf32, #tpu.memory_space<hbm>> -> memref<1x1x1x80x128xf32, #tpu.memory_space<hbm>>
      %dma_wait3A_69 = tpu.memref_squeeze %dma_wait3A_68 : memref<1x1x1x80x128xf32, #tpu.memory_space<hbm>> -> memref<80x128xf32, #tpu.memory_space<hbm>>
      %dma_wait3A_70 = arith.constant 0 : i32
      %dma_wait3A_71 = arith.constant 0 : i32
      %dma_wait3A_72 = tpu.memref_slice %arg4[%arg0, %arg1, %run_scoped3A_48, %dma_wait3A_70, %dma_wait3A_71] : memref<2x16x4x80x128xf32, #tpu.memory_space<hbm>> -> memref<1x1x1x80x128xf32, #tpu.memory_space<hbm>>
      %dma_wait3A_73 = tpu.memref_squeeze %dma_wait3A_72 : memref<1x1x1x80x128xf32, #tpu.memory_space<hbm>> -> memref<80x128xf32, #tpu.memory_space<hbm>>
      tpu.wait_dma2 semaphore(%run_scoped3A_57 : memref<!tpu.dma_semaphore, #tpu.memory_space<semaphore_mem>>) src(%arg6 : memref<80x128xf32, #tpu.memory_space<vmem>>) dst(%dma_wait3A_73 : memref<80x128xf32, #tpu.memory_space<hbm>>)
      tpu.yield
    }) : () -> ()
    %dma_wait3A_49 = arith.constant 0 : i32
    %dma_wait3A_50 = arith.constant 0 : i32
    %dma_wait3A_51 = tpu.memref_slice %arg5[%dma_wait3A_49, %dma_wait3A_50] : memref<4x80xi32, #tpu.memory_space<vmem>> -> memref<1x80xi32, #tpu.memory_space<vmem>>
    %dma_wait3A_52 = tpu.memref_squeeze %dma_wait3A_51 : memref<1x80xi32, #tpu.memory_space<vmem>> -> memref<80xi32, #tpu.memory_space<vmem>>
    %dma_wait3A_53 = arith.constant 0 : i32
    %dma_wait3A_54 = arith.constant 0 : i32
    %dma_wait3A_55 = tpu.memref_slice %arg3[%dma_wait3A_53, %dma_wait3A_54] : memref<30000x128xf32, #tpu.memory_space<hbm>> -> memref<30000x128xf32, #tpu.memory_space<hbm>>
    tpu.wait_indirect_dma semaphore(%arg9 : memref<!tpu.dma_semaphore, #tpu.memory_space<semaphore_mem>>) src(%dma_wait3A_55 : memref<30000x128xf32, #tpu.memory_space<hbm>>) dst(%arg7 : memref<80x128xf32, #tpu.memory_space<vmem>>)
    %run_scoped3A_56 = arith.constant 3 : i32
    "tpu.region"() ({
      %run_scoped3A_57 = tpu.sem_alloc : memref<!tpu.dma_semaphore, #tpu.memory_space<semaphore_mem>>
      %dma_start3A_58 = arith.constant 0 : i32
      %dma_start3A_59 = arith.constant 0 : i32
      %dma_start3A_60 = tpu.memref_slice %arg4[%arg0, %arg1, %run_scoped3A_56, %dma_start3A_58, %dma_start3A_59] : memref<2x16x4x80x128xf32, #tpu.memory_space<hbm>> -> memref<1x1x1x80x128xf32, #tpu.memory_space<hbm>>
      %dma_start3A_61 = tpu.memref_squeeze %dma_start3A_60 : memref<1x1x1x80x128xf32, #tpu.memory_space<hbm>> -> memref<80x128xf32, #tpu.memory_space<hbm>>
      %dma_start3A_62 = arith.constant 0 : i32
      %dma_start3A_63 = arith.constant 0 : i32
      %dma_start3A_64 = tpu.memref_slice %arg4[%arg0, %arg1, %run_scoped3A_56, %dma_start3A_62, %dma_start3A_63] : memref<2x16x4x80x128xf32, #tpu.memory_space<hbm>> -> memref<1x1x1x80x128xf32, #tpu.memory_space<hbm>>
      %dma_start3A_65 = tpu.memref_squeeze %dma_start3A_64 : memref<1x1x1x80x128xf32, #tpu.memory_space<hbm>> -> memref<80x128xf32, #tpu.memory_space<hbm>>
      tpu.enqueue_dma source(%arg7 : memref<80x128xf32, #tpu.memory_space<vmem>>) target(%dma_start3A_65 : memref<80x128xf32, #tpu.memory_space<hbm>>) target_semaphore(%run_scoped3A_57 : memref<!tpu.dma_semaphore, #tpu.memory_space<semaphore_mem>>)
      %dma_wait3A_66 = arith.constant 0 : i32
      %dma_wait3A_67 = arith.constant 0 : i32
      %dma_wait3A_68 = tpu.memref_slice %arg4[%arg0, %arg1, %run_scoped3A_56, %dma_wait3A_66, %dma_wait3A_67] : memref<2x16x4x80x128xf32, #tpu.memory_space<hbm>> -> memref<1x1x1x80x128xf32, #tpu.memory_space<hbm>>
      %dma_wait3A_69 = tpu.memref_squeeze %dma_wait3A_68 : memref<1x1x1x80x128xf32, #tpu.memory_space<hbm>> -> memref<80x128xf32, #tpu.memory_space<hbm>>
      %dma_wait3A_70 = arith.constant 0 : i32
      %dma_wait3A_71 = arith.constant 0 : i32
      %dma_wait3A_72 = tpu.memref_slice %arg4[%arg0, %arg1, %run_scoped3A_56, %dma_wait3A_70, %dma_wait3A_71] : memref<2x16x4x80x128xf32, #tpu.memory_space<hbm>> -> memref<1x1x1x80x128xf32, #tpu.memory_space<hbm>>
      %dma_wait3A_73 = tpu.memref_squeeze %dma_wait3A_72 : memref<1x1x1x80x128xf32, #tpu.memory_space<hbm>> -> memref<80x128xf32, #tpu.memory_space<hbm>>
      tpu.wait_dma2 semaphore(%run_scoped3A_57 : memref<!tpu.dma_semaphore, #tpu.memory_space<semaphore_mem>>) src(%arg7 : memref<80x128xf32, #tpu.memory_space<vmem>>) dst(%dma_wait3A_73 : memref<80x128xf32, #tpu.memory_space<hbm>>)
      tpu.yield
    }) : () -> ()
    return
  }
}

#map = affine_map<(d0, d1) -> (0, 0, 0, 0, 0)>
#map1 = affine_map<(d0, d1) -> (0, 0)>
#map2 = affine_map<(d0, d1) -> (0, 0, 0, 0)>
module attributes {stable_mosaic.version = 14 : i64} {
  func.func @k(%arg0: i32, %arg1: i32, %arg2: memref<2x16x2x40x125xi32, #tpu.memory_space<hbm>>, %arg3: memref<2x16x2x40x125xi32, #tpu.memory_space<hbm>>, %arg4: memref<640x16xf32, #tpu.memory_space<hbm>>, %arg5: memref<125x16xf32, #tpu.memory_space<hbm>>, %arg6: memref<2x16x640x16xf32, #tpu.memory_space<hbm>>, %arg7: memref<2x40x125xi32, #tpu.memory_space<vmem>>, %arg8: memref<640x16xf32, #tpu.memory_space<vmem>>, %arg9: memref<10240x16xf32, #tpu.memory_space<vmem_shared>>) attributes {dimension_semantics = [#tpu.dimension_semantics<core_parallel>, #tpu.dimension_semantics<subcore_parallel>], iteration_bounds = array<i64: 2, 16>, scalar_prefetch = 0 : i64, scratch_operands = 3 : i64, tpu.core_type = #tpu.core_type<sc_vector_subcore>, window_params = [{transform_indices = #map}, {transform_indices = #map}, {transform_indices = #map1}, {transform_indices = #map1}, {transform_indices = #map2}]} {
    %eq3A = arith.constant 0 : i32
    %eq3A_0 = arith.cmpi eq, %arg0, %eq3A : i32
    %convert_element_type3A = arith.extui %eq3A_0 : i1 to i32
    %cond3A = arith.constant 0 : i32
    %cond3A_1 = arith.cmpi ne, %convert_element_type3A, %cond3A : i32
    scf.if %cond3A_1 {
      %run_scoped3A = arith.constant 1 : i32
      "tpu.region"() ({
        %run_scoped3A_20 = tpu.sem_alloc : memref<!tpu.dma_semaphore, #tpu.memory_space<semaphore_mem>>
        %dma_start3A = arith.constant 0 : i32
        %dma_start3A_21 = arith.constant 0 : i32
        %dma_start3A_22 = arith.constant 0 : i32
        %dma_start3A_23 = tpu.memref_slice %arg2[%run_scoped3A, %arg1, %dma_start3A, %dma_start3A_21, %dma_start3A_22] : memref<2x16x2x40x125xi32, #tpu.memory_space<hbm>> -> memref<1x1x2x40x125xi32, #tpu.memory_space<hbm>>
        %dma_start3A_24 = tpu.memref_squeeze %dma_start3A_23 : memref<1x1x2x40x125xi32, #tpu.memory_space<hbm>> -> memref<2x40x125xi32, #tpu.memory_space<hbm>>
        %dma_start3A_25 = arith.constant 0 : i32
        %dma_start3A_26 = arith.constant 0 : i32
        %dma_start3A_27 = arith.constant 0 : i32
        %dma_start3A_28 = tpu.memref_slice %arg2[%run_scoped3A, %arg1, %dma_start3A_25, %dma_start3A_26, %dma_start3A_27] : memref<2x16x2x40x125xi32, #tpu.memory_space<hbm>> -> memref<1x1x2x40x125xi32, #tpu.memory_space<hbm>>
        %dma_start3A_29 = tpu.memref_squeeze %dma_start3A_28 : memref<1x1x2x40x125xi32, #tpu.memory_space<hbm>> -> memref<2x40x125xi32, #tpu.memory_space<hbm>>
        tpu.enqueue_dma source(%dma_start3A_29 : memref<2x40x125xi32, #tpu.memory_space<hbm>>) target(%arg7 : memref<2x40x125xi32, #tpu.memory_space<vmem>>) target_semaphore(%run_scoped3A_20 : memref<!tpu.dma_semaphore, #tpu.memory_space<semaphore_mem>>)
        %dma_wait3A = arith.constant 0 : i32
        %dma_wait3A_30 = arith.constant 0 : i32
        %dma_wait3A_31 = arith.constant 0 : i32
        %dma_wait3A_32 = tpu.memref_slice %arg2[%run_scoped3A, %arg1, %dma_wait3A, %dma_wait3A_30, %dma_wait3A_31] : memref<2x16x2x40x125xi32, #tpu.memory_space<hbm>> -> memref<1x1x2x40x125xi32, #tpu.memory_space<hbm>>
        %dma_wait3A_33 = tpu.memref_squeeze %dma_wait3A_32 : memref<1x1x2x40x125xi32, #tpu.memory_space<hbm>> -> memref<2x40x125xi32, #tpu.memory_space<hbm>>
        %dma_wait3A_34 = arith.constant 0 : i32
        %dma_wait3A_35 = arith.constant 0 : i32
        %dma_wait3A_36 = arith.constant 0 : i32
        %dma_wait3A_37 = tpu.memref_slice %arg2[%run_scoped3A, %arg1, %dma_wait3A_34, %dma_wait3A_35, %dma_wait3A_36] : memref<2x16x2x40x125xi32, #tpu.memory_space<hbm>> -> memref<1x1x2x40x125xi32, #tpu.memory_space<hbm>>
        %dma_wait3A_38 = tpu.memref_squeeze %dma_wait3A_37 : memref<1x1x2x40x125xi32, #tpu.memory_space<hbm>> -> memref<2x40x125xi32, #tpu.memory_space<hbm>>
        tpu.wait_dma2 semaphore(%run_scoped3A_20 : memref<!tpu.dma_semaphore, #tpu.memory_space<semaphore_mem>>) src(%dma_wait3A_38 : memref<2x40x125xi32, #tpu.memory_space<hbm>>) dst(%arg7 : memref<2x40x125xi32, #tpu.memory_space<vmem>>)
        tpu.yield
      }) : () -> ()
    } else {
    }
    %eq3A_2 = arith.constant 1 : i32
    %eq3A_3 = arith.cmpi eq, %arg0, %eq3A_2 : i32
    %convert_element_type3A_4 = arith.extui %eq3A_3 : i1 to i32
    %cond3A_5 = arith.constant 0 : i32
    %cond3A_6 = arith.cmpi ne, %convert_element_type3A_4, %cond3A_5 : i32
    scf.if %cond3A_6 {
      %run_scoped3A = arith.constant 1 : i32
      "tpu.region"() ({
        %run_scoped3A_20 = tpu.sem_alloc : memref<!tpu.dma_semaphore, #tpu.memory_space<semaphore_mem>>
        %dma_start3A = arith.constant 0 : i32
        %dma_start3A_21 = arith.constant 0 : i32
        %dma_start3A_22 = arith.constant 0 : i32
        %dma_start3A_23 = tpu.memref_slice %arg3[%run_scoped3A, %arg1, %dma_start3A, %dma_start3A_21, %dma_start3A_22] : memref<2x16x2x40x125xi32, #tpu.memory_space<hbm>> -> memref<1x1x2x40x125xi32, #tpu.memory_space<hbm>>
        %dma_start3A_24 = tpu.memref_squeeze %dma_start3A_23 : memref<1x1x2x40x125xi32, #tpu.memory_space<hbm>> -> memref<2x40x125xi32, #tpu.memory_space<hbm>>
        %dma_start3A_25 = arith.constant 0 : i32
        %dma_start3A_26 = arith.constant 0 : i32
        %dma_start3A_27 = arith.constant 0 : i32
        %dma_start3A_28 = tpu.memref_slice %arg3[%run_scoped3A, %arg1, %dma_start3A_25, %dma_start3A_26, %dma_start3A_27] : memref<2x16x2x40x125xi32, #tpu.memory_space<hbm>> -> memref<1x1x2x40x125xi32, #tpu.memory_space<hbm>>
        %dma_start3A_29 = tpu.memref_squeeze %dma_start3A_28 : memref<1x1x2x40x125xi32, #tpu.memory_space<hbm>> -> memref<2x40x125xi32, #tpu.memory_space<hbm>>
        tpu.enqueue_dma source(%dma_start3A_29 : memref<2x40x125xi32, #tpu.memory_space<hbm>>) target(%arg7 : memref<2x40x125xi32, #tpu.memory_space<vmem>>) target_semaphore(%run_scoped3A_20 : memref<!tpu.dma_semaphore, #tpu.memory_space<semaphore_mem>>)
        %dma_wait3A = arith.constant 0 : i32
        %dma_wait3A_30 = arith.constant 0 : i32
        %dma_wait3A_31 = arith.constant 0 : i32
        %dma_wait3A_32 = tpu.memref_slice %arg3[%run_scoped3A, %arg1, %dma_wait3A, %dma_wait3A_30, %dma_wait3A_31] : memref<2x16x2x40x125xi32, #tpu.memory_space<hbm>> -> memref<1x1x2x40x125xi32, #tpu.memory_space<hbm>>
        %dma_wait3A_33 = tpu.memref_squeeze %dma_wait3A_32 : memref<1x1x2x40x125xi32, #tpu.memory_space<hbm>> -> memref<2x40x125xi32, #tpu.memory_space<hbm>>
        %dma_wait3A_34 = arith.constant 0 : i32
        %dma_wait3A_35 = arith.constant 0 : i32
        %dma_wait3A_36 = arith.constant 0 : i32
        %dma_wait3A_37 = tpu.memref_slice %arg3[%run_scoped3A, %arg1, %dma_wait3A_34, %dma_wait3A_35, %dma_wait3A_36] : memref<2x16x2x40x125xi32, #tpu.memory_space<hbm>> -> memref<1x1x2x40x125xi32, #tpu.memory_space<hbm>>
        %dma_wait3A_38 = tpu.memref_squeeze %dma_wait3A_37 : memref<1x1x2x40x125xi32, #tpu.memory_space<hbm>> -> memref<2x40x125xi32, #tpu.memory_space<hbm>>
        tpu.wait_dma2 semaphore(%run_scoped3A_20 : memref<!tpu.dma_semaphore, #tpu.memory_space<semaphore_mem>>) src(%dma_wait3A_38 : memref<2x40x125xi32, #tpu.memory_space<hbm>>) dst(%arg7 : memref<2x40x125xi32, #tpu.memory_space<vmem>>)
        tpu.yield
      }) : () -> ()
    } else {
    }
    "tpu.region"() ({
      %run_scoped3A = tpu.sem_alloc : memref<!tpu.dma_semaphore, #tpu.memory_space<semaphore_mem>>
      tpu.enqueue_dma source(%arg4 : memref<640x16xf32, #tpu.memory_space<hbm>>) target(%arg8 : memref<640x16xf32, #tpu.memory_space<vmem>>) target_semaphore(%run_scoped3A : memref<!tpu.dma_semaphore, #tpu.memory_space<semaphore_mem>>)
      tpu.wait_dma2 semaphore(%run_scoped3A : memref<!tpu.dma_semaphore, #tpu.memory_space<semaphore_mem>>) src(%arg4 : memref<640x16xf32, #tpu.memory_space<hbm>>) dst(%arg8 : memref<640x16xf32, #tpu.memory_space<vmem>>)
      tpu.yield
    }) : () -> ()
    %mul3A = arith.constant 640 : i32
    %mul3A_7 = arith.muli %arg1, %mul3A : i32
    %multiple_of3A = tpu.assume_multiple %mul3A_7, 128 : i32
    "tpu.region"() ({
      %run_scoped3A = tpu.sem_alloc : memref<!tpu.dma_semaphore, #tpu.memory_space<semaphore_mem>>
      %dma_start3A = arith.constant 0 : i32
      %dma_start3A_20 = tpu.memref_slice %arg9[%multiple_of3A, %dma_start3A] : memref<10240x16xf32, #tpu.memory_space<vmem_shared>> -> memref<640x16xf32, #tpu.memory_space<vmem_shared>>
      %dma_start3A_21 = arith.constant 0 : i32
      %dma_start3A_22 = tpu.memref_slice %arg9[%multiple_of3A, %dma_start3A_21] : memref<10240x16xf32, #tpu.memory_space<vmem_shared>> -> memref<640x16xf32, #tpu.memory_space<vmem_shared>>
      tpu.enqueue_dma source(%arg8 : memref<640x16xf32, #tpu.memory_space<vmem>>) target(%dma_start3A_22 : memref<640x16xf32, #tpu.memory_space<vmem_shared>>) target_semaphore(%run_scoped3A : memref<!tpu.dma_semaphore, #tpu.memory_space<semaphore_mem>>)
      %dma_wait3A = arith.constant 0 : i32
      %dma_wait3A_23 = tpu.memref_slice %arg9[%multiple_of3A, %dma_wait3A] : memref<10240x16xf32, #tpu.memory_space<vmem_shared>> -> memref<640x16xf32, #tpu.memory_space<vmem_shared>>
      %dma_wait3A_24 = arith.constant 0 : i32
      %dma_wait3A_25 = tpu.memref_slice %arg9[%multiple_of3A, %dma_wait3A_24] : memref<10240x16xf32, #tpu.memory_space<vmem_shared>> -> memref<640x16xf32, #tpu.memory_space<vmem_shared>>
      tpu.wait_dma2 semaphore(%run_scoped3A : memref<!tpu.dma_semaphore, #tpu.memory_space<semaphore_mem>>) src(%arg8 : memref<640x16xf32, #tpu.memory_space<vmem>>) dst(%dma_wait3A_25 : memref<640x16xf32, #tpu.memory_space<vmem_shared>>)
      tpu.yield
    }) : () -> ()
    "tpu.region"() ({
      %run_scoped3A = tpu.sem_alloc : memref<!tpu.dma_semaphore, #tpu.memory_space<semaphore_mem>>
      %dma_start3A = arith.constant 0 : i32
      %dma_start3A_20 = arith.constant 0 : i32
      %dma_start3A_21 = tpu.memref_slice %arg8[%dma_start3A, %dma_start3A_20] : memref<640x16xf32, #tpu.memory_space<vmem>> -> memref<125x16xf32, #tpu.memory_space<vmem>>
      %dma_start3A_22 = arith.constant 0 : i32
      %dma_start3A_23 = arith.constant 0 : i32
      %dma_start3A_24 = tpu.memref_slice %arg8[%dma_start3A_22, %dma_start3A_23] : memref<640x16xf32, #tpu.memory_space<vmem>> -> memref<125x16xf32, #tpu.memory_space<vmem>>
      tpu.enqueue_dma source(%arg5 : memref<125x16xf32, #tpu.memory_space<hbm>>) target(%dma_start3A_24 : memref<125x16xf32, #tpu.memory_space<vmem>>) target_semaphore(%run_scoped3A : memref<!tpu.dma_semaphore, #tpu.memory_space<semaphore_mem>>)
      %dma_wait3A = arith.constant 0 : i32
      %dma_wait3A_25 = arith.constant 0 : i32
      %dma_wait3A_26 = tpu.memref_slice %arg8[%dma_wait3A, %dma_wait3A_25] : memref<640x16xf32, #tpu.memory_space<vmem>> -> memref<125x16xf32, #tpu.memory_space<vmem>>
      %dma_wait3A_27 = arith.constant 0 : i32
      %dma_wait3A_28 = arith.constant 0 : i32
      %dma_wait3A_29 = tpu.memref_slice %arg8[%dma_wait3A_27, %dma_wait3A_28] : memref<640x16xf32, #tpu.memory_space<vmem>> -> memref<125x16xf32, #tpu.memory_space<vmem>>
      tpu.wait_dma2 semaphore(%run_scoped3A : memref<!tpu.dma_semaphore, #tpu.memory_space<semaphore_mem>>) src(%arg5 : memref<125x16xf32, #tpu.memory_space<hbm>>) dst(%dma_wait3A_29 : memref<125x16xf32, #tpu.memory_space<vmem>>)
      tpu.yield
    }) : () -> ()
    %barrier3A = arith.constant 0 : index
    tpu.barrier barrier_id(%barrier3A)
    %scan3A = arith.constant 0 : i32
    %scan3A_8 = arith.constant 0 : i32
    %scan3A_9 = arith.constant 40 : i32
    %scan3A_10 = arith.addi %scan3A_8, %scan3A_9 : i32
    %scan3A_11 = arith.constant 1 : i32
    scf.for %scan3A_20 = %scan3A_8 to %scan3A_10 step %scan3A_11  : i32 {
      %run_scoped3A = arith.constant 0 : i32
      "tpu.region"() ({
        %run_scoped3A_21 = tpu.sem_alloc : memref<!tpu.dma_semaphore, #tpu.memory_space<semaphore_mem>>
        %dma_start3A = arith.constant 0 : i32
        %dma_start3A_22 = arith.constant 0 : i32
        %dma_start3A_23 = tpu.memref_slice %arg8[%dma_start3A, %dma_start3A_22] : memref<640x16xf32, #tpu.memory_space<vmem>> -> memref<125x16xf32, #tpu.memory_space<vmem>>
        %dma_start3A_24 = arith.constant 0 : i32
        %dma_start3A_25 = tpu.memref_slice %arg7[%run_scoped3A, %scan3A_20, %dma_start3A_24] : memref<2x40x125xi32, #tpu.memory_space<vmem>> -> memref<1x1x125xi32, #tpu.memory_space<vmem>>
        %dma_start3A_26 = tpu.memref_squeeze %dma_start3A_25 : memref<1x1x125xi32, #tpu.memory_space<vmem>> -> memref<125xi32, #tpu.memory_space<vmem>>
        %dma_start3A_27 = arith.constant 0 : i32
        %dma_start3A_28 = arith.constant 0 : i32
        %dma_start3A_29 = tpu.memref_slice %arg9[%dma_start3A_27, %dma_start3A_28] : memref<10240x16xf32, #tpu.memory_space<vmem_shared>> -> memref<10240x16xf32, #tpu.memory_space<vmem_shared>>
        tpu.enqueue_indirect_dma source(%dma_start3A_23 : memref<125x16xf32, #tpu.memory_space<vmem>>) target(%dma_start3A_29 : memref<10240x16xf32, #tpu.memory_space<vmem_shared>>) offsets(%dma_start3A_26 : memref<125xi32, #tpu.memory_space<vmem>>) semaphore(%run_scoped3A_21 : memref<!tpu.dma_semaphore, #tpu.memory_space<semaphore_mem>>) {add = true}
        %dma_wait3A = arith.constant 0 : i32
        %dma_wait3A_30 = arith.constant 0 : i32
        %dma_wait3A_31 = tpu.memref_slice %arg8[%dma_wait3A, %dma_wait3A_30] : memref<640x16xf32, #tpu.memory_space<vmem>> -> memref<125x16xf32, #tpu.memory_space<vmem>>
        %dma_wait3A_32 = arith.constant 0 : i32
        %dma_wait3A_33 = tpu.memref_slice %arg7[%run_scoped3A, %scan3A_20, %dma_wait3A_32] : memref<2x40x125xi32, #tpu.memory_space<vmem>> -> memref<1x1x125xi32, #tpu.memory_space<vmem>>
        %dma_wait3A_34 = tpu.memref_squeeze %dma_wait3A_33 : memref<1x1x125xi32, #tpu.memory_space<vmem>> -> memref<125xi32, #tpu.memory_space<vmem>>
        %dma_wait3A_35 = arith.constant 0 : i32
        %dma_wait3A_36 = arith.constant 0 : i32
        %dma_wait3A_37 = tpu.memref_slice %arg9[%dma_wait3A_35, %dma_wait3A_36] : memref<10240x16xf32, #tpu.memory_space<vmem_shared>> -> memref<10240x16xf32, #tpu.memory_space<vmem_shared>>
        tpu.wait_indirect_dma semaphore(%run_scoped3A_21 : memref<!tpu.dma_semaphore, #tpu.memory_space<semaphore_mem>>) src(%dma_wait3A_31 : memref<125x16xf32, #tpu.memory_space<vmem>>) dst(%dma_wait3A_37 : memref<10240x16xf32, #tpu.memory_space<vmem_shared>>)
        tpu.yield
      }) : () -> ()
    }
    %scan3A_12 = arith.constant 40 : i32
    %scan3A_13 = arith.constant 0 : i32
    %scan3A_14 = arith.constant 0 : i32
    %scan3A_15 = arith.constant 40 : i32
    %scan3A_16 = arith.addi %scan3A_14, %scan3A_15 : i32
    %scan3A_17 = arith.constant 1 : i32
    scf.for %scan3A_20 = %scan3A_14 to %scan3A_16 step %scan3A_17  : i32 {
      %run_scoped3A = arith.constant 1 : i32
      "tpu.region"() ({
        %run_scoped3A_21 = tpu.sem_alloc : memref<!tpu.dma_semaphore, #tpu.memory_space<semaphore_mem>>
        %dma_start3A = arith.constant 0 : i32
        %dma_start3A_22 = arith.constant 0 : i32
        %dma_start3A_23 = tpu.memref_slice %arg8[%dma_start3A, %dma_start3A_22] : memref<640x16xf32, #tpu.memory_space<vmem>> -> memref<125x16xf32, #tpu.memory_space<vmem>>
        %dma_start3A_24 = arith.constant 0 : i32
        %dma_start3A_25 = tpu.memref_slice %arg7[%run_scoped3A, %scan3A_20, %dma_start3A_24] : memref<2x40x125xi32, #tpu.memory_space<vmem>> -> memref<1x1x125xi32, #tpu.memory_space<vmem>>
        %dma_start3A_26 = tpu.memref_squeeze %dma_start3A_25 : memref<1x1x125xi32, #tpu.memory_space<vmem>> -> memref<125xi32, #tpu.memory_space<vmem>>
        %dma_start3A_27 = arith.constant 0 : i32
        %dma_start3A_28 = arith.constant 0 : i32
        %dma_start3A_29 = tpu.memref_slice %arg9[%dma_start3A_27, %dma_start3A_28] : memref<10240x16xf32, #tpu.memory_space<vmem_shared>> -> memref<10240x16xf32, #tpu.memory_space<vmem_shared>>
        tpu.enqueue_indirect_dma source(%dma_start3A_23 : memref<125x16xf32, #tpu.memory_space<vmem>>) target(%dma_start3A_29 : memref<10240x16xf32, #tpu.memory_space<vmem_shared>>) offsets(%dma_start3A_26 : memref<125xi32, #tpu.memory_space<vmem>>) semaphore(%run_scoped3A_21 : memref<!tpu.dma_semaphore, #tpu.memory_space<semaphore_mem>>) {add = true}
        %dma_wait3A = arith.constant 0 : i32
        %dma_wait3A_30 = arith.constant 0 : i32
        %dma_wait3A_31 = tpu.memref_slice %arg8[%dma_wait3A, %dma_wait3A_30] : memref<640x16xf32, #tpu.memory_space<vmem>> -> memref<125x16xf32, #tpu.memory_space<vmem>>
        %dma_wait3A_32 = arith.constant 0 : i32
        %dma_wait3A_33 = tpu.memref_slice %arg7[%run_scoped3A, %scan3A_20, %dma_wait3A_32] : memref<2x40x125xi32, #tpu.memory_space<vmem>> -> memref<1x1x125xi32, #tpu.memory_space<vmem>>
        %dma_wait3A_34 = tpu.memref_squeeze %dma_wait3A_33 : memref<1x1x125xi32, #tpu.memory_space<vmem>> -> memref<125xi32, #tpu.memory_space<vmem>>
        %dma_wait3A_35 = arith.constant 0 : i32
        %dma_wait3A_36 = arith.constant 0 : i32
        %dma_wait3A_37 = tpu.memref_slice %arg9[%dma_wait3A_35, %dma_wait3A_36] : memref<10240x16xf32, #tpu.memory_space<vmem_shared>> -> memref<10240x16xf32, #tpu.memory_space<vmem_shared>>
        tpu.wait_indirect_dma semaphore(%run_scoped3A_21 : memref<!tpu.dma_semaphore, #tpu.memory_space<semaphore_mem>>) src(%dma_wait3A_31 : memref<125x16xf32, #tpu.memory_space<vmem>>) dst(%dma_wait3A_37 : memref<10240x16xf32, #tpu.memory_space<vmem_shared>>)
        tpu.yield
      }) : () -> ()
    }
    %scan3A_18 = arith.constant 40 : i32
    %barrier3A_19 = arith.constant 0 : index
    tpu.barrier barrier_id(%barrier3A_19)
    "tpu.region"() ({
      %run_scoped3A = tpu.sem_alloc : memref<!tpu.dma_semaphore, #tpu.memory_space<semaphore_mem>>
      %dma_start3A = arith.constant 0 : i32
      %dma_start3A_20 = tpu.memref_slice %arg9[%multiple_of3A, %dma_start3A] : memref<10240x16xf32, #tpu.memory_space<vmem_shared>> -> memref<640x16xf32, #tpu.memory_space<vmem_shared>>
      %dma_start3A_21 = arith.constant 0 : i32
      %dma_start3A_22 = tpu.memref_slice %arg9[%multiple_of3A, %dma_start3A_21] : memref<10240x16xf32, #tpu.memory_space<vmem_shared>> -> memref<640x16xf32, #tpu.memory_space<vmem_shared>>
      tpu.enqueue_dma source(%dma_start3A_22 : memref<640x16xf32, #tpu.memory_space<vmem_shared>>) target(%arg8 : memref<640x16xf32, #tpu.memory_space<vmem>>) target_semaphore(%run_scoped3A : memref<!tpu.dma_semaphore, #tpu.memory_space<semaphore_mem>>)
      %dma_wait3A = arith.constant 0 : i32
      %dma_wait3A_23 = tpu.memref_slice %arg9[%multiple_of3A, %dma_wait3A] : memref<10240x16xf32, #tpu.memory_space<vmem_shared>> -> memref<640x16xf32, #tpu.memory_space<vmem_shared>>
      %dma_wait3A_24 = arith.constant 0 : i32
      %dma_wait3A_25 = tpu.memref_slice %arg9[%multiple_of3A, %dma_wait3A_24] : memref<10240x16xf32, #tpu.memory_space<vmem_shared>> -> memref<640x16xf32, #tpu.memory_space<vmem_shared>>
      tpu.wait_dma2 semaphore(%run_scoped3A : memref<!tpu.dma_semaphore, #tpu.memory_space<semaphore_mem>>) src(%dma_wait3A_25 : memref<640x16xf32, #tpu.memory_space<vmem_shared>>) dst(%arg8 : memref<640x16xf32, #tpu.memory_space<vmem>>)
      tpu.yield
    }) : () -> ()
    "tpu.region"() ({
      %run_scoped3A = tpu.sem_alloc : memref<!tpu.dma_semaphore, #tpu.memory_space<semaphore_mem>>
      %dma_start3A = arith.constant 0 : i32
      %dma_start3A_20 = arith.constant 0 : i32
      %dma_start3A_21 = tpu.memref_slice %arg6[%arg0, %arg1, %dma_start3A, %dma_start3A_20] : memref<2x16x640x16xf32, #tpu.memory_space<hbm>> -> memref<1x1x640x16xf32, #tpu.memory_space<hbm>>
      %dma_start3A_22 = tpu.memref_squeeze %dma_start3A_21 : memref<1x1x640x16xf32, #tpu.memory_space<hbm>> -> memref<640x16xf32, #tpu.memory_space<hbm>>
      %dma_start3A_23 = arith.constant 0 : i32
      %dma_start3A_24 = arith.constant 0 : i32
      %dma_start3A_25 = tpu.memref_slice %arg6[%arg0, %arg1, %dma_start3A_23, %dma_start3A_24] : memref<2x16x640x16xf32, #tpu.memory_space<hbm>> -> memref<1x1x640x16xf32, #tpu.memory_space<hbm>>
      %dma_start3A_26 = tpu.memref_squeeze %dma_start3A_25 : memref<1x1x640x16xf32, #tpu.memory_space<hbm>> -> memref<640x16xf32, #tpu.memory_space<hbm>>
      tpu.enqueue_dma source(%arg8 : memref<640x16xf32, #tpu.memory_space<vmem>>) target(%dma_start3A_26 : memref<640x16xf32, #tpu.memory_space<hbm>>) target_semaphore(%run_scoped3A : memref<!tpu.dma_semaphore, #tpu.memory_space<semaphore_mem>>)
      %dma_wait3A = arith.constant 0 : i32
      %dma_wait3A_27 = arith.constant 0 : i32
      %dma_wait3A_28 = tpu.memref_slice %arg6[%arg0, %arg1, %dma_wait3A, %dma_wait3A_27] : memref<2x16x640x16xf32, #tpu.memory_space<hbm>> -> memref<1x1x640x16xf32, #tpu.memory_space<hbm>>
      %dma_wait3A_29 = tpu.memref_squeeze %dma_wait3A_28 : memref<1x1x640x16xf32, #tpu.memory_space<hbm>> -> memref<640x16xf32, #tpu.memory_space<hbm>>
      %dma_wait3A_30 = arith.constant 0 : i32
      %dma_wait3A_31 = arith.constant 0 : i32
      %dma_wait3A_32 = tpu.memref_slice %arg6[%arg0, %arg1, %dma_wait3A_30, %dma_wait3A_31] : memref<2x16x640x16xf32, #tpu.memory_space<hbm>> -> memref<1x1x640x16xf32, #tpu.memory_space<hbm>>
      %dma_wait3A_33 = tpu.memref_squeeze %dma_wait3A_32 : memref<1x1x640x16xf32, #tpu.memory_space<hbm>> -> memref<640x16xf32, #tpu.memory_space<hbm>>
      tpu.wait_dma2 semaphore(%run_scoped3A : memref<!tpu.dma_semaphore, #tpu.memory_space<semaphore_mem>>) src(%arg8 : memref<640x16xf32, #tpu.memory_space<vmem>>) dst(%dma_wait3A_33 : memref<640x16xf32, #tpu.memory_space<hbm>>)
      tpu.yield
    }) : () -> ()
    return
  }
}

#map = affine_map<(d0, d1) -> (0, 0)>
#map1 = affine_map<(d0, d1) -> (0, 0, 0, 0, 0)>
#map2 = affine_map<(d0, d1) -> (0, 0, 0, 0)>
module attributes {stable_mosaic.version = 14 : i64} {
  func.func @k(%arg0: i32, %arg1: i32, %arg2: memref<10240x128xf32, #tpu.memory_space<hbm>>, %arg3: memref<2x16x2x40x125xi32, #tpu.memory_space<hbm>>, %arg4: memref<2x16x2x40x125xi32, #tpu.memory_space<hbm>>, %arg5: memref<128x128xf32, #tpu.memory_space<hbm>>, %arg6: memref<2x16x640x128xf32, #tpu.memory_space<hbm>>, %arg7: memref<40x125xi32, #tpu.memory_space<vmem>>, %arg8: memref<40x125xi32, #tpu.memory_space<vmem>>, %arg9: memref<128x128xf32, #tpu.memory_space<vmem>>, %arg10: memref<128x128xf32, #tpu.memory_space<vmem>>, %arg11: memref<10240x128xf32, #tpu.memory_space<vmem_shared>>, %arg12: memref<!tpu.dma_semaphore, #tpu.memory_space<semaphore_mem>>, %arg13: memref<!tpu.dma_semaphore, #tpu.memory_space<semaphore_mem>>) attributes {dimension_semantics = [#tpu.dimension_semantics<core_parallel>, #tpu.dimension_semantics<subcore_parallel>], iteration_bounds = array<i64: 2, 16>, scalar_prefetch = 0 : i64, scratch_operands = 7 : i64, tpu.core_type = #tpu.core_type<sc_vector_subcore>, window_params = [{transform_indices = #map}, {transform_indices = #map1}, {transform_indices = #map1}, {transform_indices = #map}, {transform_indices = #map2}]} {
    "tpu.region"() ({
      %run_scoped3A = tpu.sem_alloc : memref<!tpu.dma_semaphore, #tpu.memory_space<semaphore_mem>>
      tpu.enqueue_dma source(%arg5 : memref<128x128xf32, #tpu.memory_space<hbm>>) target(%arg9 : memref<128x128xf32, #tpu.memory_space<vmem>>) target_semaphore(%run_scoped3A : memref<!tpu.dma_semaphore, #tpu.memory_space<semaphore_mem>>)
      tpu.wait_dma2 semaphore(%run_scoped3A : memref<!tpu.dma_semaphore, #tpu.memory_space<semaphore_mem>>) src(%arg5 : memref<128x128xf32, #tpu.memory_space<hbm>>) dst(%arg9 : memref<128x128xf32, #tpu.memory_space<vmem>>)
      tpu.yield
    }) : () -> ()
    %mul3A = arith.constant 640 : i32
    %mul3A_0 = arith.muli %arg1, %mul3A : i32
    %add3A = arith.constant 0 : i32
    %add3A_1 = arith.addi %mul3A_0, %add3A : i32
    %multiple_of3A = tpu.assume_multiple %add3A_1, 128 : i32
    "tpu.region"() ({
      %run_scoped3A = tpu.sem_alloc : memref<!tpu.dma_semaphore, #tpu.memory_space<semaphore_mem>>
      %dma_start3A_73 = arith.constant 0 : i32
      %dma_start3A_74 = tpu.memref_slice %arg11[%multiple_of3A, %dma_start3A_73] : memref<10240x128xf32, #tpu.memory_space<vmem_shared>> -> memref<128x128xf32, #tpu.memory_space<vmem_shared>>
      %dma_start3A_75 = arith.constant 0 : i32
      %dma_start3A_76 = tpu.memref_slice %arg11[%multiple_of3A, %dma_start3A_75] : memref<10240x128xf32, #tpu.memory_space<vmem_shared>> -> memref<128x128xf32, #tpu.memory_space<vmem_shared>>
      tpu.enqueue_dma source(%arg9 : memref<128x128xf32, #tpu.memory_space<vmem>>) target(%dma_start3A_76 : memref<128x128xf32, #tpu.memory_space<vmem_shared>>) target_semaphore(%run_scoped3A : memref<!tpu.dma_semaphore, #tpu.memory_space<semaphore_mem>>)
      %dma_wait3A = arith.constant 0 : i32
      %dma_wait3A_77 = tpu.memref_slice %arg11[%multiple_of3A, %dma_wait3A] : memref<10240x128xf32, #tpu.memory_space<vmem_shared>> -> memref<128x128xf32, #tpu.memory_space<vmem_shared>>
      %dma_wait3A_78 = arith.constant 0 : i32
      %dma_wait3A_79 = tpu.memref_slice %arg11[%multiple_of3A, %dma_wait3A_78] : memref<10240x128xf32, #tpu.memory_space<vmem_shared>> -> memref<128x128xf32, #tpu.memory_space<vmem_shared>>
      tpu.wait_dma2 semaphore(%run_scoped3A : memref<!tpu.dma_semaphore, #tpu.memory_space<semaphore_mem>>) src(%arg9 : memref<128x128xf32, #tpu.memory_space<vmem>>) dst(%dma_wait3A_79 : memref<128x128xf32, #tpu.memory_space<vmem_shared>>)
      tpu.yield
    }) : () -> ()
    %mul3A_2 = arith.constant 640 : i32
    %mul3A_3 = arith.muli %arg1, %mul3A_2 : i32
    %add3A_4 = arith.constant 128 : i32
    %add3A_5 = arith.addi %mul3A_3, %add3A_4 : i32
    %multiple_of3A_6 = tpu.assume_multiple %add3A_5, 128 : i32
    "tpu.region"() ({
      %run_scoped3A = tpu.sem_alloc : memref<!tpu.dma_semaphore, #tpu.memory_space<semaphore_mem>>
      %dma_start3A_73 = arith.constant 0 : i32
      %dma_start3A_74 = tpu.memref_slice %arg11[%multiple_of3A_6, %dma_start3A_73] : memref<10240x128xf32, #tpu.memory_space<vmem_shared>> -> memref<128x128xf32, #tpu.memory_space<vmem_shared>>
      %dma_start3A_75 = arith.constant 0 : i32
      %dma_start3A_76 = tpu.memref_slice %arg11[%multiple_of3A_6, %dma_start3A_75] : memref<10240x128xf32, #tpu.memory_space<vmem_shared>> -> memref<128x128xf32, #tpu.memory_space<vmem_shared>>
      tpu.enqueue_dma source(%arg9 : memref<128x128xf32, #tpu.memory_space<vmem>>) target(%dma_start3A_76 : memref<128x128xf32, #tpu.memory_space<vmem_shared>>) target_semaphore(%run_scoped3A : memref<!tpu.dma_semaphore, #tpu.memory_space<semaphore_mem>>)
      %dma_wait3A = arith.constant 0 : i32
      %dma_wait3A_77 = tpu.memref_slice %arg11[%multiple_of3A_6, %dma_wait3A] : memref<10240x128xf32, #tpu.memory_space<vmem_shared>> -> memref<128x128xf32, #tpu.memory_space<vmem_shared>>
      %dma_wait3A_78 = arith.constant 0 : i32
      %dma_wait3A_79 = tpu.memref_slice %arg11[%multiple_of3A_6, %dma_wait3A_78] : memref<10240x128xf32, #tpu.memory_space<vmem_shared>> -> memref<128x128xf32, #tpu.memory_space<vmem_shared>>
      tpu.wait_dma2 semaphore(%run_scoped3A : memref<!tpu.dma_semaphore, #tpu.memory_space<semaphore_mem>>) src(%arg9 : memref<128x128xf32, #tpu.memory_space<vmem>>) dst(%dma_wait3A_79 : memref<128x128xf32, #tpu.memory_space<vmem_shared>>)
      tpu.yield
    }) : () -> ()
    %mul3A_7 = arith.constant 640 : i32
    %mul3A_8 = arith.muli %arg1, %mul3A_7 : i32
    %add3A_9 = arith.constant 256 : i32
    %add3A_10 = arith.addi %mul3A_8, %add3A_9 : i32
    %multiple_of3A_11 = tpu.assume_multiple %add3A_10, 128 : i32
    "tpu.region"() ({
      %run_scoped3A = tpu.sem_alloc : memref<!tpu.dma_semaphore, #tpu.memory_space<semaphore_mem>>
      %dma_start3A_73 = arith.constant 0 : i32
      %dma_start3A_74 = tpu.memref_slice %arg11[%multiple_of3A_11, %dma_start3A_73] : memref<10240x128xf32, #tpu.memory_space<vmem_shared>> -> memref<128x128xf32, #tpu.memory_space<vmem_shared>>
      %dma_start3A_75 = arith.constant 0 : i32
      %dma_start3A_76 = tpu.memref_slice %arg11[%multiple_of3A_11, %dma_start3A_75] : memref<10240x128xf32, #tpu.memory_space<vmem_shared>> -> memref<128x128xf32, #tpu.memory_space<vmem_shared>>
      tpu.enqueue_dma source(%arg9 : memref<128x128xf32, #tpu.memory_space<vmem>>) target(%dma_start3A_76 : memref<128x128xf32, #tpu.memory_space<vmem_shared>>) target_semaphore(%run_scoped3A : memref<!tpu.dma_semaphore, #tpu.memory_space<semaphore_mem>>)
      %dma_wait3A = arith.constant 0 : i32
      %dma_wait3A_77 = tpu.memref_slice %arg11[%multiple_of3A_11, %dma_wait3A] : memref<10240x128xf32, #tpu.memory_space<vmem_shared>> -> memref<128x128xf32, #tpu.memory_space<vmem_shared>>
      %dma_wait3A_78 = arith.constant 0 : i32
      %dma_wait3A_79 = tpu.memref_slice %arg11[%multiple_of3A_11, %dma_wait3A_78] : memref<10240x128xf32, #tpu.memory_space<vmem_shared>> -> memref<128x128xf32, #tpu.memory_space<vmem_shared>>
      tpu.wait_dma2 semaphore(%run_scoped3A : memref<!tpu.dma_semaphore, #tpu.memory_space<semaphore_mem>>) src(%arg9 : memref<128x128xf32, #tpu.memory_space<vmem>>) dst(%dma_wait3A_79 : memref<128x128xf32, #tpu.memory_space<vmem_shared>>)
      tpu.yield
    }) : () -> ()
    %mul3A_12 = arith.constant 640 : i32
    %mul3A_13 = arith.muli %arg1, %mul3A_12 : i32
    %add3A_14 = arith.constant 384 : i32
    %add3A_15 = arith.addi %mul3A_13, %add3A_14 : i32
    %multiple_of3A_16 = tpu.assume_multiple %add3A_15, 128 : i32
    "tpu.region"() ({
      %run_scoped3A = tpu.sem_alloc : memref<!tpu.dma_semaphore, #tpu.memory_space<semaphore_mem>>
      %dma_start3A_73 = arith.constant 0 : i32
      %dma_start3A_74 = tpu.memref_slice %arg11[%multiple_of3A_16, %dma_start3A_73] : memref<10240x128xf32, #tpu.memory_space<vmem_shared>> -> memref<128x128xf32, #tpu.memory_space<vmem_shared>>
      %dma_start3A_75 = arith.constant 0 : i32
      %dma_start3A_76 = tpu.memref_slice %arg11[%multiple_of3A_16, %dma_start3A_75] : memref<10240x128xf32, #tpu.memory_space<vmem_shared>> -> memref<128x128xf32, #tpu.memory_space<vmem_shared>>
      tpu.enqueue_dma source(%arg9 : memref<128x128xf32, #tpu.memory_space<vmem>>) target(%dma_start3A_76 : memref<128x128xf32, #tpu.memory_space<vmem_shared>>) target_semaphore(%run_scoped3A : memref<!tpu.dma_semaphore, #tpu.memory_space<semaphore_mem>>)
      %dma_wait3A = arith.constant 0 : i32
      %dma_wait3A_77 = tpu.memref_slice %arg11[%multiple_of3A_16, %dma_wait3A] : memref<10240x128xf32, #tpu.memory_space<vmem_shared>> -> memref<128x128xf32, #tpu.memory_space<vmem_shared>>
      %dma_wait3A_78 = arith.constant 0 : i32
      %dma_wait3A_79 = tpu.memref_slice %arg11[%multiple_of3A_16, %dma_wait3A_78] : memref<10240x128xf32, #tpu.memory_space<vmem_shared>> -> memref<128x128xf32, #tpu.memory_space<vmem_shared>>
      tpu.wait_dma2 semaphore(%run_scoped3A : memref<!tpu.dma_semaphore, #tpu.memory_space<semaphore_mem>>) src(%arg9 : memref<128x128xf32, #tpu.memory_space<vmem>>) dst(%dma_wait3A_79 : memref<128x128xf32, #tpu.memory_space<vmem_shared>>)
      tpu.yield
    }) : () -> ()
    %mul3A_17 = arith.constant 640 : i32
    %mul3A_18 = arith.muli %arg1, %mul3A_17 : i32
    %add3A_19 = arith.constant 512 : i32
    %add3A_20 = arith.addi %mul3A_18, %add3A_19 : i32
    %multiple_of3A_21 = tpu.assume_multiple %add3A_20, 128 : i32
    "tpu.region"() ({
      %run_scoped3A = tpu.sem_alloc : memref<!tpu.dma_semaphore, #tpu.memory_space<semaphore_mem>>
      %dma_start3A_73 = arith.constant 0 : i32
      %dma_start3A_74 = tpu.memref_slice %arg11[%multiple_of3A_21, %dma_start3A_73] : memref<10240x128xf32, #tpu.memory_space<vmem_shared>> -> memref<128x128xf32, #tpu.memory_space<vmem_shared>>
      %dma_start3A_75 = arith.constant 0 : i32
      %dma_start3A_76 = tpu.memref_slice %arg11[%multiple_of3A_21, %dma_start3A_75] : memref<10240x128xf32, #tpu.memory_space<vmem_shared>> -> memref<128x128xf32, #tpu.memory_space<vmem_shared>>
      tpu.enqueue_dma source(%arg9 : memref<128x128xf32, #tpu.memory_space<vmem>>) target(%dma_start3A_76 : memref<128x128xf32, #tpu.memory_space<vmem_shared>>) target_semaphore(%run_scoped3A : memref<!tpu.dma_semaphore, #tpu.memory_space<semaphore_mem>>)
      %dma_wait3A = arith.constant 0 : i32
      %dma_wait3A_77 = tpu.memref_slice %arg11[%multiple_of3A_21, %dma_wait3A] : memref<10240x128xf32, #tpu.memory_space<vmem_shared>> -> memref<128x128xf32, #tpu.memory_space<vmem_shared>>
      %dma_wait3A_78 = arith.constant 0 : i32
      %dma_wait3A_79 = tpu.memref_slice %arg11[%multiple_of3A_21, %dma_wait3A_78] : memref<10240x128xf32, #tpu.memory_space<vmem_shared>> -> memref<128x128xf32, #tpu.memory_space<vmem_shared>>
      tpu.wait_dma2 semaphore(%run_scoped3A : memref<!tpu.dma_semaphore, #tpu.memory_space<semaphore_mem>>) src(%arg9 : memref<128x128xf32, #tpu.memory_space<vmem>>) dst(%dma_wait3A_79 : memref<128x128xf32, #tpu.memory_space<vmem_shared>>)
      tpu.yield
    }) : () -> ()
    %barrier3A = arith.constant 0 : index
    tpu.barrier barrier_id(%barrier3A)
    %eq3A = arith.constant 0 : i32
    %eq3A_22 = arith.cmpi eq, %arg0, %eq3A : i32
    %convert_element_type3A = arith.extui %eq3A_22 : i1 to i32
    %cond3A = arith.constant 0 : i32
    %cond3A_23 = arith.cmpi ne, %convert_element_type3A, %cond3A : i32
    scf.if %cond3A_23 {
      %run_scoped3A = arith.constant 0 : i32
      %run_scoped3A_73 = arith.constant 0 : i32
      "tpu.region"() ({
        %run_scoped3A_76 = tpu.sem_alloc : memref<!tpu.dma_semaphore, #tpu.memory_space<semaphore_mem>>
        %dma_start3A_77 = arith.constant 0 : i32
        %dma_start3A_78 = arith.constant 0 : i32
        %dma_start3A_79 = tpu.memref_slice %arg3[%run_scoped3A, %arg1, %run_scoped3A_73, %dma_start3A_77, %dma_start3A_78] : memref<2x16x2x40x125xi32, #tpu.memory_space<hbm>> -> memref<1x1x1x40x125xi32, #tpu.memory_space<hbm>>
        %dma_start3A_80 = tpu.memref_squeeze %dma_start3A_79 : memref<1x1x1x40x125xi32, #tpu.memory_space<hbm>> -> memref<40x125xi32, #tpu.memory_space<hbm>>
        %dma_start3A_81 = arith.constant 0 : i32
        %dma_start3A_82 = arith.constant 0 : i32
        %dma_start3A_83 = tpu.memref_slice %arg3[%run_scoped3A, %arg1, %run_scoped3A_73, %dma_start3A_81, %dma_start3A_82] : memref<2x16x2x40x125xi32, #tpu.memory_space<hbm>> -> memref<1x1x1x40x125xi32, #tpu.memory_space<hbm>>
        %dma_start3A_84 = tpu.memref_squeeze %dma_start3A_83 : memref<1x1x1x40x125xi32, #tpu.memory_space<hbm>> -> memref<40x125xi32, #tpu.memory_space<hbm>>
        tpu.enqueue_dma source(%dma_start3A_84 : memref<40x125xi32, #tpu.memory_space<hbm>>) target(%arg7 : memref<40x125xi32, #tpu.memory_space<vmem>>) target_semaphore(%run_scoped3A_76 : memref<!tpu.dma_semaphore, #tpu.memory_space<semaphore_mem>>)
        %dma_wait3A = arith.constant 0 : i32
        %dma_wait3A_85 = arith.constant 0 : i32
        %dma_wait3A_86 = tpu.memref_slice %arg3[%run_scoped3A, %arg1, %run_scoped3A_73, %dma_wait3A, %dma_wait3A_85] : memref<2x16x2x40x125xi32, #tpu.memory_space<hbm>> -> memref<1x1x1x40x125xi32, #tpu.memory_space<hbm>>
        %dma_wait3A_87 = tpu.memref_squeeze %dma_wait3A_86 : memref<1x1x1x40x125xi32, #tpu.memory_space<hbm>> -> memref<40x125xi32, #tpu.memory_space<hbm>>
        %dma_wait3A_88 = arith.constant 0 : i32
        %dma_wait3A_89 = arith.constant 0 : i32
        %dma_wait3A_90 = tpu.memref_slice %arg3[%run_scoped3A, %arg1, %run_scoped3A_73, %dma_wait3A_88, %dma_wait3A_89] : memref<2x16x2x40x125xi32, #tpu.memory_space<hbm>> -> memref<1x1x1x40x125xi32, #tpu.memory_space<hbm>>
        %dma_wait3A_91 = tpu.memref_squeeze %dma_wait3A_90 : memref<1x1x1x40x125xi32, #tpu.memory_space<hbm>> -> memref<40x125xi32, #tpu.memory_space<hbm>>
        tpu.wait_dma2 semaphore(%run_scoped3A_76 : memref<!tpu.dma_semaphore, #tpu.memory_space<semaphore_mem>>) src(%dma_wait3A_91 : memref<40x125xi32, #tpu.memory_space<hbm>>) dst(%arg7 : memref<40x125xi32, #tpu.memory_space<vmem>>)
        tpu.yield
      }) : () -> ()
      %run_scoped3A_74 = arith.constant 1 : i32
      %run_scoped3A_75 = arith.constant 0 : i32
      "tpu.region"() ({
        %run_scoped3A_76 = tpu.sem_alloc : memref<!tpu.dma_semaphore, #tpu.memory_space<semaphore_mem>>
        %dma_start3A_77 = arith.constant 0 : i32
        %dma_start3A_78 = arith.constant 0 : i32
        %dma_start3A_79 = tpu.memref_slice %arg3[%run_scoped3A_74, %arg1, %run_scoped3A_75, %dma_start3A_77, %dma_start3A_78] : memref<2x16x2x40x125xi32, #tpu.memory_space<hbm>> -> memref<1x1x1x40x125xi32, #tpu.memory_space<hbm>>
        %dma_start3A_80 = tpu.memref_squeeze %dma_start3A_79 : memref<1x1x1x40x125xi32, #tpu.memory_space<hbm>> -> memref<40x125xi32, #tpu.memory_space<hbm>>
        %dma_start3A_81 = arith.constant 0 : i32
        %dma_start3A_82 = arith.constant 0 : i32
        %dma_start3A_83 = tpu.memref_slice %arg3[%run_scoped3A_74, %arg1, %run_scoped3A_75, %dma_start3A_81, %dma_start3A_82] : memref<2x16x2x40x125xi32, #tpu.memory_space<hbm>> -> memref<1x1x1x40x125xi32, #tpu.memory_space<hbm>>
        %dma_start3A_84 = tpu.memref_squeeze %dma_start3A_83 : memref<1x1x1x40x125xi32, #tpu.memory_space<hbm>> -> memref<40x125xi32, #tpu.memory_space<hbm>>
        tpu.enqueue_dma source(%dma_start3A_84 : memref<40x125xi32, #tpu.memory_space<hbm>>) target(%arg8 : memref<40x125xi32, #tpu.memory_space<vmem>>) target_semaphore(%run_scoped3A_76 : memref<!tpu.dma_semaphore, #tpu.memory_space<semaphore_mem>>)
        %dma_wait3A = arith.constant 0 : i32
        %dma_wait3A_85 = arith.constant 0 : i32
        %dma_wait3A_86 = tpu.memref_slice %arg3[%run_scoped3A_74, %arg1, %run_scoped3A_75, %dma_wait3A, %dma_wait3A_85] : memref<2x16x2x40x125xi32, #tpu.memory_space<hbm>> -> memref<1x1x1x40x125xi32, #tpu.memory_space<hbm>>
        %dma_wait3A_87 = tpu.memref_squeeze %dma_wait3A_86 : memref<1x1x1x40x125xi32, #tpu.memory_space<hbm>> -> memref<40x125xi32, #tpu.memory_space<hbm>>
        %dma_wait3A_88 = arith.constant 0 : i32
        %dma_wait3A_89 = arith.constant 0 : i32
        %dma_wait3A_90 = tpu.memref_slice %arg3[%run_scoped3A_74, %arg1, %run_scoped3A_75, %dma_wait3A_88, %dma_wait3A_89] : memref<2x16x2x40x125xi32, #tpu.memory_space<hbm>> -> memref<1x1x1x40x125xi32, #tpu.memory_space<hbm>>
        %dma_wait3A_91 = tpu.memref_squeeze %dma_wait3A_90 : memref<1x1x1x40x125xi32, #tpu.memory_space<hbm>> -> memref<40x125xi32, #tpu.memory_space<hbm>>
        tpu.wait_dma2 semaphore(%run_scoped3A_76 : memref<!tpu.dma_semaphore, #tpu.memory_space<semaphore_mem>>) src(%dma_wait3A_91 : memref<40x125xi32, #tpu.memory_space<hbm>>) dst(%arg8 : memref<40x125xi32, #tpu.memory_space<vmem>>)
        tpu.yield
      }) : () -> ()
    } else {
    }
    %eq3A_24 = arith.constant 1 : i32
    %eq3A_25 = arith.cmpi eq, %arg0, %eq3A_24 : i32
    %convert_element_type3A_26 = arith.extui %eq3A_25 : i1 to i32
    %cond3A_27 = arith.constant 0 : i32
    %cond3A_28 = arith.cmpi ne, %convert_element_type3A_26, %cond3A_27 : i32
    scf.if %cond3A_28 {
      %run_scoped3A = arith.constant 0 : i32
      %run_scoped3A_73 = arith.constant 0 : i32
      "tpu.region"() ({
        %run_scoped3A_76 = tpu.sem_alloc : memref<!tpu.dma_semaphore, #tpu.memory_space<semaphore_mem>>
        %dma_start3A_77 = arith.constant 0 : i32
        %dma_start3A_78 = arith.constant 0 : i32
        %dma_start3A_79 = tpu.memref_slice %arg4[%run_scoped3A, %arg1, %run_scoped3A_73, %dma_start3A_77, %dma_start3A_78] : memref<2x16x2x40x125xi32, #tpu.memory_space<hbm>> -> memref<1x1x1x40x125xi32, #tpu.memory_space<hbm>>
        %dma_start3A_80 = tpu.memref_squeeze %dma_start3A_79 : memref<1x1x1x40x125xi32, #tpu.memory_space<hbm>> -> memref<40x125xi32, #tpu.memory_space<hbm>>
        %dma_start3A_81 = arith.constant 0 : i32
        %dma_start3A_82 = arith.constant 0 : i32
        %dma_start3A_83 = tpu.memref_slice %arg4[%run_scoped3A, %arg1, %run_scoped3A_73, %dma_start3A_81, %dma_start3A_82] : memref<2x16x2x40x125xi32, #tpu.memory_space<hbm>> -> memref<1x1x1x40x125xi32, #tpu.memory_space<hbm>>
        %dma_start3A_84 = tpu.memref_squeeze %dma_start3A_83 : memref<1x1x1x40x125xi32, #tpu.memory_space<hbm>> -> memref<40x125xi32, #tpu.memory_space<hbm>>
        tpu.enqueue_dma source(%dma_start3A_84 : memref<40x125xi32, #tpu.memory_space<hbm>>) target(%arg7 : memref<40x125xi32, #tpu.memory_space<vmem>>) target_semaphore(%run_scoped3A_76 : memref<!tpu.dma_semaphore, #tpu.memory_space<semaphore_mem>>)
        %dma_wait3A = arith.constant 0 : i32
        %dma_wait3A_85 = arith.constant 0 : i32
        %dma_wait3A_86 = tpu.memref_slice %arg4[%run_scoped3A, %arg1, %run_scoped3A_73, %dma_wait3A, %dma_wait3A_85] : memref<2x16x2x40x125xi32, #tpu.memory_space<hbm>> -> memref<1x1x1x40x125xi32, #tpu.memory_space<hbm>>
        %dma_wait3A_87 = tpu.memref_squeeze %dma_wait3A_86 : memref<1x1x1x40x125xi32, #tpu.memory_space<hbm>> -> memref<40x125xi32, #tpu.memory_space<hbm>>
        %dma_wait3A_88 = arith.constant 0 : i32
        %dma_wait3A_89 = arith.constant 0 : i32
        %dma_wait3A_90 = tpu.memref_slice %arg4[%run_scoped3A, %arg1, %run_scoped3A_73, %dma_wait3A_88, %dma_wait3A_89] : memref<2x16x2x40x125xi32, #tpu.memory_space<hbm>> -> memref<1x1x1x40x125xi32, #tpu.memory_space<hbm>>
        %dma_wait3A_91 = tpu.memref_squeeze %dma_wait3A_90 : memref<1x1x1x40x125xi32, #tpu.memory_space<hbm>> -> memref<40x125xi32, #tpu.memory_space<hbm>>
        tpu.wait_dma2 semaphore(%run_scoped3A_76 : memref<!tpu.dma_semaphore, #tpu.memory_space<semaphore_mem>>) src(%dma_wait3A_91 : memref<40x125xi32, #tpu.memory_space<hbm>>) dst(%arg7 : memref<40x125xi32, #tpu.memory_space<vmem>>)
        tpu.yield
      }) : () -> ()
      %run_scoped3A_74 = arith.constant 1 : i32
      %run_scoped3A_75 = arith.constant 0 : i32
      "tpu.region"() ({
        %run_scoped3A_76 = tpu.sem_alloc : memref<!tpu.dma_semaphore, #tpu.memory_space<semaphore_mem>>
        %dma_start3A_77 = arith.constant 0 : i32
        %dma_start3A_78 = arith.constant 0 : i32
        %dma_start3A_79 = tpu.memref_slice %arg4[%run_scoped3A_74, %arg1, %run_scoped3A_75, %dma_start3A_77, %dma_start3A_78] : memref<2x16x2x40x125xi32, #tpu.memory_space<hbm>> -> memref<1x1x1x40x125xi32, #tpu.memory_space<hbm>>
        %dma_start3A_80 = tpu.memref_squeeze %dma_start3A_79 : memref<1x1x1x40x125xi32, #tpu.memory_space<hbm>> -> memref<40x125xi32, #tpu.memory_space<hbm>>
        %dma_start3A_81 = arith.constant 0 : i32
        %dma_start3A_82 = arith.constant 0 : i32
        %dma_start3A_83 = tpu.memref_slice %arg4[%run_scoped3A_74, %arg1, %run_scoped3A_75, %dma_start3A_81, %dma_start3A_82] : memref<2x16x2x40x125xi32, #tpu.memory_space<hbm>> -> memref<1x1x1x40x125xi32, #tpu.memory_space<hbm>>
        %dma_start3A_84 = tpu.memref_squeeze %dma_start3A_83 : memref<1x1x1x40x125xi32, #tpu.memory_space<hbm>> -> memref<40x125xi32, #tpu.memory_space<hbm>>
        tpu.enqueue_dma source(%dma_start3A_84 : memref<40x125xi32, #tpu.memory_space<hbm>>) target(%arg8 : memref<40x125xi32, #tpu.memory_space<vmem>>) target_semaphore(%run_scoped3A_76 : memref<!tpu.dma_semaphore, #tpu.memory_space<semaphore_mem>>)
        %dma_wait3A = arith.constant 0 : i32
        %dma_wait3A_85 = arith.constant 0 : i32
        %dma_wait3A_86 = tpu.memref_slice %arg4[%run_scoped3A_74, %arg1, %run_scoped3A_75, %dma_wait3A, %dma_wait3A_85] : memref<2x16x2x40x125xi32, #tpu.memory_space<hbm>> -> memref<1x1x1x40x125xi32, #tpu.memory_space<hbm>>
        %dma_wait3A_87 = tpu.memref_squeeze %dma_wait3A_86 : memref<1x1x1x40x125xi32, #tpu.memory_space<hbm>> -> memref<40x125xi32, #tpu.memory_space<hbm>>
        %dma_wait3A_88 = arith.constant 0 : i32
        %dma_wait3A_89 = arith.constant 0 : i32
        %dma_wait3A_90 = tpu.memref_slice %arg4[%run_scoped3A_74, %arg1, %run_scoped3A_75, %dma_wait3A_88, %dma_wait3A_89] : memref<2x16x2x40x125xi32, #tpu.memory_space<hbm>> -> memref<1x1x1x40x125xi32, #tpu.memory_space<hbm>>
        %dma_wait3A_91 = tpu.memref_squeeze %dma_wait3A_90 : memref<1x1x1x40x125xi32, #tpu.memory_space<hbm>> -> memref<40x125xi32, #tpu.memory_space<hbm>>
        tpu.wait_dma2 semaphore(%run_scoped3A_76 : memref<!tpu.dma_semaphore, #tpu.memory_space<semaphore_mem>>) src(%dma_wait3A_91 : memref<40x125xi32, #tpu.memory_space<hbm>>) dst(%arg8 : memref<40x125xi32, #tpu.memory_space<vmem>>)
        tpu.yield
      }) : () -> ()
    } else {
    }
    %dma_start3A = arith.constant 0 : i32
    %dma_start3A_29 = arith.constant 0 : i32
    %dma_start3A_30 = arith.constant 0 : i32
    %dma_start3A_31 = tpu.memref_slice %arg9[%dma_start3A_29, %dma_start3A_30] : memref<128x128xf32, #tpu.memory_space<vmem>> -> memref<125x128xf32, #tpu.memory_space<vmem>>
    %dma_start3A_32 = arith.constant 0 : i32
    %dma_start3A_33 = tpu.memref_slice %arg7[%dma_start3A, %dma_start3A_32] : memref<40x125xi32, #tpu.memory_space<vmem>> -> memref<1x125xi32, #tpu.memory_space<vmem>>
    %dma_start3A_34 = tpu.memref_squeeze %dma_start3A_33 : memref<1x125xi32, #tpu.memory_space<vmem>> -> memref<125xi32, #tpu.memory_space<vmem>>
    %dma_start3A_35 = arith.constant 0 : i32
    %dma_start3A_36 = arith.constant 0 : i32
    %dma_start3A_37 = tpu.memref_slice %arg2[%dma_start3A_35, %dma_start3A_36] : memref<10240x128xf32, #tpu.memory_space<hbm>> -> memref<10240x128xf32, #tpu.memory_space<hbm>>
    tpu.enqueue_indirect_dma source(%dma_start3A_37 : memref<10240x128xf32, #tpu.memory_space<hbm>>) target(%dma_start3A_31 : memref<125x128xf32, #tpu.memory_space<vmem>>) offsets(%dma_start3A_34 : memref<125xi32, #tpu.memory_space<vmem>>) semaphore(%arg12 : memref<!tpu.dma_semaphore, #tpu.memory_space<semaphore_mem>>)
    %scan3A = arith.constant 0 : i32
    %scan3A_38 = arith.constant 0 : i32
    %scan3A_39 = arith.constant 20 : i32
    %scan3A_40 = arith.addi %scan3A_38, %scan3A_39 : i32
    %scan3A_41 = arith.constant 1 : i32
    scf.for %scan3A_73 = %scan3A_38 to %scan3A_40 step %scan3A_41  : i32 {
      %mul3A_74 = arith.constant 2 : i32
      %mul3A_75 = arith.muli %mul3A_74, %scan3A_73 : i32
      %add3A_76 = arith.constant 1 : i32
      %add3A_77 = arith.addi %mul3A_75, %add3A_76 : i32
      %dma_start3A_78 = arith.constant 0 : i32
      %dma_start3A_79 = arith.constant 0 : i32
      %dma_start3A_80 = tpu.memref_slice %arg10[%dma_start3A_78, %dma_start3A_79] : memref<128x128xf32, #tpu.memory_space<vmem>> -> memref<125x128xf32, #tpu.memory_space<vmem>>
      %dma_start3A_81 = arith.constant 0 : i32
      %dma_start3A_82 = tpu.memref_slice %arg7[%add3A_77, %dma_start3A_81] : memref<40x125xi32, #tpu.memory_space<vmem>> -> memref<1x125xi32, #tpu.memory_space<vmem>>
      %dma_start3A_83 = tpu.memref_squeeze %dma_start3A_82 : memref<1x125xi32, #tpu.memory_space<vmem>> -> memref<125xi32, #tpu.memory_space<vmem>>
      %dma_start3A_84 = arith.constant 0 : i32
      %dma_start3A_85 = arith.constant 0 : i32
      %dma_start3A_86 = tpu.memref_slice %arg2[%dma_start3A_84, %dma_start3A_85] : memref<10240x128xf32, #tpu.memory_space<hbm>> -> memref<10240x128xf32, #tpu.memory_space<hbm>>
      tpu.enqueue_indirect_dma source(%dma_start3A_86 : memref<10240x128xf32, #tpu.memory_space<hbm>>) target(%dma_start3A_80 : memref<125x128xf32, #tpu.memory_space<vmem>>) offsets(%dma_start3A_83 : memref<125xi32, #tpu.memory_space<vmem>>) semaphore(%arg13 : memref<!tpu.dma_semaphore, #tpu.memory_space<semaphore_mem>>)
      %dma_wait3A = arith.constant 0 : i32
      %dma_wait3A_87 = arith.constant 0 : i32
      %dma_wait3A_88 = arith.constant 0 : i32
      %dma_wait3A_89 = tpu.memref_slice %arg9[%dma_wait3A_87, %dma_wait3A_88] : memref<128x128xf32, #tpu.memory_space<vmem>> -> memref<125x128xf32, #tpu.memory_space<vmem>>
      %dma_wait3A_90 = arith.constant 0 : i32
      %dma_wait3A_91 = tpu.memref_slice %arg7[%dma_wait3A, %dma_wait3A_90] : memref<40x125xi32, #tpu.memory_space<vmem>> -> memref<1x125xi32, #tpu.memory_space<vmem>>
      %dma_wait3A_92 = tpu.memref_squeeze %dma_wait3A_91 : memref<1x125xi32, #tpu.memory_space<vmem>> -> memref<125xi32, #tpu.memory_space<vmem>>
      %dma_wait3A_93 = arith.constant 0 : i32
      %dma_wait3A_94 = arith.constant 0 : i32
      %dma_wait3A_95 = tpu.memref_slice %arg2[%dma_wait3A_93, %dma_wait3A_94] : memref<10240x128xf32, #tpu.memory_space<hbm>> -> memref<10240x128xf32, #tpu.memory_space<hbm>>
      tpu.wait_indirect_dma semaphore(%arg12 : memref<!tpu.dma_semaphore, #tpu.memory_space<semaphore_mem>>) src(%dma_wait3A_95 : memref<10240x128xf32, #tpu.memory_space<hbm>>) dst(%dma_wait3A_89 : memref<125x128xf32, #tpu.memory_space<vmem>>)
      %mul3A_96 = arith.constant 2 : i32
      %mul3A_97 = arith.muli %mul3A_96, %scan3A_73 : i32
      "tpu.region"() ({
        %run_scoped3A = tpu.sem_alloc : memref<!tpu.dma_semaphore, #tpu.memory_space<semaphore_mem>>
        %dma_start3A_116 = arith.constant 0 : i32
        %dma_start3A_117 = arith.constant 0 : i32
        %dma_start3A_118 = tpu.memref_slice %arg9[%dma_start3A_116, %dma_start3A_117] : memref<128x128xf32, #tpu.memory_space<vmem>> -> memref<125x128xf32, #tpu.memory_space<vmem>>
        %dma_start3A_119 = arith.constant 0 : i32
        %dma_start3A_120 = tpu.memref_slice %arg8[%mul3A_97, %dma_start3A_119] : memref<40x125xi32, #tpu.memory_space<vmem>> -> memref<1x125xi32, #tpu.memory_space<vmem>>
        %dma_start3A_121 = tpu.memref_squeeze %dma_start3A_120 : memref<1x125xi32, #tpu.memory_space<vmem>> -> memref<125xi32, #tpu.memory_space<vmem>>
        %dma_start3A_122 = arith.constant 0 : i32
        %dma_start3A_123 = arith.constant 0 : i32
        %dma_start3A_124 = tpu.memref_slice %arg11[%dma_start3A_122, %dma_start3A_123] : memref<10240x128xf32, #tpu.memory_space<vmem_shared>> -> memref<10240x128xf32, #tpu.memory_space<vmem_shared>>
        tpu.enqueue_indirect_dma source(%dma_start3A_118 : memref<125x128xf32, #tpu.memory_space<vmem>>) target(%dma_start3A_124 : memref<10240x128xf32, #tpu.memory_space<vmem_shared>>) offsets(%dma_start3A_121 : memref<125xi32, #tpu.memory_space<vmem>>) semaphore(%run_scoped3A : memref<!tpu.dma_semaphore, #tpu.memory_space<semaphore_mem>>) {add = true}
        %dma_wait3A_125 = arith.constant 0 : i32
        %dma_wait3A_126 = arith.constant 0 : i32
        %dma_wait3A_127 = tpu.memref_slice %arg9[%dma_wait3A_125, %dma_wait3A_126] : memref<128x128xf32, #tpu.memory_space<vmem>> -> memref<125x128xf32, #tpu.memory_space<vmem>>
        %dma_wait3A_128 = arith.constant 0 : i32
        %dma_wait3A_129 = tpu.memref_slice %arg8[%mul3A_97, %dma_wait3A_128] : memref<40x125xi32, #tpu.memory_space<vmem>> -> memref<1x125xi32, #tpu.memory_space<vmem>>
        %dma_wait3A_130 = tpu.memref_squeeze %dma_wait3A_129 : memref<1x125xi32, #tpu.memory_space<vmem>> -> memref<125xi32, #tpu.memory_space<vmem>>
        %dma_wait3A_131 = arith.constant 0 : i32
        %dma_wait3A_132 = arith.constant 0 : i32
        %dma_wait3A_133 = tpu.memref_slice %arg11[%dma_wait3A_131, %dma_wait3A_132] : memref<10240x128xf32, #tpu.memory_space<vmem_shared>> -> memref<10240x128xf32, #tpu.memory_space<vmem_shared>>
        tpu.wait_indirect_dma semaphore(%run_scoped3A : memref<!tpu.dma_semaphore, #tpu.memory_space<semaphore_mem>>) src(%dma_wait3A_127 : memref<125x128xf32, #tpu.memory_space<vmem>>) dst(%dma_wait3A_133 : memref<10240x128xf32, #tpu.memory_space<vmem_shared>>)
        tpu.yield
      }) : () -> ()
      %lt3A = arith.constant 19 : i32
      %lt3A_98 = arith.cmpi slt, %scan3A_73, %lt3A : i32
      %convert_element_type3A_99 = arith.extui %lt3A_98 : i1 to i32
      %cond3A_100 = arith.constant 0 : i32
      %cond3A_101 = arith.cmpi ne, %convert_element_type3A_99, %cond3A_100 : i32
      scf.if %cond3A_101 {
        %mul3A_116 = arith.constant 2 : i32
        %mul3A_117 = arith.muli %mul3A_116, %scan3A_73 : i32
        %add3A_118 = arith.constant 2 : i32
        %add3A_119 = arith.addi %mul3A_117, %add3A_118 : i32
        %dma_start3A_120 = arith.constant 0 : i32
        %dma_start3A_121 = arith.constant 0 : i32
        %dma_start3A_122 = tpu.memref_slice %arg9[%dma_start3A_120, %dma_start3A_121] : memref<128x128xf32, #tpu.memory_space<vmem>> -> memref<125x128xf32, #tpu.memory_space<vmem>>
        %dma_start3A_123 = arith.constant 0 : i32
        %dma_start3A_124 = tpu.memref_slice %arg7[%add3A_119, %dma_start3A_123] : memref<40x125xi32, #tpu.memory_space<vmem>> -> memref<1x125xi32, #tpu.memory_space<vmem>>
        %dma_start3A_125 = tpu.memref_squeeze %dma_start3A_124 : memref<1x125xi32, #tpu.memory_space<vmem>> -> memref<125xi32, #tpu.memory_space<vmem>>
        %dma_start3A_126 = arith.constant 0 : i32
        %dma_start3A_127 = arith.constant 0 : i32
        %dma_start3A_128 = tpu.memref_slice %arg2[%dma_start3A_126, %dma_start3A_127] : memref<10240x128xf32, #tpu.memory_space<hbm>> -> memref<10240x128xf32, #tpu.memory_space<hbm>>
        tpu.enqueue_indirect_dma source(%dma_start3A_128 : memref<10240x128xf32, #tpu.memory_space<hbm>>) target(%dma_start3A_122 : memref<125x128xf32, #tpu.memory_space<vmem>>) offsets(%dma_start3A_125 : memref<125xi32, #tpu.memory_space<vmem>>) semaphore(%arg12 : memref<!tpu.dma_semaphore, #tpu.memory_space<semaphore_mem>>)
      } else {
      }
      %dma_wait3A_102 = arith.constant 0 : i32
      %dma_wait3A_103 = arith.constant 0 : i32
      %dma_wait3A_104 = arith.constant 0 : i32
      %dma_wait3A_105 = tpu.memref_slice %arg10[%dma_wait3A_103, %dma_wait3A_104] : memref<128x128xf32, #tpu.memory_space<vmem>> -> memref<125x128xf32, #tpu.memory_space<vmem>>
      %dma_wait3A_106 = arith.constant 0 : i32
      %dma_wait3A_107 = tpu.memref_slice %arg7[%dma_wait3A_102, %dma_wait3A_106] : memref<40x125xi32, #tpu.memory_space<vmem>> -> memref<1x125xi32, #tpu.memory_space<vmem>>
      %dma_wait3A_108 = tpu.memref_squeeze %dma_wait3A_107 : memref<1x125xi32, #tpu.memory_space<vmem>> -> memref<125xi32, #tpu.memory_space<vmem>>
      %dma_wait3A_109 = arith.constant 0 : i32
      %dma_wait3A_110 = arith.constant 0 : i32
      %dma_wait3A_111 = tpu.memref_slice %arg2[%dma_wait3A_109, %dma_wait3A_110] : memref<10240x128xf32, #tpu.memory_space<hbm>> -> memref<10240x128xf32, #tpu.memory_space<hbm>>
      tpu.wait_indirect_dma semaphore(%arg13 : memref<!tpu.dma_semaphore, #tpu.memory_space<semaphore_mem>>) src(%dma_wait3A_111 : memref<10240x128xf32, #tpu.memory_space<hbm>>) dst(%dma_wait3A_105 : memref<125x128xf32, #tpu.memory_space<vmem>>)
      %mul3A_112 = arith.constant 2 : i32
      %mul3A_113 = arith.muli %mul3A_112, %scan3A_73 : i32
      %add3A_114 = arith.constant 1 : i32
      %add3A_115 = arith.addi %mul3A_113, %add3A_114 : i32
      "tpu.region"() ({
        %run_scoped3A = tpu.sem_alloc : memref<!tpu.dma_semaphore, #tpu.memory_space<semaphore_mem>>
        %dma_start3A_116 = arith.constant 0 : i32
        %dma_start3A_117 = arith.constant 0 : i32
        %dma_start3A_118 = tpu.memref_slice %arg10[%dma_start3A_116, %dma_start3A_117] : memref<128x128xf32, #tpu.memory_space<vmem>> -> memref<125x128xf32, #tpu.memory_space<vmem>>
        %dma_start3A_119 = arith.constant 0 : i32
        %dma_start3A_120 = tpu.memref_slice %arg8[%add3A_115, %dma_start3A_119] : memref<40x125xi32, #tpu.memory_space<vmem>> -> memref<1x125xi32, #tpu.memory_space<vmem>>
        %dma_start3A_121 = tpu.memref_squeeze %dma_start3A_120 : memref<1x125xi32, #tpu.memory_space<vmem>> -> memref<125xi32, #tpu.memory_space<vmem>>
        %dma_start3A_122 = arith.constant 0 : i32
        %dma_start3A_123 = arith.constant 0 : i32
        %dma_start3A_124 = tpu.memref_slice %arg11[%dma_start3A_122, %dma_start3A_123] : memref<10240x128xf32, #tpu.memory_space<vmem_shared>> -> memref<10240x128xf32, #tpu.memory_space<vmem_shared>>
        tpu.enqueue_indirect_dma source(%dma_start3A_118 : memref<125x128xf32, #tpu.memory_space<vmem>>) target(%dma_start3A_124 : memref<10240x128xf32, #tpu.memory_space<vmem_shared>>) offsets(%dma_start3A_121 : memref<125xi32, #tpu.memory_space<vmem>>) semaphore(%run_scoped3A : memref<!tpu.dma_semaphore, #tpu.memory_space<semaphore_mem>>) {add = true}
        %dma_wait3A_125 = arith.constant 0 : i32
        %dma_wait3A_126 = arith.constant 0 : i32
        %dma_wait3A_127 = tpu.memref_slice %arg10[%dma_wait3A_125, %dma_wait3A_126] : memref<128x128xf32, #tpu.memory_space<vmem>> -> memref<125x128xf32, #tpu.memory_space<vmem>>
        %dma_wait3A_128 = arith.constant 0 : i32
        %dma_wait3A_129 = tpu.memref_slice %arg8[%add3A_115, %dma_wait3A_128] : memref<40x125xi32, #tpu.memory_space<vmem>> -> memref<1x125xi32, #tpu.memory_space<vmem>>
        %dma_wait3A_130 = tpu.memref_squeeze %dma_wait3A_129 : memref<1x125xi32, #tpu.memory_space<vmem>> -> memref<125xi32, #tpu.memory_space<vmem>>
        %dma_wait3A_131 = arith.constant 0 : i32
        %dma_wait3A_132 = arith.constant 0 : i32
        %dma_wait3A_133 = tpu.memref_slice %arg11[%dma_wait3A_131, %dma_wait3A_132] : memref<10240x128xf32, #tpu.memory_space<vmem_shared>> -> memref<10240x128xf32, #tpu.memory_space<vmem_shared>>
        tpu.wait_indirect_dma semaphore(%run_scoped3A : memref<!tpu.dma_semaphore, #tpu.memory_space<semaphore_mem>>) src(%dma_wait3A_127 : memref<125x128xf32, #tpu.memory_space<vmem>>) dst(%dma_wait3A_133 : memref<10240x128xf32, #tpu.memory_space<vmem_shared>>)
        tpu.yield
      }) : () -> ()
    }
    %scan3A_42 = arith.constant 20 : i32
    %eq3A_43 = arith.constant 0 : i32
    %eq3A_44 = arith.cmpi eq, %arg0, %eq3A_43 : i32
    %convert_element_type3A_45 = arith.extui %eq3A_44 : i1 to i32
    %cond3A_46 = arith.constant 0 : i32
    %cond3A_47 = arith.cmpi ne, %convert_element_type3A_45, %cond3A_46 : i32
    scf.if %cond3A_47 {
      %run_scoped3A = arith.constant 0 : i32
      %run_scoped3A_73 = arith.constant 1 : i32
      "tpu.region"() ({
        %run_scoped3A_76 = tpu.sem_alloc : memref<!tpu.dma_semaphore, #tpu.memory_space<semaphore_mem>>
        %dma_start3A_77 = arith.constant 0 : i32
        %dma_start3A_78 = arith.constant 0 : i32
        %dma_start3A_79 = tpu.memref_slice %arg3[%run_scoped3A, %arg1, %run_scoped3A_73, %dma_start3A_77, %dma_start3A_78] : memref<2x16x2x40x125xi32, #tpu.memory_space<hbm>> -> memref<1x1x1x40x125xi32, #tpu.memory_space<hbm>>
        %dma_start3A_80 = tpu.memref_squeeze %dma_start3A_79 : memref<1x1x1x40x125xi32, #tpu.memory_space<hbm>> -> memref<40x125xi32, #tpu.memory_space<hbm>>
        %dma_start3A_81 = arith.constant 0 : i32
        %dma_start3A_82 = arith.constant 0 : i32
        %dma_start3A_83 = tpu.memref_slice %arg3[%run_scoped3A, %arg1, %run_scoped3A_73, %dma_start3A_81, %dma_start3A_82] : memref<2x16x2x40x125xi32, #tpu.memory_space<hbm>> -> memref<1x1x1x40x125xi32, #tpu.memory_space<hbm>>
        %dma_start3A_84 = tpu.memref_squeeze %dma_start3A_83 : memref<1x1x1x40x125xi32, #tpu.memory_space<hbm>> -> memref<40x125xi32, #tpu.memory_space<hbm>>
        tpu.enqueue_dma source(%dma_start3A_84 : memref<40x125xi32, #tpu.memory_space<hbm>>) target(%arg7 : memref<40x125xi32, #tpu.memory_space<vmem>>) target_semaphore(%run_scoped3A_76 : memref<!tpu.dma_semaphore, #tpu.memory_space<semaphore_mem>>)
        %dma_wait3A = arith.constant 0 : i32
        %dma_wait3A_85 = arith.constant 0 : i32
        %dma_wait3A_86 = tpu.memref_slice %arg3[%run_scoped3A, %arg1, %run_scoped3A_73, %dma_wait3A, %dma_wait3A_85] : memref<2x16x2x40x125xi32, #tpu.memory_space<hbm>> -> memref<1x1x1x40x125xi32, #tpu.memory_space<hbm>>
        %dma_wait3A_87 = tpu.memref_squeeze %dma_wait3A_86 : memref<1x1x1x40x125xi32, #tpu.memory_space<hbm>> -> memref<40x125xi32, #tpu.memory_space<hbm>>
        %dma_wait3A_88 = arith.constant 0 : i32
        %dma_wait3A_89 = arith.constant 0 : i32
        %dma_wait3A_90 = tpu.memref_slice %arg3[%run_scoped3A, %arg1, %run_scoped3A_73, %dma_wait3A_88, %dma_wait3A_89] : memref<2x16x2x40x125xi32, #tpu.memory_space<hbm>> -> memref<1x1x1x40x125xi32, #tpu.memory_space<hbm>>
        %dma_wait3A_91 = tpu.memref_squeeze %dma_wait3A_90 : memref<1x1x1x40x125xi32, #tpu.memory_space<hbm>> -> memref<40x125xi32, #tpu.memory_space<hbm>>
        tpu.wait_dma2 semaphore(%run_scoped3A_76 : memref<!tpu.dma_semaphore, #tpu.memory_space<semaphore_mem>>) src(%dma_wait3A_91 : memref<40x125xi32, #tpu.memory_space<hbm>>) dst(%arg7 : memref<40x125xi32, #tpu.memory_space<vmem>>)
        tpu.yield
      }) : () -> ()
      %run_scoped3A_74 = arith.constant 1 : i32
      %run_scoped3A_75 = arith.constant 1 : i32
      "tpu.region"() ({
        %run_scoped3A_76 = tpu.sem_alloc : memref<!tpu.dma_semaphore, #tpu.memory_space<semaphore_mem>>
        %dma_start3A_77 = arith.constant 0 : i32
        %dma_start3A_78 = arith.constant 0 : i32
        %dma_start3A_79 = tpu.memref_slice %arg3[%run_scoped3A_74, %arg1, %run_scoped3A_75, %dma_start3A_77, %dma_start3A_78] : memref<2x16x2x40x125xi32, #tpu.memory_space<hbm>> -> memref<1x1x1x40x125xi32, #tpu.memory_space<hbm>>
        %dma_start3A_80 = tpu.memref_squeeze %dma_start3A_79 : memref<1x1x1x40x125xi32, #tpu.memory_space<hbm>> -> memref<40x125xi32, #tpu.memory_space<hbm>>
        %dma_start3A_81 = arith.constant 0 : i32
        %dma_start3A_82 = arith.constant 0 : i32
        %dma_start3A_83 = tpu.memref_slice %arg3[%run_scoped3A_74, %arg1, %run_scoped3A_75, %dma_start3A_81, %dma_start3A_82] : memref<2x16x2x40x125xi32, #tpu.memory_space<hbm>> -> memref<1x1x1x40x125xi32, #tpu.memory_space<hbm>>
        %dma_start3A_84 = tpu.memref_squeeze %dma_start3A_83 : memref<1x1x1x40x125xi32, #tpu.memory_space<hbm>> -> memref<40x125xi32, #tpu.memory_space<hbm>>
        tpu.enqueue_dma source(%dma_start3A_84 : memref<40x125xi32, #tpu.memory_space<hbm>>) target(%arg8 : memref<40x125xi32, #tpu.memory_space<vmem>>) target_semaphore(%run_scoped3A_76 : memref<!tpu.dma_semaphore, #tpu.memory_space<semaphore_mem>>)
        %dma_wait3A = arith.constant 0 : i32
        %dma_wait3A_85 = arith.constant 0 : i32
        %dma_wait3A_86 = tpu.memref_slice %arg3[%run_scoped3A_74, %arg1, %run_scoped3A_75, %dma_wait3A, %dma_wait3A_85] : memref<2x16x2x40x125xi32, #tpu.memory_space<hbm>> -> memref<1x1x1x40x125xi32, #tpu.memory_space<hbm>>
        %dma_wait3A_87 = tpu.memref_squeeze %dma_wait3A_86 : memref<1x1x1x40x125xi32, #tpu.memory_space<hbm>> -> memref<40x125xi32, #tpu.memory_space<hbm>>
        %dma_wait3A_88 = arith.constant 0 : i32
        %dma_wait3A_89 = arith.constant 0 : i32
        %dma_wait3A_90 = tpu.memref_slice %arg3[%run_scoped3A_74, %arg1, %run_scoped3A_75, %dma_wait3A_88, %dma_wait3A_89] : memref<2x16x2x40x125xi32, #tpu.memory_space<hbm>> -> memref<1x1x1x40x125xi32, #tpu.memory_space<hbm>>
        %dma_wait3A_91 = tpu.memref_squeeze %dma_wait3A_90 : memref<1x1x1x40x125xi32, #tpu.memory_space<hbm>> -> memref<40x125xi32, #tpu.memory_space<hbm>>
        tpu.wait_dma2 semaphore(%run_scoped3A_76 : memref<!tpu.dma_semaphore, #tpu.memory_space<semaphore_mem>>) src(%dma_wait3A_91 : memref<40x125xi32, #tpu.memory_space<hbm>>) dst(%arg8 : memref<40x125xi32, #tpu.memory_space<vmem>>)
        tpu.yield
      }) : () -> ()
    } else {
    }
    %eq3A_48 = arith.constant 1 : i32
    %eq3A_49 = arith.cmpi eq, %arg0, %eq3A_48 : i32
    %convert_element_type3A_50 = arith.extui %eq3A_49 : i1 to i32
    %cond3A_51 = arith.constant 0 : i32
    %cond3A_52 = arith.cmpi ne, %convert_element_type3A_50, %cond3A_51 : i32
    scf.if %cond3A_52 {
      %run_scoped3A = arith.constant 0 : i32
      %run_scoped3A_73 = arith.constant 1 : i32
      "tpu.region"() ({
        %run_scoped3A_76 = tpu.sem_alloc : memref<!tpu.dma_semaphore, #tpu.memory_space<semaphore_mem>>
        %dma_start3A_77 = arith.constant 0 : i32
        %dma_start3A_78 = arith.constant 0 : i32
        %dma_start3A_79 = tpu.memref_slice %arg4[%run_scoped3A, %arg1, %run_scoped3A_73, %dma_start3A_77, %dma_start3A_78] : memref<2x16x2x40x125xi32, #tpu.memory_space<hbm>> -> memref<1x1x1x40x125xi32, #tpu.memory_space<hbm>>
        %dma_start3A_80 = tpu.memref_squeeze %dma_start3A_79 : memref<1x1x1x40x125xi32, #tpu.memory_space<hbm>> -> memref<40x125xi32, #tpu.memory_space<hbm>>
        %dma_start3A_81 = arith.constant 0 : i32
        %dma_start3A_82 = arith.constant 0 : i32
        %dma_start3A_83 = tpu.memref_slice %arg4[%run_scoped3A, %arg1, %run_scoped3A_73, %dma_start3A_81, %dma_start3A_82] : memref<2x16x2x40x125xi32, #tpu.memory_space<hbm>> -> memref<1x1x1x40x125xi32, #tpu.memory_space<hbm>>
        %dma_start3A_84 = tpu.memref_squeeze %dma_start3A_83 : memref<1x1x1x40x125xi32, #tpu.memory_space<hbm>> -> memref<40x125xi32, #tpu.memory_space<hbm>>
        tpu.enqueue_dma source(%dma_start3A_84 : memref<40x125xi32, #tpu.memory_space<hbm>>) target(%arg7 : memref<40x125xi32, #tpu.memory_space<vmem>>) target_semaphore(%run_scoped3A_76 : memref<!tpu.dma_semaphore, #tpu.memory_space<semaphore_mem>>)
        %dma_wait3A = arith.constant 0 : i32
        %dma_wait3A_85 = arith.constant 0 : i32
        %dma_wait3A_86 = tpu.memref_slice %arg4[%run_scoped3A, %arg1, %run_scoped3A_73, %dma_wait3A, %dma_wait3A_85] : memref<2x16x2x40x125xi32, #tpu.memory_space<hbm>> -> memref<1x1x1x40x125xi32, #tpu.memory_space<hbm>>
        %dma_wait3A_87 = tpu.memref_squeeze %dma_wait3A_86 : memref<1x1x1x40x125xi32, #tpu.memory_space<hbm>> -> memref<40x125xi32, #tpu.memory_space<hbm>>
        %dma_wait3A_88 = arith.constant 0 : i32
        %dma_wait3A_89 = arith.constant 0 : i32
        %dma_wait3A_90 = tpu.memref_slice %arg4[%run_scoped3A, %arg1, %run_scoped3A_73, %dma_wait3A_88, %dma_wait3A_89] : memref<2x16x2x40x125xi32, #tpu.memory_space<hbm>> -> memref<1x1x1x40x125xi32, #tpu.memory_space<hbm>>
        %dma_wait3A_91 = tpu.memref_squeeze %dma_wait3A_90 : memref<1x1x1x40x125xi32, #tpu.memory_space<hbm>> -> memref<40x125xi32, #tpu.memory_space<hbm>>
        tpu.wait_dma2 semaphore(%run_scoped3A_76 : memref<!tpu.dma_semaphore, #tpu.memory_space<semaphore_mem>>) src(%dma_wait3A_91 : memref<40x125xi32, #tpu.memory_space<hbm>>) dst(%arg7 : memref<40x125xi32, #tpu.memory_space<vmem>>)
        tpu.yield
      }) : () -> ()
      %run_scoped3A_74 = arith.constant 1 : i32
      %run_scoped3A_75 = arith.constant 1 : i32
      "tpu.region"() ({
        %run_scoped3A_76 = tpu.sem_alloc : memref<!tpu.dma_semaphore, #tpu.memory_space<semaphore_mem>>
        %dma_start3A_77 = arith.constant 0 : i32
        %dma_start3A_78 = arith.constant 0 : i32
        %dma_start3A_79 = tpu.memref_slice %arg4[%run_scoped3A_74, %arg1, %run_scoped3A_75, %dma_start3A_77, %dma_start3A_78] : memref<2x16x2x40x125xi32, #tpu.memory_space<hbm>> -> memref<1x1x1x40x125xi32, #tpu.memory_space<hbm>>
        %dma_start3A_80 = tpu.memref_squeeze %dma_start3A_79 : memref<1x1x1x40x125xi32, #tpu.memory_space<hbm>> -> memref<40x125xi32, #tpu.memory_space<hbm>>
        %dma_start3A_81 = arith.constant 0 : i32
        %dma_start3A_82 = arith.constant 0 : i32
        %dma_start3A_83 = tpu.memref_slice %arg4[%run_scoped3A_74, %arg1, %run_scoped3A_75, %dma_start3A_81, %dma_start3A_82] : memref<2x16x2x40x125xi32, #tpu.memory_space<hbm>> -> memref<1x1x1x40x125xi32, #tpu.memory_space<hbm>>
        %dma_start3A_84 = tpu.memref_squeeze %dma_start3A_83 : memref<1x1x1x40x125xi32, #tpu.memory_space<hbm>> -> memref<40x125xi32, #tpu.memory_space<hbm>>
        tpu.enqueue_dma source(%dma_start3A_84 : memref<40x125xi32, #tpu.memory_space<hbm>>) target(%arg8 : memref<40x125xi32, #tpu.memory_space<vmem>>) target_semaphore(%run_scoped3A_76 : memref<!tpu.dma_semaphore, #tpu.memory_space<semaphore_mem>>)
        %dma_wait3A = arith.constant 0 : i32
        %dma_wait3A_85 = arith.constant 0 : i32
        %dma_wait3A_86 = tpu.memref_slice %arg4[%run_scoped3A_74, %arg1, %run_scoped3A_75, %dma_wait3A, %dma_wait3A_85] : memref<2x16x2x40x125xi32, #tpu.memory_space<hbm>> -> memref<1x1x1x40x125xi32, #tpu.memory_space<hbm>>
        %dma_wait3A_87 = tpu.memref_squeeze %dma_wait3A_86 : memref<1x1x1x40x125xi32, #tpu.memory_space<hbm>> -> memref<40x125xi32, #tpu.memory_space<hbm>>
        %dma_wait3A_88 = arith.constant 0 : i32
        %dma_wait3A_89 = arith.constant 0 : i32
        %dma_wait3A_90 = tpu.memref_slice %arg4[%run_scoped3A_74, %arg1, %run_scoped3A_75, %dma_wait3A_88, %dma_wait3A_89] : memref<2x16x2x40x125xi32, #tpu.memory_space<hbm>> -> memref<1x1x1x40x125xi32, #tpu.memory_space<hbm>>
        %dma_wait3A_91 = tpu.memref_squeeze %dma_wait3A_90 : memref<1x1x1x40x125xi32, #tpu.memory_space<hbm>> -> memref<40x125xi32, #tpu.memory_space<hbm>>
        tpu.wait_dma2 semaphore(%run_scoped3A_76 : memref<!tpu.dma_semaphore, #tpu.memory_space<semaphore_mem>>) src(%dma_wait3A_91 : memref<40x125xi32, #tpu.memory_space<hbm>>) dst(%arg8 : memref<40x125xi32, #tpu.memory_space<vmem>>)
        tpu.yield
      }) : () -> ()
    } else {
    }
    %dma_start3A_53 = arith.constant 0 : i32
    %dma_start3A_54 = arith.constant 0 : i32
    %dma_start3A_55 = arith.constant 0 : i32
    %dma_start3A_56 = tpu.memref_slice %arg9[%dma_start3A_54, %dma_start3A_55] : memref<128x128xf32, #tpu.memory_space<vmem>> -> memref<125x128xf32, #tpu.memory_space<vmem>>
    %dma_start3A_57 = arith.constant 0 : i32
    %dma_start3A_58 = tpu.memref_slice %arg7[%dma_start3A_53, %dma_start3A_57] : memref<40x125xi32, #tpu.memory_space<vmem>> -> memref<1x125xi32, #tpu.memory_space<vmem>>
    %dma_start3A_59 = tpu.memref_squeeze %dma_start3A_58 : memref<1x125xi32, #tpu.memory_space<vmem>> -> memref<125xi32, #tpu.memory_space<vmem>>
    %dma_start3A_60 = arith.constant 0 : i32
    %dma_start3A_61 = arith.constant 0 : i32
    %dma_start3A_62 = tpu.memref_slice %arg2[%dma_start3A_60, %dma_start3A_61] : memref<10240x128xf32, #tpu.memory_space<hbm>> -> memref<10240x128xf32, #tpu.memory_space<hbm>>
    tpu.enqueue_indirect_dma source(%dma_start3A_62 : memref<10240x128xf32, #tpu.memory_space<hbm>>) target(%dma_start3A_56 : memref<125x128xf32, #tpu.memory_space<vmem>>) offsets(%dma_start3A_59 : memref<125xi32, #tpu.memory_space<vmem>>) semaphore(%arg12 : memref<!tpu.dma_semaphore, #tpu.memory_space<semaphore_mem>>)
    %scan3A_63 = arith.constant 0 : i32
    %scan3A_64 = arith.constant 0 : i32
    %scan3A_65 = arith.constant 20 : i32
    %scan3A_66 = arith.addi %scan3A_64, %scan3A_65 : i32
    %scan3A_67 = arith.constant 1 : i32
    scf.for %scan3A_73 = %scan3A_64 to %scan3A_66 step %scan3A_67  : i32 {
      %mul3A_74 = arith.constant 2 : i32
      %mul3A_75 = arith.muli %mul3A_74, %scan3A_73 : i32
      %add3A_76 = arith.constant 1 : i32
      %add3A_77 = arith.addi %mul3A_75, %add3A_76 : i32
      %dma_start3A_78 = arith.constant 0 : i32
      %dma_start3A_79 = arith.constant 0 : i32
      %dma_start3A_80 = tpu.memref_slice %arg10[%dma_start3A_78, %dma_start3A_79] : memref<128x128xf32, #tpu.memory_space<vmem>> -> memref<125x128xf32, #tpu.memory_space<vmem>>
      %dma_start3A_81 = arith.constant 0 : i32
      %dma_start3A_82 = tpu.memref_slice %arg7[%add3A_77, %dma_start3A_81] : memref<40x125xi32, #tpu.memory_space<vmem>> -> memref<1x125xi32, #tpu.memory_space<vmem>>
      %dma_start3A_83 = tpu.memref_squeeze %dma_start3A_82 : memref<1x125xi32, #tpu.memory_space<vmem>> -> memref<125xi32, #tpu.memory_space<vmem>>
      %dma_start3A_84 = arith.constant 0 : i32
      %dma_start3A_85 = arith.constant 0 : i32
      %dma_start3A_86 = tpu.memref_slice %arg2[%dma_start3A_84, %dma_start3A_85] : memref<10240x128xf32, #tpu.memory_space<hbm>> -> memref<10240x128xf32, #tpu.memory_space<hbm>>
      tpu.enqueue_indirect_dma source(%dma_start3A_86 : memref<10240x128xf32, #tpu.memory_space<hbm>>) target(%dma_start3A_80 : memref<125x128xf32, #tpu.memory_space<vmem>>) offsets(%dma_start3A_83 : memref<125xi32, #tpu.memory_space<vmem>>) semaphore(%arg13 : memref<!tpu.dma_semaphore, #tpu.memory_space<semaphore_mem>>)
      %dma_wait3A = arith.constant 0 : i32
      %dma_wait3A_87 = arith.constant 0 : i32
      %dma_wait3A_88 = arith.constant 0 : i32
      %dma_wait3A_89 = tpu.memref_slice %arg9[%dma_wait3A_87, %dma_wait3A_88] : memref<128x128xf32, #tpu.memory_space<vmem>> -> memref<125x128xf32, #tpu.memory_space<vmem>>
      %dma_wait3A_90 = arith.constant 0 : i32
      %dma_wait3A_91 = tpu.memref_slice %arg7[%dma_wait3A, %dma_wait3A_90] : memref<40x125xi32, #tpu.memory_space<vmem>> -> memref<1x125xi32, #tpu.memory_space<vmem>>
      %dma_wait3A_92 = tpu.memref_squeeze %dma_wait3A_91 : memref<1x125xi32, #tpu.memory_space<vmem>> -> memref<125xi32, #tpu.memory_space<vmem>>
      %dma_wait3A_93 = arith.constant 0 : i32
      %dma_wait3A_94 = arith.constant 0 : i32
      %dma_wait3A_95 = tpu.memref_slice %arg2[%dma_wait3A_93, %dma_wait3A_94] : memref<10240x128xf32, #tpu.memory_space<hbm>> -> memref<10240x128xf32, #tpu.memory_space<hbm>>
      tpu.wait_indirect_dma semaphore(%arg12 : memref<!tpu.dma_semaphore, #tpu.memory_space<semaphore_mem>>) src(%dma_wait3A_95 : memref<10240x128xf32, #tpu.memory_space<hbm>>) dst(%dma_wait3A_89 : memref<125x128xf32, #tpu.memory_space<vmem>>)
      %mul3A_96 = arith.constant 2 : i32
      %mul3A_97 = arith.muli %mul3A_96, %scan3A_73 : i32
      "tpu.region"() ({
        %run_scoped3A = tpu.sem_alloc : memref<!tpu.dma_semaphore, #tpu.memory_space<semaphore_mem>>
        %dma_start3A_116 = arith.constant 0 : i32
        %dma_start3A_117 = arith.constant 0 : i32
        %dma_start3A_118 = tpu.memref_slice %arg9[%dma_start3A_116, %dma_start3A_117] : memref<128x128xf32, #tpu.memory_space<vmem>> -> memref<125x128xf32, #tpu.memory_space<vmem>>
        %dma_start3A_119 = arith.constant 0 : i32
        %dma_start3A_120 = tpu.memref_slice %arg8[%mul3A_97, %dma_start3A_119] : memref<40x125xi32, #tpu.memory_space<vmem>> -> memref<1x125xi32, #tpu.memory_space<vmem>>
        %dma_start3A_121 = tpu.memref_squeeze %dma_start3A_120 : memref<1x125xi32, #tpu.memory_space<vmem>> -> memref<125xi32, #tpu.memory_space<vmem>>
        %dma_start3A_122 = arith.constant 0 : i32
        %dma_start3A_123 = arith.constant 0 : i32
        %dma_start3A_124 = tpu.memref_slice %arg11[%dma_start3A_122, %dma_start3A_123] : memref<10240x128xf32, #tpu.memory_space<vmem_shared>> -> memref<10240x128xf32, #tpu.memory_space<vmem_shared>>
        tpu.enqueue_indirect_dma source(%dma_start3A_118 : memref<125x128xf32, #tpu.memory_space<vmem>>) target(%dma_start3A_124 : memref<10240x128xf32, #tpu.memory_space<vmem_shared>>) offsets(%dma_start3A_121 : memref<125xi32, #tpu.memory_space<vmem>>) semaphore(%run_scoped3A : memref<!tpu.dma_semaphore, #tpu.memory_space<semaphore_mem>>) {add = true}
        %dma_wait3A_125 = arith.constant 0 : i32
        %dma_wait3A_126 = arith.constant 0 : i32
        %dma_wait3A_127 = tpu.memref_slice %arg9[%dma_wait3A_125, %dma_wait3A_126] : memref<128x128xf32, #tpu.memory_space<vmem>> -> memref<125x128xf32, #tpu.memory_space<vmem>>
        %dma_wait3A_128 = arith.constant 0 : i32
        %dma_wait3A_129 = tpu.memref_slice %arg8[%mul3A_97, %dma_wait3A_128] : memref<40x125xi32, #tpu.memory_space<vmem>> -> memref<1x125xi32, #tpu.memory_space<vmem>>
        %dma_wait3A_130 = tpu.memref_squeeze %dma_wait3A_129 : memref<1x125xi32, #tpu.memory_space<vmem>> -> memref<125xi32, #tpu.memory_space<vmem>>
        %dma_wait3A_131 = arith.constant 0 : i32
        %dma_wait3A_132 = arith.constant 0 : i32
        %dma_wait3A_133 = tpu.memref_slice %arg11[%dma_wait3A_131, %dma_wait3A_132] : memref<10240x128xf32, #tpu.memory_space<vmem_shared>> -> memref<10240x128xf32, #tpu.memory_space<vmem_shared>>
        tpu.wait_indirect_dma semaphore(%run_scoped3A : memref<!tpu.dma_semaphore, #tpu.memory_space<semaphore_mem>>) src(%dma_wait3A_127 : memref<125x128xf32, #tpu.memory_space<vmem>>) dst(%dma_wait3A_133 : memref<10240x128xf32, #tpu.memory_space<vmem_shared>>)
        tpu.yield
      }) : () -> ()
      %lt3A = arith.constant 19 : i32
      %lt3A_98 = arith.cmpi slt, %scan3A_73, %lt3A : i32
      %convert_element_type3A_99 = arith.extui %lt3A_98 : i1 to i32
      %cond3A_100 = arith.constant 0 : i32
      %cond3A_101 = arith.cmpi ne, %convert_element_type3A_99, %cond3A_100 : i32
      scf.if %cond3A_101 {
        %mul3A_116 = arith.constant 2 : i32
        %mul3A_117 = arith.muli %mul3A_116, %scan3A_73 : i32
        %add3A_118 = arith.constant 2 : i32
        %add3A_119 = arith.addi %mul3A_117, %add3A_118 : i32
        %dma_start3A_120 = arith.constant 0 : i32
        %dma_start3A_121 = arith.constant 0 : i32
        %dma_start3A_122 = tpu.memref_slice %arg9[%dma_start3A_120, %dma_start3A_121] : memref<128x128xf32, #tpu.memory_space<vmem>> -> memref<125x128xf32, #tpu.memory_space<vmem>>
        %dma_start3A_123 = arith.constant 0 : i32
        %dma_start3A_124 = tpu.memref_slice %arg7[%add3A_119, %dma_start3A_123] : memref<40x125xi32, #tpu.memory_space<vmem>> -> memref<1x125xi32, #tpu.memory_space<vmem>>
        %dma_start3A_125 = tpu.memref_squeeze %dma_start3A_124 : memref<1x125xi32, #tpu.memory_space<vmem>> -> memref<125xi32, #tpu.memory_space<vmem>>
        %dma_start3A_126 = arith.constant 0 : i32
        %dma_start3A_127 = arith.constant 0 : i32
        %dma_start3A_128 = tpu.memref_slice %arg2[%dma_start3A_126, %dma_start3A_127] : memref<10240x128xf32, #tpu.memory_space<hbm>> -> memref<10240x128xf32, #tpu.memory_space<hbm>>
        tpu.enqueue_indirect_dma source(%dma_start3A_128 : memref<10240x128xf32, #tpu.memory_space<hbm>>) target(%dma_start3A_122 : memref<125x128xf32, #tpu.memory_space<vmem>>) offsets(%dma_start3A_125 : memref<125xi32, #tpu.memory_space<vmem>>) semaphore(%arg12 : memref<!tpu.dma_semaphore, #tpu.memory_space<semaphore_mem>>)
      } else {
      }
      %dma_wait3A_102 = arith.constant 0 : i32
      %dma_wait3A_103 = arith.constant 0 : i32
      %dma_wait3A_104 = arith.constant 0 : i32
      %dma_wait3A_105 = tpu.memref_slice %arg10[%dma_wait3A_103, %dma_wait3A_104] : memref<128x128xf32, #tpu.memory_space<vmem>> -> memref<125x128xf32, #tpu.memory_space<vmem>>
      %dma_wait3A_106 = arith.constant 0 : i32
      %dma_wait3A_107 = tpu.memref_slice %arg7[%dma_wait3A_102, %dma_wait3A_106] : memref<40x125xi32, #tpu.memory_space<vmem>> -> memref<1x125xi32, #tpu.memory_space<vmem>>
      %dma_wait3A_108 = tpu.memref_squeeze %dma_wait3A_107 : memref<1x125xi32, #tpu.memory_space<vmem>> -> memref<125xi32, #tpu.memory_space<vmem>>
      %dma_wait3A_109 = arith.constant 0 : i32
      %dma_wait3A_110 = arith.constant 0 : i32
      %dma_wait3A_111 = tpu.memref_slice %arg2[%dma_wait3A_109, %dma_wait3A_110] : memref<10240x128xf32, #tpu.memory_space<hbm>> -> memref<10240x128xf32, #tpu.memory_space<hbm>>
      tpu.wait_indirect_dma semaphore(%arg13 : memref<!tpu.dma_semaphore, #tpu.memory_space<semaphore_mem>>) src(%dma_wait3A_111 : memref<10240x128xf32, #tpu.memory_space<hbm>>) dst(%dma_wait3A_105 : memref<125x128xf32, #tpu.memory_space<vmem>>)
      %mul3A_112 = arith.constant 2 : i32
      %mul3A_113 = arith.muli %mul3A_112, %scan3A_73 : i32
      %add3A_114 = arith.constant 1 : i32
      %add3A_115 = arith.addi %mul3A_113, %add3A_114 : i32
      "tpu.region"() ({
        %run_scoped3A = tpu.sem_alloc : memref<!tpu.dma_semaphore, #tpu.memory_space<semaphore_mem>>
        %dma_start3A_116 = arith.constant 0 : i32
        %dma_start3A_117 = arith.constant 0 : i32
        %dma_start3A_118 = tpu.memref_slice %arg10[%dma_start3A_116, %dma_start3A_117] : memref<128x128xf32, #tpu.memory_space<vmem>> -> memref<125x128xf32, #tpu.memory_space<vmem>>
        %dma_start3A_119 = arith.constant 0 : i32
        %dma_start3A_120 = tpu.memref_slice %arg8[%add3A_115, %dma_start3A_119] : memref<40x125xi32, #tpu.memory_space<vmem>> -> memref<1x125xi32, #tpu.memory_space<vmem>>
        %dma_start3A_121 = tpu.memref_squeeze %dma_start3A_120 : memref<1x125xi32, #tpu.memory_space<vmem>> -> memref<125xi32, #tpu.memory_space<vmem>>
        %dma_start3A_122 = arith.constant 0 : i32
        %dma_start3A_123 = arith.constant 0 : i32
        %dma_start3A_124 = tpu.memref_slice %arg11[%dma_start3A_122, %dma_start3A_123] : memref<10240x128xf32, #tpu.memory_space<vmem_shared>> -> memref<10240x128xf32, #tpu.memory_space<vmem_shared>>
        tpu.enqueue_indirect_dma source(%dma_start3A_118 : memref<125x128xf32, #tpu.memory_space<vmem>>) target(%dma_start3A_124 : memref<10240x128xf32, #tpu.memory_space<vmem_shared>>) offsets(%dma_start3A_121 : memref<125xi32, #tpu.memory_space<vmem>>) semaphore(%run_scoped3A : memref<!tpu.dma_semaphore, #tpu.memory_space<semaphore_mem>>) {add = true}
        %dma_wait3A_125 = arith.constant 0 : i32
        %dma_wait3A_126 = arith.constant 0 : i32
        %dma_wait3A_127 = tpu.memref_slice %arg10[%dma_wait3A_125, %dma_wait3A_126] : memref<128x128xf32, #tpu.memory_space<vmem>> -> memref<125x128xf32, #tpu.memory_space<vmem>>
        %dma_wait3A_128 = arith.constant 0 : i32
        %dma_wait3A_129 = tpu.memref_slice %arg8[%add3A_115, %dma_wait3A_128] : memref<40x125xi32, #tpu.memory_space<vmem>> -> memref<1x125xi32, #tpu.memory_space<vmem>>
        %dma_wait3A_130 = tpu.memref_squeeze %dma_wait3A_129 : memref<1x125xi32, #tpu.memory_space<vmem>> -> memref<125xi32, #tpu.memory_space<vmem>>
        %dma_wait3A_131 = arith.constant 0 : i32
        %dma_wait3A_132 = arith.constant 0 : i32
        %dma_wait3A_133 = tpu.memref_slice %arg11[%dma_wait3A_131, %dma_wait3A_132] : memref<10240x128xf32, #tpu.memory_space<vmem_shared>> -> memref<10240x128xf32, #tpu.memory_space<vmem_shared>>
        tpu.wait_indirect_dma semaphore(%run_scoped3A : memref<!tpu.dma_semaphore, #tpu.memory_space<semaphore_mem>>) src(%dma_wait3A_127 : memref<125x128xf32, #tpu.memory_space<vmem>>) dst(%dma_wait3A_133 : memref<10240x128xf32, #tpu.memory_space<vmem_shared>>)
        tpu.yield
      }) : () -> ()
    }
    %scan3A_68 = arith.constant 20 : i32
    %barrier3A_69 = arith.constant 0 : index
    tpu.barrier barrier_id(%barrier3A_69)
    %mul3A_70 = arith.constant 640 : i32
    %mul3A_71 = arith.muli %arg1, %mul3A_70 : i32
    %multiple_of3A_72 = tpu.assume_multiple %mul3A_71, 128 : i32
    "tpu.region"() ({
      %run_scoped3A = tpu.sem_alloc : memref<!tpu.dma_semaphore, #tpu.memory_space<semaphore_mem>>
      %dma_start3A_73 = arith.constant 0 : i32
      %dma_start3A_74 = arith.constant 0 : i32
      %dma_start3A_75 = tpu.memref_slice %arg6[%arg0, %arg1, %dma_start3A_73, %dma_start3A_74] : memref<2x16x640x128xf32, #tpu.memory_space<hbm>> -> memref<1x1x640x128xf32, #tpu.memory_space<hbm>>
      %dma_start3A_76 = tpu.memref_squeeze %dma_start3A_75 : memref<1x1x640x128xf32, #tpu.memory_space<hbm>> -> memref<640x128xf32, #tpu.memory_space<hbm>>
      %dma_start3A_77 = arith.constant 0 : i32
      %dma_start3A_78 = tpu.memref_slice %arg11[%multiple_of3A_72, %dma_start3A_77] : memref<10240x128xf32, #tpu.memory_space<vmem_shared>> -> memref<640x128xf32, #tpu.memory_space<vmem_shared>>
      tpu.enqueue_dma source(%dma_start3A_78 : memref<640x128xf32, #tpu.memory_space<vmem_shared>>) target(%dma_start3A_76 : memref<640x128xf32, #tpu.memory_space<hbm>>) target_semaphore(%run_scoped3A : memref<!tpu.dma_semaphore, #tpu.memory_space<semaphore_mem>>)
      %dma_wait3A = arith.constant 0 : i32
      %dma_wait3A_79 = arith.constant 0 : i32
      %dma_wait3A_80 = tpu.memref_slice %arg6[%arg0, %arg1, %dma_wait3A, %dma_wait3A_79] : memref<2x16x640x128xf32, #tpu.memory_space<hbm>> -> memref<1x1x640x128xf32, #tpu.memory_space<hbm>>
      %dma_wait3A_81 = tpu.memref_squeeze %dma_wait3A_80 : memref<1x1x640x128xf32, #tpu.memory_space<hbm>> -> memref<640x128xf32, #tpu.memory_space<hbm>>
      %dma_wait3A_82 = arith.constant 0 : i32
      %dma_wait3A_83 = tpu.memref_slice %arg11[%multiple_of3A_72, %dma_wait3A_82] : memref<10240x128xf32, #tpu.memory_space<vmem_shared>> -> memref<640x128xf32, #tpu.memory_space<vmem_shared>>
      tpu.wait_dma2 semaphore(%run_scoped3A : memref<!tpu.dma_semaphore, #tpu.memory_space<semaphore_mem>>) src(%dma_wait3A_83 : memref<640x128xf32, #tpu.memory_space<vmem_shared>>) dst(%dma_wait3A_81 : memref<640x128xf32, #tpu.memory_space<hbm>>)
      tpu.yield
    }) : () -> ()
    return
  }
}

module attributes {stable_mosaic.version = 14 : i64} {
  func.func @body(%arg0: i32, %arg1: memref<2048x128xf32, #tpu.memory_space<vmem>>, %arg2: memref<2x128x128xf32, #tpu.memory_space<vmem>>, %arg3: memref<2x128xf32, #tpu.memory_space<vmem>>, %arg4: memref<2x128xf32, #tpu.memory_space<vmem>>, %arg5: memref<2x128xf32, #tpu.memory_space<vmem>>, %arg6: memref<2048x128xf32, #tpu.memory_space<vmem>>) attributes {dimension_semantics = [#tpu.dimension_semantics<arbitrary>], iteration_bounds = array<i64: 5>, scalar_prefetch = 0 : i64, scratch_operands = 0 : i64, tpu.core_type = #tpu.core_type<tc>, window_params = [{transform_indices = @transform_0, window_bounds = array<i64: 2048, 128>}, {pipeline_mode = #tpu.pipeline_mode<synchronous>, transform_indices = @transform_1, window_bounds = array<i64: 2, 128, 128>}, {pipeline_mode = #tpu.pipeline_mode<synchronous>, transform_indices = @transform_2, window_bounds = array<i64: 2, 128>}, {pipeline_mode = #tpu.pipeline_mode<synchronous>, transform_indices = @transform_3, window_bounds = array<i64: 2, 128>}, {pipeline_mode = #tpu.pipeline_mode<synchronous>, transform_indices = @transform_4, window_bounds = array<i64: 2, 128>}, {transform_indices = @transform_5, window_bounds = array<i64: 2048, 128>}]} {
    %get3A = arith.constant 0 : index
    %get3A_0 = arith.constant 0 : index
    %get3A_1 = vector.load %arg1[%get3A, %get3A_0] : memref<2048x128xf32, #tpu.memory_space<vmem>>, vector<2048x128xf32>
    %get3A_2 = arith.constant 0 : index
    %get3A_3 = arith.constant 0 : index
    %get3A_4 = arith.constant 0 : index
    %get3A_5 = vector.load %arg2[%get3A_2, %get3A_3, %get3A_4] : memref<2x128x128xf32, #tpu.memory_space<vmem>>, vector<1x128x128xf32>
    %get3A_6 = vector.shape_cast %get3A_5 : vector<1x128x128xf32> to vector<128x128xf32>
    %dot_general3A = arith.constant dense<0.000000e+00> : vector<2048x128xf32>
    %dot_general3A_7 = tpu.matmul %get3A_1, %get3A_6, %dot_general3A {dimension_numbers = #tpu.dot_dimension_numbers<[1], [0], [0], [1], [0, 0, 1, 1], [], []>, precision = #tpu.contract_precision<fp32>, transpose_lhs_hint = false} : vector<2048x128xf32>, vector<128x128xf32>, vector<2048x128xf32> -> vector<2048x128xf32>
    %get3A_8 = arith.constant 0 : index
    %get3A_9 = arith.constant 0 : index
    %get3A_10 = vector.load %arg3[%get3A_8, %get3A_9] : memref<2x128xf32, #tpu.memory_space<vmem>>, vector<1x128xf32>
    %get3A_11 = vector.shape_cast %get3A_10 : vector<1x128xf32> to vector<128xf32>
    %broadcast_in_dim3A = vector.shape_cast %get3A_11 : vector<128xf32> to vector<1x128xf32>
    %add3A = vector.broadcast %broadcast_in_dim3A : vector<1x128xf32> to vector<2048x128xf32>
    %add3A_12 = arith.addf %dot_general3A_7, %add3A : vector<2048x128xf32>
    %integer_pow3A = arith.mulf %add3A_12, %add3A_12 : vector<2048x128xf32>
    %integer_pow3A_13 = arith.mulf %add3A_12, %integer_pow3A : vector<2048x128xf32>
    %mul3A = arith.constant 4.471500e-02 : f32
    %mul3A_14 = vector.broadcast %mul3A : f32 to vector<2048x128xf32>
    %mul3A_15 = arith.mulf %mul3A_14, %integer_pow3A_13 : vector<2048x128xf32>
    %add3A_16 = arith.addf %add3A_12, %mul3A_15 : vector<2048x128xf32>
    %mul3A_17 = arith.constant 0.797884583 : f32
    %mul3A_18 = vector.broadcast %mul3A_17 : f32 to vector<2048x128xf32>
    %mul3A_19 = arith.mulf %mul3A_18, %add3A_16 : vector<2048x128xf32>
    %tanh3A = math.tanh %mul3A_19 : vector<2048x128xf32>
    %add3A_20 = arith.constant 1.000000e+00 : f32
    %add3A_21 = vector.broadcast %add3A_20 : f32 to vector<2048x128xf32>
    %add3A_22 = arith.addf %add3A_21, %tanh3A : vector<2048x128xf32>
    %mul3A_23 = arith.constant 5.000000e-01 : f32
    %mul3A_24 = vector.broadcast %mul3A_23 : f32 to vector<2048x128xf32>
    %mul3A_25 = arith.mulf %mul3A_24, %add3A_22 : vector<2048x128xf32>
    %mul3A_26 = arith.mulf %add3A_12, %mul3A_25 : vector<2048x128xf32>
    %get3A_27 = arith.constant 0 : index
    %get3A_28 = arith.constant 0 : index
    %get3A_29 = vector.load %arg4[%get3A_27, %get3A_28] : memref<2x128xf32, #tpu.memory_space<vmem>>, vector<1x128xf32>
    %get3A_30 = vector.shape_cast %get3A_29 : vector<1x128xf32> to vector<128xf32>
    %get3A_31 = arith.constant 0 : index
    %get3A_32 = arith.constant 0 : index
    %get3A_33 = vector.load %arg5[%get3A_31, %get3A_32] : memref<2x128xf32, #tpu.memory_space<vmem>>, vector<1x128xf32>
    %get3A_34 = vector.shape_cast %get3A_33 : vector<1x128xf32> to vector<128xf32>
    %reduce_sum3A = arith.constant dense<0.000000e+00> : vector<2048xf32>
    %reduce_sum3A_35 = vector.multi_reduction <add>, %mul3A_26, %reduce_sum3A [1] : vector<2048x128xf32> to vector<2048xf32>
    %broadcast_in_dim3A_36 = vector.shape_cast %reduce_sum3A_35 : vector<2048xf32> to vector<2048x1xf32>
    %div3A = arith.constant 1.280000e+02 : f32
    %div3A_37 = vector.broadcast %div3A : f32 to vector<2048x1xf32>
    %div3A_38 = arith.divf %broadcast_in_dim3A_36, %div3A_37 : vector<2048x1xf32>
    %sub3A = vector.broadcast %div3A_38 : vector<2048x1xf32> to vector<2048x128xf32>
    %sub3A_39 = arith.subf %mul3A_26, %sub3A : vector<2048x128xf32>
    %integer_pow3A_40 = arith.mulf %sub3A_39, %sub3A_39 : vector<2048x128xf32>
    %reduce_sum3A_41 = arith.constant dense<0.000000e+00> : vector<2048xf32>
    %reduce_sum3A_42 = vector.multi_reduction <add>, %integer_pow3A_40, %reduce_sum3A_41 [1] : vector<2048x128xf32> to vector<2048xf32>
    %broadcast_in_dim3A_43 = vector.shape_cast %reduce_sum3A_42 : vector<2048xf32> to vector<2048x1xf32>
    %div3A_44 = arith.constant 1.280000e+02 : f32
    %div3A_45 = vector.broadcast %div3A_44 : f32 to vector<2048x1xf32>
    %div3A_46 = arith.divf %broadcast_in_dim3A_43, %div3A_45 : vector<2048x1xf32>
    %sub3A_47 = vector.broadcast %div3A_38 : vector<2048x1xf32> to vector<2048x128xf32>
    %sub3A_48 = arith.subf %mul3A_26, %sub3A_47 : vector<2048x128xf32>
    %add3A_49 = arith.constant 9.99999974E-6 : f32
    %add3A_50 = vector.broadcast %add3A_49 : f32 to vector<2048x1xf32>
    %add3A_51 = arith.addf %div3A_46, %add3A_50 : vector<2048x1xf32>
    %sqrt3A = math.sqrt %add3A_51 : vector<2048x1xf32>
    %div3A_52 = vector.broadcast %sqrt3A : vector<2048x1xf32> to vector<2048x128xf32>
    %div3A_53 = arith.divf %sub3A_48, %div3A_52 : vector<2048x128xf32>
    %broadcast_in_dim3A_54 = vector.shape_cast %get3A_30 : vector<128xf32> to vector<1x128xf32>
    %mul3A_55 = vector.broadcast %broadcast_in_dim3A_54 : vector<1x128xf32> to vector<2048x128xf32>
    %mul3A_56 = arith.mulf %div3A_53, %mul3A_55 : vector<2048x128xf32>
    %broadcast_in_dim3A_57 = vector.shape_cast %get3A_34 : vector<128xf32> to vector<1x128xf32>
    %add3A_58 = vector.broadcast %broadcast_in_dim3A_57 : vector<1x128xf32> to vector<2048x128xf32>
    %add3A_59 = arith.addf %mul3A_56, %add3A_58 : vector<2048x128xf32>
    %get3A_60 = arith.constant 1 : index
    %get3A_61 = arith.constant 0 : index
    %get3A_62 = arith.constant 0 : index
    %get3A_63 = vector.load %arg2[%get3A_60, %get3A_61, %get3A_62] : memref<2x128x128xf32, #tpu.memory_space<vmem>>, vector<1x128x128xf32>
    %get3A_64 = vector.shape_cast %get3A_63 : vector<1x128x128xf32> to vector<128x128xf32>
    %dot_general3A_65 = arith.constant dense<0.000000e+00> : vector<2048x128xf32>
    %dot_general3A_66 = tpu.matmul %add3A_59, %get3A_64, %dot_general3A_65 {dimension_numbers = #tpu.dot_dimension_numbers<[1], [0], [0], [1], [0, 0, 1, 1], [], []>, precision = #tpu.contract_precision<fp32>, transpose_lhs_hint = false} : vector<2048x128xf32>, vector<128x128xf32>, vector<2048x128xf32> -> vector<2048x128xf32>
    %get3A_67 = arith.constant 1 : index
    %get3A_68 = arith.constant 0 : index
    %get3A_69 = vector.load %arg3[%get3A_67, %get3A_68] : memref<2x128xf32, #tpu.memory_space<vmem>>, vector<1x128xf32>
    %get3A_70 = vector.shape_cast %get3A_69 : vector<1x128xf32> to vector<128xf32>
    %broadcast_in_dim3A_71 = vector.shape_cast %get3A_70 : vector<128xf32> to vector<1x128xf32>
    %add3A_72 = vector.broadcast %broadcast_in_dim3A_71 : vector<1x128xf32> to vector<2048x128xf32>
    %add3A_73 = arith.addf %dot_general3A_66, %add3A_72 : vector<2048x128xf32>
    %integer_pow3A_74 = arith.mulf %add3A_73, %add3A_73 : vector<2048x128xf32>
    %integer_pow3A_75 = arith.mulf %add3A_73, %integer_pow3A_74 : vector<2048x128xf32>
    %mul3A_76 = arith.constant 4.471500e-02 : f32
    %mul3A_77 = vector.broadcast %mul3A_76 : f32 to vector<2048x128xf32>
    %mul3A_78 = arith.mulf %mul3A_77, %integer_pow3A_75 : vector<2048x128xf32>
    %add3A_79 = arith.addf %add3A_73, %mul3A_78 : vector<2048x128xf32>
    %mul3A_80 = arith.constant 0.797884583 : f32
    %mul3A_81 = vector.broadcast %mul3A_80 : f32 to vector<2048x128xf32>
    %mul3A_82 = arith.mulf %mul3A_81, %add3A_79 : vector<2048x128xf32>
    %tanh3A_83 = math.tanh %mul3A_82 : vector<2048x128xf32>
    %add3A_84 = arith.constant 1.000000e+00 : f32
    %add3A_85 = vector.broadcast %add3A_84 : f32 to vector<2048x128xf32>
    %add3A_86 = arith.addf %add3A_85, %tanh3A_83 : vector<2048x128xf32>
    %mul3A_87 = arith.constant 5.000000e-01 : f32
    %mul3A_88 = vector.broadcast %mul3A_87 : f32 to vector<2048x128xf32>
    %mul3A_89 = arith.mulf %mul3A_88, %add3A_86 : vector<2048x128xf32>
    %mul3A_90 = arith.mulf %add3A_73, %mul3A_89 : vector<2048x128xf32>
    %get3A_91 = arith.constant 1 : index
    %get3A_92 = arith.constant 0 : index
    %get3A_93 = vector.load %arg4[%get3A_91, %get3A_92] : memref<2x128xf32, #tpu.memory_space<vmem>>, vector<1x128xf32>
    %get3A_94 = vector.shape_cast %get3A_93 : vector<1x128xf32> to vector<128xf32>
    %get3A_95 = arith.constant 1 : index
    %get3A_96 = arith.constant 0 : index
    %get3A_97 = vector.load %arg5[%get3A_95, %get3A_96] : memref<2x128xf32, #tpu.memory_space<vmem>>, vector<1x128xf32>
    %get3A_98 = vector.shape_cast %get3A_97 : vector<1x128xf32> to vector<128xf32>
    %reduce_sum3A_99 = arith.constant dense<0.000000e+00> : vector<2048xf32>
    %reduce_sum3A_100 = vector.multi_reduction <add>, %mul3A_90, %reduce_sum3A_99 [1] : vector<2048x128xf32> to vector<2048xf32>
    %broadcast_in_dim3A_101 = vector.shape_cast %reduce_sum3A_100 : vector<2048xf32> to vector<2048x1xf32>
    %div3A_102 = arith.constant 1.280000e+02 : f32
    %div3A_103 = vector.broadcast %div3A_102 : f32 to vector<2048x1xf32>
    %div3A_104 = arith.divf %broadcast_in_dim3A_101, %div3A_103 : vector<2048x1xf32>
    %sub3A_105 = vector.broadcast %div3A_104 : vector<2048x1xf32> to vector<2048x128xf32>
    %sub3A_106 = arith.subf %mul3A_90, %sub3A_105 : vector<2048x128xf32>
    %integer_pow3A_107 = arith.mulf %sub3A_106, %sub3A_106 : vector<2048x128xf32>
    %reduce_sum3A_108 = arith.constant dense<0.000000e+00> : vector<2048xf32>
    %reduce_sum3A_109 = vector.multi_reduction <add>, %integer_pow3A_107, %reduce_sum3A_108 [1] : vector<2048x128xf32> to vector<2048xf32>
    %broadcast_in_dim3A_110 = vector.shape_cast %reduce_sum3A_109 : vector<2048xf32> to vector<2048x1xf32>
    %div3A_111 = arith.constant 1.280000e+02 : f32
    %div3A_112 = vector.broadcast %div3A_111 : f32 to vector<2048x1xf32>
    %div3A_113 = arith.divf %broadcast_in_dim3A_110, %div3A_112 : vector<2048x1xf32>
    %sub3A_114 = vector.broadcast %div3A_104 : vector<2048x1xf32> to vector<2048x128xf32>
    %sub3A_115 = arith.subf %mul3A_90, %sub3A_114 : vector<2048x128xf32>
    %add3A_116 = arith.constant 9.99999974E-6 : f32
    %add3A_117 = vector.broadcast %add3A_116 : f32 to vector<2048x1xf32>
    %add3A_118 = arith.addf %div3A_113, %add3A_117 : vector<2048x1xf32>
    %sqrt3A_119 = math.sqrt %add3A_118 : vector<2048x1xf32>
    %div3A_120 = vector.broadcast %sqrt3A_119 : vector<2048x1xf32> to vector<2048x128xf32>
    %div3A_121 = arith.divf %sub3A_115, %div3A_120 : vector<2048x128xf32>
    %broadcast_in_dim3A_122 = vector.shape_cast %get3A_94 : vector<128xf32> to vector<1x128xf32>
    %mul3A_123 = vector.broadcast %broadcast_in_dim3A_122 : vector<1x128xf32> to vector<2048x128xf32>
    %mul3A_124 = arith.mulf %div3A_121, %mul3A_123 : vector<2048x128xf32>
    %broadcast_in_dim3A_125 = vector.shape_cast %get3A_98 : vector<128xf32> to vector<1x128xf32>
    %add3A_126 = vector.broadcast %broadcast_in_dim3A_125 : vector<1x128xf32> to vector<2048x128xf32>
    %add3A_127 = arith.addf %mul3A_124, %add3A_126 : vector<2048x128xf32>
    %swap3A = arith.constant 0 : index
    %swap3A_128 = arith.constant 0 : index
    %swap3A_129 = vector.load %arg6[%swap3A, %swap3A_128] : memref<2048x128xf32, #tpu.memory_space<vmem>>, vector<2048x128xf32>
    tpu.vector_store %arg6[%swap3A, %swap3A_128], %add3A_127 {strides = array<i32>} : memref<2048x128xf32, #tpu.memory_space<vmem>>, vector<2048x128xf32>,
    return
  }
  func.func @transform_0(%arg0: i32) -> (i32, i32) {
    %c0_i32 = arith.constant 0 : i32
    %c0_i32_0 = arith.constant 0 : i32
    return %arg0, %c0_i32 : i32, i32
  }
  func.func @transform_1(%arg0: i32) -> (i32, i32, i32) {
    %c0_i32 = arith.constant 0 : i32
    %c0_i32_0 = arith.constant 0 : i32
    %c0_i32_1 = arith.constant 0 : i32
    %c0_i32_2 = arith.constant 0 : i32
    return %c0_i32, %c0_i32_0, %c0_i32_1 : i32, i32, i32
  }
  func.func @transform_2(%arg0: i32) -> (i32, i32) {
    %c0_i32 = arith.constant 0 : i32
    %c0_i32_0 = arith.constant 0 : i32
    %c0_i32_1 = arith.constant 0 : i32
    return %c0_i32, %c0_i32_0 : i32, i32
  }
  func.func @transform_3(%arg0: i32) -> (i32, i32) {
    %c0_i32 = arith.constant 0 : i32
    %c0_i32_0 = arith.constant 0 : i32
    %c0_i32_1 = arith.constant 0 : i32
    return %c0_i32, %c0_i32_0 : i32, i32
  }
  func.func @transform_4(%arg0: i32) -> (i32, i32) {
    %c0_i32 = arith.constant 0 : i32
    %c0_i32_0 = arith.constant 0 : i32
    %c0_i32_1 = arith.constant 0 : i32
    return %c0_i32, %c0_i32_0 : i32, i32
  }
  func.func @transform_5(%arg0: i32) -> (i32, i32) {
    %c0_i32 = arith.constant 0 : i32
    %c0_i32_0 = arith.constant 0 : i32
    return %arg0, %c0_i32 : i32, i32
  }
}

module attributes {stable_mosaic.version = 14 : i64} {
  func.func @body(%arg0: i32, %arg1: memref<2048x128xf32, #tpu.memory_space<vmem>>, %arg2: memref<2x2048x128xf32, #tpu.memory_space<vmem>>, %arg3: memref<2x2048x16xf32, #tpu.memory_space<vmem>>, %arg4: memref<2x128x128xf32, #tpu.memory_space<vmem>>, %arg5: memref<2x128x128xf32, #tpu.memory_space<vmem>>, %arg6: memref<2x128xf32, #tpu.memory_space<vmem>>, %arg7: memref<3x128xf32, #tpu.memory_space<vmem>>, %arg8: memref<3x128xf32, #tpu.memory_space<vmem>>, %arg9: memref<2048x128xf32, #tpu.memory_space<vmem>>) attributes {dimension_semantics = [#tpu.dimension_semantics<arbitrary>], iteration_bounds = array<i64: 5>, scalar_prefetch = 0 : i64, scratch_operands = 0 : i64, tpu.core_type = #tpu.core_type<tc>, window_params = [{transform_indices = @transform_0, window_bounds = array<i64: 2048, 128>}, {transform_indices = @transform_1, window_bounds = array<i64: 2, 2048, 128>}, {transform_indices = @transform_2, window_bounds = array<i64: 2, 2048, 16>}, {pipeline_mode = #tpu.pipeline_mode<synchronous>, transform_indices = @transform_3, window_bounds = array<i64: 2, 128, 128>}, {pipeline_mode = #tpu.pipeline_mode<synchronous>, transform_indices = @transform_4, window_bounds = array<i64: 2, 128, 128>}, {pipeline_mode = #tpu.pipeline_mode<synchronous>, transform_indices = @transform_5, window_bounds = array<i64: 2, 128>}, {pipeline_mode = #tpu.pipeline_mode<synchronous>, transform_indices = @transform_6, window_bounds = array<i64: 3, 128>}, {pipeline_mode = #tpu.pipeline_mode<synchronous>, transform_indices = @transform_7, window_bounds = array<i64: 3, 128>}, {transform_indices = @transform_8, window_bounds = array<i64: 2048, 128>}]} {
    %get3A = arith.constant 0 : index
    %get3A_0 = arith.constant 0 : index
    %get3A_1 = vector.load %arg1[%get3A, %get3A_0] : memref<2048x128xf32, #tpu.memory_space<vmem>>, vector<2048x128xf32>
    %get3A_2 = arith.constant 0 : index
    %get3A_3 = arith.constant 0 : index
    %get3A_4 = arith.constant 0 : index
    %get3A_5 = vector.load %arg3[%get3A_2, %get3A_3, %get3A_4] : memref<2x2048x16xf32, #tpu.memory_space<vmem>>, vector<1x2048x16xf32>
    %get3A_6 = vector.shape_cast %get3A_5 : vector<1x2048x16xf32> to vector<2048x16xf32>
    %slice3A = vector.extract_strided_slice %get3A_6 {offsets = [0, 0], sizes = [2048, 1], strides = [1, 1]} : vector<2048x16xf32> to vector<2048x1xf32>
    %max3A = arith.constant 1.000000e+00 : f32
    %max3A_7 = vector.broadcast %max3A : f32 to vector<2048x1xf32>
    %max3A_8 = arith.maximumf %slice3A, %max3A_7 : vector<2048x1xf32>
    %get3A_9 = arith.constant 0 : index
    %get3A_10 = arith.constant 0 : index
    %get3A_11 = arith.constant 0 : index
    %get3A_12 = vector.load %arg2[%get3A_9, %get3A_10, %get3A_11] : memref<2x2048x128xf32, #tpu.memory_space<vmem>>, vector<1x2048x128xf32>
    %get3A_13 = vector.shape_cast %get3A_12 : vector<1x2048x128xf32> to vector<2048x128xf32>
    %div3A = vector.broadcast %max3A_8 : vector<2048x1xf32> to vector<2048x128xf32>
    %div3A_14 = arith.divf %get3A_13, %div3A : vector<2048x128xf32>
    %get3A_15 = arith.constant 0 : index
    %get3A_16 = arith.constant 0 : index
    %get3A_17 = arith.constant 0 : index
    %get3A_18 = vector.load %arg4[%get3A_15, %get3A_16, %get3A_17] : memref<2x128x128xf32, #tpu.memory_space<vmem>>, vector<1x128x128xf32>
    %get3A_19 = vector.shape_cast %get3A_18 : vector<1x128x128xf32> to vector<128x128xf32>
    %dot_general3A = arith.constant dense<0.000000e+00> : vector<2048x128xf32>
    %dot_general3A_20 = tpu.matmul %get3A_1, %get3A_19, %dot_general3A {dimension_numbers = #tpu.dot_dimension_numbers<[1], [0], [0], [1], [0, 0, 1, 1], [], []>, transpose_lhs_hint = false} : vector<2048x128xf32>, vector<128x128xf32>, vector<2048x128xf32> -> vector<2048x128xf32>
    %get3A_21 = arith.constant 0 : index
    %get3A_22 = arith.constant 0 : index
    %get3A_23 = arith.constant 0 : index
    %get3A_24 = vector.load %arg5[%get3A_21, %get3A_22, %get3A_23] : memref<2x128x128xf32, #tpu.memory_space<vmem>>, vector<1x128x128xf32>
    %get3A_25 = vector.shape_cast %get3A_24 : vector<1x128x128xf32> to vector<128x128xf32>
    %dot_general3A_26 = arith.constant dense<0.000000e+00> : vector<2048x128xf32>
    %dot_general3A_27 = tpu.matmul %div3A_14, %get3A_25, %dot_general3A_26 {dimension_numbers = #tpu.dot_dimension_numbers<[1], [0], [0], [1], [0, 0, 1, 1], [], []>, transpose_lhs_hint = false} : vector<2048x128xf32>, vector<128x128xf32>, vector<2048x128xf32> -> vector<2048x128xf32>
    %add3A = arith.addf %dot_general3A_20, %dot_general3A_27 : vector<2048x128xf32>
    %get3A_28 = arith.constant 0 : index
    %get3A_29 = arith.constant 0 : index
    %get3A_30 = vector.load %arg6[%get3A_28, %get3A_29] : memref<2x128xf32, #tpu.memory_space<vmem>>, vector<1x128xf32>
    %get3A_31 = vector.shape_cast %get3A_30 : vector<1x128xf32> to vector<128xf32>
    %broadcast_in_dim3A = vector.shape_cast %get3A_31 : vector<128xf32> to vector<1x128xf32>
    %add3A_32 = vector.broadcast %broadcast_in_dim3A : vector<1x128xf32> to vector<2048x128xf32>
    %add3A_33 = arith.addf %add3A, %add3A_32 : vector<2048x128xf32>
    %get3A_34 = arith.constant 1 : index
    %get3A_35 = arith.constant 0 : index
    %get3A_36 = vector.load %arg7[%get3A_34, %get3A_35] : memref<3x128xf32, #tpu.memory_space<vmem>>, vector<1x128xf32>
    %get3A_37 = vector.shape_cast %get3A_36 : vector<1x128xf32> to vector<128xf32>
    %get3A_38 = arith.constant 1 : index
    %get3A_39 = arith.constant 0 : index
    %get3A_40 = vector.load %arg8[%get3A_38, %get3A_39] : memref<3x128xf32, #tpu.memory_space<vmem>>, vector<1x128xf32>
    %get3A_41 = vector.shape_cast %get3A_40 : vector<1x128xf32> to vector<128xf32>
    %reduce_sum3A = arith.constant dense<0.000000e+00> : vector<2048xf32>
    %reduce_sum3A_42 = vector.multi_reduction <add>, %add3A_33, %reduce_sum3A [1] : vector<2048x128xf32> to vector<2048xf32>
    %broadcast_in_dim3A_43 = vector.shape_cast %reduce_sum3A_42 : vector<2048xf32> to vector<2048x1xf32>
    %div3A_44 = arith.constant 1.280000e+02 : f32
    %div3A_45 = vector.broadcast %div3A_44 : f32 to vector<2048x1xf32>
    %div3A_46 = arith.divf %broadcast_in_dim3A_43, %div3A_45 : vector<2048x1xf32>
    %sub3A = vector.broadcast %div3A_46 : vector<2048x1xf32> to vector<2048x128xf32>
    %sub3A_47 = arith.subf %add3A_33, %sub3A : vector<2048x128xf32>
    %integer_pow3A = arith.mulf %sub3A_47, %sub3A_47 : vector<2048x128xf32>
    %reduce_sum3A_48 = arith.constant dense<0.000000e+00> : vector<2048xf32>
    %reduce_sum3A_49 = vector.multi_reduction <add>, %integer_pow3A, %reduce_sum3A_48 [1] : vector<2048x128xf32> to vector<2048xf32>
    %broadcast_in_dim3A_50 = vector.shape_cast %reduce_sum3A_49 : vector<2048xf32> to vector<2048x1xf32>
    %div3A_51 = arith.constant 1.280000e+02 : f32
    %div3A_52 = vector.broadcast %div3A_51 : f32 to vector<2048x1xf32>
    %div3A_53 = arith.divf %broadcast_in_dim3A_50, %div3A_52 : vector<2048x1xf32>
    %sub3A_54 = vector.broadcast %div3A_46 : vector<2048x1xf32> to vector<2048x128xf32>
    %sub3A_55 = arith.subf %add3A_33, %sub3A_54 : vector<2048x128xf32>
    %add3A_56 = arith.constant 9.99999974E-6 : f32
    %add3A_57 = vector.broadcast %add3A_56 : f32 to vector<2048x1xf32>
    %add3A_58 = arith.addf %div3A_53, %add3A_57 : vector<2048x1xf32>
    %sqrt3A = math.sqrt %add3A_58 : vector<2048x1xf32>
    %div3A_59 = vector.broadcast %sqrt3A : vector<2048x1xf32> to vector<2048x128xf32>
    %div3A_60 = arith.divf %sub3A_55, %div3A_59 : vector<2048x128xf32>
    %broadcast_in_dim3A_61 = vector.shape_cast %get3A_37 : vector<128xf32> to vector<1x128xf32>
    %mul3A = vector.broadcast %broadcast_in_dim3A_61 : vector<1x128xf32> to vector<2048x128xf32>
    %mul3A_62 = arith.mulf %div3A_60, %mul3A : vector<2048x128xf32>
    %broadcast_in_dim3A_63 = vector.shape_cast %get3A_41 : vector<128xf32> to vector<1x128xf32>
    %add3A_64 = vector.broadcast %broadcast_in_dim3A_63 : vector<1x128xf32> to vector<2048x128xf32>
    %add3A_65 = arith.addf %mul3A_62, %add3A_64 : vector<2048x128xf32>
    %get3A_66 = arith.constant 1 : index
    %get3A_67 = arith.constant 0 : index
    %get3A_68 = arith.constant 0 : index
    %get3A_69 = vector.load %arg3[%get3A_66, %get3A_67, %get3A_68] : memref<2x2048x16xf32, #tpu.memory_space<vmem>>, vector<1x2048x16xf32>
    %get3A_70 = vector.shape_cast %get3A_69 : vector<1x2048x16xf32> to vector<2048x16xf32>
    %slice3A_71 = vector.extract_strided_slice %get3A_70 {offsets = [0, 0], sizes = [2048, 1], strides = [1, 1]} : vector<2048x16xf32> to vector<2048x1xf32>
    %max3A_72 = arith.constant 1.000000e+00 : f32
    %max3A_73 = vector.broadcast %max3A_72 : f32 to vector<2048x1xf32>
    %max3A_74 = arith.maximumf %slice3A_71, %max3A_73 : vector<2048x1xf32>
    %get3A_75 = arith.constant 1 : index
    %get3A_76 = arith.constant 0 : index
    %get3A_77 = arith.constant 0 : index
    %get3A_78 = vector.load %arg2[%get3A_75, %get3A_76, %get3A_77] : memref<2x2048x128xf32, #tpu.memory_space<vmem>>, vector<1x2048x128xf32>
    %get3A_79 = vector.shape_cast %get3A_78 : vector<1x2048x128xf32> to vector<2048x128xf32>
    %div3A_80 = vector.broadcast %max3A_74 : vector<2048x1xf32> to vector<2048x128xf32>
    %div3A_81 = arith.divf %get3A_79, %div3A_80 : vector<2048x128xf32>
    %get3A_82 = arith.constant 1 : index
    %get3A_83 = arith.constant 0 : index
    %get3A_84 = arith.constant 0 : index
    %get3A_85 = vector.load %arg4[%get3A_82, %get3A_83, %get3A_84] : memref<2x128x128xf32, #tpu.memory_space<vmem>>, vector<1x128x128xf32>
    %get3A_86 = vector.shape_cast %get3A_85 : vector<1x128x128xf32> to vector<128x128xf32>
    %dot_general3A_87 = arith.constant dense<0.000000e+00> : vector<2048x128xf32>
    %dot_general3A_88 = tpu.matmul %get3A_1, %get3A_86, %dot_general3A_87 {dimension_numbers = #tpu.dot_dimension_numbers<[1], [0], [0], [1], [0, 0, 1, 1], [], []>, transpose_lhs_hint = false} : vector<2048x128xf32>, vector<128x128xf32>, vector<2048x128xf32> -> vector<2048x128xf32>
    %get3A_89 = arith.constant 1 : index
    %get3A_90 = arith.constant 0 : index
    %get3A_91 = arith.constant 0 : index
    %get3A_92 = vector.load %arg5[%get3A_89, %get3A_90, %get3A_91] : memref<2x128x128xf32, #tpu.memory_space<vmem>>, vector<1x128x128xf32>
    %get3A_93 = vector.shape_cast %get3A_92 : vector<1x128x128xf32> to vector<128x128xf32>
    %dot_general3A_94 = arith.constant dense<0.000000e+00> : vector<2048x128xf32>
    %dot_general3A_95 = tpu.matmul %div3A_81, %get3A_93, %dot_general3A_94 {dimension_numbers = #tpu.dot_dimension_numbers<[1], [0], [0], [1], [0, 0, 1, 1], [], []>, transpose_lhs_hint = false} : vector<2048x128xf32>, vector<128x128xf32>, vector<2048x128xf32> -> vector<2048x128xf32>
    %add3A_96 = arith.addf %dot_general3A_88, %dot_general3A_95 : vector<2048x128xf32>
    %get3A_97 = arith.constant 1 : index
    %get3A_98 = arith.constant 0 : index
    %get3A_99 = vector.load %arg6[%get3A_97, %get3A_98] : memref<2x128xf32, #tpu.memory_space<vmem>>, vector<1x128xf32>
    %get3A_100 = vector.shape_cast %get3A_99 : vector<1x128xf32> to vector<128xf32>
    %broadcast_in_dim3A_101 = vector.shape_cast %get3A_100 : vector<128xf32> to vector<1x128xf32>
    %add3A_102 = vector.broadcast %broadcast_in_dim3A_101 : vector<1x128xf32> to vector<2048x128xf32>
    %add3A_103 = arith.addf %add3A_96, %add3A_102 : vector<2048x128xf32>
    %get3A_104 = arith.constant 2 : index
    %get3A_105 = arith.constant 0 : index
    %get3A_106 = vector.load %arg7[%get3A_104, %get3A_105] : memref<3x128xf32, #tpu.memory_space<vmem>>, vector<1x128xf32>
    %get3A_107 = vector.shape_cast %get3A_106 : vector<1x128xf32> to vector<128xf32>
    %get3A_108 = arith.constant 2 : index
    %get3A_109 = arith.constant 0 : index
    %get3A_110 = vector.load %arg8[%get3A_108, %get3A_109] : memref<3x128xf32, #tpu.memory_space<vmem>>, vector<1x128xf32>
    %get3A_111 = vector.shape_cast %get3A_110 : vector<1x128xf32> to vector<128xf32>
    %reduce_sum3A_112 = arith.constant dense<0.000000e+00> : vector<2048xf32>
    %reduce_sum3A_113 = vector.multi_reduction <add>, %add3A_103, %reduce_sum3A_112 [1] : vector<2048x128xf32> to vector<2048xf32>
    %broadcast_in_dim3A_114 = vector.shape_cast %reduce_sum3A_113 : vector<2048xf32> to vector<2048x1xf32>
    %div3A_115 = arith.constant 1.280000e+02 : f32
    %div3A_116 = vector.broadcast %div3A_115 : f32 to vector<2048x1xf32>
    %div3A_117 = arith.divf %broadcast_in_dim3A_114, %div3A_116 : vector<2048x1xf32>
    %sub3A_118 = vector.broadcast %div3A_117 : vector<2048x1xf32> to vector<2048x128xf32>
    %sub3A_119 = arith.subf %add3A_103, %sub3A_118 : vector<2048x128xf32>
    %integer_pow3A_120 = arith.mulf %sub3A_119, %sub3A_119 : vector<2048x128xf32>
    %reduce_sum3A_121 = arith.constant dense<0.000000e+00> : vector<2048xf32>
    %reduce_sum3A_122 = vector.multi_reduction <add>, %integer_pow3A_120, %reduce_sum3A_121 [1] : vector<2048x128xf32> to vector<2048xf32>
    %broadcast_in_dim3A_123 = vector.shape_cast %reduce_sum3A_122 : vector<2048xf32> to vector<2048x1xf32>
    %div3A_124 = arith.constant 1.280000e+02 : f32
    %div3A_125 = vector.broadcast %div3A_124 : f32 to vector<2048x1xf32>
    %div3A_126 = arith.divf %broadcast_in_dim3A_123, %div3A_125 : vector<2048x1xf32>
    %sub3A_127 = vector.broadcast %div3A_117 : vector<2048x1xf32> to vector<2048x128xf32>
    %sub3A_128 = arith.subf %add3A_103, %sub3A_127 : vector<2048x128xf32>
    %add3A_129 = arith.constant 9.99999974E-6 : f32
    %add3A_130 = vector.broadcast %add3A_129 : f32 to vector<2048x1xf32>
    %add3A_131 = arith.addf %div3A_126, %add3A_130 : vector<2048x1xf32>
    %sqrt3A_132 = math.sqrt %add3A_131 : vector<2048x1xf32>
    %div3A_133 = vector.broadcast %sqrt3A_132 : vector<2048x1xf32> to vector<2048x128xf32>
    %div3A_134 = arith.divf %sub3A_128, %div3A_133 : vector<2048x128xf32>
    %broadcast_in_dim3A_135 = vector.shape_cast %get3A_107 : vector<128xf32> to vector<1x128xf32>
    %mul3A_136 = vector.broadcast %broadcast_in_dim3A_135 : vector<1x128xf32> to vector<2048x128xf32>
    %mul3A_137 = arith.mulf %div3A_134, %mul3A_136 : vector<2048x128xf32>
    %broadcast_in_dim3A_138 = vector.shape_cast %get3A_111 : vector<128xf32> to vector<1x128xf32>
    %add3A_139 = vector.broadcast %broadcast_in_dim3A_138 : vector<1x128xf32> to vector<2048x128xf32>
    %add3A_140 = arith.addf %mul3A_137, %add3A_139 : vector<2048x128xf32>
    %mul3A_141 = arith.constant 5.000000e-01 : f32
    %mul3A_142 = vector.broadcast %mul3A_141 : f32 to vector<2048x128xf32>
    %mul3A_143 = arith.mulf %mul3A_142, %add3A_65 : vector<2048x128xf32>
    %mul3A_144 = arith.constant 5.000000e-01 : f32
    %mul3A_145 = vector.broadcast %mul3A_144 : f32 to vector<2048x128xf32>
    %mul3A_146 = arith.mulf %mul3A_145, %add3A_140 : vector<2048x128xf32>
    %add3A_147 = arith.addf %mul3A_143, %mul3A_146 : vector<2048x128xf32>
    %get3A_148 = arith.constant 0 : index
    %get3A_149 = arith.constant 0 : index
    %get3A_150 = vector.load %arg7[%get3A_148, %get3A_149] : memref<3x128xf32, #tpu.memory_space<vmem>>, vector<1x128xf32>
    %get3A_151 = vector.shape_cast %get3A_150 : vector<1x128xf32> to vector<128xf32>
    %get3A_152 = arith.constant 0 : index
    %get3A_153 = arith.constant 0 : index
    %get3A_154 = vector.load %arg8[%get3A_152, %get3A_153] : memref<3x128xf32, #tpu.memory_space<vmem>>, vector<1x128xf32>
    %get3A_155 = vector.shape_cast %get3A_154 : vector<1x128xf32> to vector<128xf32>
    %reduce_sum3A_156 = arith.constant dense<0.000000e+00> : vector<2048xf32>
    %reduce_sum3A_157 = vector.multi_reduction <add>, %add3A_147, %reduce_sum3A_156 [1] : vector<2048x128xf32> to vector<2048xf32>
    %broadcast_in_dim3A_158 = vector.shape_cast %reduce_sum3A_157 : vector<2048xf32> to vector<2048x1xf32>
    %div3A_159 = arith.constant 1.280000e+02 : f32
    %div3A_160 = vector.broadcast %div3A_159 : f32 to vector<2048x1xf32>
    %div3A_161 = arith.divf %broadcast_in_dim3A_158, %div3A_160 : vector<2048x1xf32>
    %sub3A_162 = vector.broadcast %div3A_161 : vector<2048x1xf32> to vector<2048x128xf32>
    %sub3A_163 = arith.subf %add3A_147, %sub3A_162 : vector<2048x128xf32>
    %integer_pow3A_164 = arith.mulf %sub3A_163, %sub3A_163 : vector<2048x128xf32>
    %reduce_sum3A_165 = arith.constant dense<0.000000e+00> : vector<2048xf32>
    %reduce_sum3A_166 = vector.multi_reduction <add>, %integer_pow3A_164, %reduce_sum3A_165 [1] : vector<2048x128xf32> to vector<2048xf32>
    %broadcast_in_dim3A_167 = vector.shape_cast %reduce_sum3A_166 : vector<2048xf32> to vector<2048x1xf32>
    %div3A_168 = arith.constant 1.280000e+02 : f32
    %div3A_169 = vector.broadcast %div3A_168 : f32 to vector<2048x1xf32>
    %div3A_170 = arith.divf %broadcast_in_dim3A_167, %div3A_169 : vector<2048x1xf32>
    %sub3A_171 = vector.broadcast %div3A_161 : vector<2048x1xf32> to vector<2048x128xf32>
    %sub3A_172 = arith.subf %add3A_147, %sub3A_171 : vector<2048x128xf32>
    %add3A_173 = arith.constant 9.99999974E-6 : f32
    %add3A_174 = vector.broadcast %add3A_173 : f32 to vector<2048x1xf32>
    %add3A_175 = arith.addf %div3A_170, %add3A_174 : vector<2048x1xf32>
    %sqrt3A_176 = math.sqrt %add3A_175 : vector<2048x1xf32>
    %div3A_177 = vector.broadcast %sqrt3A_176 : vector<2048x1xf32> to vector<2048x128xf32>
    %div3A_178 = arith.divf %sub3A_172, %div3A_177 : vector<2048x128xf32>
    %broadcast_in_dim3A_179 = vector.shape_cast %get3A_151 : vector<128xf32> to vector<1x128xf32>
    %mul3A_180 = vector.broadcast %broadcast_in_dim3A_179 : vector<1x128xf32> to vector<2048x128xf32>
    %mul3A_181 = arith.mulf %div3A_178, %mul3A_180 : vector<2048x128xf32>
    %broadcast_in_dim3A_182 = vector.shape_cast %get3A_155 : vector<128xf32> to vector<1x128xf32>
    %add3A_183 = vector.broadcast %broadcast_in_dim3A_182 : vector<1x128xf32> to vector<2048x128xf32>
    %add3A_184 = arith.addf %mul3A_181, %add3A_183 : vector<2048x128xf32>
    %integer_pow3A_185 = arith.mulf %add3A_184, %add3A_184 : vector<2048x128xf32>
    %integer_pow3A_186 = arith.mulf %add3A_184, %integer_pow3A_185 : vector<2048x128xf32>
    %mul3A_187 = arith.constant 4.471500e-02 : f32
    %mul3A_188 = vector.broadcast %mul3A_187 : f32 to vector<2048x128xf32>
    %mul3A_189 = arith.mulf %mul3A_188, %integer_pow3A_186 : vector<2048x128xf32>
    %add3A_190 = arith.addf %add3A_184, %mul3A_189 : vector<2048x128xf32>
    %mul3A_191 = arith.constant 0.797884583 : f32
    %mul3A_192 = vector.broadcast %mul3A_191 : f32 to vector<2048x128xf32>
    %mul3A_193 = arith.mulf %mul3A_192, %add3A_190 : vector<2048x128xf32>
    %tanh3A = math.tanh %mul3A_193 : vector<2048x128xf32>
    %add3A_194 = arith.constant 1.000000e+00 : f32
    %add3A_195 = vector.broadcast %add3A_194 : f32 to vector<2048x128xf32>
    %add3A_196 = arith.addf %add3A_195, %tanh3A : vector<2048x128xf32>
    %mul3A_197 = arith.constant 5.000000e-01 : f32
    %mul3A_198 = vector.broadcast %mul3A_197 : f32 to vector<2048x128xf32>
    %mul3A_199 = arith.mulf %mul3A_198, %add3A_196 : vector<2048x128xf32>
    %mul3A_200 = arith.mulf %add3A_184, %mul3A_199 : vector<2048x128xf32>
    %swap3A = arith.constant 0 : index
    %swap3A_201 = arith.constant 0 : index
    %swap3A_202 = vector.load %arg9[%swap3A, %swap3A_201] : memref<2048x128xf32, #tpu.memory_space<vmem>>, vector<2048x128xf32>
    tpu.vector_store %arg9[%swap3A, %swap3A_201], %mul3A_200 {strides = array<i32>} : memref<2048x128xf32, #tpu.memory_space<vmem>>, vector<2048x128xf32>,
    return
  }
  func.func @transform_0(%arg0: i32) -> (i32, i32) {
    %c0_i32 = arith.constant 0 : i32
    %c0_i32_0 = arith.constant 0 : i32
    return %arg0, %c0_i32 : i32, i32
  }
  func.func @transform_1(%arg0: i32) -> (i32, i32, i32) {
    %c0_i32 = arith.constant 0 : i32
    %c0_i32_0 = arith.constant 0 : i32
    %c0_i32_1 = arith.constant 0 : i32
    return %c0_i32, %arg0, %c0_i32_0 : i32, i32, i32
  }
  func.func @transform_2(%arg0: i32) -> (i32, i32, i32) {
    %c0_i32 = arith.constant 0 : i32
    %c0_i32_0 = arith.constant 0 : i32
    %c0_i32_1 = arith.constant 0 : i32
    return %c0_i32, %arg0, %c0_i32_0 : i32, i32, i32
  }
  func.func @transform_3(%arg0: i32) -> (i32, i32, i32) {
    %c0_i32 = arith.constant 0 : i32
    %c0_i32_0 = arith.constant 0 : i32
    %c0_i32_1 = arith.constant 0 : i32
    %c0_i32_2 = arith.constant 0 : i32
    return %c0_i32, %c0_i32_0, %c0_i32_1 : i32, i32, i32
  }
  func.func @transform_4(%arg0: i32) -> (i32, i32, i32) {
    %c0_i32 = arith.constant 0 : i32
    %c0_i32_0 = arith.constant 0 : i32
    %c0_i32_1 = arith.constant 0 : i32
    %c0_i32_2 = arith.constant 0 : i32
    return %c0_i32, %c0_i32_0, %c0_i32_1 : i32, i32, i32
  }
  func.func @transform_5(%arg0: i32) -> (i32, i32) {
    %c0_i32 = arith.constant 0 : i32
    %c0_i32_0 = arith.constant 0 : i32
    %c0_i32_1 = arith.constant 0 : i32
    return %c0_i32, %c0_i32_0 : i32, i32
  }
  func.func @transform_6(%arg0: i32) -> (i32, i32) {
    %c0_i32 = arith.constant 0 : i32
    %c0_i32_0 = arith.constant 0 : i32
    %c0_i32_1 = arith.constant 0 : i32
    return %c0_i32, %c0_i32_0 : i32, i32
  }
  func.func @transform_7(%arg0: i32) -> (i32, i32) {
    %c0_i32 = arith.constant 0 : i32
    %c0_i32_0 = arith.constant 0 : i32
    %c0_i32_1 = arith.constant 0 : i32
    return %c0_i32, %c0_i32_0 : i32, i32
  }
  func.func @transform_8(%arg0: i32) -> (i32, i32) {
    %c0_i32 = arith.constant 0 : i32
    %c0_i32_0 = arith.constant 0 : i32
    return %arg0, %c0_i32 : i32, i32
  }
}

module attributes {stable_mosaic.version = 14 : i64} {
  func.func @body(%arg0: i32, %arg1: memref<2000x128xf32, #tpu.memory_space<vmem>>, %arg2: memref<2x2000x128xf32, #tpu.memory_space<vmem>>, %arg3: memref<2x2000x16xf32, #tpu.memory_space<vmem>>, %arg4: memref<2x128x128xf32, #tpu.memory_space<vmem>>, %arg5: memref<2x128x128xf32, #tpu.memory_space<vmem>>, %arg6: memref<2x128xf32, #tpu.memory_space<vmem>>, %arg7: memref<3x128xf32, #tpu.memory_space<vmem>>, %arg8: memref<3x128xf32, #tpu.memory_space<vmem>>, %arg9: memref<2x128x128xf32, #tpu.memory_space<vmem>>, %arg10: memref<128xf32, #tpu.memory_space<vmem>>, %arg11: memref<2000x128xf32, #tpu.memory_space<vmem>>) attributes {dimension_semantics = [#tpu.dimension_semantics<arbitrary>], iteration_bounds = array<i64: 5>, scalar_prefetch = 0 : i64, scratch_operands = 0 : i64, tpu.core_type = #tpu.core_type<tc>, window_params = [{transform_indices = @transform_0, window_bounds = array<i64: 2000, 128>}, {transform_indices = @transform_1, window_bounds = array<i64: 2, 2000, 128>}, {transform_indices = @transform_2, window_bounds = array<i64: 2, 2000, 16>}, {pipeline_mode = #tpu.pipeline_mode<synchronous>, transform_indices = @transform_3, window_bounds = array<i64: 2, 128, 128>}, {pipeline_mode = #tpu.pipeline_mode<synchronous>, transform_indices = @transform_4, window_bounds = array<i64: 2, 128, 128>}, {pipeline_mode = #tpu.pipeline_mode<synchronous>, transform_indices = @transform_5, window_bounds = array<i64: 2, 128>}, {pipeline_mode = #tpu.pipeline_mode<synchronous>, transform_indices = @transform_6, window_bounds = array<i64: 3, 128>}, {pipeline_mode = #tpu.pipeline_mode<synchronous>, transform_indices = @transform_7, window_bounds = array<i64: 3, 128>}, {pipeline_mode = #tpu.pipeline_mode<synchronous>, transform_indices = @transform_8, window_bounds = array<i64: 2, 128, 128>}, {pipeline_mode = #tpu.pipeline_mode<synchronous>, transform_indices = @transform_9, window_bounds = array<i64: 128>}, {transform_indices = @transform_10, window_bounds = array<i64: 2000, 128>}]} {
    %get3A = arith.constant 0 : index
    %get3A_0 = arith.constant 0 : index
    %get3A_1 = vector.load %arg1[%get3A, %get3A_0] : memref<2000x128xf32, #tpu.memory_space<vmem>>, vector<2000x128xf32>
    %get3A_2 = arith.constant 0 : index
    %get3A_3 = arith.constant 0 : index
    %get3A_4 = arith.constant 0 : index
    %get3A_5 = vector.load %arg3[%get3A_2, %get3A_3, %get3A_4] : memref<2x2000x16xf32, #tpu.memory_space<vmem>>, vector<1x2000x16xf32>
    %get3A_6 = vector.shape_cast %get3A_5 : vector<1x2000x16xf32> to vector<2000x16xf32>
    %slice3A = vector.extract_strided_slice %get3A_6 {offsets = [0, 0], sizes = [2000, 1], strides = [1, 1]} : vector<2000x16xf32> to vector<2000x1xf32>
    %max3A = arith.constant 1.000000e+00 : f32
    %max3A_7 = vector.broadcast %max3A : f32 to vector<2000x1xf32>
    %max3A_8 = arith.maximumf %slice3A, %max3A_7 : vector<2000x1xf32>
    %get3A_9 = arith.constant 0 : index
    %get3A_10 = arith.constant 0 : index
    %get3A_11 = arith.constant 0 : index
    %get3A_12 = vector.load %arg2[%get3A_9, %get3A_10, %get3A_11] : memref<2x2000x128xf32, #tpu.memory_space<vmem>>, vector<1x2000x128xf32>
    %get3A_13 = vector.shape_cast %get3A_12 : vector<1x2000x128xf32> to vector<2000x128xf32>
    %div3A = vector.broadcast %max3A_8 : vector<2000x1xf32> to vector<2000x128xf32>
    %div3A_14 = arith.divf %get3A_13, %div3A : vector<2000x128xf32>
    %get3A_15 = arith.constant 0 : index
    %get3A_16 = arith.constant 0 : index
    %get3A_17 = arith.constant 0 : index
    %get3A_18 = vector.load %arg4[%get3A_15, %get3A_16, %get3A_17] : memref<2x128x128xf32, #tpu.memory_space<vmem>>, vector<1x128x128xf32>
    %get3A_19 = vector.shape_cast %get3A_18 : vector<1x128x128xf32> to vector<128x128xf32>
    %dot_general3A = arith.constant dense<0.000000e+00> : vector<2000x128xf32>
    %dot_general3A_20 = tpu.matmul %get3A_1, %get3A_19, %dot_general3A {dimension_numbers = #tpu.dot_dimension_numbers<[1], [0], [0], [1], [0, 0, 1, 1], [], []>, transpose_lhs_hint = false} : vector<2000x128xf32>, vector<128x128xf32>, vector<2000x128xf32> -> vector<2000x128xf32>
    %get3A_21 = arith.constant 0 : index
    %get3A_22 = arith.constant 0 : index
    %get3A_23 = arith.constant 0 : index
    %get3A_24 = vector.load %arg5[%get3A_21, %get3A_22, %get3A_23] : memref<2x128x128xf32, #tpu.memory_space<vmem>>, vector<1x128x128xf32>
    %get3A_25 = vector.shape_cast %get3A_24 : vector<1x128x128xf32> to vector<128x128xf32>
    %dot_general3A_26 = arith.constant dense<0.000000e+00> : vector<2000x128xf32>
    %dot_general3A_27 = tpu.matmul %div3A_14, %get3A_25, %dot_general3A_26 {dimension_numbers = #tpu.dot_dimension_numbers<[1], [0], [0], [1], [0, 0, 1, 1], [], []>, transpose_lhs_hint = false} : vector<2000x128xf32>, vector<128x128xf32>, vector<2000x128xf32> -> vector<2000x128xf32>
    %add3A = arith.addf %dot_general3A_20, %dot_general3A_27 : vector<2000x128xf32>
    %get3A_28 = arith.constant 0 : index
    %get3A_29 = arith.constant 0 : index
    %get3A_30 = vector.load %arg6[%get3A_28, %get3A_29] : memref<2x128xf32, #tpu.memory_space<vmem>>, vector<1x128xf32>
    %get3A_31 = vector.shape_cast %get3A_30 : vector<1x128xf32> to vector<128xf32>
    %broadcast_in_dim3A = vector.shape_cast %get3A_31 : vector<128xf32> to vector<1x128xf32>
    %add3A_32 = vector.broadcast %broadcast_in_dim3A : vector<1x128xf32> to vector<2000x128xf32>
    %add3A_33 = arith.addf %add3A, %add3A_32 : vector<2000x128xf32>
    %get3A_34 = arith.constant 1 : index
    %get3A_35 = arith.constant 0 : index
    %get3A_36 = vector.load %arg7[%get3A_34, %get3A_35] : memref<3x128xf32, #tpu.memory_space<vmem>>, vector<1x128xf32>
    %get3A_37 = vector.shape_cast %get3A_36 : vector<1x128xf32> to vector<128xf32>
    %get3A_38 = arith.constant 1 : index
    %get3A_39 = arith.constant 0 : index
    %get3A_40 = vector.load %arg8[%get3A_38, %get3A_39] : memref<3x128xf32, #tpu.memory_space<vmem>>, vector<1x128xf32>
    %get3A_41 = vector.shape_cast %get3A_40 : vector<1x128xf32> to vector<128xf32>
    %reduce_sum3A = arith.constant dense<0.000000e+00> : vector<2000xf32>
    %reduce_sum3A_42 = vector.multi_reduction <add>, %add3A_33, %reduce_sum3A [1] : vector<2000x128xf32> to vector<2000xf32>
    %broadcast_in_dim3A_43 = vector.shape_cast %reduce_sum3A_42 : vector<2000xf32> to vector<2000x1xf32>
    %div3A_44 = arith.constant 1.280000e+02 : f32
    %div3A_45 = vector.broadcast %div3A_44 : f32 to vector<2000x1xf32>
    %div3A_46 = arith.divf %broadcast_in_dim3A_43, %div3A_45 : vector<2000x1xf32>
    %sub3A = vector.broadcast %div3A_46 : vector<2000x1xf32> to vector<2000x128xf32>
    %sub3A_47 = arith.subf %add3A_33, %sub3A : vector<2000x128xf32>
    %integer_pow3A = arith.mulf %sub3A_47, %sub3A_47 : vector<2000x128xf32>
    %reduce_sum3A_48 = arith.constant dense<0.000000e+00> : vector<2000xf32>
    %reduce_sum3A_49 = vector.multi_reduction <add>, %integer_pow3A, %reduce_sum3A_48 [1] : vector<2000x128xf32> to vector<2000xf32>
    %broadcast_in_dim3A_50 = vector.shape_cast %reduce_sum3A_49 : vector<2000xf32> to vector<2000x1xf32>
    %div3A_51 = arith.constant 1.280000e+02 : f32
    %div3A_52 = vector.broadcast %div3A_51 : f32 to vector<2000x1xf32>
    %div3A_53 = arith.divf %broadcast_in_dim3A_50, %div3A_52 : vector<2000x1xf32>
    %sub3A_54 = vector.broadcast %div3A_46 : vector<2000x1xf32> to vector<2000x128xf32>
    %sub3A_55 = arith.subf %add3A_33, %sub3A_54 : vector<2000x128xf32>
    %add3A_56 = arith.constant 9.99999974E-6 : f32
    %add3A_57 = vector.broadcast %add3A_56 : f32 to vector<2000x1xf32>
    %add3A_58 = arith.addf %div3A_53, %add3A_57 : vector<2000x1xf32>
    %sqrt3A = math.sqrt %add3A_58 : vector<2000x1xf32>
    %div3A_59 = vector.broadcast %sqrt3A : vector<2000x1xf32> to vector<2000x128xf32>
    %div3A_60 = arith.divf %sub3A_55, %div3A_59 : vector<2000x128xf32>
    %broadcast_in_dim3A_61 = vector.shape_cast %get3A_37 : vector<128xf32> to vector<1x128xf32>
    %mul3A = vector.broadcast %broadcast_in_dim3A_61 : vector<1x128xf32> to vector<2000x128xf32>
    %mul3A_62 = arith.mulf %div3A_60, %mul3A : vector<2000x128xf32>
    %broadcast_in_dim3A_63 = vector.shape_cast %get3A_41 : vector<128xf32> to vector<1x128xf32>
    %add3A_64 = vector.broadcast %broadcast_in_dim3A_63 : vector<1x128xf32> to vector<2000x128xf32>
    %add3A_65 = arith.addf %mul3A_62, %add3A_64 : vector<2000x128xf32>
    %get3A_66 = arith.constant 1 : index
    %get3A_67 = arith.constant 0 : index
    %get3A_68 = arith.constant 0 : index
    %get3A_69 = vector.load %arg3[%get3A_66, %get3A_67, %get3A_68] : memref<2x2000x16xf32, #tpu.memory_space<vmem>>, vector<1x2000x16xf32>
    %get3A_70 = vector.shape_cast %get3A_69 : vector<1x2000x16xf32> to vector<2000x16xf32>
    %slice3A_71 = vector.extract_strided_slice %get3A_70 {offsets = [0, 0], sizes = [2000, 1], strides = [1, 1]} : vector<2000x16xf32> to vector<2000x1xf32>
    %max3A_72 = arith.constant 1.000000e+00 : f32
    %max3A_73 = vector.broadcast %max3A_72 : f32 to vector<2000x1xf32>
    %max3A_74 = arith.maximumf %slice3A_71, %max3A_73 : vector<2000x1xf32>
    %get3A_75 = arith.constant 1 : index
    %get3A_76 = arith.constant 0 : index
    %get3A_77 = arith.constant 0 : index
    %get3A_78 = vector.load %arg2[%get3A_75, %get3A_76, %get3A_77] : memref<2x2000x128xf32, #tpu.memory_space<vmem>>, vector<1x2000x128xf32>
    %get3A_79 = vector.shape_cast %get3A_78 : vector<1x2000x128xf32> to vector<2000x128xf32>
    %div3A_80 = vector.broadcast %max3A_74 : vector<2000x1xf32> to vector<2000x128xf32>
    %div3A_81 = arith.divf %get3A_79, %div3A_80 : vector<2000x128xf32>
    %get3A_82 = arith.constant 1 : index
    %get3A_83 = arith.constant 0 : index
    %get3A_84 = arith.constant 0 : index
    %get3A_85 = vector.load %arg4[%get3A_82, %get3A_83, %get3A_84] : memref<2x128x128xf32, #tpu.memory_space<vmem>>, vector<1x128x128xf32>
    %get3A_86 = vector.shape_cast %get3A_85 : vector<1x128x128xf32> to vector<128x128xf32>
    %dot_general3A_87 = arith.constant dense<0.000000e+00> : vector<2000x128xf32>
    %dot_general3A_88 = tpu.matmul %get3A_1, %get3A_86, %dot_general3A_87 {dimension_numbers = #tpu.dot_dimension_numbers<[1], [0], [0], [1], [0, 0, 1, 1], [], []>, transpose_lhs_hint = false} : vector<2000x128xf32>, vector<128x128xf32>, vector<2000x128xf32> -> vector<2000x128xf32>
    %get3A_89 = arith.constant 1 : index
    %get3A_90 = arith.constant 0 : index
    %get3A_91 = arith.constant 0 : index
    %get3A_92 = vector.load %arg5[%get3A_89, %get3A_90, %get3A_91] : memref<2x128x128xf32, #tpu.memory_space<vmem>>, vector<1x128x128xf32>
    %get3A_93 = vector.shape_cast %get3A_92 : vector<1x128x128xf32> to vector<128x128xf32>
    %dot_general3A_94 = arith.constant dense<0.000000e+00> : vector<2000x128xf32>
    %dot_general3A_95 = tpu.matmul %div3A_81, %get3A_93, %dot_general3A_94 {dimension_numbers = #tpu.dot_dimension_numbers<[1], [0], [0], [1], [0, 0, 1, 1], [], []>, transpose_lhs_hint = false} : vector<2000x128xf32>, vector<128x128xf32>, vector<2000x128xf32> -> vector<2000x128xf32>
    %add3A_96 = arith.addf %dot_general3A_88, %dot_general3A_95 : vector<2000x128xf32>
    %get3A_97 = arith.constant 1 : index
    %get3A_98 = arith.constant 0 : index
    %get3A_99 = vector.load %arg6[%get3A_97, %get3A_98] : memref<2x128xf32, #tpu.memory_space<vmem>>, vector<1x128xf32>
    %get3A_100 = vector.shape_cast %get3A_99 : vector<1x128xf32> to vector<128xf32>
    %broadcast_in_dim3A_101 = vector.shape_cast %get3A_100 : vector<128xf32> to vector<1x128xf32>
    %add3A_102 = vector.broadcast %broadcast_in_dim3A_101 : vector<1x128xf32> to vector<2000x128xf32>
    %add3A_103 = arith.addf %add3A_96, %add3A_102 : vector<2000x128xf32>
    %get3A_104 = arith.constant 2 : index
    %get3A_105 = arith.constant 0 : index
    %get3A_106 = vector.load %arg7[%get3A_104, %get3A_105] : memref<3x128xf32, #tpu.memory_space<vmem>>, vector<1x128xf32>
    %get3A_107 = vector.shape_cast %get3A_106 : vector<1x128xf32> to vector<128xf32>
    %get3A_108 = arith.constant 2 : index
    %get3A_109 = arith.constant 0 : index
    %get3A_110 = vector.load %arg8[%get3A_108, %get3A_109] : memref<3x128xf32, #tpu.memory_space<vmem>>, vector<1x128xf32>
    %get3A_111 = vector.shape_cast %get3A_110 : vector<1x128xf32> to vector<128xf32>
    %reduce_sum3A_112 = arith.constant dense<0.000000e+00> : vector<2000xf32>
    %reduce_sum3A_113 = vector.multi_reduction <add>, %add3A_103, %reduce_sum3A_112 [1] : vector<2000x128xf32> to vector<2000xf32>
    %broadcast_in_dim3A_114 = vector.shape_cast %reduce_sum3A_113 : vector<2000xf32> to vector<2000x1xf32>
    %div3A_115 = arith.constant 1.280000e+02 : f32
    %div3A_116 = vector.broadcast %div3A_115 : f32 to vector<2000x1xf32>
    %div3A_117 = arith.divf %broadcast_in_dim3A_114, %div3A_116 : vector<2000x1xf32>
    %sub3A_118 = vector.broadcast %div3A_117 : vector<2000x1xf32> to vector<2000x128xf32>
    %sub3A_119 = arith.subf %add3A_103, %sub3A_118 : vector<2000x128xf32>
    %integer_pow3A_120 = arith.mulf %sub3A_119, %sub3A_119 : vector<2000x128xf32>
    %reduce_sum3A_121 = arith.constant dense<0.000000e+00> : vector<2000xf32>
    %reduce_sum3A_122 = vector.multi_reduction <add>, %integer_pow3A_120, %reduce_sum3A_121 [1] : vector<2000x128xf32> to vector<2000xf32>
    %broadcast_in_dim3A_123 = vector.shape_cast %reduce_sum3A_122 : vector<2000xf32> to vector<2000x1xf32>
    %div3A_124 = arith.constant 1.280000e+02 : f32
    %div3A_125 = vector.broadcast %div3A_124 : f32 to vector<2000x1xf32>
    %div3A_126 = arith.divf %broadcast_in_dim3A_123, %div3A_125 : vector<2000x1xf32>
    %sub3A_127 = vector.broadcast %div3A_117 : vector<2000x1xf32> to vector<2000x128xf32>
    %sub3A_128 = arith.subf %add3A_103, %sub3A_127 : vector<2000x128xf32>
    %add3A_129 = arith.constant 9.99999974E-6 : f32
    %add3A_130 = vector.broadcast %add3A_129 : f32 to vector<2000x1xf32>
    %add3A_131 = arith.addf %div3A_126, %add3A_130 : vector<2000x1xf32>
    %sqrt3A_132 = math.sqrt %add3A_131 : vector<2000x1xf32>
    %div3A_133 = vector.broadcast %sqrt3A_132 : vector<2000x1xf32> to vector<2000x128xf32>
    %div3A_134 = arith.divf %sub3A_128, %div3A_133 : vector<2000x128xf32>
    %broadcast_in_dim3A_135 = vector.shape_cast %get3A_107 : vector<128xf32> to vector<1x128xf32>
    %mul3A_136 = vector.broadcast %broadcast_in_dim3A_135 : vector<1x128xf32> to vector<2000x128xf32>
    %mul3A_137 = arith.mulf %div3A_134, %mul3A_136 : vector<2000x128xf32>
    %broadcast_in_dim3A_138 = vector.shape_cast %get3A_111 : vector<128xf32> to vector<1x128xf32>
    %add3A_139 = vector.broadcast %broadcast_in_dim3A_138 : vector<1x128xf32> to vector<2000x128xf32>
    %add3A_140 = arith.addf %mul3A_137, %add3A_139 : vector<2000x128xf32>
    %mul3A_141 = arith.constant 5.000000e-01 : f32
    %mul3A_142 = vector.broadcast %mul3A_141 : f32 to vector<2000x128xf32>
    %mul3A_143 = arith.mulf %mul3A_142, %add3A_65 : vector<2000x128xf32>
    %mul3A_144 = arith.constant 5.000000e-01 : f32
    %mul3A_145 = vector.broadcast %mul3A_144 : f32 to vector<2000x128xf32>
    %mul3A_146 = arith.mulf %mul3A_145, %add3A_140 : vector<2000x128xf32>
    %add3A_147 = arith.addf %mul3A_143, %mul3A_146 : vector<2000x128xf32>
    %get3A_148 = arith.constant 0 : index
    %get3A_149 = arith.constant 0 : index
    %get3A_150 = vector.load %arg7[%get3A_148, %get3A_149] : memref<3x128xf32, #tpu.memory_space<vmem>>, vector<1x128xf32>
    %get3A_151 = vector.shape_cast %get3A_150 : vector<1x128xf32> to vector<128xf32>
    %get3A_152 = arith.constant 0 : index
    %get3A_153 = arith.constant 0 : index
    %get3A_154 = vector.load %arg8[%get3A_152, %get3A_153] : memref<3x128xf32, #tpu.memory_space<vmem>>, vector<1x128xf32>
    %get3A_155 = vector.shape_cast %get3A_154 : vector<1x128xf32> to vector<128xf32>
    %reduce_sum3A_156 = arith.constant dense<0.000000e+00> : vector<2000xf32>
    %reduce_sum3A_157 = vector.multi_reduction <add>, %add3A_147, %reduce_sum3A_156 [1] : vector<2000x128xf32> to vector<2000xf32>
    %broadcast_in_dim3A_158 = vector.shape_cast %reduce_sum3A_157 : vector<2000xf32> to vector<2000x1xf32>
    %div3A_159 = arith.constant 1.280000e+02 : f32
    %div3A_160 = vector.broadcast %div3A_159 : f32 to vector<2000x1xf32>
    %div3A_161 = arith.divf %broadcast_in_dim3A_158, %div3A_160 : vector<2000x1xf32>
    %sub3A_162 = vector.broadcast %div3A_161 : vector<2000x1xf32> to vector<2000x128xf32>
    %sub3A_163 = arith.subf %add3A_147, %sub3A_162 : vector<2000x128xf32>
    %integer_pow3A_164 = arith.mulf %sub3A_163, %sub3A_163 : vector<2000x128xf32>
    %reduce_sum3A_165 = arith.constant dense<0.000000e+00> : vector<2000xf32>
    %reduce_sum3A_166 = vector.multi_reduction <add>, %integer_pow3A_164, %reduce_sum3A_165 [1] : vector<2000x128xf32> to vector<2000xf32>
    %broadcast_in_dim3A_167 = vector.shape_cast %reduce_sum3A_166 : vector<2000xf32> to vector<2000x1xf32>
    %div3A_168 = arith.constant 1.280000e+02 : f32
    %div3A_169 = vector.broadcast %div3A_168 : f32 to vector<2000x1xf32>
    %div3A_170 = arith.divf %broadcast_in_dim3A_167, %div3A_169 : vector<2000x1xf32>
    %sub3A_171 = vector.broadcast %div3A_161 : vector<2000x1xf32> to vector<2000x128xf32>
    %sub3A_172 = arith.subf %add3A_147, %sub3A_171 : vector<2000x128xf32>
    %add3A_173 = arith.constant 9.99999974E-6 : f32
    %add3A_174 = vector.broadcast %add3A_173 : f32 to vector<2000x1xf32>
    %add3A_175 = arith.addf %div3A_170, %add3A_174 : vector<2000x1xf32>
    %sqrt3A_176 = math.sqrt %add3A_175 : vector<2000x1xf32>
    %div3A_177 = vector.broadcast %sqrt3A_176 : vector<2000x1xf32> to vector<2000x128xf32>
    %div3A_178 = arith.divf %sub3A_172, %div3A_177 : vector<2000x128xf32>
    %broadcast_in_dim3A_179 = vector.shape_cast %get3A_151 : vector<128xf32> to vector<1x128xf32>
    %mul3A_180 = vector.broadcast %broadcast_in_dim3A_179 : vector<1x128xf32> to vector<2000x128xf32>
    %mul3A_181 = arith.mulf %div3A_178, %mul3A_180 : vector<2000x128xf32>
    %broadcast_in_dim3A_182 = vector.shape_cast %get3A_155 : vector<128xf32> to vector<1x128xf32>
    %add3A_183 = vector.broadcast %broadcast_in_dim3A_182 : vector<1x128xf32> to vector<2000x128xf32>
    %add3A_184 = arith.addf %mul3A_181, %add3A_183 : vector<2000x128xf32>
    %integer_pow3A_185 = arith.mulf %add3A_184, %add3A_184 : vector<2000x128xf32>
    %integer_pow3A_186 = arith.mulf %add3A_184, %integer_pow3A_185 : vector<2000x128xf32>
    %mul3A_187 = arith.constant 4.471500e-02 : f32
    %mul3A_188 = vector.broadcast %mul3A_187 : f32 to vector<2000x128xf32>
    %mul3A_189 = arith.mulf %mul3A_188, %integer_pow3A_186 : vector<2000x128xf32>
    %add3A_190 = arith.addf %add3A_184, %mul3A_189 : vector<2000x128xf32>
    %mul3A_191 = arith.constant 0.797884583 : f32
    %mul3A_192 = vector.broadcast %mul3A_191 : f32 to vector<2000x128xf32>
    %mul3A_193 = arith.mulf %mul3A_192, %add3A_190 : vector<2000x128xf32>
    %tanh3A = math.tanh %mul3A_193 : vector<2000x128xf32>
    %add3A_194 = arith.constant 1.000000e+00 : f32
    %add3A_195 = vector.broadcast %add3A_194 : f32 to vector<2000x128xf32>
    %add3A_196 = arith.addf %add3A_195, %tanh3A : vector<2000x128xf32>
    %mul3A_197 = arith.constant 5.000000e-01 : f32
    %mul3A_198 = vector.broadcast %mul3A_197 : f32 to vector<2000x128xf32>
    %mul3A_199 = arith.mulf %mul3A_198, %add3A_196 : vector<2000x128xf32>
    %mul3A_200 = arith.mulf %add3A_184, %mul3A_199 : vector<2000x128xf32>
    %get3A_201 = arith.constant 0 : index
    %get3A_202 = arith.constant 0 : index
    %get3A_203 = arith.constant 0 : index
    %get3A_204 = vector.load %arg9[%get3A_201, %get3A_202, %get3A_203] : memref<2x128x128xf32, #tpu.memory_space<vmem>>, vector<1x128x128xf32>
    %get3A_205 = vector.shape_cast %get3A_204 : vector<1x128x128xf32> to vector<128x128xf32>
    %dot_general3A_206 = arith.constant dense<0.000000e+00> : vector<2000x128xf32>
    %dot_general3A_207 = tpu.matmul %get3A_1, %get3A_205, %dot_general3A_206 {dimension_numbers = #tpu.dot_dimension_numbers<[1], [0], [0], [1], [0, 0, 1, 1], [], []>, transpose_lhs_hint = false} : vector<2000x128xf32>, vector<128x128xf32>, vector<2000x128xf32> -> vector<2000x128xf32>
    %get3A_208 = arith.constant 1 : index
    %get3A_209 = arith.constant 0 : index
    %get3A_210 = arith.constant 0 : index
    %get3A_211 = vector.load %arg9[%get3A_208, %get3A_209, %get3A_210] : memref<2x128x128xf32, #tpu.memory_space<vmem>>, vector<1x128x128xf32>
    %get3A_212 = vector.shape_cast %get3A_211 : vector<1x128x128xf32> to vector<128x128xf32>
    %dot_general3A_213 = arith.constant dense<0.000000e+00> : vector<2000x128xf32>
    %dot_general3A_214 = tpu.matmul %mul3A_200, %get3A_212, %dot_general3A_213 {dimension_numbers = #tpu.dot_dimension_numbers<[1], [0], [0], [1], [0, 0, 1, 1], [], []>, transpose_lhs_hint = false} : vector<2000x128xf32>, vector<128x128xf32>, vector<2000x128xf32> -> vector<2000x128xf32>
    %add3A_215 = arith.addf %dot_general3A_207, %dot_general3A_214 : vector<2000x128xf32>
    %get3A_216 = arith.constant 0 : index
    %get3A_217 = vector.load %arg10[%get3A_216] : memref<128xf32, #tpu.memory_space<vmem>>, vector<128xf32>
    %broadcast_in_dim3A_218 = vector.shape_cast %get3A_217 : vector<128xf32> to vector<1x128xf32>
    %add3A_219 = vector.broadcast %broadcast_in_dim3A_218 : vector<1x128xf32> to vector<2000x128xf32>
    %add3A_220 = arith.addf %add3A_215, %add3A_219 : vector<2000x128xf32>
    %swap3A = arith.constant 0 : index
    %swap3A_221 = arith.constant 0 : index
    %swap3A_222 = vector.load %arg11[%swap3A, %swap3A_221] : memref<2000x128xf32, #tpu.memory_space<vmem>>, vector<2000x128xf32>
    tpu.vector_store %arg11[%swap3A, %swap3A_221], %add3A_220 {strides = array<i32>} : memref<2000x128xf32, #tpu.memory_space<vmem>>, vector<2000x128xf32>,
    return
  }
  func.func @transform_0(%arg0: i32) -> (i32, i32) {
    %c0_i32 = arith.constant 0 : i32
    %c0_i32_0 = arith.constant 0 : i32
    return %arg0, %c0_i32 : i32, i32
  }
  func.func @transform_1(%arg0: i32) -> (i32, i32, i32) {
    %c0_i32 = arith.constant 0 : i32
    %c0_i32_0 = arith.constant 0 : i32
    %c0_i32_1 = arith.constant 0 : i32
    return %c0_i32, %arg0, %c0_i32_0 : i32, i32, i32
  }
  func.func @transform_2(%arg0: i32) -> (i32, i32, i32) {
    %c0_i32 = arith.constant 0 : i32
    %c0_i32_0 = arith.constant 0 : i32
    %c0_i32_1 = arith.constant 0 : i32
    return %c0_i32, %arg0, %c0_i32_0 : i32, i32, i32
  }
  func.func @transform_3(%arg0: i32) -> (i32, i32, i32) {
    %c0_i32 = arith.constant 0 : i32
    %c0_i32_0 = arith.constant 0 : i32
    %c0_i32_1 = arith.constant 0 : i32
    %c0_i32_2 = arith.constant 0 : i32
    return %c0_i32, %c0_i32_0, %c0_i32_1 : i32, i32, i32
  }
  func.func @transform_4(%arg0: i32) -> (i32, i32, i32) {
    %c0_i32 = arith.constant 0 : i32
    %c0_i32_0 = arith.constant 0 : i32
    %c0_i32_1 = arith.constant 0 : i32
    %c0_i32_2 = arith.constant 0 : i32
    return %c0_i32, %c0_i32_0, %c0_i32_1 : i32, i32, i32
  }
  func.func @transform_5(%arg0: i32) -> (i32, i32) {
    %c0_i32 = arith.constant 0 : i32
    %c0_i32_0 = arith.constant 0 : i32
    %c0_i32_1 = arith.constant 0 : i32
    return %c0_i32, %c0_i32_0 : i32, i32
  }
  func.func @transform_6(%arg0: i32) -> (i32, i32) {
    %c0_i32 = arith.constant 0 : i32
    %c0_i32_0 = arith.constant 0 : i32
    %c0_i32_1 = arith.constant 0 : i32
    return %c0_i32, %c0_i32_0 : i32, i32
  }
  func.func @transform_7(%arg0: i32) -> (i32, i32) {
    %c0_i32 = arith.constant 0 : i32
    %c0_i32_0 = arith.constant 0 : i32
    %c0_i32_1 = arith.constant 0 : i32
    return %c0_i32, %c0_i32_0 : i32, i32
  }
  func.func @transform_8(%arg0: i32) -> (i32, i32, i32) {
    %c0_i32 = arith.constant 0 : i32
    %c0_i32_0 = arith.constant 0 : i32
    %c0_i32_1 = arith.constant 0 : i32
    %c0_i32_2 = arith.constant 0 : i32
    return %c0_i32, %c0_i32_0, %c0_i32_1 : i32, i32, i32
  }
  func.func @transform_9(%arg0: i32) -> i32 {
    %c0_i32 = arith.constant 0 : i32
    %c0_i32_0 = arith.constant 0 : i32
    return %c0_i32 : i32
  }
  func.func @transform_10(%arg0: i32) -> (i32, i32) {
    %c0_i32 = arith.constant 0 : i32
    %c0_i32_0 = arith.constant 0 : i32
    return %arg0, %c0_i32 : i32, i32
  }
}

</mosaic_0001>

<sc_bundles>
// kernel: kernel.12.cloned.1.call-start
scs
__scs_entry_jumppad:
0x0: {  	(pc) =	sbr.rel $0x88, $3  }
0x1: {  	(tag) =	ssettag $0x0;
	lr =	simm.s32 $0x1  }
0x2: {  	[smem:$0x3F92] =	sst lr;
	_ =	strace $0xD0000000  }
0x3: {  	_ = 	snop  }
0x4: {  	_ = 	snop  }
0x5: {  	_ = 	snop  }
0x6: {  	_ = 	snop  }
0x7: {  	_ = 	snop  }
__scs_overlays_trampoline_lowered:
0x8: {  	[smem:$0x3FA1] =	sst s0  }
0x9: {  	[smem:$0x3FA2] =	sst s1  }
0xa: {  	[smem:$0x3FA3] =	sst s2  }
0xb: {  	[smem:$0x3FA4] =	sst s3  }
0xc: {  	[smem:$0x3FA5] =	sst s4  }
0xd: {  	[smem:$0x3FA6] =	sst s5  }
0xe: {  	[smem:$0x3FA7] =	sst s6  }
0xf: {  	[smem:$0x3FA8] =	sst s7  }
0x10: {  	[smem:$0x3FA9] =	sst s8  }
0x11: {  	[smem:$0x3FAA] =	sst s9;
	s0 =	simm.s32 @!p0 $0x0  }
0x12: {  	s1 =	sld [smem:$0x3F90];
	s0 =	simm.s32 @p0 $0x1  }
0x13: {  	[smem:$0x3FAB] =	sst s0;
	s0 =	simm.s32 @!p1 $0x0  }
0x14: {  	s2 =	sld [smem:$0x3F8F];
	s0 =	simm.s32 @p1 $0x1  }
0x15: {  	[smem:$0x3FAC] =	sst s0;
	s0 =	simm.s32 @!p2 $0x0  }
0x16: {  	s3 =	sld [smem:$0x3FDB];
	s0 =	simm.s32 @p2 $0x1  }
0x17: {  	s4 =	simm.s32 $0x1BF5;
	[smem:$0x3FAE] =	sst s0  }
0x18: {  	s0 =	sld [smem:$0x3F91];
	_ =	swait.ge [sflag:s4], $0x0  }
0x19: {  	s7 =	sld [smem:$0x3F92]  }
0x1a: {  	s8 =	sadd.s32 $0xFFFFE003, lr  }
0x1b: {  	s9 =	sadd.s32 $0xFFFFFEF7, lr;
	s5 =	simm.s32 $0xFFFFFFFF;
	p2 =	slt.u32 s8, $0xFFFFF086  }
0x1c: {  	p1 =	slt.u32 s9, $0xF7A;
	s5 =	simm.s32 @!p2 $0x0  }
0x1d: {  	s5 =	simm.s32 @p1 $0x1;
	p0 =	seq.s32 s7, s2  }
0x1e: {  	s7 =	smul.u32 @!p0 $0xF7A, s2;
	p2 =	seq.s32 @!p0 s5, $0x0  }
0x1f: {  	s9 =	smul.u32 $0xF7A, s1;
	s8 =	simm.s32 @!p0 $0x1BF5;
	p2 =	por !p2, p0  }
0x20: {  	[sflag:s8] =	ssyncset.s32 @!p0 $0xFFFFF086;
	s6 =	sadd.s32 @!p0 s3, s7;
	s7 =	simm.s32 @!p0 $0x108  }
0x21: {  	s3 =	sadd.s32 s3, s9;
	s6 =	sadd.s32 @!p0 $0x88, s6;
	s7 =	simm.s32 @p2 $0x1082  }
0x22: {  	[simem:s7], [sflag:s8] =	dma.local @!p0 [hbm:s6], $0xF7A  }
0x23: {  	s9 =	sor.u32 $0xD0000000, s2;
	s6 =	simm.s32 $0x108;
	_ =	swait.ge @!p0 [sflag:s8], $0x0  }
0x24: {  	s3 =	sadd.s32 $0x88, s3;
	s6 =	simm.s32 @!p1 $0x1082;
	[sflag:s4] =	ssyncset.s32 $0xFFFFF086  }
0x25: {  	[simem:s6], [sflag:s4] =	dma.local [hbm:s3], $0xF7A  }
0x26: {  	[smem:$0x3F92] =	sst s1;
	(tag) =	ssettag s2;
	_ =	strace s9  }
0x27: {  	s1 =	sld [smem:$0x3FA2]  }
0x28: {  	s2 =	sld [smem:$0x3FA3]  }
0x29: {  	s4 =	sld [smem:$0x3FA5]  }
0x2a: {  	p0 =	seq.s32 s5, $0x0;
	s5 =	sld [smem:$0x3FA6]  }
0x2b: {  	s6 =	sld [smem:$0x3FA7]  }
0x2c: {  	s7 =	sld [smem:$0x3FA8]  }
0x2d: {  	s3 =	simm.s32 $0x108;
	s8 =	sld [smem:$0x3FA9]  }
0x2e: {  	s3 =	simm.s32 @!p0 $0x1082;
	s9 =	sld [smem:$0x3FAA]  }
0x2f: {  	lr =	sadd.s32 s0, s3;
	s0 =	sld [smem:$0x3FA1]  }
0x30: {  	s3 =	sld [smem:$0x3FA4]  }
0x31: {  	[smem:$0x3FAD] =	sst s10  }
0x32: {  	s10 =	sld [smem:$0x3FAB];
	_ =	sdelay $0x3  }
0x33: {  	p0 =	seq.s32 s10, $0x1;
	s10 =	sld [smem:$0x3FAD];
	_ =	sdelay $0x3  }
0x34: {  	[smem:$0x3FAD] =	sst s10  }
0x35: {  	s10 =	sld [smem:$0x3FAC];
	_ =	sdelay $0x3  }
0x36: {  	p1 =	seq.s32 s10, $0x1;
	s10 =	sld [smem:$0x3FAD];
	_ =	sdelay $0x3  }
0x37: {  	[smem:$0x3FAD] =	sst s10  }
0x38: {  	s10 =	sld [smem:$0x3FAE]  }
0x39: {  	_ = 	snop;
	(pc) =	sbr.ind lr, $3  }
0x3a: {  	_ = 	snop  }
0x3b: {  	_ = 	snop  }
0x3c: {  	p2 =	seq.s32 s10, $0x1;
	s10 =	sld [smem:$0x3FAD]  }
0x3d: {  	_ =	shalt  }
0x3e: {  	_ =	shalt  }
0x3f: {  	_ =	shalt  }
0x40: {  	_ =	shalt  }
0x41: {  	_ =	shalt  }
0x42: {  	_ =	shalt  }
0x43: {  	_ =	shalt  }
0x44: {  	_ =	shalt  }
0x45: {  	_ =	shalt  }
0x46: {  	_ =	shalt  }
0x47: {  	_ =	shalt  }
0x48: {  	_ =	shalt  }
0x49: {  	_ =	shalt  }
0x4a: {  	_ =	shalt  }
0x4b: {  	_ =	shalt  }
0x4c: {  	_ =	shalt  }
0x4d: {  	_ =	shalt  }
0x4e: {  	_ =	shalt  }
0x4f: {  	_ =	shalt  }
0x50: {  	_ =	shalt  }
0x51: {  	_ =	shalt  }
0x52: {  	_ =	shalt  }
0x53: {  	_ =	shalt  }
0x54: {  	_ =	shalt  }
0x55: {  	_ =	shalt  }
0x56: {  	_ =	shalt  }
0x57: {  	_ =	shalt  }
0x58: {  	_ =	shalt  }
0x59: {  	_ =	shalt  }
0x5a: {  	_ =	shalt  }
0x5b: {  	_ =	shalt  }
0x5c: {  	_ =	shalt  }
0x5d: {  	_ =	shalt  }
0x5e: {  	_ =	shalt  }
0x5f: {  	_ =	shalt  }
0x60: {  	_ =	shalt  }
0x61: {  	_ =	shalt  }
0x62: {  	_ =	shalt  }
0x63: {  	_ =	shalt  }
0x64: {  	_ =	shalt  }
0x65: {  	_ =	shalt  }
0x66: {  	_ =	shalt  }
0x67: {  	_ =	shalt  }
0x68: {  	_ =	shalt  }
0x69: {  	_ =	shalt  }
0x6a: {  	_ =	shalt  }
0x6b: {  	_ =	shalt  }
0x6c: {  	_ =	shalt  }
0x6d: {  	_ =	shalt  }
0x6e: {  	_ =	shalt  }
0x6f: {  	_ =	shalt  }
0x70: {  	_ =	shalt  }
0x71: {  	_ =	shalt  }
0x72: {  	_ =	shalt  }
0x73: {  	_ =	shalt  }
0x74: {  	_ =	shalt  }
0x75: {  	_ =	shalt  }
0x76: {  	_ =	shalt  }
0x77: {  	_ =	shalt  }
0x78: {  	_ =	shalt  }
0x79: {  	_ =	shalt  }
0x7a: {  	_ =	shalt  }
0x7b: {  	_ =	shalt  }
0x7c: {  	_ =	shalt  }
0x7d: {  	_ =	shalt  }
0x7e: {  	_ =	shalt  }
0x7f: {  	_ =	shalt  }
0x80: {  	_ =	shalt  }
0x81: {  	_ =	shalt  }
0x82: {  	_ =	shalt  }
0x83: {  	_ =	shalt  }
0x84: {  	_ =	shalt  }
0x85: {  	_ =	shalt  }
0x86: {  	_ =	shalt  }
0x87: {  	_ =	shalt  }
.Lfunc_end0:
.L_simem_size_0:
called_computation.1_lowered:
.L_overlay_start_0:
0x88: {  	s2 =	sld [smem:$0x3FD9]  }
0x89: {  	s3 =	sld [smem:$0x3FFE];
	_ =	sdelay $0x1  }
0x8a: {  	s1 =	srdreg.scid  }
0x8b: {  	s0 =	sand.u32 $0x1, s1  }
0x8c: {  	s17 =	sshll.u32 s0, $0xA;
	s2 =	sadd.s32 s3, s2  }
0x8d: {  	s2 =	sadd.s32 s2, s17  }
0x8e: {  	[smem:$0x3FB9] =	sst s2  }
0x8f: {  	_ = 	snop  }
0x90: {  	(tm) =	ssettm $0x1  }
0x91: {  	s18 =	sld [smem:$0x3FFB];
	_ =	sdelay $0x3  }
0x92: {  	_ =	strace s18  }
0x93: {  	s2 =	sld [smem:$0x3FFC];
	_ =	sdelay $0x3  }
0x94: {  	_ =	strace s2  }
0x95: {  	s2 =	sld [smem:$0x3FFD];
	_ =	sdelay $0x3  }
0x96: {  	_ =	strace s2  }
0x97: {  	_ =	strace $0x8FFFFFFF  }
0x98: {  	s19 =	sld [smem:$0x3FDB];
	_ =	sdelay $0x1  }
0x99: {  	s20 =	simm.s32 $_scs_section_size  }
0x9a: {  	s4 =	simm.s32 $_size__tile_overlayer_lowered;
	s5 =	simm.s32 $_tile_overlayer_lowered  }
0x9b: {  	s6 =	simm.s32 $0x1BFF;
	s21 =	sshll.u32 s5, $0x1;
	s3 =	sadd.s32 s20, s19  }
0x9c: {  	s22 =	simm.s32 $0x0;
	s4 =	sshll.u32 s4, $0x1;
	s5 =	sadd.s32 s21, s3  }
0x9d: {  	[timem:s22], [sflag:s6] =	dma.local [hbm:s5], s4  }
0x9e: {  	_ =	swait.ge [sflag:s6], s4  }
0x9f: {  	s4 =	ssub.s32 $0x0, s4;
	[sflag:s6] =	ssyncset.done $0x0  }
0xa0: {  	[sflag:s6] =	ssyncadd.s32 s4;
	_ =	sdelay $0x1  }
0xa1: {  	s23 =	simm.s32 $0x1B8B  }
0xa2: {  	_ =	swait.ge [sflag:s23], $0x1  }
0xa3: {  	[sflag:s23] =	ssyncset.done $0x0  }
0xa4: {  	[sflag:s23] =	ssyncadd.s32 $0xFFFFFFFF  }
0xa5: {  	s4 =	sld [smem:$0x0]  }
0xa6: {  	s5 =	sand.u32 $0xFFFFFFFE, s1  }
0xa7: {  	p0 =	sne.s32 s1, s5  }
0xa8: {  	s5 =	sshll.u32 @p0 s5, $0xE  }
0xa9: {  	s5 =	sadd.s32 @p0 $0x11B8D, s5;
	s6 =	sshll.u32 @p0 s4, $0x11  }
0xaa: {  	s5 =	sor.u32 @p0 s6, s5  }
0xab: {  	[sflag:s5] =	ssyncadd.remote.s32 @p0 $0x1;
	_ =	sdelay $0x1  }
0xac: {  	s5 =	simm.s32 @p0 $0x1B8D  }
0xad: {  	_ =	swait.eq @p0 [sflag:s5], $0x1  }
0xae: {  	[sflag:s5] =	ssyncadd.s32 @p0 $0xFFFFFFFF  }
0xaf: {  	s6 =	sshll.u32 @!p0 s1, $0xE  }
0xb0: {  	s6 =	sor.u32 @!p0 $0x4000, s6;
	s5 =	simm.s32 @!p0 $0x1B8D  }
0xb1: {  	s4 =	sshll.u32 @!p0 s4, $0x11;
	s6 =	sadd.s32 @!p0 $0x11B8D, s6;
	_ =	swait.eq @!p0 [sflag:s5], $0x1  }
0xb2: {  	s4 =	sor.u32 @!p0 s4, s6;
	[sflag:s5] =	ssyncadd.s32 @!p0 $0xFFFFFFFF  }
0xb3: {  	s25 =	simm.s32 $0x1B8E;
	s24 =	sld [smem:$0x3FFE];
	[sflag:s4] =	ssyncadd.remote.s32 @!p0 $0x1  }
0xb4: {  	s26 =	simm.s32 $execute0_lowered;
	[smem:$0x3FD2] =	sst s25  }
0xb5: {  	s5 =	sshll.u32 s26, $0x1;
	_ =	strace $0x80000049;
	[dreg:$0x1] =	wrdreg $0xFFFFFFFF  }
0xb6: {  	s28 =	simm.s32 $_size_execute0_lowered;
	s3 =	sadd.s32 s3, s5;
	[dreg:$0x0] =	wrdreg $0x0  }
0xb7: {  	s5 =	sshll.u32 s28, $0x1;
	[dreg:$0x2] =	wrdreg s3  }
0xb8: {  	[dreg:$0x3] =	wrdreg s5  }
0xb9: {  	[dreg:$0x4] =	wrdreg $0xC0  }
0xba: {  	_ =	task [dreg:s22], $0x5FFFF  }
0xbb: {  	[dreg:$0x1] =	wrdreg $0xFFFFFFFF  }
0xbc: {  	[dreg:$0x0] =	wrdreg $0x60  }
0xbd: {  	[dreg:$0x2] =	wrdreg s24  }
0xbe: {  	[dreg:$0x3] =	wrdreg $0x50000  }
0xbf: {  	[dreg:$0x4] =	wrdreg $0x9  }
0xc0: {  	_ =	task.clear_ibuf [dreg:s22], $0x5FFFF;
	_ =	strace $0x90000049  }
0xc1: {  	s29 =	simm.s32 $0x9;
	_ =	strace $0x8000004B  }
0xc2: {  	_ =	swait.ge [sflag:s29], $0x1  }
0xc3: {  	[sflag:s29] =	ssyncadd.s32 $0xFFFFFFFF  }
0xc4: {  	_ =	strace $0x9000004B  }
0xc5: {  	_ =	sfence  }
0xc6: {  	s30 =	sld [smem:$0x0];
	_ =	sdelay $0x2  }
0xc7: {  	s31 =	sshll.u32 s1, $0xD;
	s1 =	sshrl.u32 s1, $0x2  }
0xc8: {  	s4 =	sand.u32 $0x4000, s31;
	s1 =	sadd.s32 s1, s30  }
0xc9: {  	s0 =	sor.u32 s4, s0;
	s1 =	sshll.u32 s1, $0x11  }
0xca: {  	s0 =	sor.u32 s1, s0  }
0xcb: {  	s0 =	sadd.s32 $0x8F2B, s0  }
0xcc: {  	[sflag:s0] =	ssyncadd.remote.s32 $0x1  }
0xcd: {  	_ =	sfence.sel $0xFFFF  }
0xce: {  	[dreg:$0x0] =	wrdreg $0xFFFFFFFF;
	(pc) =	sbr.abs _section_cstart, $3  }
0xcf: {  	[dreg:$0x1] =	wrdreg $0xFFFFFFFF  }
0xd0: {  	_ =	task.clear_ibuf [dreg:s22], $0x2FFFF;
	_ =	strace $0x9FFFFFFF  }
0xd1: {  	(tm) =	ssettm $0x7FFFFFFF  }
tec
execute0_lowered:
.L_overlay_start_1:
0x0: {  	(tag) =	ssettag $0x1  }
0x1: {  	s6 =	rddreg [dreg:$0x0]  }
0x2: {  	s2 =	rddreg [dreg:$0x1]  }
0x3: {  	s0 =	rddreg [dreg:$0x2]  }
0x4: {  	s4 =	srdreg.scid;
	s1 =	stileid.u32  }
0x5: {  	s3 =	simm.s32 $0x0;
	s13 =	simm.s32 $0x0;
	s8 =	smul.u32 $0x2800, s1  }
0x6: {  	s7 =	sand.u32 $0x1, s4;
	[smem:$0x7FF] =	sst s3;
	s12 =	smul.u32 $0xA000, s1  }
0x7: {  	s4 =	sadd.s32 $0x4B200, s6;
	s5 =	smul.u32 $0x28000, s7;
	_ =	strace $0x8000004A  }
0x8: {  	s10 =	ssub.s32 $0x2, s7;
	p0 =	seq.s32 s7, $0x1;
	s7 =	simm.s32 $0x37000  }
0x9: {  	s11 =	sshrl.u32 s10, $0x1;
	s7 =	simm.s32 @!p0 $0x41000;
	s30 =	sshrl.u32 s12, $0x2  }
0xa: {  	s12 =	simm.s32 $0x7D;
	s9 =	sadd.s32 s8, s5;
	s5 =	sadd.s32 $0x4B000, s6  }
0xb: {  	s10 =	ssub.s32 s10, s11;
	s8 =	sshrl.u32 s8, $0x3;
	s9 =	sshrl.u32 s9, $0x3  }
0xc: {  	s11 =	simm.s32 $0x2800;
	s9 =	sadd.s32 s9, s6;
	s6 =	sadd.s32 s7, s6  }
0xd: {  	s31 =	sadd.s32 s6, s8;
	s6 =	sadd.s32 s30, s2;
	s7 =	sadd.s32 $0x4B800, s9  }
0xe: {  	s8 =	smax.u32 s10, $0x1;
	s10 =	simm.s32 $0x1;
	s9 =	sadd.s32 $0x5000, s31  }
.LBB2_1:
0xf: {  	[tilespmem:s3], [sflag:$0x1] =	stream.linear.gather [hbm4b:s9+s3], $0x2800, $0x38;
	[tilespmem:$0x7800] =	vst v63  }
0x10: {  	_ =	swait.ge [sflag:s10], $0x2800  }
0x11: {  	[sflag:s10] =	ssyncset.done $0x0  }
0x12: {  	[sflag:s10] =	ssyncadd.s32 $0xFFFFD800  }
0x13: {  	[tilespmem:s11], [sflag:$0x1] =	stream.linear.gather [hbm4b:s4+s3], $0x2800, $0x38;
	[tilespmem:$0x7800] =	vst v63  }
0x14: {  	_ =	swait.ge [sflag:s10], $0x2800  }
0x15: {  	[sflag:s10] =	ssyncset.done $0x0  }
0x16: {  	[sflag:s10] =	ssyncadd.s32 $0xFFFFD800  }
0x17: {  	[spmem:s6] =	stream.linear.scatter [tilespmem:s11], [sflag:$0x1], $0x2800, $0x38;
	[tilespmem:$0x7800] =	vst v63  }
0x18: {  	_ =	swait.ge [sflag:s10], $0x2800  }
0x19: {  	[sflag:s10] =	ssyncset.done $0x0  }
0x1a: {  	[sflag:s10] =	ssyncadd.s32 $0xFFFFD800  }
0x1b: {  	[tilespmem:s11], [sflag:$0x1] =	stream.linear.gather [hbm4b:s5+s3], $0x7D0, $0x38;
	[tilespmem:$0x7800] =	vst v63  }
0x1c: {  	_ =	swait.ge [sflag:s10], $0x7D0  }
0x1d: {  	[sflag:s10] =	ssyncset.done $0x0  }
0x1e: {  	[sflag:s10] =	ssyncadd.s32 $0xFFFFF830  }
0x1f: {  	s14 =	simm.s32 $0x0;
	[bflag:$0x0] =	sbarrier.arrive $0xFFFF  }
.LBB2_2:
0x20: {  	p0 =	sne.s32 s14, $0x4E00  }
.Ltmp0:
0x21: {  	s15 =	sshra.s32 s14, $0x2;
	(pc) =	sbr.rel @p0 .LBB2_2-.Ltmp0, $4  }
0x22: {  	[spmem:s2] =	stream.indirect.scatter.add.f32 [tilespmem:s11], [sflag:$0x1], $0x10, s15, s12, $0xb8;
	[tilespmem:$0x7800] =	vst v63  }
0x23: {  	_ =	swait.ge [sflag:s10], $0x7D0  }
0x24: {  	[sflag:s10] =	ssyncset.done $0x0  }
0x25: {  	s14 =	sadd.s32 $0x200, s14;
	[sflag:s10] =	ssyncadd.s32 $0xFFFFF830  }
0x26: {  	s14 =	simm.s32 $0x1400  }
0x27: {  	[spmem:s2] =	stream.indirect.scatter.add.f32 [tilespmem:s11], [sflag:$0x1], $0x10, s14, s12, $0xb8;
	[tilespmem:$0x7800] =	vst v63  }
0x28: {  	s14 =	simm.s32 $0x200;
	_ =	swait.ge [sflag:s10], $0x7D0  }
.LBB2_4:
0x29: {  	s15 =	sshra.s32 s14, $0x2;
	[sflag:s10] =	ssyncset.done $0x0;
	p0 =	sne.s32 s14, $0x4E00  }
.Ltmp1:
0x2a: {  	s15 =	sadd.s32 $0x1400, s15;
	[sflag:s10] =	ssyncadd.s32 $0xFFFFF830;
	(pc) =	sbr.rel @p0 .LBB2_4-.Ltmp1, $3  }
0x2b: {  	[spmem:s2] =	stream.indirect.scatter.add.f32 [tilespmem:s11], [sflag:$0x1], $0x10, s15, s12, $0xb8;
	[tilespmem:$0x7800] =	vst v63  }
0x2c: {  	s14 =	sadd.s32 $0x200, s14;
	_ =	sdelay $0x1  }
0x2d: {  	_ =	swait.ge [sflag:s10], $0x7D0  }
0x2e: {  	[sflag:s10] =	ssyncset.done $0x0  }
0x2f: {  	[sflag:s10] =	ssyncadd.s32 $0xFFFFF830  }
0x30: {  	[bflag:$0x0] =	sbarrier.arrive $0xFFFF  }
0x31: {  	[tilespmem:s11], [sflag:$0x1] =	stream.linear.gather [spmem:s6], $0x2800, $0x38;
	[tilespmem:$0x7800] =	vst v63  }
0x32: {  	s13 =	sadd.s32 $0x1, s13;
	_ =	swait.ge [sflag:s10], $0x2800  }
0x33: {  	p0 =	sne.s32 s13, s8;
	[sflag:s10] =	ssyncset.done $0x0  }
.Ltmp2:
0x34: {  	[sflag:s10] =	ssyncadd.s32 $0xFFFFD800;
	(pc) =	sbr.rel @p0 .LBB2_1-.Ltmp2, $4  }
0x35: {  	[hbm4b:s7+s3] =	stream.linear.scatter [tilespmem:s11], [sflag:$0x1], $0x2800, $0x38;
	[tilespmem:$0x7800] =	vst v63  }
0x36: {  	_ =	swait.ge [sflag:s10], $0x2800  }
0x37: {  	[sflag:s10] =	ssyncset.done $0x0  }
0x38: {  	[sflag:s10] =	ssyncadd.s32 $0xFFFFD800  }
0x39: {  	_ =	sfence.sel $0x180000  }
0x3a: {  	[bflag:$0x0] =	sbarrier.arrive $0xFFFF  }
0x3b: {  	p0 =	sne.s32 s1, $0x0;
	_ =	strace $0x9000004A  }
0x3c: {  	s0 =	sadd.s32 @!p0 $0x100000, s0;
	[bflag:$0x2] =	sbarrier.arrive $0xFFFF  }
0x3d: {  	[sflag:s0] =	ssyncadd.tile.s32 @!p0 $0x1;
	_ =	shalt  }
.Lfunc_end2:
_tile_overlayer_lowered:
.L_overlay_start_2:
0x3e: {  	(tag) =	ssettag $0x2  }
0x3f: {  	s0 =	rddreg [dreg:$0x0];
	s2 =	stileid.u32  }
0x40: {  	s1 =	rddreg [dreg:$0x1];
	p0 =	sne.s32 s2, $0x0  }
0x41: {  	s3 =	rddreg [dreg:$0x2];
	[bflag:$0x3] =	sbarrier.arrive $0xFFFF;
	s2 =	simm.s32 @!p0 $0x1C01  }
0x42: {  	[timem:s3], [sflag:s2] =	dma.local @!p0 [hbm:s0], s1  }
0x43: {  	s0 =	simm.s32 @!p0 $0x1  }
0x44: {  	_ =	swait.ge @!p0 [sflag:s0], s1  }
0x45: {  	s1 =	ssub.s32 @!p0 $0x0, s1;
	[sflag:s0] =	ssyncset.done @!p0 $0x0  }
0x46: {  	[sflag:s0] =	ssyncadd.s32 @!p0 s1  }
0x47: {  	[bflag:$0x3] =	sbarrier.arrive $0xFFFF  }
0x48: {  	_ =	shalt  }

// kernel: kernel.15.cloned.1.call-start
scs
__scs_entry_jumppad:
0x0: {  	(pc) =	sbr.rel $0x88, $3  }
0x1: {  	(tag) =	ssettag $0x0;
	lr =	simm.s32 $0x1  }
0x2: {  	[smem:$0x3F92] =	sst lr;
	_ =	strace $0xD0000000  }
0x3: {  	_ = 	snop  }
0x4: {  	_ = 	snop  }
0x5: {  	_ = 	snop  }
0x6: {  	_ = 	snop  }
0x7: {  	_ = 	snop  }
__scs_overlays_trampoline_lowered:
0x8: {  	[smem:$0x3FA1] =	sst s0  }
0x9: {  	[smem:$0x3FA2] =	sst s1  }
0xa: {  	[smem:$0x3FA3] =	sst s2  }
0xb: {  	[smem:$0x3FA4] =	sst s3  }
0xc: {  	[smem:$0x3FA5] =	sst s4  }
0xd: {  	[smem:$0x3FA6] =	sst s5  }
0xe: {  	[smem:$0x3FA7] =	sst s6  }
0xf: {  	[smem:$0x3FA8] =	sst s7  }
0x10: {  	[smem:$0x3FA9] =	sst s8  }
0x11: {  	[smem:$0x3FAA] =	sst s9;
	s0 =	simm.s32 @!p0 $0x0  }
0x12: {  	s1 =	sld [smem:$0x3F90];
	s0 =	simm.s32 @p0 $0x1  }
0x13: {  	[smem:$0x3FAB] =	sst s0;
	s0 =	simm.s32 @!p1 $0x0  }
0x14: {  	s2 =	sld [smem:$0x3F8F];
	s0 =	simm.s32 @p1 $0x1  }
0x15: {  	[smem:$0x3FAC] =	sst s0;
	s0 =	simm.s32 @!p2 $0x0  }
0x16: {  	s3 =	sld [smem:$0x3FDB];
	s0 =	simm.s32 @p2 $0x1  }
0x17: {  	s4 =	simm.s32 $0x1BF5;
	[smem:$0x3FAE] =	sst s0  }
0x18: {  	s0 =	sld [smem:$0x3F91];
	_ =	swait.ge [sflag:s4], $0x0  }
0x19: {  	s7 =	sld [smem:$0x3F92]  }
0x1a: {  	s8 =	sadd.s32 $0xFFFFE003, lr  }
0x1b: {  	s9 =	sadd.s32 $0xFFFFFEF7, lr;
	s5 =	simm.s32 $0xFFFFFFFF;
	p2 =	slt.u32 s8, $0xFFFFF086  }
0x1c: {  	p1 =	slt.u32 s9, $0xF7A;
	s5 =	simm.s32 @!p2 $0x0  }
0x1d: {  	s5 =	simm.s32 @p1 $0x1;
	p0 =	seq.s32 s7, s2  }
0x1e: {  	s7 =	smul.u32 @!p0 $0xF7A, s2;
	p2 =	seq.s32 @!p0 s5, $0x0  }
0x1f: {  	s9 =	smul.u32 $0xF7A, s1;
	s8 =	simm.s32 @!p0 $0x1BF5;
	p2 =	por !p2, p0  }
0x20: {  	[sflag:s8] =	ssyncset.s32 @!p0 $0xFFFFF086;
	s6 =	sadd.s32 @!p0 s3, s7;
	s7 =	simm.s32 @!p0 $0x108  }
0x21: {  	s3 =	sadd.s32 s3, s9;
	s6 =	sadd.s32 @!p0 $0x88, s6;
	s7 =	simm.s32 @p2 $0x1082  }
0x22: {  	[simem:s7], [sflag:s8] =	dma.local @!p0 [hbm:s6], $0xF7A  }
0x23: {  	s9 =	sor.u32 $0xD0000000, s2;
	s6 =	simm.s32 $0x108;
	_ =	swait.ge @!p0 [sflag:s8], $0x0  }
0x24: {  	s3 =	sadd.s32 $0x88, s3;
	s6 =	simm.s32 @!p1 $0x1082;
	[sflag:s4] =	ssyncset.s32 $0xFFFFF086  }
0x25: {  	[simem:s6], [sflag:s4] =	dma.local [hbm:s3], $0xF7A  }
0x26: {  	[smem:$0x3F92] =	sst s1;
	(tag) =	ssettag s2;
	_ =	strace s9  }
0x27: {  	s1 =	sld [smem:$0x3FA2]  }
0x28: {  	s2 =	sld [smem:$0x3FA3]  }
0x29: {  	s4 =	sld [smem:$0x3FA5]  }
0x2a: {  	p0 =	seq.s32 s5, $0x0;
	s5 =	sld [smem:$0x3FA6]  }
0x2b: {  	s6 =	sld [smem:$0x3FA7]  }
0x2c: {  	s7 =	sld [smem:$0x3FA8]  }
0x2d: {  	s3 =	simm.s32 $0x108;
	s8 =	sld [smem:$0x3FA9]  }
0x2e: {  	s3 =	simm.s32 @!p0 $0x1082;
	s9 =	sld [smem:$0x3FAA]  }
0x2f: {  	lr =	sadd.s32 s0, s3;
	s0 =	sld [smem:$0x3FA1]  }
0x30: {  	s3 =	sld [smem:$0x3FA4]  }
0x31: {  	[smem:$0x3FAD] =	sst s10  }
0x32: {  	s10 =	sld [smem:$0x3FAB];
	_ =	sdelay $0x3  }
0x33: {  	p0 =	seq.s32 s10, $0x1;
	s10 =	sld [smem:$0x3FAD];
	_ =	sdelay $0x3  }
0x34: {  	[smem:$0x3FAD] =	sst s10  }
0x35: {  	s10 =	sld [smem:$0x3FAC];
	_ =	sdelay $0x3  }
0x36: {  	p1 =	seq.s32 s10, $0x1;
	s10 =	sld [smem:$0x3FAD];
	_ =	sdelay $0x3  }
0x37: {  	[smem:$0x3FAD] =	sst s10  }
0x38: {  	s10 =	sld [smem:$0x3FAE]  }
0x39: {  	_ = 	snop;
	(pc) =	sbr.ind lr, $3  }
0x3a: {  	_ = 	snop  }
0x3b: {  	_ = 	snop  }
0x3c: {  	p2 =	seq.s32 s10, $0x1;
	s10 =	sld [smem:$0x3FAD]  }
0x3d: {  	_ =	shalt  }
0x3e: {  	_ =	shalt  }
0x3f: {  	_ =	shalt  }
0x40: {  	_ =	shalt  }
0x41: {  	_ =	shalt  }
0x42: {  	_ =	shalt  }
0x43: {  	_ =	shalt  }
0x44: {  	_ =	shalt  }
0x45: {  	_ =	shalt  }
0x46: {  	_ =	shalt  }
0x47: {  	_ =	shalt  }
0x48: {  	_ =	shalt  }
0x49: {  	_ =	shalt  }
0x4a: {  	_ =	shalt  }
0x4b: {  	_ =	shalt  }
0x4c: {  	_ =	shalt  }
0x4d: {  	_ =	shalt  }
0x4e: {  	_ =	shalt  }
0x4f: {  	_ =	shalt  }
0x50: {  	_ =	shalt  }
0x51: {  	_ =	shalt  }
0x52: {  	_ =	shalt  }
0x53: {  	_ =	shalt  }
0x54: {  	_ =	shalt  }
0x55: {  	_ =	shalt  }
0x56: {  	_ =	shalt  }
0x57: {  	_ =	shalt  }
0x58: {  	_ =	shalt  }
0x59: {  	_ =	shalt  }
0x5a: {  	_ =	shalt  }
0x5b: {  	_ =	shalt  }
0x5c: {  	_ =	shalt  }
0x5d: {  	_ =	shalt  }
0x5e: {  	_ =	shalt  }
0x5f: {  	_ =	shalt  }
0x60: {  	_ =	shalt  }
0x61: {  	_ =	shalt  }
0x62: {  	_ =	shalt  }
0x63: {  	_ =	shalt  }
0x64: {  	_ =	shalt  }
0x65: {  	_ =	shalt  }
0x66: {  	_ =	shalt  }
0x67: {  	_ =	shalt  }
0x68: {  	_ =	shalt  }
0x69: {  	_ =	shalt  }
0x6a: {  	_ =	shalt  }
0x6b: {  	_ =	shalt  }
0x6c: {  	_ =	shalt  }
0x6d: {  	_ =	shalt  }
0x6e: {  	_ =	shalt  }
0x6f: {  	_ =	shalt  }
0x70: {  	_ =	shalt  }
0x71: {  	_ =	shalt  }
0x72: {  	_ =	shalt  }
0x73: {  	_ =	shalt  }
0x74: {  	_ =	shalt  }
0x75: {  	_ =	shalt  }
0x76: {  	_ =	shalt  }
0x77: {  	_ =	shalt  }
0x78: {  	_ =	shalt  }
0x79: {  	_ =	shalt  }
0x7a: {  	_ =	shalt  }
0x7b: {  	_ =	shalt  }
0x7c: {  	_ =	shalt  }
0x7d: {  	_ =	shalt  }
0x7e: {  	_ =	shalt  }
0x7f: {  	_ =	shalt  }
0x80: {  	_ =	shalt  }
0x81: {  	_ =	shalt  }
0x82: {  	_ =	shalt  }
0x83: {  	_ =	shalt  }
0x84: {  	_ =	shalt  }
0x85: {  	_ =	shalt  }
0x86: {  	_ =	shalt  }
0x87: {  	_ =	shalt  }
.Lfunc_end0:
.L_simem_size_0:
called_computation.2_lowered:
.L_overlay_start_0:
0x88: {  	s2 =	sld [smem:$0x3FD9]  }
0x89: {  	s3 =	sld [smem:$0x3FFE];
	_ =	sdelay $0x1  }
0x8a: {  	s1 =	srdreg.scid  }
0x8b: {  	s0 =	sand.u32 $0x1, s1  }
0x8c: {  	s17 =	sshll.u32 s0, $0xA;
	s2 =	sadd.s32 s3, s2  }
0x8d: {  	s2 =	sadd.s32 s2, s17  }
0x8e: {  	[smem:$0x3FB9] =	sst s2  }
0x8f: {  	_ = 	snop  }
0x90: {  	s18 =	sld [smem:$0x3FD0];
	(tm) =	ssettm $0x1  }
0x91: {  	s19 =	sld [smem:$0x3FFB];
	_ =	sdelay $0x3  }
0x92: {  	_ =	strace s19  }
0x93: {  	s2 =	sld [smem:$0x3FFC];
	_ =	sdelay $0x3  }
0x94: {  	_ =	strace s2  }
0x95: {  	s2 =	sld [smem:$0x3FFD];
	_ =	sdelay $0x3  }
0x96: {  	_ =	strace s2  }
0x97: {  	_ =	strace $0x8FFFFFFF  }
0x98: {  	s20 =	sld [smem:$0x3FDB];
	_ =	sdelay $0x1  }
0x99: {  	s4 =	simm.s32 $_scs_section_size  }
0x9a: {  	s5 =	simm.s32 $_size__tile_overlayer_lowered;
	s6 =	simm.s32 $_tile_overlayer_lowered  }
0x9b: {  	s7 =	simm.s32 $0x1BFF;
	s21 =	sshll.u32 s6, $0x1;
	s4 =	sadd.s32 s4, s20  }
0x9c: {  	s22 =	simm.s32 $0x0;
	s5 =	sshll.u32 s5, $0x1;
	s6 =	sadd.s32 s21, s4  }
0x9d: {  	[timem:s22], [sflag:s7] =	dma.local [hbm:s6], s5  }
0x9e: {  	_ =	swait.ge [sflag:s7], s5  }
0x9f: {  	s5 =	ssub.s32 $0x0, s5;
	[sflag:s7] =	ssyncset.done $0x0  }
0xa0: {  	[sflag:s7] =	ssyncadd.s32 s5;
	_ =	sdelay $0x1  }
0xa1: {  	s23 =	simm.s32 $0x1B8B  }
0xa2: {  	_ =	swait.ge [sflag:s23], $0x1  }
0xa3: {  	[sflag:s23] =	ssyncset.done $0x0  }
0xa4: {  	[sflag:s23] =	ssyncadd.s32 $0xFFFFFFFF  }
0xa5: {  	s5 =	sld [smem:$0x0]  }
0xa6: {  	s6 =	sand.u32 $0xFFFFFFFE, s1  }
0xa7: {  	p0 =	sne.s32 s1, s6  }
0xa8: {  	s6 =	sshll.u32 @p0 s6, $0xE  }
0xa9: {  	s6 =	sadd.s32 @p0 $0x11B8D, s6;
	s7 =	sshll.u32 @p0 s5, $0x11  }
0xaa: {  	s6 =	sor.u32 @p0 s7, s6  }
0xab: {  	[sflag:s6] =	ssyncadd.remote.s32 @p0 $0x1;
	_ =	sdelay $0x1  }
0xac: {  	s6 =	simm.s32 @p0 $0x1B8D  }
0xad: {  	_ =	swait.eq @p0 [sflag:s6], $0x1  }
0xae: {  	[sflag:s6] =	ssyncadd.s32 @p0 $0xFFFFFFFF  }
0xaf: {  	s7 =	sshll.u32 @!p0 s1, $0xE  }
0xb0: {  	s7 =	sor.u32 @!p0 $0x4000, s7;
	s6 =	simm.s32 @!p0 $0x1B8D  }
0xb1: {  	s5 =	sshll.u32 @!p0 s5, $0x11;
	s7 =	sadd.s32 @!p0 $0x11B8D, s7;
	_ =	swait.eq @!p0 [sflag:s6], $0x1  }
0xb2: {  	s5 =	sor.u32 @!p0 s5, s7;
	[sflag:s6] =	ssyncadd.s32 @!p0 $0xFFFFFFFF  }
0xb3: {  	s25 =	simm.s32 $0x1B8E;
	s24 =	sld [smem:$0x3FFE];
	[sflag:s5] =	ssyncadd.remote.s32 @!p0 $0x1  }
0xb4: {  	s26 =	simm.s32 $execute0_lowered;
	[smem:$0x3FD2] =	sst s25  }
0xb5: {  	s6 =	sshll.u32 s26, $0x1;
	_ =	strace $0x8000004C;
	[dreg:$0x1] =	wrdreg $0xFFFFFFFF  }
0xb6: {  	s28 =	simm.s32 $_size_execute0_lowered;
	s4 =	sadd.s32 s4, s6;
	[dreg:$0x0] =	wrdreg $0x0  }
0xb7: {  	s6 =	sshll.u32 s28, $0x1;
	[dreg:$0x2] =	wrdreg s4  }
0xb8: {  	[dreg:$0x3] =	wrdreg s6  }
0xb9: {  	[dreg:$0x4] =	wrdreg $0xC0  }
0xba: {  	_ =	task [dreg:s22], $0x5FFFF  }
0xbb: {  	[dreg:$0x1] =	wrdreg $0xFFFFFFFF  }
0xbc: {  	[dreg:$0x0] =	wrdreg $0x60  }
0xbd: {  	[dreg:$0x2] =	wrdreg s24  }
0xbe: {  	[dreg:$0x3] =	wrdreg s18  }
0xbf: {  	[dreg:$0x4] =	wrdreg $0xA8000  }
0xc0: {  	[dreg:$0x5] =	wrdreg $0xA  }
0xc1: {  	_ =	task.clear_ibuf [dreg:s22], $0x6FFFF;
	_ =	strace $0x9000004C  }
0xc2: {  	s29 =	simm.s32 $0xA;
	_ =	strace $0x8000004E  }
0xc3: {  	_ =	swait.ge [sflag:s29], $0x1  }
0xc4: {  	[sflag:s29] =	ssyncadd.s32 $0xFFFFFFFF  }
0xc5: {  	_ =	strace $0x9000004E  }
0xc6: {  	_ =	sfence  }
0xc7: {  	s30 =	sld [smem:$0x0];
	_ =	sdelay $0x2  }
0xc8: {  	s31 =	sshll.u32 s1, $0xD;
	s1 =	sshrl.u32 s1, $0x2  }
0xc9: {  	s4 =	sand.u32 $0x4000, s31;
	s1 =	sadd.s32 s1, s30  }
0xca: {  	s0 =	sor.u32 s4, s0;
	s1 =	sshll.u32 s1, $0x11  }
0xcb: {  	s0 =	sor.u32 s1, s0  }
0xcc: {  	s0 =	sadd.s32 $0x8F2B, s0  }
0xcd: {  	[sflag:s0] =	ssyncadd.remote.s32 $0x1  }
0xce: {  	_ =	sfence.sel $0xFFFF  }
0xcf: {  	[dreg:$0x0] =	wrdreg $0xFFFFFFFF;
	(pc) =	sbr.abs _section_cstart, $3  }
0xd0: {  	[dreg:$0x1] =	wrdreg $0xFFFFFFFF  }
0xd1: {  	_ =	task.clear_ibuf [dreg:s22], $0x2FFFF;
	_ =	strace $0x9FFFFFFF  }
0xd2: {  	(tm) =	ssettm $0x7FFFFFFF  }
0xd3: {  	_ =	shalt  }
tec
execute0_lowered:
.L_overlay_start_1:
0x0: {  	(tag) =	ssettag $0x1  }
0x1: {  	s6 =	rddreg [dreg:$0x0]  }
0x2: {  	s9 =	rddreg [dreg:$0x1]  }
0x3: {  	s1 =	rddreg [dreg:$0x2]  }
0x4: {  	s2 =	srdreg.scid;
	s3 =	simm.s32 $0x0;
	s0 =	stileid.u32  }
0x5: {  	s17 =	simm.s32 $0x2800;
	s18 =	simm.s32 $0x3;
	s19 =	simm.s32 $0x1400  }
0x6: {  	s20 =	simm.s32 $0x7D;
	s21 =	simm.s32 $0x6800;
	s22 =	simm.s32 $0x1  }
0x7: {  	s23 =	simm.s32 $0x2;
	s24 =	simm.s32 $0x1380;
	s28 =	simm.s32 $0x2780  }
0x8: {  	s29 =	simm.s32 $0x0;
	s8 =	sand.u32 $0x1, s2;
	s7 =	smul.u32 $0x14000, s0  }
0x9: {  	[smem:$0x7FF] =	sst s3;
	s4 =	sadd.s32 $0x4800, s6;
	s10 =	smul.u32 $0x50000, s0  }
0xa: {  	s11 =	sadd.s32 $0x2D000, s6;
	s25 =	sadd.s32 $0x2C800, s6;
	s13 =	smul.u32 $0x2800, s0  }
0xb: {  	s5 =	smul.u32 $0x140000, s8;
	_ =	strace $0x8000004D;
	[dreg:$0x4] =	wrdreg s25  }
0xc: {  	s26 =	ssub.s32 $0x2, s8;
	p0 =	seq.s32 s8, $0x0;
	s25 =	sshll.u32 s0, $0x6  }
0xd: {  	s30 =	sshrl.u32 s10, $0x2;
	s31 =	sshrl.u32 s26, $0x1;
	s13 =	sshrl.u32 s13, $0x3  }
0xe: {  	s11 =	smov.u32 @p0 s9;
	s25 =	sor.u32 $0x1C03, s25;
	s7 =	sadd.s32 s7, s5  }
0xf: {  	s14 =	ssub.s32 s26, s31;
	s11 =	sadd.s32 s11, s13;
	s26 =	simm.s32 $0x2700  }
0x10: {  	s7 =	sshrl.u32 s7, $0x3;
	s13 =	smax.u32 s14, $0x1;
	s14 =	sadd.s32 $0x5000, s11  }
0x11: {  	s15 =	sadd.s32 $0x280, s11;
	s12 =	sadd.s32 s7, s6;
	s6 =	sadd.s32 s30, s1  }
0x12: {  	s16 =	sadd.s32 $0x5280, s11;
	s7 =	sadd.s32 $0x4000, s6;
	s8 =	sadd.s32 $0x8000, s6  }
0x13: {  	s9 =	sadd.s32 $0xC000, s6;
	s10 =	sadd.s32 $0x10000, s6;
	s12 =	sadd.s32 $0x55800, s12  }
.LBB2_1:
0x14: {  	s0 =	rddreg [dreg:$0x4]  }
0x15: {  	[tilespmem:s17], [sflag:$0x3] =	stream.linear.gather [hbm4b:s0+s3], $0x4000, $0x38;
	[tilespmem:$0x1E800] =	vst v63  }
0x16: {  	_ =	swait.ge [sflag:s18], $0x4000  }
0x17: {  	[sflag:s18] =	ssyncset.done $0x0  }
0x18: {  	[sflag:s18] =	ssyncadd.s32 $0xFFFFC000  }
0x19: {  	[spmem:s6] =	stream.linear.scatter [tilespmem:s17], [sflag:$0x3], $0x4000, $0x38;
	[tilespmem:$0x1E800] =	vst v63  }
0x1a: {  	_ =	swait.ge [sflag:s18], $0x4000  }
0x1b: {  	[sflag:s18] =	ssyncset.done $0x0  }
0x1c: {  	[sflag:s18] =	ssyncadd.s32 $0xFFFFC000  }
0x1d: {  	[spmem:s7] =	stream.linear.scatter [tilespmem:s17], [sflag:$0x3], $0x4000, $0x38;
	[tilespmem:$0x1E800] =	vst v63  }
0x1e: {  	_ =	swait.ge [sflag:s18], $0x4000  }
0x1f: {  	[sflag:s18] =	ssyncset.done $0x0  }
0x20: {  	[sflag:s18] =	ssyncadd.s32 $0xFFFFC000  }
0x21: {  	[spmem:s8] =	stream.linear.scatter [tilespmem:s17], [sflag:$0x3], $0x4000, $0x38;
	[tilespmem:$0x1E800] =	vst v63  }
0x22: {  	_ =	swait.ge [sflag:s18], $0x4000  }
0x23: {  	[sflag:s18] =	ssyncset.done $0x0  }
0x24: {  	[sflag:s18] =	ssyncadd.s32 $0xFFFFC000  }
0x25: {  	[spmem:s9] =	stream.linear.scatter [tilespmem:s17], [sflag:$0x3], $0x4000, $0x38;
	[tilespmem:$0x1E800] =	vst v63  }
0x26: {  	_ =	swait.ge [sflag:s18], $0x4000  }
0x27: {  	[sflag:s18] =	ssyncset.done $0x0  }
0x28: {  	[sflag:s18] =	ssyncadd.s32 $0xFFFFC000  }
0x29: {  	[spmem:s10] =	stream.linear.scatter [tilespmem:s17], [sflag:$0x3], $0x4000, $0x38;
	[tilespmem:$0x1E800] =	vst v63  }
0x2a: {  	_ =	swait.ge [sflag:s18], $0x4000  }
0x2b: {  	[sflag:s18] =	ssyncset.done $0x0  }
0x2c: {  	[sflag:s18] =	ssyncadd.s32 $0xFFFFC000  }
0x2d: {  	[bflag:$0x0] =	sbarrier.arrive $0xFFFF  }
0x2e: {  	[tilespmem:s3], [sflag:$0x3] =	stream.linear.gather [hbm4b:s11+s3], $0x1400, $0x38;
	[tilespmem:$0x1E800] =	vst v63  }
0x2f: {  	_ =	swait.ge [sflag:s18], $0x1400  }
0x30: {  	[sflag:s18] =	ssyncset.done $0x0  }
0x31: {  	[sflag:s18] =	ssyncadd.s32 $0xFFFFEC00  }
0x32: {  	[tilespmem:s19], [sflag:$0x3] =	stream.linear.gather [hbm4b:s14+s3], $0x1400, $0x38;
	[tilespmem:$0x1E800] =	vst v63  }
0x33: {  	_ =	swait.ge [sflag:s18], $0x1400  }
0x34: {  	[sflag:s18] =	ssyncset.done $0x0  }
0x35: {  	[sflag:s18] =	ssyncadd.s32 $0xFFFFEC00  }
0x36: {  	[tilespmem:s17], [sflag:$0x1] =	stream.indirect.gather [hbm4b:s4+s20], $0x80, s3, s20, $0xb8;
	[tilespmem:$0x1E800] =	vst v63  }
0x37: {  	s30 =	simm.s32 $0x80  }
0x38: {  	[tilespmem:s21], [sflag:$0x2] =	stream.indirect.gather [hbm4b:s4+s20], $0x80, s30, s20, $0xb8;
	[tilespmem:$0x1E800] =	vst v63  }
0x39: {  	_ =	swait.ge [sflag:s22], $0x3E80  }
0x3a: {  	[sflag:s22] =	ssyncset.done $0x0  }
0x3b: {  	s30 =	simm.s32 $0x1400;
	[sflag:s22] =	ssyncadd.s32 $0xFFFFC180  }
0x3c: {  	[spmem:s1] =	stream.indirect.scatter.add.f32 [tilespmem:s17], [sflag:$0x3], $0x80, s30, s20, $0xb8;
	[tilespmem:$0x1E800] =	vst v63  }
0x3d: {  	_ =	swait.ge [sflag:s18], $0x3E80  }
0x3e: {  	[sflag:s18] =	ssyncset.done $0x0  }
0x3f: {  	s30 =	simm.s32 $0x100;
	[sflag:s18] =	ssyncadd.s32 $0xFFFFC180  }
0x40: {  	[tilespmem:s17], [sflag:$0x1] =	stream.indirect.gather [hbm4b:s4+s20], $0x80, s30, s20, $0xb8;
	[tilespmem:$0x1E800] =	vst v63  }
0x41: {  	_ =	swait.ge [sflag:s23], $0x3E80  }
0x42: {  	[sflag:s23] =	ssyncset.done $0x0  }
0x43: {  	s30 =	simm.s32 $0x1480;
	[sflag:s23] =	ssyncadd.s32 $0xFFFFC180  }
0x44: {  	[spmem:s1] =	stream.indirect.scatter.add.f32 [tilespmem:s21], [sflag:$0x3], $0x80, s30, s20, $0xb8;
	[tilespmem:$0x1E800] =	vst v63  }
0x45: {  	_ =	swait.ge [sflag:s18], $0x3E80  }
0x46: {  	s31 =	simm.s32 $0x800;
	s30 =	simm.s32 $0x100;
	[sflag:s18] =	ssyncset.done $0x0  }
.LBB2_2:
0x47: {  	s0 =	sadd.s32 $0x80, s30  }
0x48: {  	[sflag:s18] =	ssyncadd.s32 $0xFFFFC180;
	s2 =	smov.u32 s31;
	s5 =	sadd.s32 $0x400, s31  }
0x49: {  	[tilespmem:s21], [sflag:$0x2] =	stream.indirect.gather [hbm4b:s4+s20], $0x80, s0, s20, $0xb8;
	[tilespmem:$0x1E800] =	vst v63  }
0x4a: {  	p0 =	sne.s32 s31, $0x4800;
	_ =	swait.ge [sflag:s22], $0x3E80  }
0x4b: {  	[sflag:s22] =	ssyncset.done $0x0  }
0x4c: {  	s0 =	sadd.s32 $0x1400, s30;
	[sflag:s22] =	ssyncadd.s32 $0xFFFFC180  }
0x4d: {  	[spmem:s1] =	stream.indirect.scatter.add.f32 [tilespmem:s17], [sflag:$0x3], $0x80, s0, s20, $0xb8;
	[tilespmem:$0x1E800] =	vst v63  }
0x4e: {  	_ =	swait.ge [sflag:s18], $0x3E80  }
0x4f: {  	[sflag:s18] =	ssyncset.done $0x0  }
0x50: {  	s0 =	sadd.s32 $0x100, s30;
	[sflag:s18] =	ssyncadd.s32 $0xFFFFC180  }
0x51: {  	[tilespmem:s17], [sflag:$0x1] =	stream.indirect.gather [hbm4b:s4+s20], $0x80, s0, s20, $0xb8;
	[tilespmem:$0x1E800] =	vst v63  }
0x52: {  	_ =	swait.ge [sflag:s23], $0x3E80  }
.Ltmp0:
0x53: {  	[sflag:s23] =	ssyncset.done $0x0;
	(pc) =	sbr.rel @p0 .LBB2_2-.Ltmp0, $4  }
0x54: {  	s0 =	sadd.s32 $0x1480, s30;
	[sflag:s23] =	ssyncadd.s32 $0xFFFFC180  }
0x55: {  	[spmem:s1] =	stream.indirect.scatter.add.f32 [tilespmem:s21], [sflag:$0x3], $0x80, s0, s20, $0xb8;
	[tilespmem:$0x1E800] =	vst v63  }
0x56: {  	_ =	swait.ge [sflag:s18], $0x3E80  }
0x57: {  	s31 =	smov.u32 s5;
	s30 =	sshra.s32 s2, $0x2;
	[sflag:s18] =	ssyncset.done $0x0  }
0x58: {  	s0 =	sadd.s32 $0x80, s30;
	[sflag:s18] =	ssyncadd.s32 $0xFFFFC180  }
0x59: {  	[tilespmem:s21], [sflag:$0x2] =	stream.indirect.gather [hbm4b:s4+s20], $0x80, s0, s20, $0xb8;
	[tilespmem:$0x1E800] =	vst v63  }
0x5a: {  	_ =	swait.ge [sflag:s22], $0x3E80  }
0x5b: {  	[sflag:s22] =	ssyncset.done $0x0  }
0x5c: {  	s2 =	sadd.s32 $0x1400, s30;
	[sflag:s22] =	ssyncadd.s32 $0xFFFFC180  }
0x5d: {  	[spmem:s1] =	stream.indirect.scatter.add.f32 [tilespmem:s17], [sflag:$0x3], $0x80, s2, s20, $0xb8;
	[tilespmem:$0x1E800] =	vst v63  }
0x5e: {  	_ =	swait.ge [sflag:s18], $0x3E80  }
0x5f: {  	[sflag:s18] =	ssyncset.done $0x0  }
0x60: {  	s5 =	sadd.s32 $0x100, s30;
	[sflag:s18] =	ssyncadd.s32 $0xFFFFC180  }
0x61: {  	[tilespmem:s17], [sflag:$0x1] =	stream.indirect.gather [hbm4b:s4+s20], $0x80, s5, s20, $0xb8;
	[tilespmem:$0x1E800] =	vst v63  }
0x62: {  	_ =	swait.ge [sflag:s23], $0x3E80  }
0x63: {  	[sflag:s23] =	ssyncset.done $0x0  }
0x64: {  	s2 =	sadd.s32 $0x1480, s30;
	[sflag:s23] =	ssyncadd.s32 $0xFFFFC180  }
0x65: {  	[spmem:s1] =	stream.indirect.scatter.add.f32 [tilespmem:s21], [sflag:$0x3], $0x80, s2, s20, $0xb8;
	[tilespmem:$0x1E800] =	vst v63  }
0x66: {  	_ =	swait.ge [sflag:s18], $0x3E80  }
0x67: {  	[sflag:s18] =	ssyncset.done $0x0  }
0x68: {  	[sflag:s18] =	ssyncadd.s32 $0xFFFFC180  }
0x69: {  	[tilespmem:s21], [sflag:$0x2] =	stream.indirect.gather [hbm4b:s4+s20], $0x80, s24, s20, $0xb8;
	[tilespmem:$0x1E800] =	vst v63  }
0x6a: {  	_ =	swait.ge [sflag:s22], $0x3E80  }
0x6b: {  	[sflag:s22] =	ssyncset.done $0x0  }
0x6c: {  	[sflag:s22] =	ssyncadd.s32 $0xFFFFC180  }
0x6d: {  	[spmem:s1] =	stream.indirect.scatter.add.f32 [tilespmem:s17], [sflag:$0x3], $0x80, s26, s20, $0xb8;
	[tilespmem:$0x1E800] =	vst v63  }
0x6e: {  	_ =	swait.ge [sflag:s18], $0x3E80  }
0x6f: {  	[sflag:s18] =	ssyncset.done $0x0  }
0x70: {  	[sflag:s18] =	ssyncadd.s32 $0xFFFFC180  }
0x71: {  	_ =	swait.ge [sflag:s23], $0x3E80  }
0x72: {  	[sflag:s23] =	ssyncset.done $0x0  }
0x73: {  	[sflag:s23] =	ssyncadd.s32 $0xFFFFC180  }
0x74: {  	[spmem:s1] =	stream.indirect.scatter.add.f32 [tilespmem:s21], [sflag:$0x3], $0x80, s28, s20, $0xb8;
	[tilespmem:$0x1E800] =	vst v63  }
0x75: {  	_ =	swait.ge [sflag:s18], $0x3E80  }
0x76: {  	[sflag:s18] =	ssyncset.done $0x0  }
0x77: {  	s5 =	simm.s32 $0x0;
	[sflag:s18] =	ssyncadd.s32 $0xFFFFC180  }
0x78: {  	[tilespmem:s5], [sflag:$0x3] =	stream.linear.gather [hbm4b:s15+s5], $0x1400, $0x38;
	[tilespmem:$0x1E800] =	vst v63  }
0x79: {  	_ =	swait.ge [sflag:s18], $0x1400  }
0x7a: {  	[sflag:s18] =	ssyncset.done $0x0  }
0x7b: {  	[sflag:s18] =	ssyncadd.s32 $0xFFFFEC00  }
0x7c: {  	[tilespmem:s19], [sflag:$0x3] =	stream.linear.gather [hbm4b:s16+s5], $0x1400, $0x38;
	[tilespmem:$0x1E800] =	vst v63  }
0x7d: {  	_ =	swait.ge [sflag:s18], $0x1400  }
0x7e: {  	[sflag:s18] =	ssyncset.done $0x0  }
0x7f: {  	[sflag:s18] =	ssyncadd.s32 $0xFFFFEC00  }
0x80: {  	[tilespmem:s17], [sflag:$0x1] =	stream.indirect.gather [hbm4b:s4+s20], $0x80, s5, s20, $0xb8;
	[tilespmem:$0x1E800] =	vst v63  }
0x81: {  	s2 =	simm.s32 $0x80  }
0x82: {  	[tilespmem:s21], [sflag:$0x2] =	stream.indirect.gather [hbm4b:s4+s20], $0x80, s2, s20, $0xb8;
	[tilespmem:$0x1E800] =	vst v63  }
0x83: {  	_ =	swait.ge [sflag:s22], $0x3E80  }
0x84: {  	[sflag:s22] =	ssyncset.done $0x0  }
0x85: {  	s5 =	simm.s32 $0x1400;
	[sflag:s22] =	ssyncadd.s32 $0xFFFFC180  }
0x86: {  	[spmem:s1] =	stream.indirect.scatter.add.f32 [tilespmem:s17], [sflag:$0x3], $0x80, s5, s20, $0xb8;
	[tilespmem:$0x1E800] =	vst v63  }
0x87: {  	_ =	swait.ge [sflag:s18], $0x3E80  }
0x88: {  	[sflag:s18] =	ssyncset.done $0x0  }
0x89: {  	s2 =	simm.s32 $0x100;
	[sflag:s18] =	ssyncadd.s32 $0xFFFFC180  }
0x8a: {  	[tilespmem:s17], [sflag:$0x1] =	stream.indirect.gather [hbm4b:s4+s20], $0x80, s2, s20, $0xb8;
	[tilespmem:$0x1E800] =	vst v63  }
0x8b: {  	_ =	swait.ge [sflag:s23], $0x3E80  }
0x8c: {  	[sflag:s23] =	ssyncset.done $0x0  }
0x8d: {  	s5 =	simm.s32 $0x1480;
	[sflag:s23] =	ssyncadd.s32 $0xFFFFC180  }
0x8e: {  	[spmem:s1] =	stream.indirect.scatter.add.f32 [tilespmem:s21], [sflag:$0x3], $0x80, s5, s20, $0xb8;
	[tilespmem:$0x1E800] =	vst v63  }
0x8f: {  	_ =	swait.ge [sflag:s18], $0x3E80  }
0x90: {  	s31 =	simm.s32 $0x800;
	s30 =	simm.s32 $0x100;
	[sflag:s18] =	ssyncset.done $0x0  }
.LBB2_4:
0x91: {  	s0 =	sadd.s32 $0x80, s30  }
0x92: {  	[sflag:s18] =	ssyncadd.s32 $0xFFFFC180;
	s2 =	smov.u32 s31;
	s5 =	sadd.s32 $0x400, s31  }
0x93: {  	[tilespmem:s21], [sflag:$0x2] =	stream.indirect.gather [hbm4b:s4+s20], $0x80, s0, s20, $0xb8;
	[tilespmem:$0x1E800] =	vst v63  }
0x94: {  	p0 =	sne.s32 s31, $0x4800;
	_ =	swait.ge [sflag:s22], $0x3E80  }
0x95: {  	[sflag:s22] =	ssyncset.done $0x0  }
0x96: {  	s0 =	sadd.s32 $0x1400, s30;
	[sflag:s22] =	ssyncadd.s32 $0xFFFFC180  }
0x97: {  	[spmem:s1] =	stream.indirect.scatter.add.f32 [tilespmem:s17], [sflag:$0x3], $0x80, s0, s20, $0xb8;
	[tilespmem:$0x1E800] =	vst v63  }
0x98: {  	_ =	swait.ge [sflag:s18], $0x3E80  }
0x99: {  	[sflag:s18] =	ssyncset.done $0x0  }
0x9a: {  	s0 =	sadd.s32 $0x100, s30;
	[sflag:s18] =	ssyncadd.s32 $0xFFFFC180  }
0x9b: {  	[tilespmem:s17], [sflag:$0x1] =	stream.indirect.gather [hbm4b:s4+s20], $0x80, s0, s20, $0xb8;
	[tilespmem:$0x1E800] =	vst v63  }
0x9c: {  	_ =	swait.ge [sflag:s23], $0x3E80  }
.Ltmp1:
0x9d: {  	[sflag:s23] =	ssyncset.done $0x0;
	(pc) =	sbr.rel @p0 .LBB2_4-.Ltmp1, $4  }
0x9e: {  	s0 =	sadd.s32 $0x1480, s30;
	[sflag:s23] =	ssyncadd.s32 $0xFFFFC180  }
0x9f: {  	[spmem:s1] =	stream.indirect.scatter.add.f32 [tilespmem:s21], [sflag:$0x3], $0x80, s0, s20, $0xb8;
	[tilespmem:$0x1E800] =	vst v63  }
0xa0: {  	_ =	swait.ge [sflag:s18], $0x3E80  }
0xa1: {  	s31 =	smov.u32 s5;
	s30 =	sshra.s32 s2, $0x2;
	[sflag:s18] =	ssyncset.done $0x0  }
0xa2: {  	s0 =	sadd.s32 $0x80, s30;
	[sflag:s18] =	ssyncadd.s32 $0xFFFFC180  }
0xa3: {  	[tilespmem:s21], [sflag:$0x2] =	stream.indirect.gather [hbm4b:s4+s20], $0x80, s0, s20, $0xb8;
	[tilespmem:$0x1E800] =	vst v63  }
0xa4: {  	_ =	swait.ge [sflag:s22], $0x3E80  }
0xa5: {  	[sflag:s22] =	ssyncset.done $0x0  }
0xa6: {  	s2 =	sadd.s32 $0x1400, s30;
	[sflag:s22] =	ssyncadd.s32 $0xFFFFC180  }
0xa7: {  	[spmem:s1] =	stream.indirect.scatter.add.f32 [tilespmem:s17], [sflag:$0x3], $0x80, s2, s20, $0xb8;
	[tilespmem:$0x1E800] =	vst v63  }
0xa8: {  	_ =	swait.ge [sflag:s18], $0x3E80  }
0xa9: {  	[sflag:s18] =	ssyncset.done $0x0  }
0xaa: {  	s5 =	sadd.s32 $0x100, s30;
	[sflag:s18] =	ssyncadd.s32 $0xFFFFC180  }
0xab: {  	[tilespmem:s17], [sflag:$0x1] =	stream.indirect.gather [hbm4b:s4+s20], $0x80, s5, s20, $0xb8;
	[tilespmem:$0x1E800] =	vst v63  }
0xac: {  	_ =	swait.ge [sflag:s23], $0x3E80  }
0xad: {  	[sflag:s23] =	ssyncset.done $0x0  }
0xae: {  	s30 =	sadd.s32 $0x1480, s30;
	[sflag:s23] =	ssyncadd.s32 $0xFFFFC180  }
0xaf: {  	[spmem:s1] =	stream.indirect.scatter.add.f32 [tilespmem:s21], [sflag:$0x3], $0x80, s30, s20, $0xb8;
	[tilespmem:$0x1E800] =	vst v63  }
0xb0: {  	_ =	swait.ge [sflag:s18], $0x3E80  }
0xb1: {  	[sflag:s18] =	ssyncset.done $0x0  }
0xb2: {  	[sflag:s18] =	ssyncadd.s32 $0xFFFFC180  }
0xb3: {  	[tilespmem:s21], [sflag:$0x2] =	stream.indirect.gather [hbm4b:s4+s20], $0x80, s24, s20, $0xb8;
	[tilespmem:$0x1E800] =	vst v63  }
0xb4: {  	_ =	swait.ge [sflag:s22], $0x3E80  }
0xb5: {  	[sflag:s22] =	ssyncset.done $0x0  }
0xb6: {  	[sflag:s22] =	ssyncadd.s32 $0xFFFFC180  }
0xb7: {  	[spmem:s1] =	stream.indirect.scatter.add.f32 [tilespmem:s17], [sflag:$0x3], $0x80, s26, s20, $0xb8;
	[tilespmem:$0x1E800] =	vst v63  }
0xb8: {  	_ =	swait.ge [sflag:s18], $0x3E80  }
0xb9: {  	[sflag:s18] =	ssyncset.done $0x0  }
0xba: {  	[sflag:s18] =	ssyncadd.s32 $0xFFFFC180  }
0xbb: {  	_ =	swait.ge [sflag:s23], $0x3E80  }
0xbc: {  	[sflag:s23] =	ssyncset.done $0x0  }
0xbd: {  	[sflag:s23] =	ssyncadd.s32 $0xFFFFC180  }
0xbe: {  	[spmem:s1] =	stream.indirect.scatter.add.f32 [tilespmem:s21], [sflag:$0x3], $0x80, s28, s20, $0xb8;
	[tilespmem:$0x1E800] =	vst v63  }
0xbf: {  	_ =	swait.ge [sflag:s18], $0x3E80  }
0xc0: {  	s29 =	sadd.s32 $0x1, s29;
	[sflag:s18] =	ssyncset.done $0x0  }
0xc1: {  	p0 =	sne.s32 s29, s13;
	[sflag:s18] =	ssyncadd.s32 $0xFFFFC180  }
.Ltmp2:
0xc2: {  	s31 =	sshrl.u32 s6, $0x3;
	[bflag:$0x0] =	sbarrier.arrive $0xFFFF;
	(pc) =	sbr.rel @p0 .LBB2_1-.Ltmp2, $4  }
0xc3: {  	[hbm:s12], [sflag:s25] =	dma.local [spmem:s31], $0x2800  }
0xc4: {  	_ =	swait.ge [sflag:s18], $0x2800  }
0xc5: {  	[sflag:s18] =	ssyncset.done $0x0  }
0xc6: {  	[sflag:s18] =	ssyncadd.s32 $0xFFFFD800  }
0xc7: {  	_ =	sfence.sel $0x180000  }
0xc8: {  	[bflag:$0x0] =	sbarrier.arrive $0xFFFF  }
0xc9: {  	_ =	strace $0x9000004D  }
0xca: {  	s0 =	stileid.u32;
	[bflag:$0x2] =	sbarrier.arrive $0xFFFF  }
0xcb: {  	p0 =	sne.s32 s0, $0x0;
	s0 =	rddreg [dreg:$0x3]  }
0xcc: {  	s0 =	sadd.s32 @!p0 $0x100000, s0  }
0xcd: {  	[sflag:s0] =	ssyncadd.tile.s32 @!p0 $0x1;
	_ =	shalt  }
.Lfunc_end2:
_tile_overlayer_lowered:
.L_overlay_start_2:
0xce: {  	(tag) =	ssettag $0x2  }
0xcf: {  	s0 =	rddreg [dreg:$0x0];
	s2 =	stileid.u32  }
0xd0: {  	s1 =	rddreg [dreg:$0x1];
	p0 =	sne.s32 s2, $0x0  }
0xd1: {  	s3 =	rddreg [dreg:$0x2];
	[bflag:$0x3] =	sbarrier.arrive $0xFFFF;
	s2 =	simm.s32 @!p0 $0x1C03  }
0xd2: {  	[timem:s3], [sflag:s2] =	dma.local @!p0 [hbm:s0], s1  }
0xd3: {  	s0 =	simm.s32 @!p0 $0x3  }
0xd4: {  	_ =	swait.ge @!p0 [sflag:s0], s1  }
0xd5: {  	s1 =	ssub.s32 @!p0 $0x0, s1;
	[sflag:s0] =	ssyncset.done @!p0 $0x0  }
0xd6: {  	[sflag:s0] =	ssyncadd.s32 @!p0 s1  }
0xd7: {  	[bflag:$0x3] =	sbarrier.arrive $0xFFFF  }
0xd8: {  	_ =	shalt  }

// kernel: kernel.18.cloned.1.call-start
scs
__scs_entry_jumppad:
0x0: {  	(pc) =	sbr.rel $0x88, $3  }
0x1: {  	(tag) =	ssettag $0x0;
	lr =	simm.s32 $0x1  }
0x2: {  	[smem:$0x3F92] =	sst lr;
	_ =	strace $0xD0000000  }
0x3: {  	_ = 	snop  }
0x4: {  	_ = 	snop  }
0x5: {  	_ = 	snop  }
0x6: {  	_ = 	snop  }
0x7: {  	_ = 	snop  }
__scs_overlays_trampoline_lowered:
0x8: {  	[smem:$0x3FA1] =	sst s0  }
0x9: {  	[smem:$0x3FA2] =	sst s1  }
0xa: {  	[smem:$0x3FA3] =	sst s2  }
0xb: {  	[smem:$0x3FA4] =	sst s3  }
0xc: {  	[smem:$0x3FA5] =	sst s4  }
0xd: {  	[smem:$0x3FA6] =	sst s5  }
0xe: {  	[smem:$0x3FA7] =	sst s6  }
0xf: {  	[smem:$0x3FA8] =	sst s7  }
0x10: {  	[smem:$0x3FA9] =	sst s8  }
0x11: {  	[smem:$0x3FAA] =	sst s9;
	s0 =	simm.s32 @!p0 $0x0  }
0x12: {  	s1 =	sld [smem:$0x3F90];
	s0 =	simm.s32 @p0 $0x1  }
0x13: {  	[smem:$0x3FAB] =	sst s0;
	s0 =	simm.s32 @!p1 $0x0  }
0x14: {  	s2 =	sld [smem:$0x3F8F];
	s0 =	simm.s32 @p1 $0x1  }
0x15: {  	[smem:$0x3FAC] =	sst s0;
	s0 =	simm.s32 @!p2 $0x0  }
0x16: {  	s3 =	sld [smem:$0x3FDB];
	s0 =	simm.s32 @p2 $0x1  }
0x17: {  	s4 =	simm.s32 $0x1BF5;
	[smem:$0x3FAE] =	sst s0  }
0x18: {  	s0 =	sld [smem:$0x3F91];
	_ =	swait.ge [sflag:s4], $0x0  }
0x19: {  	s7 =	sld [smem:$0x3F92]  }
0x1a: {  	s8 =	sadd.s32 $0xFFFFE003, lr  }
0x1b: {  	s9 =	sadd.s32 $0xFFFFFEF7, lr;
	s5 =	simm.s32 $0xFFFFFFFF;
	p2 =	slt.u32 s8, $0xFFFFF086  }
0x1c: {  	p1 =	slt.u32 s9, $0xF7A;
	s5 =	simm.s32 @!p2 $0x0  }
0x1d: {  	s5 =	simm.s32 @p1 $0x1;
	p0 =	seq.s32 s7, s2  }
0x1e: {  	s7 =	smul.u32 @!p0 $0xF7A, s2;
	p2 =	seq.s32 @!p0 s5, $0x0  }
0x1f: {  	s9 =	smul.u32 $0xF7A, s1;
	s8 =	simm.s32 @!p0 $0x1BF5;
	p2 =	por !p2, p0  }
0x20: {  	[sflag:s8] =	ssyncset.s32 @!p0 $0xFFFFF086;
	s6 =	sadd.s32 @!p0 s3, s7;
	s7 =	simm.s32 @!p0 $0x108  }
0x21: {  	s3 =	sadd.s32 s3, s9;
	s6 =	sadd.s32 @!p0 $0x88, s6;
	s7 =	simm.s32 @p2 $0x1082  }
0x22: {  	[simem:s7], [sflag:s8] =	dma.local @!p0 [hbm:s6], $0xF7A  }
0x23: {  	s9 =	sor.u32 $0xD0000000, s2;
	s6 =	simm.s32 $0x108;
	_ =	swait.ge @!p0 [sflag:s8], $0x0  }
0x24: {  	s3 =	sadd.s32 $0x88, s3;
	s6 =	simm.s32 @!p1 $0x1082;
	[sflag:s4] =	ssyncset.s32 $0xFFFFF086  }
0x25: {  	[simem:s6], [sflag:s4] =	dma.local [hbm:s3], $0xF7A  }
0x26: {  	[smem:$0x3F92] =	sst s1;
	(tag) =	ssettag s2;
	_ =	strace s9  }
0x27: {  	s1 =	sld [smem:$0x3FA2]  }
0x28: {  	s2 =	sld [smem:$0x3FA3]  }
0x29: {  	s4 =	sld [smem:$0x3FA5]  }
0x2a: {  	p0 =	seq.s32 s5, $0x0;
	s5 =	sld [smem:$0x3FA6]  }
0x2b: {  	s6 =	sld [smem:$0x3FA7]  }
0x2c: {  	s7 =	sld [smem:$0x3FA8]  }
0x2d: {  	s3 =	simm.s32 $0x108;
	s8 =	sld [smem:$0x3FA9]  }
0x2e: {  	s3 =	simm.s32 @!p0 $0x1082;
	s9 =	sld [smem:$0x3FAA]  }
0x2f: {  	lr =	sadd.s32 s0, s3;
	s0 =	sld [smem:$0x3FA1]  }
0x30: {  	s3 =	sld [smem:$0x3FA4]  }
0x31: {  	[smem:$0x3FAD] =	sst s10  }
0x32: {  	s10 =	sld [smem:$0x3FAB];
	_ =	sdelay $0x3  }
0x33: {  	p0 =	seq.s32 s10, $0x1;
	s10 =	sld [smem:$0x3FAD];
	_ =	sdelay $0x3  }
0x34: {  	[smem:$0x3FAD] =	sst s10  }
0x35: {  	s10 =	sld [smem:$0x3FAC];
	_ =	sdelay $0x3  }
0x36: {  	p1 =	seq.s32 s10, $0x1;
	s10 =	sld [smem:$0x3FAD];
	_ =	sdelay $0x3  }
0x37: {  	[smem:$0x3FAD] =	sst s10  }
0x38: {  	s10 =	sld [smem:$0x3FAE]  }
0x39: {  	_ = 	snop;
	(pc) =	sbr.ind lr, $3  }
0x3a: {  	_ = 	snop  }
0x3b: {  	_ = 	snop  }
0x3c: {  	p2 =	seq.s32 s10, $0x1;
	s10 =	sld [smem:$0x3FAD]  }
0x3d: {  	_ =	shalt  }
0x3e: {  	_ =	shalt  }
0x3f: {  	_ =	shalt  }
0x40: {  	_ =	shalt  }
0x41: {  	_ =	shalt  }
0x42: {  	_ =	shalt  }
0x43: {  	_ =	shalt  }
0x44: {  	_ =	shalt  }
0x45: {  	_ =	shalt  }
0x46: {  	_ =	shalt  }
0x47: {  	_ =	shalt  }
0x48: {  	_ =	shalt  }
0x49: {  	_ =	shalt  }
0x4a: {  	_ =	shalt  }
0x4b: {  	_ =	shalt  }
0x4c: {  	_ =	shalt  }
0x4d: {  	_ =	shalt  }
0x4e: {  	_ =	shalt  }
0x4f: {  	_ =	shalt  }
0x50: {  	_ =	shalt  }
0x51: {  	_ =	shalt  }
0x52: {  	_ =	shalt  }
0x53: {  	_ =	shalt  }
0x54: {  	_ =	shalt  }
0x55: {  	_ =	shalt  }
0x56: {  	_ =	shalt  }
0x57: {  	_ =	shalt  }
0x58: {  	_ =	shalt  }
0x59: {  	_ =	shalt  }
0x5a: {  	_ =	shalt  }
0x5b: {  	_ =	shalt  }
0x5c: {  	_ =	shalt  }
0x5d: {  	_ =	shalt  }
0x5e: {  	_ =	shalt  }
0x5f: {  	_ =	shalt  }
0x60: {  	_ =	shalt  }
0x61: {  	_ =	shalt  }
0x62: {  	_ =	shalt  }
0x63: {  	_ =	shalt  }
0x64: {  	_ =	shalt  }
0x65: {  	_ =	shalt  }
0x66: {  	_ =	shalt  }
0x67: {  	_ =	shalt  }
0x68: {  	_ =	shalt  }
0x69: {  	_ =	shalt  }
0x6a: {  	_ =	shalt  }
0x6b: {  	_ =	shalt  }
0x6c: {  	_ =	shalt  }
0x6d: {  	_ =	shalt  }
0x6e: {  	_ =	shalt  }
0x6f: {  	_ =	shalt  }
0x70: {  	_ =	shalt  }
0x71: {  	_ =	shalt  }
0x72: {  	_ =	shalt  }
0x73: {  	_ =	shalt  }
0x74: {  	_ =	shalt  }
0x75: {  	_ =	shalt  }
0x76: {  	_ =	shalt  }
0x77: {  	_ =	shalt  }
0x78: {  	_ =	shalt  }
0x79: {  	_ =	shalt  }
0x7a: {  	_ =	shalt  }
0x7b: {  	_ =	shalt  }
0x7c: {  	_ =	shalt  }
0x7d: {  	_ =	shalt  }
0x7e: {  	_ =	shalt  }
0x7f: {  	_ =	shalt  }
0x80: {  	_ =	shalt  }
0x81: {  	_ =	shalt  }
0x82: {  	_ =	shalt  }
0x83: {  	_ =	shalt  }
0x84: {  	_ =	shalt  }
0x85: {  	_ =	shalt  }
0x86: {  	_ =	shalt  }
0x87: {  	_ =	shalt  }
.Lfunc_end0:
.L_simem_size_0:
called_computation.3_lowered:
.L_overlay_start_0:
0x88: {  	s2 =	sld [smem:$0x3FD9]  }
0x89: {  	s3 =	sld [smem:$0x3FFE];
	_ =	sdelay $0x1  }
0x8a: {  	s1 =	srdreg.scid  }
0x8b: {  	s0 =	sand.u32 $0x1, s1  }
0x8c: {  	s17 =	sshll.u32 s0, $0xA;
	s2 =	sadd.s32 s3, s2  }
0x8d: {  	s2 =	sadd.s32 s2, s17  }
0x8e: {  	[smem:$0x3FB9] =	sst s2  }
0x8f: {  	_ = 	snop  }
0x90: {  	s2 =	sld [smem:$0x3FD0];
	(tm) =	ssettm $0x1  }
0x91: {  	s18 =	sld [smem:$0x3FFB];
	_ =	sdelay $0x3  }
0x92: {  	_ =	strace s18  }
0x93: {  	s3 =	sld [smem:$0x3FFC];
	_ =	sdelay $0x3  }
0x94: {  	_ =	strace s3  }
0x95: {  	s3 =	sld [smem:$0x3FFD];
	_ =	sdelay $0x3  }
0x96: {  	_ =	strace s3  }
0x97: {  	_ =	strace $0x8FFFFFFF  }
0x98: {  	s19 =	sld [smem:$0x3FDB];
	_ =	sdelay $0x1  }
0x99: {  	s4 =	simm.s32 $_scs_section_size  }
0x9a: {  	s5 =	simm.s32 $_size__tile_overlayer_lowered;
	s6 =	simm.s32 $_tile_overlayer_lowered  }
0x9b: {  	s22 =	simm.s32 $0x1BFF;
	s21 =	sshll.u32 s6, $0x1;
	s3 =	sadd.s32 s4, s19  }
0x9c: {  	s7 =	simm.s32 $0x0;
	s20 =	sshll.u32 s5, $0x1;
	s5 =	sadd.s32 s21, s3  }
0x9d: {  	[timem:s7], [sflag:s22] =	dma.local [hbm:s5], s20  }
0x9e: {  	_ =	swait.ge [sflag:s22], s20  }
0x9f: {  	s4 =	ssub.s32 $0x0, s20;
	[sflag:s22] =	ssyncset.done $0x0  }
0xa0: {  	[sflag:s22] =	ssyncadd.s32 s4;
	_ =	sdelay $0x1  }
0xa1: {  	s23 =	simm.s32 $0x1B8B  }
0xa2: {  	_ =	swait.ge [sflag:s23], $0x1  }
0xa3: {  	[sflag:s23] =	ssyncset.done $0x0  }
0xa4: {  	s25 =	simm.s32 $0x1B8E;
	s24 =	sld [smem:$0x3FFE];
	[sflag:s23] =	ssyncadd.s32 $0xFFFFFFFF  }
0xa5: {  	s26 =	simm.s32 $execute0_lowered;
	[smem:$0x3FD2] =	sst s25  }
0xa6: {  	s5 =	sshll.u32 s26, $0x1;
	_ =	strace $0x8000004F;
	[dreg:$0x1] =	wrdreg $0xFFFFFFFF  }
0xa7: {  	s28 =	simm.s32 $_size_execute0_lowered;
	s3 =	sadd.s32 s3, s5;
	[dreg:$0x0] =	wrdreg $0x0  }
0xa8: {  	s5 =	sshll.u32 s28, $0x1;
	[dreg:$0x2] =	wrdreg s3  }
0xa9: {  	[dreg:$0x3] =	wrdreg s5  }
0xaa: {  	[dreg:$0x4] =	wrdreg $0xC0  }
0xab: {  	_ =	task [dreg:s7], $0x5FFFF  }
0xac: {  	[dreg:$0x1] =	wrdreg $0xFFFFFFFF  }
0xad: {  	[dreg:$0x0] =	wrdreg $0x60  }
0xae: {  	[dreg:$0x2] =	wrdreg s24  }
0xaf: {  	[dreg:$0x3] =	wrdreg s2  }
0xb0: {  	[dreg:$0x4] =	wrdreg $0xA8000  }
0xb1: {  	[dreg:$0x5] =	wrdreg $0x9  }
0xb2: {  	_ =	task.clear_ibuf [dreg:s7], $0x6FFFF;
	_ =	strace $0x9000004F  }
0xb3: {  	s29 =	simm.s32 $0x9;
	_ =	strace $0x80000051  }
0xb4: {  	_ =	swait.ge [sflag:s29], $0x1  }
0xb5: {  	[sflag:s29] =	ssyncadd.s32 $0xFFFFFFFF  }
0xb6: {  	_ =	strace $0x90000051  }
0xb7: {  	_ =	sfence  }
0xb8: {  	s30 =	sld [smem:$0x0];
	_ =	sdelay $0x2  }
0xb9: {  	s31 =	sshll.u32 s1, $0xD;
	s1 =	sshrl.u32 s1, $0x2  }
0xba: {  	s3 =	sand.u32 $0x4000, s31;
	s1 =	sadd.s32 s1, s30  }
0xbb: {  	s0 =	sor.u32 s3, s0;
	s1 =	sshll.u32 s1, $0x11  }
0xbc: {  	s0 =	sor.u32 s1, s0  }
0xbd: {  	s0 =	sadd.s32 $0x8F2B, s0  }
0xbe: {  	[sflag:s0] =	ssyncadd.remote.s32 $0x1  }
0xbf: {  	_ =	sfence.sel $0xFFFF  }
0xc0: {  	[dreg:$0x0] =	wrdreg $0xFFFFFFFF;
	(pc) =	sbr.abs _section_cstart, $3  }
0xc1: {  	[dreg:$0x1] =	wrdreg $0xFFFFFFFF  }
0xc2: {  	_ =	task.clear_ibuf [dreg:s7], $0x2FFFF;
	_ =	strace $0x9FFFFFFF  }
0xc3: {  	(tm) =	ssettm $0x7FFFFFFF  }
tec
execute0_lowered:
.L_overlay_start_1:
0x0: {  	(tag) =	ssettag $0x1  }
0x1: {  	s6 =	rddreg [dreg:$0x0]  }
0x2: {  	s9 =	rddreg [dreg:$0x1]  }
0x3: {  	s1 =	rddreg [dreg:$0x2]  }
0x4: {  	s2 =	srdreg.scid;
	s3 =	simm.s32 $0x0;
	s0 =	stileid.u32  }
0x5: {  	s17 =	simm.s32 $0x2800;
	s18 =	simm.s32 $0x3;
	s19 =	simm.s32 $0x1400  }
0x6: {  	s20 =	simm.s32 $0x7D;
	s21 =	simm.s32 $0x6800;
	s22 =	simm.s32 $0x1  }
0x7: {  	s23 =	simm.s32 $0x2;
	s24 =	simm.s32 $0x1380;
	s28 =	simm.s32 $0x2780  }
0x8: {  	s29 =	simm.s32 $0x0;
	s8 =	sand.u32 $0x1, s2;
	s7 =	smul.u32 $0x14000, s0  }
0x9: {  	[smem:$0x7FF] =	sst s3;
	s4 =	sadd.s32 $0x4800, s6;
	s10 =	smul.u32 $0x50000, s0  }
0xa: {  	s11 =	sadd.s32 $0x2D000, s6;
	s25 =	sadd.s32 $0x2C800, s6;
	s13 =	smul.u32 $0x2800, s0  }
0xb: {  	s5 =	smul.u32 $0x140000, s8;
	_ =	strace $0x80000050;
	[dreg:$0x4] =	wrdreg s25  }
0xc: {  	s26 =	ssub.s32 $0x2, s8;
	p0 =	seq.s32 s8, $0x0;
	s25 =	sshll.u32 s0, $0x6  }
0xd: {  	s30 =	sshrl.u32 s10, $0x2;
	s31 =	sshrl.u32 s26, $0x1;
	s13 =	sshrl.u32 s13, $0x3  }
0xe: {  	s11 =	smov.u32 @p0 s9;
	s25 =	sor.u32 $0x1C03, s25;
	s7 =	sadd.s32 s7, s5  }
0xf: {  	s14 =	ssub.s32 s26, s31;
	s11 =	sadd.s32 s11, s13;
	s26 =	simm.s32 $0x2700  }
0x10: {  	s7 =	sshrl.u32 s7, $0x3;
	s13 =	smax.u32 s14, $0x1;
	s14 =	sadd.s32 $0x5000, s11  }
0x11: {  	s15 =	sadd.s32 $0x280, s11;
	s12 =	sadd.s32 s7, s6;
	s6 =	sadd.s32 s30, s1  }
0x12: {  	s16 =	sadd.s32 $0x5280, s11;
	s7 =	sadd.s32 $0x4000, s6;
	s8 =	sadd.s32 $0x8000, s6  }
0x13: {  	s9 =	sadd.s32 $0xC000, s6;
	s10 =	sadd.s32 $0x10000, s6;
	s12 =	sadd.s32 $0x37000, s12  }
.LBB2_1:
0x14: {  	s0 =	rddreg [dreg:$0x4]  }
0x15: {  	[tilespmem:s17], [sflag:$0x3] =	stream.linear.gather [hbm4b:s0+s3], $0x4000, $0x38;
	[tilespmem:$0x1E800] =	vst v63  }
0x16: {  	_ =	swait.ge [sflag:s18], $0x4000  }
0x17: {  	[sflag:s18] =	ssyncset.done $0x0  }
0x18: {  	[sflag:s18] =	ssyncadd.s32 $0xFFFFC000  }
0x19: {  	[spmem:s6] =	stream.linear.scatter [tilespmem:s17], [sflag:$0x3], $0x4000, $0x38;
	[tilespmem:$0x1E800] =	vst v63  }
0x1a: {  	_ =	swait.ge [sflag:s18], $0x4000  }
0x1b: {  	[sflag:s18] =	ssyncset.done $0x0  }
0x1c: {  	[sflag:s18] =	ssyncadd.s32 $0xFFFFC000  }
0x1d: {  	[spmem:s7] =	stream.linear.scatter [tilespmem:s17], [sflag:$0x3], $0x4000, $0x38;
	[tilespmem:$0x1E800] =	vst v63  }
0x1e: {  	_ =	swait.ge [sflag:s18], $0x4000  }
0x1f: {  	[sflag:s18] =	ssyncset.done $0x0  }
0x20: {  	[sflag:s18] =	ssyncadd.s32 $0xFFFFC000  }
0x21: {  	[spmem:s8] =	stream.linear.scatter [tilespmem:s17], [sflag:$0x3], $0x4000, $0x38;
	[tilespmem:$0x1E800] =	vst v63  }
0x22: {  	_ =	swait.ge [sflag:s18], $0x4000  }
0x23: {  	[sflag:s18] =	ssyncset.done $0x0  }
0x24: {  	[sflag:s18] =	ssyncadd.s32 $0xFFFFC000  }
0x25: {  	[spmem:s9] =	stream.linear.scatter [tilespmem:s17], [sflag:$0x3], $0x4000, $0x38;
	[tilespmem:$0x1E800] =	vst v63  }
0x26: {  	_ =	swait.ge [sflag:s18], $0x4000  }
0x27: {  	[sflag:s18] =	ssyncset.done $0x0  }
0x28: {  	[sflag:s18] =	ssyncadd.s32 $0xFFFFC000  }
0x29: {  	[spmem:s10] =	stream.linear.scatter [tilespmem:s17], [sflag:$0x3], $0x4000, $0x38;
	[tilespmem:$0x1E800] =	vst v63  }
0x2a: {  	_ =	swait.ge [sflag:s18], $0x4000  }
0x2b: {  	[sflag:s18] =	ssyncset.done $0x0  }
0x2c: {  	[sflag:s18] =	ssyncadd.s32 $0xFFFFC000  }
0x2d: {  	[bflag:$0x0] =	sbarrier.arrive $0xFFFF  }
0x2e: {  	[tilespmem:s3], [sflag:$0x3] =	stream.linear.gather [hbm4b:s11+s3], $0x1400, $0x38;
	[tilespmem:$0x1E800] =	vst v63  }
0x2f: {  	_ =	swait.ge [sflag:s18], $0x1400  }
0x30: {  	[sflag:s18] =	ssyncset.done $0x0  }
0x31: {  	[sflag:s18] =	ssyncadd.s32 $0xFFFFEC00  }
0x32: {  	[tilespmem:s19], [sflag:$0x3] =	stream.linear.gather [hbm4b:s14+s3], $0x1400, $0x38;
	[tilespmem:$0x1E800] =	vst v63  }
0x33: {  	_ =	swait.ge [sflag:s18], $0x1400  }
0x34: {  	[sflag:s18] =	ssyncset.done $0x0  }
0x35: {  	[sflag:s18] =	ssyncadd.s32 $0xFFFFEC00  }
0x36: {  	[tilespmem:s17], [sflag:$0x1] =	stream.indirect.gather [hbm4b:s4+s20], $0x80, s3, s20, $0xb8;
	[tilespmem:$0x1E800] =	vst v63  }
0x37: {  	s30 =	simm.s32 $0x80  }
0x38: {  	[tilespmem:s21], [sflag:$0x2] =	stream.indirect.gather [hbm4b:s4+s20], $0x80, s30, s20, $0xb8;
	[tilespmem:$0x1E800] =	vst v63  }
0x39: {  	_ =	swait.ge [sflag:s22], $0x3E80  }
0x3a: {  	[sflag:s22] =	ssyncset.done $0x0  }
0x3b: {  	s30 =	simm.s32 $0x1400;
	[sflag:s22] =	ssyncadd.s32 $0xFFFFC180  }
0x3c: {  	[spmem:s1] =	stream.indirect.scatter.add.f32 [tilespmem:s17], [sflag:$0x3], $0x80, s30, s20, $0xb8;
	[tilespmem:$0x1E800] =	vst v63  }
0x3d: {  	_ =	swait.ge [sflag:s18], $0x3E80  }
0x3e: {  	[sflag:s18] =	ssyncset.done $0x0  }
0x3f: {  	s30 =	simm.s32 $0x100;
	[sflag:s18] =	ssyncadd.s32 $0xFFFFC180  }
0x40: {  	[tilespmem:s17], [sflag:$0x1] =	stream.indirect.gather [hbm4b:s4+s20], $0x80, s30, s20, $0xb8;
	[tilespmem:$0x1E800] =	vst v63  }
0x41: {  	_ =	swait.ge [sflag:s23], $0x3E80  }
0x42: {  	[sflag:s23] =	ssyncset.done $0x0  }
0x43: {  	s30 =	simm.s32 $0x1480;
	[sflag:s23] =	ssyncadd.s32 $0xFFFFC180  }
0x44: {  	[spmem:s1] =	stream.indirect.scatter.add.f32 [tilespmem:s21], [sflag:$0x3], $0x80, s30, s20, $0xb8;
	[tilespmem:$0x1E800] =	vst v63  }
0x45: {  	_ =	swait.ge [sflag:s18], $0x3E80  }
0x46: {  	s31 =	simm.s32 $0x800;
	s30 =	simm.s32 $0x100;
	[sflag:s18] =	ssyncset.done $0x0  }
.LBB2_2:
0x47: {  	s0 =	sadd.s32 $0x80, s30  }
0x48: {  	[sflag:s18] =	ssyncadd.s32 $0xFFFFC180;
	s2 =	smov.u32 s31;
	s5 =	sadd.s32 $0x400, s31  }
0x49: {  	[tilespmem:s21], [sflag:$0x2] =	stream.indirect.gather [hbm4b:s4+s20], $0x80, s0, s20, $0xb8;
	[tilespmem:$0x1E800] =	vst v63  }
0x4a: {  	p0 =	sne.s32 s31, $0x4800;
	_ =	swait.ge [sflag:s22], $0x3E80  }
0x4b: {  	[sflag:s22] =	ssyncset.done $0x0  }
0x4c: {  	s0 =	sadd.s32 $0x1400, s30;
	[sflag:s22] =	ssyncadd.s32 $0xFFFFC180  }
0x4d: {  	[spmem:s1] =	stream.indirect.scatter.add.f32 [tilespmem:s17], [sflag:$0x3], $0x80, s0, s20, $0xb8;
	[tilespmem:$0x1E800] =	vst v63  }
0x4e: {  	_ =	swait.ge [sflag:s18], $0x3E80  }
0x4f: {  	[sflag:s18] =	ssyncset.done $0x0  }
0x50: {  	s0 =	sadd.s32 $0x100, s30;
	[sflag:s18] =	ssyncadd.s32 $0xFFFFC180  }
0x51: {  	[tilespmem:s17], [sflag:$0x1] =	stream.indirect.gather [hbm4b:s4+s20], $0x80, s0, s20, $0xb8;
	[tilespmem:$0x1E800] =	vst v63  }
0x52: {  	_ =	swait.ge [sflag:s23], $0x3E80  }
.Ltmp0:
0x53: {  	[sflag:s23] =	ssyncset.done $0x0;
	(pc) =	sbr.rel @p0 .LBB2_2-.Ltmp0, $4  }
0x54: {  	s0 =	sadd.s32 $0x1480, s30;
	[sflag:s23] =	ssyncadd.s32 $0xFFFFC180  }
0x55: {  	[spmem:s1] =	stream.indirect.scatter.add.f32 [tilespmem:s21], [sflag:$0x3], $0x80, s0, s20, $0xb8;
	[tilespmem:$0x1E800] =	vst v63  }
0x56: {  	_ =	swait.ge [sflag:s18], $0x3E80  }
0x57: {  	s31 =	smov.u32 s5;
	s30 =	sshra.s32 s2, $0x2;
	[sflag:s18] =	ssyncset.done $0x0  }
0x58: {  	s0 =	sadd.s32 $0x80, s30;
	[sflag:s18] =	ssyncadd.s32 $0xFFFFC180  }
0x59: {  	[tilespmem:s21], [sflag:$0x2] =	stream.indirect.gather [hbm4b:s4+s20], $0x80, s0, s20, $0xb8;
	[tilespmem:$0x1E800] =	vst v63  }
0x5a: {  	_ =	swait.ge [sflag:s22], $0x3E80  }
0x5b: {  	[sflag:s22] =	ssyncset.done $0x0  }
0x5c: {  	s2 =	sadd.s32 $0x1400, s30;
	[sflag:s22] =	ssyncadd.s32 $0xFFFFC180  }
0x5d: {  	[spmem:s1] =	stream.indirect.scatter.add.f32 [tilespmem:s17], [sflag:$0x3], $0x80, s2, s20, $0xb8;
	[tilespmem:$0x1E800] =	vst v63  }
0x5e: {  	_ =	swait.ge [sflag:s18], $0x3E80  }
0x5f: {  	[sflag:s18] =	ssyncset.done $0x0  }
0x60: {  	s5 =	sadd.s32 $0x100, s30;
	[sflag:s18] =	ssyncadd.s32 $0xFFFFC180  }
0x61: {  	[tilespmem:s17], [sflag:$0x1] =	stream.indirect.gather [hbm4b:s4+s20], $0x80, s5, s20, $0xb8;
	[tilespmem:$0x1E800] =	vst v63  }
0x62: {  	_ =	swait.ge [sflag:s23], $0x3E80  }
0x63: {  	[sflag:s23] =	ssyncset.done $0x0  }
0x64: {  	s2 =	sadd.s32 $0x1480, s30;
	[sflag:s23] =	ssyncadd.s32 $0xFFFFC180  }
0x65: {  	[spmem:s1] =	stream.indirect.scatter.add.f32 [tilespmem:s21], [sflag:$0x3], $0x80, s2, s20, $0xb8;
	[tilespmem:$0x1E800] =	vst v63  }
0x66: {  	_ =	swait.ge [sflag:s18], $0x3E80  }
0x67: {  	[sflag:s18] =	ssyncset.done $0x0  }
0x68: {  	[sflag:s18] =	ssyncadd.s32 $0xFFFFC180  }
0x69: {  	[tilespmem:s21], [sflag:$0x2] =	stream.indirect.gather [hbm4b:s4+s20], $0x80, s24, s20, $0xb8;
	[tilespmem:$0x1E800] =	vst v63  }
0x6a: {  	_ =	swait.ge [sflag:s22], $0x3E80  }
0x6b: {  	[sflag:s22] =	ssyncset.done $0x0  }
0x6c: {  	[sflag:s22] =	ssyncadd.s32 $0xFFFFC180  }
0x6d: {  	[spmem:s1] =	stream.indirect.scatter.add.f32 [tilespmem:s17], [sflag:$0x3], $0x80, s26, s20, $0xb8;
	[tilespmem:$0x1E800] =	vst v63  }
0x6e: {  	_ =	swait.ge [sflag:s18], $0x3E80  }
0x6f: {  	[sflag:s18] =	ssyncset.done $0x0  }
0x70: {  	[sflag:s18] =	ssyncadd.s32 $0xFFFFC180  }
0x71: {  	_ =	swait.ge [sflag:s23], $0x3E80  }
0x72: {  	[sflag:s23] =	ssyncset.done $0x0  }
0x73: {  	[sflag:s23] =	ssyncadd.s32 $0xFFFFC180  }
0x74: {  	[spmem:s1] =	stream.indirect.scatter.add.f32 [tilespmem:s21], [sflag:$0x3], $0x80, s28, s20, $0xb8;
	[tilespmem:$0x1E800] =	vst v63  }
0x75: {  	_ =	swait.ge [sflag:s18], $0x3E80  }
0x76: {  	[sflag:s18] =	ssyncset.done $0x0  }
0x77: {  	s5 =	simm.s32 $0x0;
	[sflag:s18] =	ssyncadd.s32 $0xFFFFC180  }
0x78: {  	[tilespmem:s5], [sflag:$0x3] =	stream.linear.gather [hbm4b:s15+s5], $0x1400, $0x38;
	[tilespmem:$0x1E800] =	vst v63  }
0x79: {  	_ =	swait.ge [sflag:s18], $0x1400  }
0x7a: {  	[sflag:s18] =	ssyncset.done $0x0  }
0x7b: {  	[sflag:s18] =	ssyncadd.s32 $0xFFFFEC00  }
0x7c: {  	[tilespmem:s19], [sflag:$0x3] =	stream.linear.gather [hbm4b:s16+s5], $0x1400, $0x38;
	[tilespmem:$0x1E800] =	vst v63  }
0x7d: {  	_ =	swait.ge [sflag:s18], $0x1400  }
0x7e: {  	[sflag:s18] =	ssyncset.done $0x0  }
0x7f: {  	[sflag:s18] =	ssyncadd.s32 $0xFFFFEC00  }
0x80: {  	[tilespmem:s17], [sflag:$0x1] =	stream.indirect.gather [hbm4b:s4+s20], $0x80, s5, s20, $0xb8;
	[tilespmem:$0x1E800] =	vst v63  }
0x81: {  	s2 =	simm.s32 $0x80  }
0x82: {  	[tilespmem:s21], [sflag:$0x2] =	stream.indirect.gather [hbm4b:s4+s20], $0x80, s2, s20, $0xb8;
	[tilespmem:$0x1E800] =	vst v63  }
0x83: {  	_ =	swait.ge [sflag:s22], $0x3E80  }
0x84: {  	[sflag:s22] =	ssyncset.done $0x0  }
0x85: {  	s5 =	simm.s32 $0x1400;
	[sflag:s22] =	ssyncadd.s32 $0xFFFFC180  }
0x86: {  	[spmem:s1] =	stream.indirect.scatter.add.f32 [tilespmem:s17], [sflag:$0x3], $0x80, s5, s20, $0xb8;
	[tilespmem:$0x1E800] =	vst v63  }
0x87: {  	_ =	swait.ge [sflag:s18], $0x3E80  }
0x88: {  	[sflag:s18] =	ssyncset.done $0x0  }
0x89: {  	s2 =	simm.s32 $0x100;
	[sflag:s18] =	ssyncadd.s32 $0xFFFFC180  }
0x8a: {  	[tilespmem:s17], [sflag:$0x1] =	stream.indirect.gather [hbm4b:s4+s20], $0x80, s2, s20, $0xb8;
	[tilespmem:$0x1E800] =	vst v63  }
0x8b: {  	_ =	swait.ge [sflag:s23], $0x3E80  }
0x8c: {  	[sflag:s23] =	ssyncset.done $0x0  }
0x8d: {  	s5 =	simm.s32 $0x1480;
	[sflag:s23] =	ssyncadd.s32 $0xFFFFC180  }
0x8e: {  	[spmem:s1] =	stream.indirect.scatter.add.f32 [tilespmem:s21], [sflag:$0x3], $0x80, s5, s20, $0xb8;
	[tilespmem:$0x1E800] =	vst v63  }
0x8f: {  	_ =	swait.ge [sflag:s18], $0x3E80  }
0x90: {  	s31 =	simm.s32 $0x800;
	s30 =	simm.s32 $0x100;
	[sflag:s18] =	ssyncset.done $0x0  }
.LBB2_4:
0x91: {  	s0 =	sadd.s32 $0x80, s30  }
0x92: {  	[sflag:s18] =	ssyncadd.s32 $0xFFFFC180;
	s2 =	smov.u32 s31;
	s5 =	sadd.s32 $0x400, s31  }
0x93: {  	[tilespmem:s21], [sflag:$0x2] =	stream.indirect.gather [hbm4b:s4+s20], $0x80, s0, s20, $0xb8;
	[tilespmem:$0x1E800] =	vst v63  }
0x94: {  	p0 =	sne.s32 s31, $0x4800;
	_ =	swait.ge [sflag:s22], $0x3E80  }
0x95: {  	[sflag:s22] =	ssyncset.done $0x0  }
0x96: {  	s0 =	sadd.s32 $0x1400, s30;
	[sflag:s22] =	ssyncadd.s32 $0xFFFFC180  }
0x97: {  	[spmem:s1] =	stream.indirect.scatter.add.f32 [tilespmem:s17], [sflag:$0x3], $0x80, s0, s20, $0xb8;
	[tilespmem:$0x1E800] =	vst v63  }
0x98: {  	_ =	swait.ge [sflag:s18], $0x3E80  }
0x99: {  	[sflag:s18] =	ssyncset.done $0x0  }
0x9a: {  	s0 =	sadd.s32 $0x100, s30;
	[sflag:s18] =	ssyncadd.s32 $0xFFFFC180  }
0x9b: {  	[tilespmem:s17], [sflag:$0x1] =	stream.indirect.gather [hbm4b:s4+s20], $0x80, s0, s20, $0xb8;
	[tilespmem:$0x1E800] =	vst v63  }
0x9c: {  	_ =	swait.ge [sflag:s23], $0x3E80  }
.Ltmp1:
0x9d: {  	[sflag:s23] =	ssyncset.done $0x0;
	(pc) =	sbr.rel @p0 .LBB2_4-.Ltmp1, $4  }
0x9e: {  	s0 =	sadd.s32 $0x1480, s30;
	[sflag:s23] =	ssyncadd.s32 $0xFFFFC180  }
0x9f: {  	[spmem:s1] =	stream.indirect.scatter.add.f32 [tilespmem:s21], [sflag:$0x3], $0x80, s0, s20, $0xb8;
	[tilespmem:$0x1E800] =	vst v63  }
0xa0: {  	_ =	swait.ge [sflag:s18], $0x3E80  }
0xa1: {  	s31 =	smov.u32 s5;
	s30 =	sshra.s32 s2, $0x2;
	[sflag:s18] =	ssyncset.done $0x0  }
0xa2: {  	s0 =	sadd.s32 $0x80, s30;
	[sflag:s18] =	ssyncadd.s32 $0xFFFFC180  }
0xa3: {  	[tilespmem:s21], [sflag:$0x2] =	stream.indirect.gather [hbm4b:s4+s20], $0x80, s0, s20, $0xb8;
	[tilespmem:$0x1E800] =	vst v63  }
0xa4: {  	_ =	swait.ge [sflag:s22], $0x3E80  }
0xa5: {  	[sflag:s22] =	ssyncset.done $0x0  }
0xa6: {  	s2 =	sadd.s32 $0x1400, s30;
	[sflag:s22] =	ssyncadd.s32 $0xFFFFC180  }
0xa7: {  	[spmem:s1] =	stream.indirect.scatter.add.f32 [tilespmem:s17], [sflag:$0x3], $0x80, s2, s20, $0xb8;
	[tilespmem:$0x1E800] =	vst v63  }
0xa8: {  	_ =	swait.ge [sflag:s18], $0x3E80  }
0xa9: {  	[sflag:s18] =	ssyncset.done $0x0  }
0xaa: {  	s5 =	sadd.s32 $0x100, s30;
	[sflag:s18] =	ssyncadd.s32 $0xFFFFC180  }
0xab: {  	[tilespmem:s17], [sflag:$0x1] =	stream.indirect.gather [hbm4b:s4+s20], $0x80, s5, s20, $0xb8;
	[tilespmem:$0x1E800] =	vst v63  }
0xac: {  	_ =	swait.ge [sflag:s23], $0x3E80  }
0xad: {  	[sflag:s23] =	ssyncset.done $0x0  }
0xae: {  	s30 =	sadd.s32 $0x1480, s30;
	[sflag:s23] =	ssyncadd.s32 $0xFFFFC180  }
0xaf: {  	[spmem:s1] =	stream.indirect.scatter.add.f32 [tilespmem:s21], [sflag:$0x3], $0x80, s30, s20, $0xb8;
	[tilespmem:$0x1E800] =	vst v63  }
0xb0: {  	_ =	swait.ge [sflag:s18], $0x3E80  }
0xb1: {  	[sflag:s18] =	ssyncset.done $0x0  }
0xb2: {  	[sflag:s18] =	ssyncadd.s32 $0xFFFFC180  }
0xb3: {  	[tilespmem:s21], [sflag:$0x2] =	stream.indirect.gather [hbm4b:s4+s20], $0x80, s24, s20, $0xb8;
	[tilespmem:$0x1E800] =	vst v63  }
0xb4: {  	_ =	swait.ge [sflag:s22], $0x3E80  }
0xb5: {  	[sflag:s22] =	ssyncset.done $0x0  }
0xb6: {  	[sflag:s22] =	ssyncadd.s32 $0xFFFFC180  }
0xb7: {  	[spmem:s1] =	stream.indirect.scatter.add.f32 [tilespmem:s17], [sflag:$0x3], $0x80, s26, s20, $0xb8;
	[tilespmem:$0x1E800] =	vst v63  }
0xb8: {  	_ =	swait.ge [sflag:s18], $0x3E80  }
0xb9: {  	[sflag:s18] =	ssyncset.done $0x0  }
0xba: {  	[sflag:s18] =	ssyncadd.s32 $0xFFFFC180  }
0xbb: {  	_ =	swait.ge [sflag:s23], $0x3E80  }
0xbc: {  	[sflag:s23] =	ssyncset.done $0x0  }
0xbd: {  	[sflag:s23] =	ssyncadd.s32 $0xFFFFC180  }
0xbe: {  	[spmem:s1] =	stream.indirect.scatter.add.f32 [tilespmem:s21], [sflag:$0x3], $0x80, s28, s20, $0xb8;
	[tilespmem:$0x1E800] =	vst v63  }
0xbf: {  	_ =	swait.ge [sflag:s18], $0x3E80  }
0xc0: {  	s29 =	sadd.s32 $0x1, s29;
	[sflag:s18] =	ssyncset.done $0x0  }
0xc1: {  	p0 =	sne.s32 s29, s13;
	[sflag:s18] =	ssyncadd.s32 $0xFFFFC180  }
.Ltmp2:
0xc2: {  	s31 =	sshrl.u32 s6, $0x3;
	[bflag:$0x0] =	sbarrier.arrive $0xFFFF;
	(pc) =	sbr.rel @p0 .LBB2_1-.Ltmp2, $4  }
0xc3: {  	[hbm:s12], [sflag:s25] =	dma.local [spmem:s31], $0x2800  }
0xc4: {  	_ =	swait.ge [sflag:s18], $0x2800  }
0xc5: {  	[sflag:s18] =	ssyncset.done $0x0  }
0xc6: {  	[sflag:s18] =	ssyncadd.s32 $0xFFFFD800  }
0xc7: {  	_ =	sfence.sel $0x180000  }
0xc8: {  	[bflag:$0x0] =	sbarrier.arrive $0xFFFF  }
0xc9: {  	_ =	strace $0x90000050  }
0xca: {  	s0 =	stileid.u32;
	[bflag:$0x2] =	sbarrier.arrive $0xFFFF  }
0xcb: {  	p0 =	sne.s32 s0, $0x0;
	s0 =	rddreg [dreg:$0x3]  }
0xcc: {  	s0 =	sadd.s32 @!p0 $0x100000, s0  }
0xcd: {  	[sflag:s0] =	ssyncadd.tile.s32 @!p0 $0x1;
	_ =	shalt  }
.Lfunc_end2:
_tile_overlayer_lowered:
.L_overlay_start_2:
0xce: {  	(tag) =	ssettag $0x2  }
0xcf: {  	s0 =	rddreg [dreg:$0x0];
	s2 =	stileid.u32  }
0xd0: {  	s1 =	rddreg [dreg:$0x1];
	p0 =	sne.s32 s2, $0x0  }
0xd1: {  	s3 =	rddreg [dreg:$0x2];
	[bflag:$0x3] =	sbarrier.arrive $0xFFFF;
	s2 =	simm.s32 @!p0 $0x1C03  }
0xd2: {  	[timem:s3], [sflag:s2] =	dma.local @!p0 [hbm:s0], s1  }
0xd3: {  	s0 =	simm.s32 @!p0 $0x3  }
0xd4: {  	_ =	swait.ge @!p0 [sflag:s0], s1  }
0xd5: {  	s1 =	ssub.s32 @!p0 $0x0, s1;
	[sflag:s0] =	ssyncset.done @!p0 $0x0  }
0xd6: {  	[sflag:s0] =	ssyncadd.s32 @!p0 s1  }
0xd7: {  	[bflag:$0x3] =	sbarrier.arrive $0xFFFF  }
0xd8: {  	_ =	shalt  }

// kernel: kernel.9.cloned.1.call-start
scs
__scs_entry_jumppad:
0x0: {  	(pc) =	sbr.rel $0x88, $3  }
0x1: {  	(tag) =	ssettag $0x0;
	lr =	simm.s32 $0x1  }
0x2: {  	[smem:$0x3F92] =	sst lr;
	_ =	strace $0xD0000000  }
0x3: {  	_ = 	snop  }
0x4: {  	_ = 	snop  }
0x5: {  	_ = 	snop  }
0x6: {  	_ = 	snop  }
0x7: {  	_ = 	snop  }
__scs_overlays_trampoline_lowered:
0x8: {  	[smem:$0x3FA1] =	sst s0  }
0x9: {  	[smem:$0x3FA2] =	sst s1  }
0xa: {  	[smem:$0x3FA3] =	sst s2  }
0xb: {  	[smem:$0x3FA4] =	sst s3  }
0xc: {  	[smem:$0x3FA5] =	sst s4  }
0xd: {  	[smem:$0x3FA6] =	sst s5  }
0xe: {  	[smem:$0x3FA7] =	sst s6  }
0xf: {  	[smem:$0x3FA8] =	sst s7  }
0x10: {  	[smem:$0x3FA9] =	sst s8  }
0x11: {  	[smem:$0x3FAA] =	sst s9;
	s0 =	simm.s32 @!p0 $0x0  }
0x12: {  	s1 =	sld [smem:$0x3F90];
	s0 =	simm.s32 @p0 $0x1  }
0x13: {  	[smem:$0x3FAB] =	sst s0;
	s0 =	simm.s32 @!p1 $0x0  }
0x14: {  	s2 =	sld [smem:$0x3F8F];
	s0 =	simm.s32 @p1 $0x1  }
0x15: {  	[smem:$0x3FAC] =	sst s0;
	s0 =	simm.s32 @!p2 $0x0  }
0x16: {  	s3 =	sld [smem:$0x3FDB];
	s0 =	simm.s32 @p2 $0x1  }
0x17: {  	s4 =	simm.s32 $0x1BF5;
	[smem:$0x3FAE] =	sst s0  }
0x18: {  	s0 =	sld [smem:$0x3F91];
	_ =	swait.ge [sflag:s4], $0x0  }
0x19: {  	s7 =	sld [smem:$0x3F92]  }
0x1a: {  	s8 =	sadd.s32 $0xFFFFE003, lr  }
0x1b: {  	s9 =	sadd.s32 $0xFFFFFEF7, lr;
	s5 =	simm.s32 $0xFFFFFFFF;
	p2 =	slt.u32 s8, $0xFFFFF086  }
0x1c: {  	p1 =	slt.u32 s9, $0xF7A;
	s5 =	simm.s32 @!p2 $0x0  }
0x1d: {  	s5 =	simm.s32 @p1 $0x1;
	p0 =	seq.s32 s7, s2  }
0x1e: {  	s7 =	smul.u32 @!p0 $0xF7A, s2;
	p2 =	seq.s32 @!p0 s5, $0x0  }
0x1f: {  	s9 =	smul.u32 $0xF7A, s1;
	s8 =	simm.s32 @!p0 $0x1BF5;
	p2 =	por !p2, p0  }
0x20: {  	[sflag:s8] =	ssyncset.s32 @!p0 $0xFFFFF086;
	s6 =	sadd.s32 @!p0 s3, s7;
	s7 =	simm.s32 @!p0 $0x108  }
0x21: {  	s3 =	sadd.s32 s3, s9;
	s6 =	sadd.s32 @!p0 $0x88, s6;
	s7 =	simm.s32 @p2 $0x1082  }
0x22: {  	[simem:s7], [sflag:s8] =	dma.local @!p0 [hbm:s6], $0xF7A  }
0x23: {  	s9 =	sor.u32 $0xD0000000, s2;
	s6 =	simm.s32 $0x108;
	_ =	swait.ge @!p0 [sflag:s8], $0x0  }
0x24: {  	s3 =	sadd.s32 $0x88, s3;
	s6 =	simm.s32 @!p1 $0x1082;
	[sflag:s4] =	ssyncset.s32 $0xFFFFF086  }
0x25: {  	[simem:s6], [sflag:s4] =	dma.local [hbm:s3], $0xF7A  }
0x26: {  	[smem:$0x3F92] =	sst s1;
	(tag) =	ssettag s2;
	_ =	strace s9  }
0x27: {  	s1 =	sld [smem:$0x3FA2]  }
0x28: {  	s2 =	sld [smem:$0x3FA3]  }
0x29: {  	s4 =	sld [smem:$0x3FA5]  }
0x2a: {  	p0 =	seq.s32 s5, $0x0;
	s5 =	sld [smem:$0x3FA6]  }
0x2b: {  	s6 =	sld [smem:$0x3FA7]  }
0x2c: {  	s7 =	sld [smem:$0x3FA8]  }
0x2d: {  	s3 =	simm.s32 $0x108;
	s8 =	sld [smem:$0x3FA9]  }
0x2e: {  	s3 =	simm.s32 @!p0 $0x1082;
	s9 =	sld [smem:$0x3FAA]  }
0x2f: {  	lr =	sadd.s32 s0, s3;
	s0 =	sld [smem:$0x3FA1]  }
0x30: {  	s3 =	sld [smem:$0x3FA4]  }
0x31: {  	[smem:$0x3FAD] =	sst s10  }
0x32: {  	s10 =	sld [smem:$0x3FAB];
	_ =	sdelay $0x3  }
0x33: {  	p0 =	seq.s32 s10, $0x1;
	s10 =	sld [smem:$0x3FAD];
	_ =	sdelay $0x3  }
0x34: {  	[smem:$0x3FAD] =	sst s10  }
0x35: {  	s10 =	sld [smem:$0x3FAC];
	_ =	sdelay $0x3  }
0x36: {  	p1 =	seq.s32 s10, $0x1;
	s10 =	sld [smem:$0x3FAD];
	_ =	sdelay $0x3  }
0x37: {  	[smem:$0x3FAD] =	sst s10  }
0x38: {  	s10 =	sld [smem:$0x3FAE]  }
0x39: {  	_ = 	snop;
	(pc) =	sbr.ind lr, $3  }
0x3a: {  	_ = 	snop  }
0x3b: {  	_ = 	snop  }
0x3c: {  	p2 =	seq.s32 s10, $0x1;
	s10 =	sld [smem:$0x3FAD]  }
0x3d: {  	_ =	shalt  }
0x3e: {  	_ =	shalt  }
0x3f: {  	_ =	shalt  }
0x40: {  	_ =	shalt  }
0x41: {  	_ =	shalt  }
0x42: {  	_ =	shalt  }
0x43: {  	_ =	shalt  }
0x44: {  	_ =	shalt  }
0x45: {  	_ =	shalt  }
0x46: {  	_ =	shalt  }
0x47: {  	_ =	shalt  }
0x48: {  	_ =	shalt  }
0x49: {  	_ =	shalt  }
0x4a: {  	_ =	shalt  }
0x4b: {  	_ =	shalt  }
0x4c: {  	_ =	shalt  }
0x4d: {  	_ =	shalt  }
0x4e: {  	_ =	shalt  }
0x4f: {  	_ =	shalt  }
0x50: {  	_ =	shalt  }
0x51: {  	_ =	shalt  }
0x52: {  	_ =	shalt  }
0x53: {  	_ =	shalt  }
0x54: {  	_ =	shalt  }
0x55: {  	_ =	shalt  }
0x56: {  	_ =	shalt  }
0x57: {  	_ =	shalt  }
0x58: {  	_ =	shalt  }
0x59: {  	_ =	shalt  }
0x5a: {  	_ =	shalt  }
0x5b: {  	_ =	shalt  }
0x5c: {  	_ =	shalt  }
0x5d: {  	_ =	shalt  }
0x5e: {  	_ =	shalt  }
0x5f: {  	_ =	shalt  }
0x60: {  	_ =	shalt  }
0x61: {  	_ =	shalt  }
0x62: {  	_ =	shalt  }
0x63: {  	_ =	shalt  }
0x64: {  	_ =	shalt  }
0x65: {  	_ =	shalt  }
0x66: {  	_ =	shalt  }
0x67: {  	_ =	shalt  }
0x68: {  	_ =	shalt  }
0x69: {  	_ =	shalt  }
0x6a: {  	_ =	shalt  }
0x6b: {  	_ =	shalt  }
0x6c: {  	_ =	shalt  }
0x6d: {  	_ =	shalt  }
0x6e: {  	_ =	shalt  }
0x6f: {  	_ =	shalt  }
0x70: {  	_ =	shalt  }
0x71: {  	_ =	shalt  }
0x72: {  	_ =	shalt  }
0x73: {  	_ =	shalt  }
0x74: {  	_ =	shalt  }
0x75: {  	_ =	shalt  }
0x76: {  	_ =	shalt  }
0x77: {  	_ =	shalt  }
0x78: {  	_ =	shalt  }
0x79: {  	_ =	shalt  }
0x7a: {  	_ =	shalt  }
0x7b: {  	_ =	shalt  }
0x7c: {  	_ =	shalt  }
0x7d: {  	_ =	shalt  }
0x7e: {  	_ =	shalt  }
0x7f: {  	_ =	shalt  }
0x80: {  	_ =	shalt  }
0x81: {  	_ =	shalt  }
0x82: {  	_ =	shalt  }
0x83: {  	_ =	shalt  }
0x84: {  	_ =	shalt  }
0x85: {  	_ =	shalt  }
0x86: {  	_ =	shalt  }
0x87: {  	_ =	shalt  }
.Lfunc_end0:
.L_simem_size_0:
called_computation_lowered:
.L_overlay_start_0:
0x88: {  	s2 =	sld [smem:$0x3FD9]  }
0x89: {  	s3 =	sld [smem:$0x3FFE];
	_ =	sdelay $0x1  }
0x8a: {  	s1 =	srdreg.scid  }
0x8b: {  	s0 =	sand.u32 $0x1, s1  }
0x8c: {  	s17 =	sshll.u32 s0, $0xA;
	s2 =	sadd.s32 s3, s2  }
0x8d: {  	s2 =	sadd.s32 s2, s17  }
0x8e: {  	[smem:$0x3FB9] =	sst s2  }
0x8f: {  	_ = 	snop  }
0x90: {  	s2 =	sld [smem:$0x3FC6];
	(tm) =	ssettm $0x1  }
0x91: {  	s18 =	sld [smem:$0x3FFB];
	_ =	sdelay $0x3  }
0x92: {  	_ =	strace s18  }
0x93: {  	s3 =	sld [smem:$0x3FFC];
	_ =	sdelay $0x3  }
0x94: {  	_ =	strace s3  }
0x95: {  	s3 =	sld [smem:$0x3FFD];
	_ =	sdelay $0x3  }
0x96: {  	_ =	strace s3  }
0x97: {  	_ =	strace $0x8FFFFFFF  }
0x98: {  	s19 =	sld [smem:$0x3FDB];
	_ =	sdelay $0x1  }
0x99: {  	s4 =	simm.s32 $_scs_section_size  }
0x9a: {  	s5 =	simm.s32 $_size__tile_overlayer_lowered;
	s6 =	simm.s32 $_tile_overlayer_lowered  }
0x9b: {  	s22 =	simm.s32 $0x1BFF;
	s21 =	sshll.u32 s6, $0x1;
	s3 =	sadd.s32 s4, s19  }
0x9c: {  	s7 =	simm.s32 $0x0;
	s20 =	sshll.u32 s5, $0x1;
	s5 =	sadd.s32 s21, s3  }
0x9d: {  	[timem:s7], [sflag:s22] =	dma.local [hbm:s5], s20  }
0x9e: {  	_ =	swait.ge [sflag:s22], s20  }
0x9f: {  	s4 =	ssub.s32 $0x0, s20;
	[sflag:s22] =	ssyncset.done $0x0  }
0xa0: {  	[sflag:s22] =	ssyncadd.s32 s4;
	_ =	sdelay $0x1  }
0xa1: {  	s23 =	simm.s32 $0x1B8B  }
0xa2: {  	_ =	swait.ge [sflag:s23], $0x1  }
0xa3: {  	[sflag:s23] =	ssyncset.done $0x0  }
0xa4: {  	s25 =	simm.s32 $0x1B8E;
	s24 =	sld [smem:$0x3FFE];
	[sflag:s23] =	ssyncadd.s32 $0xFFFFFFFF  }
0xa5: {  	s26 =	simm.s32 $execute0_lowered;
	[smem:$0x3FD2] =	sst s25  }
0xa6: {  	s5 =	sshll.u32 s26, $0x1;
	_ =	strace $0x80000046;
	[dreg:$0x1] =	wrdreg $0xFFFFFFFF  }
0xa7: {  	s28 =	simm.s32 $_size_execute0_lowered;
	s3 =	sadd.s32 s3, s5;
	[dreg:$0x0] =	wrdreg $0x0  }
0xa8: {  	s5 =	sshll.u32 s28, $0x1;
	[dreg:$0x2] =	wrdreg s3  }
0xa9: {  	[dreg:$0x3] =	wrdreg s5  }
0xaa: {  	[dreg:$0x4] =	wrdreg $0xC0  }
0xab: {  	_ =	task [dreg:s7], $0x5FFFF  }
0xac: {  	[dreg:$0x1] =	wrdreg $0xFFFFFFFF  }
0xad: {  	[dreg:$0x0] =	wrdreg $0x60  }
0xae: {  	[dreg:$0x2] =	wrdreg s24  }
0xaf: {  	[dreg:$0x3] =	wrdreg s2  }
0xb0: {  	[dreg:$0x4] =	wrdreg $0xA  }
0xb1: {  	_ =	task.clear_ibuf [dreg:s7], $0x5FFFF;
	_ =	strace $0x90000046  }
0xb2: {  	s29 =	simm.s32 $0xA;
	_ =	strace $0x80000048  }
0xb3: {  	_ =	swait.ge [sflag:s29], $0x1  }
0xb4: {  	[sflag:s29] =	ssyncadd.s32 $0xFFFFFFFF  }
0xb5: {  	_ =	strace $0x90000048  }
0xb6: {  	_ =	sfence  }
0xb7: {  	s30 =	sld [smem:$0x0];
	_ =	sdelay $0x2  }
0xb8: {  	s31 =	sshll.u32 s1, $0xD;
	s1 =	sshrl.u32 s1, $0x2  }
0xb9: {  	s3 =	sand.u32 $0x4000, s31;
	s1 =	sadd.s32 s1, s30  }
0xba: {  	s0 =	sor.u32 s3, s0;
	s1 =	sshll.u32 s1, $0x11  }
0xbb: {  	s0 =	sor.u32 s1, s0  }
0xbc: {  	s0 =	sadd.s32 $0x8F2B, s0  }
0xbd: {  	[sflag:s0] =	ssyncadd.remote.s32 $0x1  }
0xbe: {  	_ =	sfence.sel $0xFFFF  }
0xbf: {  	[dreg:$0x0] =	wrdreg $0xFFFFFFFF;
	(pc) =	sbr.abs _section_cstart, $3  }
0xc0: {  	[dreg:$0x1] =	wrdreg $0xFFFFFFFF  }
0xc1: {  	_ =	task.clear_ibuf [dreg:s7], $0x2FFFF;
	_ =	strace $0x9FFFFFFF  }
0xc2: {  	(tm) =	ssettm $0x7FFFFFFF  }
0xc3: {  	_ =	shalt  }
tec
execute0_lowered:
.L_overlay_start_1:
0x0: {  	(tag) =	ssettag $0x1  }
0x1: {  	s11 =	rddreg [dreg:$0x0]  }
0x2: {  	s2 =	rddreg [dreg:$0x1]  }
0x3: {  	s0 =	rddreg [dreg:$0x2]  }
0x4: {  	s1 =	stileid.u32;
	s4 =	srdreg.scid  }
0x5: {  	s3 =	simm.s32 $0x0;
	s5 =	sshll.u32 s1, $0x6;
	s17 =	sand.u32 $0x1, s4  }
0x6: {  	[smem:$0x7FF] =	sst s3;
	s29 =	sadd.s32 s5, s11;
	s30 =	sshll.u32 s17, $0xA  }
0x7: {  	s7 =	smul.u32 $0xA000, s1;
	_ =	strace $0x80000047;
	s4 =	sadd.s32 s30, s29  }
0x8: {  	s6 =	smul.u32 $0xA0000, s17;
	s5 =	sadd.s32 $0x4800, s4;
	s4 =	simm.s32 $0x3  }
0x9: {  	[tilespmem:s3], [sflag:$0x3] =	stream.linear.gather [hbm4b:s5+s3], $0x200, $0x38;
	[tilespmem:$0x5200] =	vst v63  }
0xa: {  	_ =	swait.ge [sflag:s4], $0x200  }
0xb: {  	s12 =	sadd.s32 s7, s6;
	[sflag:s4] =	ssyncset.done $0x0  }
0xc: {  	s6 =	simm.s32 $0x50;
	s7 =	simm.s32 $0x200;
	[sflag:s4] =	ssyncadd.s32 $0xFFFFFE00  }
0xd: {  	[tilespmem:s7], [sflag:$0x1] =	stream.indirect.gather [hbm4b:s2+s6], $0x80, s3, s6, $0xb8;
	[tilespmem:$0x5200] =	vst v63  }
0xe: {  	s8 =	simm.s32 $0x80;
	s9 =	simm.s32 $0x2A00;
	s10 =	simm.s32 $0x1  }
0xf: {  	[tilespmem:s9], [sflag:$0x2] =	stream.indirect.gather [hbm4b:s2+s6], $0x80, s8, s6, $0xb8;
	[tilespmem:$0x5200] =	vst v63  }
0x10: {  	s12 =	sshrl.u32 s12, $0x3;
	_ =	swait.ge [sflag:s10], $0x2800  }
0x11: {  	s18 =	sadd.s32 s12, s11;
	[sflag:s10] =	ssyncset.done $0x0  }
0x12: {  	s11 =	sadd.s32 $0x5000, s18;
	[sflag:s10] =	ssyncadd.s32 $0xFFFFD800  }
0x13: {  	[hbm4b:s11+s3] =	stream.linear.scatter [tilespmem:s7], [sflag:$0x3], $0x2800, $0x38;
	[tilespmem:$0x5200] =	vst v63  }
0x14: {  	_ =	swait.ge [sflag:s4], $0x2800  }
0x15: {  	[sflag:s4] =	ssyncset.done $0x0  }
0x16: {  	s13 =	simm.s32 $0x2;
	s12 =	simm.s32 $0x100;
	[sflag:s4] =	ssyncadd.s32 $0xFFFFD800  }
0x17: {  	[tilespmem:s7], [sflag:$0x1] =	stream.indirect.gather [hbm4b:s2+s6], $0x80, s12, s6, $0xb8;
	[tilespmem:$0x5200] =	vst v63  }
0x18: {  	_ =	swait.ge [sflag:s13], $0x2800  }
0x19: {  	[sflag:s13] =	ssyncset.done $0x0  }
0x1a: {  	s14 =	sadd.s32 $0x5500, s18;
	[sflag:s13] =	ssyncadd.s32 $0xFFFFD800  }
0x1b: {  	[hbm4b:s14+s3] =	stream.linear.scatter [tilespmem:s9], [sflag:$0x3], $0x2800, $0x38;
	[tilespmem:$0x5200] =	vst v63  }
0x1c: {  	_ =	swait.ge [sflag:s4], $0x2800  }
0x1d: {  	[sflag:s4] =	ssyncset.done $0x0  }
0x1e: {  	s15 =	simm.s32 $0x180;
	[sflag:s4] =	ssyncadd.s32 $0xFFFFD800  }
0x1f: {  	[tilespmem:s9], [sflag:$0x2] =	stream.indirect.gather [hbm4b:s2+s6], $0x80, s15, s6, $0xb8;
	[tilespmem:$0x5200] =	vst v63  }
0x20: {  	_ =	swait.ge [sflag:s10], $0x2800  }
0x21: {  	[sflag:s10] =	ssyncset.done $0x0  }
0x22: {  	s17 =	ssub.s32 $0x2, s17;
	s16 =	sadd.s32 $0x5A00, s18;
	[sflag:s10] =	ssyncadd.s32 $0xFFFFD800  }
0x23: {  	[hbm4b:s16+s3] =	stream.linear.scatter [tilespmem:s7], [sflag:$0x3], $0x2800, $0x38;
	[tilespmem:$0x5200] =	vst v63  }
0x24: {  	s19 =	sshrl.u32 s17, $0x1;
	_ =	swait.ge [sflag:s4], $0x2800  }
0x25: {  	s19 =	ssub.s32 s17, s19;
	[sflag:s4] =	ssyncset.done $0x0  }
0x26: {  	s31 =	smax.u32 s19, $0x1;
	[sflag:s4] =	ssyncadd.s32 $0xFFFFD800  }
0x27: {  	p0 =	sne.s32 s31, $0x1;
	_ =	swait.ge [sflag:s13], $0x2800  }
.Ltmp0:
0x28: {  	[sflag:s13] =	ssyncset.done $0x0;
	(pc) =	sbr.rel @!p0 .LBB2_2-.Ltmp0, $4  }
0x29: {  	s17 =	sadd.s32 $0x5F00, s18;
	[sflag:s13] =	ssyncadd.s32 $0xFFFFD800  }
0x2a: {  	[hbm4b:s17+s3] =	stream.linear.scatter [tilespmem:s9], [sflag:$0x3], $0x2800, $0x38;
	[tilespmem:$0x5200] =	vst v63  }
0x2b: {  	_ =	swait.ge [sflag:s4], $0x2800  }
0x2c: {  	s18 =	sadd.s32 $0xFFFFFFFF, s31;
	[sflag:s4] =	ssyncset.done $0x0  }
.LBB2_1:
0x2d: {  	p0 =	sne.s32 s18, $0x1;
	s18 =	sadd.s32 $0xFFFFFFFF, s18;
	[sflag:s4] =	ssyncadd.s32 $0xFFFFD800  }
0x2e: {  	[tilespmem:s3], [sflag:$0x3] =	stream.linear.gather [hbm4b:s5+s3], $0x200, $0x38;
	[tilespmem:$0x5200] =	vst v63  }
0x2f: {  	_ =	swait.ge [sflag:s4], $0x200  }
0x30: {  	[sflag:s4] =	ssyncset.done $0x0  }
0x31: {  	[sflag:s4] =	ssyncadd.s32 $0xFFFFFE00  }
0x32: {  	[tilespmem:s7], [sflag:$0x1] =	stream.indirect.gather [hbm4b:s2+s6], $0x80, s3, s6, $0xb8;
	[tilespmem:$0x5200] =	vst v63  }
0x33: {  	_ = 	snop  }
0x34: {  	[tilespmem:s9], [sflag:$0x2] =	stream.indirect.gather [hbm4b:s2+s6], $0x80, s8, s6, $0xb8;
	[tilespmem:$0x5200] =	vst v63  }
0x35: {  	_ =	swait.ge [sflag:s10], $0x2800  }
0x36: {  	[sflag:s10] =	ssyncset.done $0x0  }
0x37: {  	[sflag:s10] =	ssyncadd.s32 $0xFFFFD800  }
0x38: {  	[hbm4b:s11+s3] =	stream.linear.scatter [tilespmem:s7], [sflag:$0x3], $0x2800, $0x38;
	[tilespmem:$0x5200] =	vst v63  }
0x39: {  	_ =	swait.ge [sflag:s4], $0x2800  }
0x3a: {  	[sflag:s4] =	ssyncset.done $0x0  }
0x3b: {  	[sflag:s4] =	ssyncadd.s32 $0xFFFFD800  }
0x3c: {  	[tilespmem:s7], [sflag:$0x1] =	stream.indirect.gather [hbm4b:s2+s6], $0x80, s12, s6, $0xb8;
	[tilespmem:$0x5200] =	vst v63  }
0x3d: {  	_ =	swait.ge [sflag:s13], $0x2800  }
0x3e: {  	[sflag:s13] =	ssyncset.done $0x0  }
0x3f: {  	[sflag:s13] =	ssyncadd.s32 $0xFFFFD800  }
0x40: {  	[hbm4b:s14+s3] =	stream.linear.scatter [tilespmem:s9], [sflag:$0x3], $0x2800, $0x38;
	[tilespmem:$0x5200] =	vst v63  }
0x41: {  	_ =	swait.ge [sflag:s4], $0x2800  }
0x42: {  	[sflag:s4] =	ssyncset.done $0x0  }
0x43: {  	[sflag:s4] =	ssyncadd.s32 $0xFFFFD800  }
0x44: {  	[tilespmem:s9], [sflag:$0x2] =	stream.indirect.gather [hbm4b:s2+s6], $0x80, s15, s6, $0xb8;
	[tilespmem:$0x5200] =	vst v63  }
0x45: {  	_ =	swait.ge [sflag:s10], $0x2800  }
0x46: {  	[sflag:s10] =	ssyncset.done $0x0  }
0x47: {  	[sflag:s10] =	ssyncadd.s32 $0xFFFFD800  }
0x48: {  	[hbm4b:s16+s3] =	stream.linear.scatter [tilespmem:s7], [sflag:$0x3], $0x2800, $0x38;
	[tilespmem:$0x5200] =	vst v63  }
0x49: {  	_ =	swait.ge [sflag:s4], $0x2800  }
0x4a: {  	[sflag:s4] =	ssyncset.done $0x0  }
0x4b: {  	[sflag:s4] =	ssyncadd.s32 $0xFFFFD800  }
0x4c: {  	_ =	swait.ge [sflag:s13], $0x2800  }
.Ltmp1:
0x4d: {  	[sflag:s13] =	ssyncset.done $0x0;
	(pc) =	sbr.rel @p0 .LBB2_1-.Ltmp1, $4  }
0x4e: {  	[sflag:s13] =	ssyncadd.s32 $0xFFFFD800  }
0x4f: {  	[hbm4b:s17+s3] =	stream.linear.scatter [tilespmem:s9], [sflag:$0x3], $0x2800, $0x38;
	[tilespmem:$0x5200] =	vst v63  }
0x50: {  	_ =	swait.ge [sflag:s4], $0x2800  }
0x51: {  	[sflag:s4] =	ssyncset.done $0x0  }
.LBB2_2:
0x52: {  	[sflag:s4] =	ssyncadd.s32 $0xFFFFD800  }
0x53: {  	_ =	sfence.sel $0x180000  }
0x54: {  	[bflag:$0x0] =	sbarrier.arrive $0xFFFF  }
0x55: {  	p0 =	sne.s32 s1, $0x0;
	_ =	strace $0x90000047  }
0x56: {  	s0 =	sadd.s32 @!p0 $0x100000, s0;
	[bflag:$0x2] =	sbarrier.arrive $0xFFFF  }
0x57: {  	[sflag:s0] =	ssyncadd.tile.s32 @!p0 $0x1;
	_ =	shalt  }
.Lfunc_end2:
_tile_overlayer_lowered:
.L_overlay_start_2:
0x58: {  	(tag) =	ssettag $0x2  }
0x59: {  	s0 =	rddreg [dreg:$0x0];
	s2 =	stileid.u32  }
0x5a: {  	s1 =	rddreg [dreg:$0x1];
	p0 =	sne.s32 s2, $0x0  }
0x5b: {  	s3 =	rddreg [dreg:$0x2];
	[bflag:$0x3] =	sbarrier.arrive $0xFFFF;
	s2 =	simm.s32 @!p0 $0x1C03  }
0x5c: {  	[timem:s3], [sflag:s2] =	dma.local @!p0 [hbm:s0], s1  }
0x5d: {  	s0 =	simm.s32 @!p0 $0x3  }
0x5e: {  	_ =	swait.ge @!p0 [sflag:s0], s1  }
0x5f: {  	s1 =	ssub.s32 @!p0 $0x0, s1;
	[sflag:s0] =	ssyncset.done @!p0 $0x0  }
0x60: {  	[sflag:s0] =	ssyncadd.s32 @!p0 s1  }
0x61: {  	[bflag:$0x3] =	sbarrier.arrive $0xFFFF  }
0x62: {  	_ =	shalt  }

</sc_bundles>
